<compile_context>
chip_gen: v7x
topology: tpu7x:2x2x1
jax: 0.10.2.dev20260603
libtpu: 0.0.44.dev20260713+nightly
codegen_flags: <defaults>
</compile_context>

<pallas_src>
import functools

import jax
import jax.numpy as jnp
from jax import lax
from jax.experimental import pallas as pl
from jax.experimental.pallas import tpu as pltpu
from jax.experimental.pallas import tpu_sc as plsc

N_NODES = 10000
D_FEAT = 128
N_EDGES = 320000

NC = 2
NS = 16
HALF = N_NODES // NC
EPT = N_EDGES // NS
EC = 224
NCH = 90
LAST_LO = 10
ACC_R = 5008
TRASH = HALF
K = 32
DR = 312
SROWS = 624

_mesh = plsc.VectorSubcoreMesh(core_axis_name="c", subcore_axis_name="s")


@functools.partial(
    pl.kernel,
    mesh=_mesh,
    out_type=jax.ShapeDtypeStruct((N_NODES, D_FEAT), jnp.float32),
    scratch_types=[
        pltpu.VMEM_SHARED((ACC_R, D_FEAT), jnp.float32),
        pltpu.VMEM_SHARED((N_NODES, D_FEAT), jnp.float32),
        pltpu.VMEM((256,), jnp.int32),
        pltpu.VMEM((256,), jnp.int32),
        pltpu.VMEM((8, K), jnp.int32),
        pltpu.VMEM((8, K), jnp.int32),
        pltpu.VMEM((K, D_FEAT), jnp.float32),
        pltpu.VMEM((K, D_FEAT), jnp.float32),
        pltpu.VMEM((D_FEAT,), jnp.float32),
        pltpu.SemaphoreType.DMA,
        pltpu.SemaphoreType.DMA,
        pltpu.SemaphoreType.DMA,
        pltpu.SemaphoreType.DMA,
        pltpu.SemaphoreType.DMA,
        pltpu.SemaphoreType.DMA,
    ],
    compiler_params=pltpu.CompilerParams(needs_layout_passes=False),
)
def _gcn_sc(feat, srcv, dstv, w, out, acc, ftab, sstage, dstage, gsrc, gdst,
            rows0, rows1, wv, sem0, sem1, sem2, sem3, esem, fsem):
    c = lax.axis_index("c")
    s = lax.axis_index("s")
    zero16 = jnp.zeros((16,), jnp.float32)

    ft = pltpu.async_copy(feat.at[pl.ds(s * SROWS, SROWS)],
                          ftab.at[pl.ds(s * SROWS, SROWS)], fsem)
    pltpu.sync_copy(w, wv)

    for r in range(K):
        for j in range(8):
            rows0[r, pl.ds(j * 16, 16)] = zero16
    r0 = s * DR
    for kk in range(9):
        pltpu.sync_copy(rows0, acc.at[pl.ds(r0 + kk * K, K)])
    pltpu.sync_copy(rows0.at[pl.ds(0, 24)], acc.at[pl.ds(r0 + 288, 24)])

    @pl.when(s == NS - 1)
    def _ztail():
        pltpu.sync_copy(rows0.at[pl.ds(0, 16)],
                        acc.at[pl.ds(NS * DR, ACC_R - NS * DR)])

    e0 = pltpu.async_copy(srcv.at[pl.ds(s * EPT, EC)],
                          sstage.at[pl.ds(0, EC)], esem)
    e1 = pltpu.async_copy(dstv.at[pl.ds(s * EPT, EC)],
                          dstage.at[pl.ds(0, EC)], esem)

    ft.wait()

    @pl.when(s == NS - 1)
    def _ftail():
        pltpu.sync_copy(feat.at[pl.ds(NS * SROWS, N_NODES - NS * SROWS)],
                        ftab.at[pl.ds(NS * SROWS, N_NODES - NS * SROWS)])

    e0.wait()
    e1.wait()

    plsc.subcore_barrier()

    base_node = c * HALF
    lanes = lax.iota(jnp.int32, 16)
    ones16 = jnp.full((16,), True)
    trash16 = jnp.full((16,), TRASH, jnp.int32)
    zeros16i = jnp.zeros((16,), jnp.int32)

    def chunk_body(ch, _):
        last = ch == NCH - 1
        def fb(i, off):
            sl = sstage[pl.ds(i * 16, 16)]
            dl = dstage[pl.ds(i * 16, 16)] - base_node
            m = (dl >= 0) & (dl < HALF)
            mi = m.astype(jnp.int32)
            pos = off + jnp.cumsum(mi) - 1
            plsc.store_scatter(gsrc, [pos >> 5, pos & 31], sl, mask=m)
            plsc.store_scatter(gdst, [pos >> 5, pos & 31], dl, mask=m)
            return off + jnp.sum(mi)

        cnt = lax.cond(
            last,
            lambda: lax.fori_loop(LAST_LO, EC // 16, fb, jnp.int32(0)),
            lambda: lax.fori_loop(0, EC // 16, fb, jnp.int32(0), unroll=7),
        )

        @pl.when(ch + 1 < NCH)
        def _():
            eb = s * EPT + jnp.where(ch + 1 == NCH - 1,
                                     EPT - EC, (ch + 1) * EC)
            pltpu.async_copy(srcv.at[pl.ds(eb, EC)],
                             sstage.at[pl.ds(0, EC)], esem)
            pltpu.async_copy(dstv.at[pl.ds(eb, EC)],
                             dstage.at[pl.ds(0, EC)], esem)

        for i in range(2):
            pidx = cnt + i * 16 + lanes
            plsc.store_scatter(gsrc, [pidx >> 5, pidx & 31], zeros16i,
                               mask=ones16)
            plsc.store_scatter(gdst, [pidx >> 5, pidx & 31], trash16,
                               mask=ones16)

        nw = (cnt + 31) >> 5
        npr = nw >> 1

        @pl.when(npr > 0)
        def _pair0():
            g0 = pltpu.async_copy(ftab.at[gsrc.at[0]], rows0, sem0)
            g1 = pltpu.async_copy(ftab.at[gsrc.at[1]], rows1, sem1)
            g0.wait()
            pltpu.async_copy(rows0, acc.at[gdst.at[0]], sem2, add=True)
            g1.wait()
            pltpu.async_copy(rows1, acc.at[gdst.at[1]], sem3, add=True)

        for p in range(1, 4):
            @pl.when(p < npr)
            def _pairp(p=p):
                pltpu.make_async_copy(rows0, acc.at[gdst.at[0]], sem2).wait()
                g0 = pltpu.async_copy(ftab.at[gsrc.at[2 * p]], rows0, sem0)
                pltpu.make_async_copy(rows1, acc.at[gdst.at[0]], sem3).wait()
                g1 = pltpu.async_copy(ftab.at[gsrc.at[2 * p + 1]], rows1, sem1)
                g0.wait()
                pltpu.async_copy(rows0, acc.at[gdst.at[2 * p]], sem2, add=True)
                g1.wait()
                pltpu.async_copy(rows1, acc.at[gdst.at[2 * p + 1]], sem3,
                                 add=True)

        @pl.when((nw & 1) == 1)
        def _odd():
            @pl.when(npr > 0)
            def _w0():
                pltpu.make_async_copy(rows0, acc.at[gdst.at[0]], sem2).wait()
            g = pltpu.async_copy(ftab.at[gsrc.at[2 * npr]], rows0, sem0)
            g.wait()
            pltpu.async_copy(rows0, acc.at[gdst.at[2 * npr]], sem2, add=True)

        @pl.when(nw > 0)
        def _dr0():
            pltpu.make_async_copy(rows0, acc.at[gdst.at[0]], sem2).wait()

        @pl.when(npr > 0)
        def _dr1():
            pltpu.make_async_copy(rows1, acc.at[gdst.at[0]], sem3).wait()

        @pl.when(ch + 1 < NCH)
        def _w():
            pltpu.make_async_copy(srcv.at[pl.ds(0, EC)],
                                  sstage.at[pl.ds(0, EC)], esem).wait()
            pltpu.make_async_copy(dstv.at[pl.ds(0, EC)],
                                  dstage.at[pl.ds(0, EC)], esem).wait()

        return 0

    lax.fori_loop(0, NCH, chunk_body, 0)

    plsc.subcore_barrier()

    wregs = [wv[pl.ds(j * 16, 16)] for j in range(8)]

    def scale_rows(nr):
        def mbody(r, _):
            for j in range(8):
                rows0[r, pl.ds(j * 16, 16)] = rows0[r, pl.ds(j * 16, 16)] * wregs[j]
            return 0
        lax.fori_loop(0, nr, mbody, 0, unroll=2)

    for kk in range(9):
        rs = r0 + kk * K
        pltpu.sync_copy(acc.at[pl.ds(rs, K)], rows0)
        scale_rows(K)
        pltpu.sync_copy(rows0, out.at[pl.ds(c * HALF + rs, K)])
    pltpu.sync_copy(acc.at[pl.ds(r0 + 288, 24)], rows0.at[pl.ds(0, 24)])
    scale_rows(24)
    pltpu.sync_copy(rows0.at[pl.ds(0, 24)],
                    out.at[pl.ds(c * HALF + r0 + 288, 24)])

    @pl.when(s == NS - 1)
    def _tail():
        pltpu.sync_copy(acc.at[pl.ds(NS * DR, 8)], rows0.at[pl.ds(0, 8)])
        scale_rows(8)
        pltpu.sync_copy(rows0.at[pl.ds(0, 8)],
                        out.at[pl.ds(c * HALF + NS * DR, 8)])


def kernel(features, edge_index, W):
    src = edge_index[0]
    dst = edge_index[1]
    return _gcn_sc(features, src, dst, W)

# --- scband reference (transcript-rebuilt; emitter-appended) ---
"""Pipeline reference for scband-gcnconv-diag-dgl-11682311045157 (READ-ONLY COPY).

The authoritative reference and input builder live on the scoring server;
editing this copy changes nothing except your own understanding.
"""

import jax, jax.numpy as jnp
import numpy as np

N_NODES = 10000
D_FEAT = 128
N_EDGES = 320000


def setup_inputs(seed: int = 0) -> dict:
    key = jax.random.key(seed)
    k1, k2 = jax.random.split(key, 2)
    features = jax.random.normal(k1, (N_NODES, D_FEAT), dtype=jnp.float32)
    edge_index = jax.random.randint(k2, (2, N_EDGES), 0, N_NODES, dtype=jnp.int32)
    # Learned parameter: diagonal weight vector (initialized to ones as in the module)
    W = jnp.ones((D_FEAT,), dtype=jnp.float32)
    return {"features": features, "edge_index": edge_index, "W": W}


def reference(features, edge_index, W):
    # weighted_features = features * W  (diagonal linear transform)
    weighted = features * W
    src = edge_index[0]
    dst = edge_index[1]
    # DGL update_all(copy_u('h','m'), sum('m','h')):
    # message = weighted[src], reduce = sum at dst
    messages = jnp.take(weighted, src, axis=0)
    out = jax.ops.segment_sum(messages, dst, num_segments=N_NODES)
    return out

if __name__ == "__main__":
    import jax
    _d = setup_inputs()
    print(jax.jit(kernel)(*tuple(_d.values())))

</pallas_src>

<mosaic_0001>
#map = affine_map<(d0, d1) -> (0, 0)>
#map1 = affine_map<(d0, d1) -> (0)>
module attributes {stable_mosaic.version = 14 : i64} {
  func.func @_gcn_sc(%arg0: i32, %arg1: i32, %arg2: memref<10000x128xf32, #tpu.memory_space<hbm>>, %arg3: memref<320000xi32, #tpu.memory_space<hbm>>, %arg4: memref<320000xi32, #tpu.memory_space<hbm>>, %arg5: memref<128xf32, #tpu.memory_space<hbm>>, %arg6: memref<10000x128xf32, #tpu.memory_space<hbm>>, %arg7: memref<5008x128xf32, #tpu.memory_space<vmem_shared>>, %arg8: memref<10000x128xf32, #tpu.memory_space<vmem_shared>>, %arg9: memref<256xi32, #tpu.memory_space<vmem>>, %arg10: memref<256xi32, #tpu.memory_space<vmem>>, %arg11: memref<8x32xi32, #tpu.memory_space<vmem>>, %arg12: memref<8x32xi32, #tpu.memory_space<vmem>>, %arg13: memref<32x128xf32, #tpu.memory_space<vmem>>, %arg14: memref<32x128xf32, #tpu.memory_space<vmem>>, %arg15: memref<128xf32, #tpu.memory_space<vmem>>, %arg16: memref<!tpu.dma_semaphore, #tpu.memory_space<semaphore_mem>>, %arg17: memref<!tpu.dma_semaphore, #tpu.memory_space<semaphore_mem>>, %arg18: memref<!tpu.dma_semaphore, #tpu.memory_space<semaphore_mem>>, %arg19: memref<!tpu.dma_semaphore, #tpu.memory_space<semaphore_mem>>, %arg20: memref<!tpu.dma_semaphore, #tpu.memory_space<semaphore_mem>>, %arg21: memref<!tpu.dma_semaphore, #tpu.memory_space<semaphore_mem>>) attributes {dimension_semantics = [#tpu.dimension_semantics<core_parallel>, #tpu.dimension_semantics<subcore_parallel>], iteration_bounds = array<i64: 2, 16>, scalar_prefetch = 0 : i64, scratch_operands = 15 : i64, tpu.core_type = #tpu.core_type<sc_vector_subcore>, window_params = [{transform_indices = #map}, {transform_indices = #map1}, {transform_indices = #map1}, {transform_indices = #map1}, {transform_indices = #map}]} {
    %broadcast_in_dim3A = arith.constant 0.000000e+00 : f32
    %broadcast_in_dim3A_0 = vector.broadcast %broadcast_in_dim3A : f32 to vector<16xf32>
    %mul3A = arith.constant 624 : i32
    %mul3A_1 = arith.muli %arg1, %mul3A : i32
    %mul3A_2 = arith.constant 624 : i32
    %mul3A_3 = arith.muli %arg1, %mul3A_2 : i32
    %dma_start3A = arith.constant 0 : i32
    %dma_start3A_4 = tpu.memref_slice %arg8[%mul3A_3, %dma_start3A] : memref<10000x128xf32, #tpu.memory_space<vmem_shared>> -> memref<624x128xf32, #tpu.memory_space<vmem_shared>>
    %dma_start3A_5 = arith.constant 0 : i32
    %dma_start3A_6 = tpu.memref_slice %arg2[%mul3A_1, %dma_start3A_5] : memref<10000x128xf32, #tpu.memory_space<hbm>> -> memref<624x128xf32, #tpu.memory_space<hbm>>
    tpu.enqueue_dma source(%dma_start3A_6 : memref<624x128xf32, #tpu.memory_space<hbm>>) target(%dma_start3A_4 : memref<624x128xf32, #tpu.memory_space<vmem_shared>>) target_semaphore(%arg21 : memref<!tpu.dma_semaphore, #tpu.memory_space<semaphore_mem>>)
    "tpu.region"() ({
      %run_scoped3A = tpu.sem_alloc : memref<!tpu.dma_semaphore, #tpu.memory_space<semaphore_mem>>
      tpu.enqueue_dma source(%arg5 : memref<128xf32, #tpu.memory_space<hbm>>) target(%arg15 : memref<128xf32, #tpu.memory_space<vmem>>) target_semaphore(%run_scoped3A : memref<!tpu.dma_semaphore, #tpu.memory_space<semaphore_mem>>)
      tpu.wait_dma2 semaphore(%run_scoped3A : memref<!tpu.dma_semaphore, #tpu.memory_space<semaphore_mem>>) src(%arg5 : memref<128xf32, #tpu.memory_space<hbm>>) dst(%arg15 : memref<128xf32, #tpu.memory_space<vmem>>)
      tpu.yield
    }) : () -> ()
    %swap3A = arith.constant 0 : i32
    %swap3A_7 = arith.index_cast %swap3A : i32 to index
    %swap3A_8 = arith.constant 0 : index
    %swap3A_9 = tpu.vector_load %arg13[%swap3A_7, %swap3A_8] {strides = array<i32>} : memref<32x128xf32, #tpu.memory_space<vmem>>, vector<16xf32>,
    tpu.vector_store %arg13[%swap3A_7, %swap3A_8], %broadcast_in_dim3A_0 {strides = array<i32>} : memref<32x128xf32, #tpu.memory_space<vmem>>, vector<16xf32>,
    %swap3A_10 = arith.constant 0 : i32
    %swap3A_11 = arith.index_cast %swap3A_10 : i32 to index
    %swap3A_12 = arith.constant 16 : index
    %swap3A_13 = tpu.vector_load %arg13[%swap3A_11, %swap3A_12] {strides = array<i32>} : memref<32x128xf32, #tpu.memory_space<vmem>>, vector<16xf32>,
    tpu.vector_store %arg13[%swap3A_11, %swap3A_12], %broadcast_in_dim3A_0 {strides = array<i32>} : memref<32x128xf32, #tpu.memory_space<vmem>>, vector<16xf32>,
    %swap3A_14 = arith.constant 0 : i32
    %swap3A_15 = arith.index_cast %swap3A_14 : i32 to index
    %swap3A_16 = arith.constant 32 : index
    %swap3A_17 = tpu.vector_load %arg13[%swap3A_15, %swap3A_16] {strides = array<i32>} : memref<32x128xf32, #tpu.memory_space<vmem>>, vector<16xf32>,
    tpu.vector_store %arg13[%swap3A_15, %swap3A_16], %broadcast_in_dim3A_0 {strides = array<i32>} : memref<32x128xf32, #tpu.memory_space<vmem>>, vector<16xf32>,
    %swap3A_18 = arith.constant 0 : i32
    %swap3A_19 = arith.index_cast %swap3A_18 : i32 to index
    %swap3A_20 = arith.constant 48 : index
    %swap3A_21 = tpu.vector_load %arg13[%swap3A_19, %swap3A_20] {strides = array<i32>} : memref<32x128xf32, #tpu.memory_space<vmem>>, vector<16xf32>,
    tpu.vector_store %arg13[%swap3A_19, %swap3A_20], %broadcast_in_dim3A_0 {strides = array<i32>} : memref<32x128xf32, #tpu.memory_space<vmem>>, vector<16xf32>,
    %swap3A_22 = arith.constant 0 : i32
    %swap3A_23 = arith.index_cast %swap3A_22 : i32 to index
    %swap3A_24 = arith.constant 64 : index
    %swap3A_25 = tpu.vector_load %arg13[%swap3A_23, %swap3A_24] {strides = array<i32>} : memref<32x128xf32, #tpu.memory_space<vmem>>, vector<16xf32>,
    tpu.vector_store %arg13[%swap3A_23, %swap3A_24], %broadcast_in_dim3A_0 {strides = array<i32>} : memref<32x128xf32, #tpu.memory_space<vmem>>, vector<16xf32>,
    %swap3A_26 = arith.constant 0 : i32
    %swap3A_27 = arith.index_cast %swap3A_26 : i32 to index
    %swap3A_28 = arith.constant 80 : index
    %swap3A_29 = tpu.vector_load %arg13[%swap3A_27, %swap3A_28] {strides = array<i32>} : memref<32x128xf32, #tpu.memory_space<vmem>>, vector<16xf32>,
    tpu.vector_store %arg13[%swap3A_27, %swap3A_28], %broadcast_in_dim3A_0 {strides = array<i32>} : memref<32x128xf32, #tpu.memory_space<vmem>>, vector<16xf32>,
    %swap3A_30 = arith.constant 0 : i32
    %swap3A_31 = arith.index_cast %swap3A_30 : i32 to index
    %swap3A_32 = arith.constant 96 : index
    %swap3A_33 = tpu.vector_load %arg13[%swap3A_31, %swap3A_32] {strides = array<i32>} : memref<32x128xf32, #tpu.memory_space<vmem>>, vector<16xf32>,
    tpu.vector_store %arg13[%swap3A_31, %swap3A_32], %broadcast_in_dim3A_0 {strides = array<i32>} : memref<32x128xf32, #tpu.memory_space<vmem>>, vector<16xf32>,
    %swap3A_34 = arith.constant 0 : i32
    %swap3A_35 = arith.index_cast %swap3A_34 : i32 to index
    %swap3A_36 = arith.constant 112 : index
    %swap3A_37 = tpu.vector_load %arg13[%swap3A_35, %swap3A_36] {strides = array<i32>} : memref<32x128xf32, #tpu.memory_space<vmem>>, vector<16xf32>,
    tpu.vector_store %arg13[%swap3A_35, %swap3A_36], %broadcast_in_dim3A_0 {strides = array<i32>} : memref<32x128xf32, #tpu.memory_space<vmem>>, vector<16xf32>,
    %swap3A_38 = arith.constant 1 : i32
    %swap3A_39 = arith.index_cast %swap3A_38 : i32 to index
    %swap3A_40 = arith.constant 0 : index
    %swap3A_41 = tpu.vector_load %arg13[%swap3A_39, %swap3A_40] {strides = array<i32>} : memref<32x128xf32, #tpu.memory_space<vmem>>, vector<16xf32>,
    tpu.vector_store %arg13[%swap3A_39, %swap3A_40], %broadcast_in_dim3A_0 {strides = array<i32>} : memref<32x128xf32, #tpu.memory_space<vmem>>, vector<16xf32>,
    %swap3A_42 = arith.constant 1 : i32
    %swap3A_43 = arith.index_cast %swap3A_42 : i32 to index
    %swap3A_44 = arith.constant 16 : index
    %swap3A_45 = tpu.vector_load %arg13[%swap3A_43, %swap3A_44] {strides = array<i32>} : memref<32x128xf32, #tpu.memory_space<vmem>>, vector<16xf32>,
    tpu.vector_store %arg13[%swap3A_43, %swap3A_44], %broadcast_in_dim3A_0 {strides = array<i32>} : memref<32x128xf32, #tpu.memory_space<vmem>>, vector<16xf32>,
    %swap3A_46 = arith.constant 1 : i32
    %swap3A_47 = arith.index_cast %swap3A_46 : i32 to index
    %swap3A_48 = arith.constant 32 : index
    %swap3A_49 = tpu.vector_load %arg13[%swap3A_47, %swap3A_48] {strides = array<i32>} : memref<32x128xf32, #tpu.memory_space<vmem>>, vector<16xf32>,
    tpu.vector_store %arg13[%swap3A_47, %swap3A_48], %broadcast_in_dim3A_0 {strides = array<i32>} : memref<32x128xf32, #tpu.memory_space<vmem>>, vector<16xf32>,
    %swap3A_50 = arith.constant 1 : i32
    %swap3A_51 = arith.index_cast %swap3A_50 : i32 to index
    %swap3A_52 = arith.constant 48 : index
    %swap3A_53 = tpu.vector_load %arg13[%swap3A_51, %swap3A_52] {strides = array<i32>} : memref<32x128xf32, #tpu.memory_space<vmem>>, vector<16xf32>,
    tpu.vector_store %arg13[%swap3A_51, %swap3A_52], %broadcast_in_dim3A_0 {strides = array<i32>} : memref<32x128xf32, #tpu.memory_space<vmem>>, vector<16xf32>,
    %swap3A_54 = arith.constant 1 : i32
    %swap3A_55 = arith.index_cast %swap3A_54 : i32 to index
    %swap3A_56 = arith.constant 64 : index
    %swap3A_57 = tpu.vector_load %arg13[%swap3A_55, %swap3A_56] {strides = array<i32>} : memref<32x128xf32, #tpu.memory_space<vmem>>, vector<16xf32>,
    tpu.vector_store %arg13[%swap3A_55, %swap3A_56], %broadcast_in_dim3A_0 {strides = array<i32>} : memref<32x128xf32, #tpu.memory_space<vmem>>, vector<16xf32>,
    %swap3A_58 = arith.constant 1 : i32
    %swap3A_59 = arith.index_cast %swap3A_58 : i32 to index
    %swap3A_60 = arith.constant 80 : index
    %swap3A_61 = tpu.vector_load %arg13[%swap3A_59, %swap3A_60] {strides = array<i32>} : memref<32x128xf32, #tpu.memory_space<vmem>>, vector<16xf32>,
    tpu.vector_store %arg13[%swap3A_59, %swap3A_60], %broadcast_in_dim3A_0 {strides = array<i32>} : memref<32x128xf32, #tpu.memory_space<vmem>>, vector<16xf32>,
    %swap3A_62 = arith.constant 1 : i32
    %swap3A_63 = arith.index_cast %swap3A_62 : i32 to index
    %swap3A_64 = arith.constant 96 : index
    %swap3A_65 = tpu.vector_load %arg13[%swap3A_63, %swap3A_64] {strides = array<i32>} : memref<32x128xf32, #tpu.memory_space<vmem>>, vector<16xf32>,
    tpu.vector_store %arg13[%swap3A_63, %swap3A_64], %broadcast_in_dim3A_0 {strides = array<i32>} : memref<32x128xf32, #tpu.memory_space<vmem>>, vector<16xf32>,
    %swap3A_66 = arith.constant 1 : i32
    %swap3A_67 = arith.index_cast %swap3A_66 : i32 to index
    %swap3A_68 = arith.constant 112 : index
    %swap3A_69 = tpu.vector_load %arg13[%swap3A_67, %swap3A_68] {strides = array<i32>} : memref<32x128xf32, #tpu.memory_space<vmem>>, vector<16xf32>,
    tpu.vector_store %arg13[%swap3A_67, %swap3A_68], %broadcast_in_dim3A_0 {strides = array<i32>} : memref<32x128xf32, #tpu.memory_space<vmem>>, vector<16xf32>,
    %swap3A_70 = arith.constant 2 : i32
    %swap3A_71 = arith.index_cast %swap3A_70 : i32 to index
    %swap3A_72 = arith.constant 0 : index
    %swap3A_73 = tpu.vector_load %arg13[%swap3A_71, %swap3A_72] {strides = array<i32>} : memref<32x128xf32, #tpu.memory_space<vmem>>, vector<16xf32>,
    tpu.vector_store %arg13[%swap3A_71, %swap3A_72], %broadcast_in_dim3A_0 {strides = array<i32>} : memref<32x128xf32, #tpu.memory_space<vmem>>, vector<16xf32>,
    %swap3A_74 = arith.constant 2 : i32
    %swap3A_75 = arith.index_cast %swap3A_74 : i32 to index
    %swap3A_76 = arith.constant 16 : index
    %swap3A_77 = tpu.vector_load %arg13[%swap3A_75, %swap3A_76] {strides = array<i32>} : memref<32x128xf32, #tpu.memory_space<vmem>>, vector<16xf32>,
    tpu.vector_store %arg13[%swap3A_75, %swap3A_76], %broadcast_in_dim3A_0 {strides = array<i32>} : memref<32x128xf32, #tpu.memory_space<vmem>>, vector<16xf32>,
    %swap3A_78 = arith.constant 2 : i32
    %swap3A_79 = arith.index_cast %swap3A_78 : i32 to index
    %swap3A_80 = arith.constant 32 : index
    %swap3A_81 = tpu.vector_load %arg13[%swap3A_79, %swap3A_80] {strides = array<i32>} : memref<32x128xf32, #tpu.memory_space<vmem>>, vector<16xf32>,
    tpu.vector_store %arg13[%swap3A_79, %swap3A_80], %broadcast_in_dim3A_0 {strides = array<i32>} : memref<32x128xf32, #tpu.memory_space<vmem>>, vector<16xf32>,
    %swap3A_82 = arith.constant 2 : i32
    %swap3A_83 = arith.index_cast %swap3A_82 : i32 to index
    %swap3A_84 = arith.constant 48 : index
    %swap3A_85 = tpu.vector_load %arg13[%swap3A_83, %swap3A_84] {strides = array<i32>} : memref<32x128xf32, #tpu.memory_space<vmem>>, vector<16xf32>,
    tpu.vector_store %arg13[%swap3A_83, %swap3A_84], %broadcast_in_dim3A_0 {strides = array<i32>} : memref<32x128xf32, #tpu.memory_space<vmem>>, vector<16xf32>,
    %swap3A_86 = arith.constant 2 : i32
    %swap3A_87 = arith.index_cast %swap3A_86 : i32 to index
    %swap3A_88 = arith.constant 64 : index
    %swap3A_89 = tpu.vector_load %arg13[%swap3A_87, %swap3A_88] {strides = array<i32>} : memref<32x128xf32, #tpu.memory_space<vmem>>, vector<16xf32>,
    tpu.vector_store %arg13[%swap3A_87, %swap3A_88], %broadcast_in_dim3A_0 {strides = array<i32>} : memref<32x128xf32, #tpu.memory_space<vmem>>, vector<16xf32>,
    %swap3A_90 = arith.constant 2 : i32
    %swap3A_91 = arith.index_cast %swap3A_90 : i32 to index
    %swap3A_92 = arith.constant 80 : index
    %swap3A_93 = tpu.vector_load %arg13[%swap3A_91, %swap3A_92] {strides = array<i32>} : memref<32x128xf32, #tpu.memory_space<vmem>>, vector<16xf32>,
    tpu.vector_store %arg13[%swap3A_91, %swap3A_92], %broadcast_in_dim3A_0 {strides = array<i32>} : memref<32x128xf32, #tpu.memory_space<vmem>>, vector<16xf32>,
    %swap3A_94 = arith.constant 2 : i32
    %swap3A_95 = arith.index_cast %swap3A_94 : i32 to index
    %swap3A_96 = arith.constant 96 : index
    %swap3A_97 = tpu.vector_load %arg13[%swap3A_95, %swap3A_96] {strides = array<i32>} : memref<32x128xf32, #tpu.memory_space<vmem>>, vector<16xf32>,
    tpu.vector_store %arg13[%swap3A_95, %swap3A_96], %broadcast_in_dim3A_0 {strides = array<i32>} : memref<32x128xf32, #tpu.memory_space<vmem>>, vector<16xf32>,
    %swap3A_98 = arith.constant 2 : i32
    %swap3A_99 = arith.index_cast %swap3A_98 : i32 to index
    %swap3A_100 = arith.constant 112 : index
    %swap3A_101 = tpu.vector_load %arg13[%swap3A_99, %swap3A_100] {strides = array<i32>} : memref<32x128xf32, #tpu.memory_space<vmem>>, vector<16xf32>,
    tpu.vector_store %arg13[%swap3A_99, %swap3A_100], %broadcast_in_dim3A_0 {strides = array<i32>} : memref<32x128xf32, #tpu.memory_space<vmem>>, vector<16xf32>,
    %swap3A_102 = arith.constant 3 : i32
    %swap3A_103 = arith.index_cast %swap3A_102 : i32 to index
    %swap3A_104 = arith.constant 0 : index
    %swap3A_105 = tpu.vector_load %arg13[%swap3A_103, %swap3A_104] {strides = array<i32>} : memref<32x128xf32, #tpu.memory_space<vmem>>, vector<16xf32>,
    tpu.vector_store %arg13[%swap3A_103, %swap3A_104], %broadcast_in_dim3A_0 {strides = array<i32>} : memref<32x128xf32, #tpu.memory_space<vmem>>, vector<16xf32>,
    %swap3A_106 = arith.constant 3 : i32
    %swap3A_107 = arith.index_cast %swap3A_106 : i32 to index
    %swap3A_108 = arith.constant 16 : index
    %swap3A_109 = tpu.vector_load %arg13[%swap3A_107, %swap3A_108] {strides = array<i32>} : memref<32x128xf32, #tpu.memory_space<vmem>>, vector<16xf32>,
    tpu.vector_store %arg13[%swap3A_107, %swap3A_108], %broadcast_in_dim3A_0 {strides = array<i32>} : memref<32x128xf32, #tpu.memory_space<vmem>>, vector<16xf32>,
    %swap3A_110 = arith.constant 3 : i32
    %swap3A_111 = arith.index_cast %swap3A_110 : i32 to index
    %swap3A_112 = arith.constant 32 : index
    %swap3A_113 = tpu.vector_load %arg13[%swap3A_111, %swap3A_112] {strides = array<i32>} : memref<32x128xf32, #tpu.memory_space<vmem>>, vector<16xf32>,
    tpu.vector_store %arg13[%swap3A_111, %swap3A_112], %broadcast_in_dim3A_0 {strides = array<i32>} : memref<32x128xf32, #tpu.memory_space<vmem>>, vector<16xf32>,
    %swap3A_114 = arith.constant 3 : i32
    %swap3A_115 = arith.index_cast %swap3A_114 : i32 to index
    %swap3A_116 = arith.constant 48 : index
    %swap3A_117 = tpu.vector_load %arg13[%swap3A_115, %swap3A_116] {strides = array<i32>} : memref<32x128xf32, #tpu.memory_space<vmem>>, vector<16xf32>,
    tpu.vector_store %arg13[%swap3A_115, %swap3A_116], %broadcast_in_dim3A_0 {strides = array<i32>} : memref<32x128xf32, #tpu.memory_space<vmem>>, vector<16xf32>,
    %swap3A_118 = arith.constant 3 : i32
    %swap3A_119 = arith.index_cast %swap3A_118 : i32 to index
    %swap3A_120 = arith.constant 64 : index
    %swap3A_121 = tpu.vector_load %arg13[%swap3A_119, %swap3A_120] {strides = array<i32>} : memref<32x128xf32, #tpu.memory_space<vmem>>, vector<16xf32>,
    tpu.vector_store %arg13[%swap3A_119, %swap3A_120], %broadcast_in_dim3A_0 {strides = array<i32>} : memref<32x128xf32, #tpu.memory_space<vmem>>, vector<16xf32>,
    %swap3A_122 = arith.constant 3 : i32
    %swap3A_123 = arith.index_cast %swap3A_122 : i32 to index
    %swap3A_124 = arith.constant 80 : index
    %swap3A_125 = tpu.vector_load %arg13[%swap3A_123, %swap3A_124] {strides = array<i32>} : memref<32x128xf32, #tpu.memory_space<vmem>>, vector<16xf32>,
    tpu.vector_store %arg13[%swap3A_123, %swap3A_124], %broadcast_in_dim3A_0 {strides = array<i32>} : memref<32x128xf32, #tpu.memory_space<vmem>>, vector<16xf32>,
    %swap3A_126 = arith.constant 3 : i32
    %swap3A_127 = arith.index_cast %swap3A_126 : i32 to index
    %swap3A_128 = arith.constant 96 : index
    %swap3A_129 = tpu.vector_load %arg13[%swap3A_127, %swap3A_128] {strides = array<i32>} : memref<32x128xf32, #tpu.memory_space<vmem>>, vector<16xf32>,
    tpu.vector_store %arg13[%swap3A_127, %swap3A_128], %broadcast_in_dim3A_0 {strides = array<i32>} : memref<32x128xf32, #tpu.memory_space<vmem>>, vector<16xf32>,
    %swap3A_130 = arith.constant 3 : i32
    %swap3A_131 = arith.index_cast %swap3A_130 : i32 to index
    %swap3A_132 = arith.constant 112 : index
    %swap3A_133 = tpu.vector_load %arg13[%swap3A_131, %swap3A_132] {strides = array<i32>} : memref<32x128xf32, #tpu.memory_space<vmem>>, vector<16xf32>,
    tpu.vector_store %arg13[%swap3A_131, %swap3A_132], %broadcast_in_dim3A_0 {strides = array<i32>} : memref<32x128xf32, #tpu.memory_space<vmem>>, vector<16xf32>,
    %swap3A_134 = arith.constant 4 : i32
    %swap3A_135 = arith.index_cast %swap3A_134 : i32 to index
    %swap3A_136 = arith.constant 0 : index
    %swap3A_137 = tpu.vector_load %arg13[%swap3A_135, %swap3A_136] {strides = array<i32>} : memref<32x128xf32, #tpu.memory_space<vmem>>, vector<16xf32>,
    tpu.vector_store %arg13[%swap3A_135, %swap3A_136], %broadcast_in_dim3A_0 {strides = array<i32>} : memref<32x128xf32, #tpu.memory_space<vmem>>, vector<16xf32>,
    %swap3A_138 = arith.constant 4 : i32
    %swap3A_139 = arith.index_cast %swap3A_138 : i32 to index
    %swap3A_140 = arith.constant 16 : index
    %swap3A_141 = tpu.vector_load %arg13[%swap3A_139, %swap3A_140] {strides = array<i32>} : memref<32x128xf32, #tpu.memory_space<vmem>>, vector<16xf32>,
    tpu.vector_store %arg13[%swap3A_139, %swap3A_140], %broadcast_in_dim3A_0 {strides = array<i32>} : memref<32x128xf32, #tpu.memory_space<vmem>>, vector<16xf32>,
    %swap3A_142 = arith.constant 4 : i32
    %swap3A_143 = arith.index_cast %swap3A_142 : i32 to index
    %swap3A_144 = arith.constant 32 : index
    %swap3A_145 = tpu.vector_load %arg13[%swap3A_143, %swap3A_144] {strides = array<i32>} : memref<32x128xf32, #tpu.memory_space<vmem>>, vector<16xf32>,
    tpu.vector_store %arg13[%swap3A_143, %swap3A_144], %broadcast_in_dim3A_0 {strides = array<i32>} : memref<32x128xf32, #tpu.memory_space<vmem>>, vector<16xf32>,
    %swap3A_146 = arith.constant 4 : i32
    %swap3A_147 = arith.index_cast %swap3A_146 : i32 to index
    %swap3A_148 = arith.constant 48 : index
    %swap3A_149 = tpu.vector_load %arg13[%swap3A_147, %swap3A_148] {strides = array<i32>} : memref<32x128xf32, #tpu.memory_space<vmem>>, vector<16xf32>,
    tpu.vector_store %arg13[%swap3A_147, %swap3A_148], %broadcast_in_dim3A_0 {strides = array<i32>} : memref<32x128xf32, #tpu.memory_space<vmem>>, vector<16xf32>,
    %swap3A_150 = arith.constant 4 : i32
    %swap3A_151 = arith.index_cast %swap3A_150 : i32 to index
    %swap3A_152 = arith.constant 64 : index
    %swap3A_153 = tpu.vector_load %arg13[%swap3A_151, %swap3A_152] {strides = array<i32>} : memref<32x128xf32, #tpu.memory_space<vmem>>, vector<16xf32>,
    tpu.vector_store %arg13[%swap3A_151, %swap3A_152], %broadcast_in_dim3A_0 {strides = array<i32>} : memref<32x128xf32, #tpu.memory_space<vmem>>, vector<16xf32>,
    %swap3A_154 = arith.constant 4 : i32
    %swap3A_155 = arith.index_cast %swap3A_154 : i32 to index
    %swap3A_156 = arith.constant 80 : index
    %swap3A_157 = tpu.vector_load %arg13[%swap3A_155, %swap3A_156] {strides = array<i32>} : memref<32x128xf32, #tpu.memory_space<vmem>>, vector<16xf32>,
    tpu.vector_store %arg13[%swap3A_155, %swap3A_156], %broadcast_in_dim3A_0 {strides = array<i32>} : memref<32x128xf32, #tpu.memory_space<vmem>>, vector<16xf32>,
    %swap3A_158 = arith.constant 4 : i32
    %swap3A_159 = arith.index_cast %swap3A_158 : i32 to index
    %swap3A_160 = arith.constant 96 : index
    %swap3A_161 = tpu.vector_load %arg13[%swap3A_159, %swap3A_160] {strides = array<i32>} : memref<32x128xf32, #tpu.memory_space<vmem>>, vector<16xf32>,
    tpu.vector_store %arg13[%swap3A_159, %swap3A_160], %broadcast_in_dim3A_0 {strides = array<i32>} : memref<32x128xf32, #tpu.memory_space<vmem>>, vector<16xf32>,
    %swap3A_162 = arith.constant 4 : i32
    %swap3A_163 = arith.index_cast %swap3A_162 : i32 to index
    %swap3A_164 = arith.constant 112 : index
    %swap3A_165 = tpu.vector_load %arg13[%swap3A_163, %swap3A_164] {strides = array<i32>} : memref<32x128xf32, #tpu.memory_space<vmem>>, vector<16xf32>,
    tpu.vector_store %arg13[%swap3A_163, %swap3A_164], %broadcast_in_dim3A_0 {strides = array<i32>} : memref<32x128xf32, #tpu.memory_space<vmem>>, vector<16xf32>,
    %swap3A_166 = arith.constant 5 : i32
    %swap3A_167 = arith.index_cast %swap3A_166 : i32 to index
    %swap3A_168 = arith.constant 0 : index
    %swap3A_169 = tpu.vector_load %arg13[%swap3A_167, %swap3A_168] {strides = array<i32>} : memref<32x128xf32, #tpu.memory_space<vmem>>, vector<16xf32>,
    tpu.vector_store %arg13[%swap3A_167, %swap3A_168], %broadcast_in_dim3A_0 {strides = array<i32>} : memref<32x128xf32, #tpu.memory_space<vmem>>, vector<16xf32>,
    %swap3A_170 = arith.constant 5 : i32
    %swap3A_171 = arith.index_cast %swap3A_170 : i32 to index
    %swap3A_172 = arith.constant 16 : index
    %swap3A_173 = tpu.vector_load %arg13[%swap3A_171, %swap3A_172] {strides = array<i32>} : memref<32x128xf32, #tpu.memory_space<vmem>>, vector<16xf32>,
    tpu.vector_store %arg13[%swap3A_171, %swap3A_172], %broadcast_in_dim3A_0 {strides = array<i32>} : memref<32x128xf32, #tpu.memory_space<vmem>>, vector<16xf32>,
    %swap3A_174 = arith.constant 5 : i32
    %swap3A_175 = arith.index_cast %swap3A_174 : i32 to index
    %swap3A_176 = arith.constant 32 : index
    %swap3A_177 = tpu.vector_load %arg13[%swap3A_175, %swap3A_176] {strides = array<i32>} : memref<32x128xf32, #tpu.memory_space<vmem>>, vector<16xf32>,
    tpu.vector_store %arg13[%swap3A_175, %swap3A_176], %broadcast_in_dim3A_0 {strides = array<i32>} : memref<32x128xf32, #tpu.memory_space<vmem>>, vector<16xf32>,
    %swap3A_178 = arith.constant 5 : i32
    %swap3A_179 = arith.index_cast %swap3A_178 : i32 to index
    %swap3A_180 = arith.constant 48 : index
    %swap3A_181 = tpu.vector_load %arg13[%swap3A_179, %swap3A_180] {strides = array<i32>} : memref<32x128xf32, #tpu.memory_space<vmem>>, vector<16xf32>,
    tpu.vector_store %arg13[%swap3A_179, %swap3A_180], %broadcast_in_dim3A_0 {strides = array<i32>} : memref<32x128xf32, #tpu.memory_space<vmem>>, vector<16xf32>,
    %swap3A_182 = arith.constant 5 : i32
    %swap3A_183 = arith.index_cast %swap3A_182 : i32 to index
    %swap3A_184 = arith.constant 64 : index
    %swap3A_185 = tpu.vector_load %arg13[%swap3A_183, %swap3A_184] {strides = array<i32>} : memref<32x128xf32, #tpu.memory_space<vmem>>, vector<16xf32>,
    tpu.vector_store %arg13[%swap3A_183, %swap3A_184], %broadcast_in_dim3A_0 {strides = array<i32>} : memref<32x128xf32, #tpu.memory_space<vmem>>, vector<16xf32>,
    %swap3A_186 = arith.constant 5 : i32
    %swap3A_187 = arith.index_cast %swap3A_186 : i32 to index
    %swap3A_188 = arith.constant 80 : index
    %swap3A_189 = tpu.vector_load %arg13[%swap3A_187, %swap3A_188] {strides = array<i32>} : memref<32x128xf32, #tpu.memory_space<vmem>>, vector<16xf32>,
    tpu.vector_store %arg13[%swap3A_187, %swap3A_188], %broadcast_in_dim3A_0 {strides = array<i32>} : memref<32x128xf32, #tpu.memory_space<vmem>>, vector<16xf32>,
    %swap3A_190 = arith.constant 5 : i32
    %swap3A_191 = arith.index_cast %swap3A_190 : i32 to index
    %swap3A_192 = arith.constant 96 : index
    %swap3A_193 = tpu.vector_load %arg13[%swap3A_191, %swap3A_192] {strides = array<i32>} : memref<32x128xf32, #tpu.memory_space<vmem>>, vector<16xf32>,
    tpu.vector_store %arg13[%swap3A_191, %swap3A_192], %broadcast_in_dim3A_0 {strides = array<i32>} : memref<32x128xf32, #tpu.memory_space<vmem>>, vector<16xf32>,
    %swap3A_194 = arith.constant 5 : i32
    %swap3A_195 = arith.index_cast %swap3A_194 : i32 to index
    %swap3A_196 = arith.constant 112 : index
    %swap3A_197 = tpu.vector_load %arg13[%swap3A_195, %swap3A_196] {strides = array<i32>} : memref<32x128xf32, #tpu.memory_space<vmem>>, vector<16xf32>,
    tpu.vector_store %arg13[%swap3A_195, %swap3A_196], %broadcast_in_dim3A_0 {strides = array<i32>} : memref<32x128xf32, #tpu.memory_space<vmem>>, vector<16xf32>,
    %swap3A_198 = arith.constant 6 : i32
    %swap3A_199 = arith.index_cast %swap3A_198 : i32 to index
    %swap3A_200 = arith.constant 0 : index
    %swap3A_201 = tpu.vector_load %arg13[%swap3A_199, %swap3A_200] {strides = array<i32>} : memref<32x128xf32, #tpu.memory_space<vmem>>, vector<16xf32>,
    tpu.vector_store %arg13[%swap3A_199, %swap3A_200], %broadcast_in_dim3A_0 {strides = array<i32>} : memref<32x128xf32, #tpu.memory_space<vmem>>, vector<16xf32>,
    %swap3A_202 = arith.constant 6 : i32
    %swap3A_203 = arith.index_cast %swap3A_202 : i32 to index
    %swap3A_204 = arith.constant 16 : index
    %swap3A_205 = tpu.vector_load %arg13[%swap3A_203, %swap3A_204] {strides = array<i32>} : memref<32x128xf32, #tpu.memory_space<vmem>>, vector<16xf32>,
    tpu.vector_store %arg13[%swap3A_203, %swap3A_204], %broadcast_in_dim3A_0 {strides = array<i32>} : memref<32x128xf32, #tpu.memory_space<vmem>>, vector<16xf32>,
    %swap3A_206 = arith.constant 6 : i32
    %swap3A_207 = arith.index_cast %swap3A_206 : i32 to index
    %swap3A_208 = arith.constant 32 : index
    %swap3A_209 = tpu.vector_load %arg13[%swap3A_207, %swap3A_208] {strides = array<i32>} : memref<32x128xf32, #tpu.memory_space<vmem>>, vector<16xf32>,
    tpu.vector_store %arg13[%swap3A_207, %swap3A_208], %broadcast_in_dim3A_0 {strides = array<i32>} : memref<32x128xf32, #tpu.memory_space<vmem>>, vector<16xf32>,
    %swap3A_210 = arith.constant 6 : i32
    %swap3A_211 = arith.index_cast %swap3A_210 : i32 to index
    %swap3A_212 = arith.constant 48 : index
    %swap3A_213 = tpu.vector_load %arg13[%swap3A_211, %swap3A_212] {strides = array<i32>} : memref<32x128xf32, #tpu.memory_space<vmem>>, vector<16xf32>,
    tpu.vector_store %arg13[%swap3A_211, %swap3A_212], %broadcast_in_dim3A_0 {strides = array<i32>} : memref<32x128xf32, #tpu.memory_space<vmem>>, vector<16xf32>,
    %swap3A_214 = arith.constant 6 : i32
    %swap3A_215 = arith.index_cast %swap3A_214 : i32 to index
    %swap3A_216 = arith.constant 64 : index
    %swap3A_217 = tpu.vector_load %arg13[%swap3A_215, %swap3A_216] {strides = array<i32>} : memref<32x128xf32, #tpu.memory_space<vmem>>, vector<16xf32>,
    tpu.vector_store %arg13[%swap3A_215, %swap3A_216], %broadcast_in_dim3A_0 {strides = array<i32>} : memref<32x128xf32, #tpu.memory_space<vmem>>, vector<16xf32>,
    %swap3A_218 = arith.constant 6 : i32
    %swap3A_219 = arith.index_cast %swap3A_218 : i32 to index
    %swap3A_220 = arith.constant 80 : index
    %swap3A_221 = tpu.vector_load %arg13[%swap3A_219, %swap3A_220] {strides = array<i32>} : memref<32x128xf32, #tpu.memory_space<vmem>>, vector<16xf32>,
    tpu.vector_store %arg13[%swap3A_219, %swap3A_220], %broadcast_in_dim3A_0 {strides = array<i32>} : memref<32x128xf32, #tpu.memory_space<vmem>>, vector<16xf32>,
    %swap3A_222 = arith.constant 6 : i32
    %swap3A_223 = arith.index_cast %swap3A_222 : i32 to index
    %swap3A_224 = arith.constant 96 : index
    %swap3A_225 = tpu.vector_load %arg13[%swap3A_223, %swap3A_224] {strides = array<i32>} : memref<32x128xf32, #tpu.memory_space<vmem>>, vector<16xf32>,
    tpu.vector_store %arg13[%swap3A_223, %swap3A_224], %broadcast_in_dim3A_0 {strides = array<i32>} : memref<32x128xf32, #tpu.memory_space<vmem>>, vector<16xf32>,
    %swap3A_226 = arith.constant 6 : i32
    %swap3A_227 = arith.index_cast %swap3A_226 : i32 to index
    %swap3A_228 = arith.constant 112 : index
    %swap3A_229 = tpu.vector_load %arg13[%swap3A_227, %swap3A_228] {strides = array<i32>} : memref<32x128xf32, #tpu.memory_space<vmem>>, vector<16xf32>,
    tpu.vector_store %arg13[%swap3A_227, %swap3A_228], %broadcast_in_dim3A_0 {strides = array<i32>} : memref<32x128xf32, #tpu.memory_space<vmem>>, vector<16xf32>,
    %swap3A_230 = arith.constant 7 : i32
    %swap3A_231 = arith.index_cast %swap3A_230 : i32 to index
    %swap3A_232 = arith.constant 0 : index
    %swap3A_233 = tpu.vector_load %arg13[%swap3A_231, %swap3A_232] {strides = array<i32>} : memref<32x128xf32, #tpu.memory_space<vmem>>, vector<16xf32>,
    tpu.vector_store %arg13[%swap3A_231, %swap3A_232], %broadcast_in_dim3A_0 {strides = array<i32>} : memref<32x128xf32, #tpu.memory_space<vmem>>, vector<16xf32>,
    %swap3A_234 = arith.constant 7 : i32
    %swap3A_235 = arith.index_cast %swap3A_234 : i32 to index
    %swap3A_236 = arith.constant 16 : index
    %swap3A_237 = tpu.vector_load %arg13[%swap3A_235, %swap3A_236] {strides = array<i32>} : memref<32x128xf32, #tpu.memory_space<vmem>>, vector<16xf32>,
    tpu.vector_store %arg13[%swap3A_235, %swap3A_236], %broadcast_in_dim3A_0 {strides = array<i32>} : memref<32x128xf32, #tpu.memory_space<vmem>>, vector<16xf32>,
    %swap3A_238 = arith.constant 7 : i32
    %swap3A_239 = arith.index_cast %swap3A_238 : i32 to index
    %swap3A_240 = arith.constant 32 : index
    %swap3A_241 = tpu.vector_load %arg13[%swap3A_239, %swap3A_240] {strides = array<i32>} : memref<32x128xf32, #tpu.memory_space<vmem>>, vector<16xf32>,
    tpu.vector_store %arg13[%swap3A_239, %swap3A_240], %broadcast_in_dim3A_0 {strides = array<i32>} : memref<32x128xf32, #tpu.memory_space<vmem>>, vector<16xf32>,
    %swap3A_242 = arith.constant 7 : i32
    %swap3A_243 = arith.index_cast %swap3A_242 : i32 to index
    %swap3A_244 = arith.constant 48 : index
    %swap3A_245 = tpu.vector_load %arg13[%swap3A_243, %swap3A_244] {strides = array<i32>} : memref<32x128xf32, #tpu.memory_space<vmem>>, vector<16xf32>,
    tpu.vector_store %arg13[%swap3A_243, %swap3A_244], %broadcast_in_dim3A_0 {strides = array<i32>} : memref<32x128xf32, #tpu.memory_space<vmem>>, vector<16xf32>,
    %swap3A_246 = arith.constant 7 : i32
    %swap3A_247 = arith.index_cast %swap3A_246 : i32 to index
    %swap3A_248 = arith.constant 64 : index
    %swap3A_249 = tpu.vector_load %arg13[%swap3A_247, %swap3A_248] {strides = array<i32>} : memref<32x128xf32, #tpu.memory_space<vmem>>, vector<16xf32>,
    tpu.vector_store %arg13[%swap3A_247, %swap3A_248], %broadcast_in_dim3A_0 {strides = array<i32>} : memref<32x128xf32, #tpu.memory_space<vmem>>, vector<16xf32>,
    %swap3A_250 = arith.constant 7 : i32
    %swap3A_251 = arith.index_cast %swap3A_250 : i32 to index
    %swap3A_252 = arith.constant 80 : index
    %swap3A_253 = tpu.vector_load %arg13[%swap3A_251, %swap3A_252] {strides = array<i32>} : memref<32x128xf32, #tpu.memory_space<vmem>>, vector<16xf32>,
    tpu.vector_store %arg13[%swap3A_251, %swap3A_252], %broadcast_in_dim3A_0 {strides = array<i32>} : memref<32x128xf32, #tpu.memory_space<vmem>>, vector<16xf32>,
    %swap3A_254 = arith.constant 7 : i32
    %swap3A_255 = arith.index_cast %swap3A_254 : i32 to index
    %swap3A_256 = arith.constant 96 : index
    %swap3A_257 = tpu.vector_load %arg13[%swap3A_255, %swap3A_256] {strides = array<i32>} : memref<32x128xf32, #tpu.memory_space<vmem>>, vector<16xf32>,
    tpu.vector_store %arg13[%swap3A_255, %swap3A_256], %broadcast_in_dim3A_0 {strides = array<i32>} : memref<32x128xf32, #tpu.memory_space<vmem>>, vector<16xf32>,
    %swap3A_258 = arith.constant 7 : i32
    %swap3A_259 = arith.index_cast %swap3A_258 : i32 to index
    %swap3A_260 = arith.constant 112 : index
    %swap3A_261 = tpu.vector_load %arg13[%swap3A_259, %swap3A_260] {strides = array<i32>} : memref<32x128xf32, #tpu.memory_space<vmem>>, vector<16xf32>,
    tpu.vector_store %arg13[%swap3A_259, %swap3A_260], %broadcast_in_dim3A_0 {strides = array<i32>} : memref<32x128xf32, #tpu.memory_space<vmem>>, vector<16xf32>,
    %swap3A_262 = arith.constant 8 : i32
    %swap3A_263 = arith.index_cast %swap3A_262 : i32 to index
    %swap3A_264 = arith.constant 0 : index
    %swap3A_265 = tpu.vector_load %arg13[%swap3A_263, %swap3A_264] {strides = array<i32>} : memref<32x128xf32, #tpu.memory_space<vmem>>, vector<16xf32>,
    tpu.vector_store %arg13[%swap3A_263, %swap3A_264], %broadcast_in_dim3A_0 {strides = array<i32>} : memref<32x128xf32, #tpu.memory_space<vmem>>, vector<16xf32>,
    %swap3A_266 = arith.constant 8 : i32
    %swap3A_267 = arith.index_cast %swap3A_266 : i32 to index
    %swap3A_268 = arith.constant 16 : index
    %swap3A_269 = tpu.vector_load %arg13[%swap3A_267, %swap3A_268] {strides = array<i32>} : memref<32x128xf32, #tpu.memory_space<vmem>>, vector<16xf32>,
    tpu.vector_store %arg13[%swap3A_267, %swap3A_268], %broadcast_in_dim3A_0 {strides = array<i32>} : memref<32x128xf32, #tpu.memory_space<vmem>>, vector<16xf32>,
    %swap3A_270 = arith.constant 8 : i32
    %swap3A_271 = arith.index_cast %swap3A_270 : i32 to index
    %swap3A_272 = arith.constant 32 : index
    %swap3A_273 = tpu.vector_load %arg13[%swap3A_271, %swap3A_272] {strides = array<i32>} : memref<32x128xf32, #tpu.memory_space<vmem>>, vector<16xf32>,
    tpu.vector_store %arg13[%swap3A_271, %swap3A_272], %broadcast_in_dim3A_0 {strides = array<i32>} : memref<32x128xf32, #tpu.memory_space<vmem>>, vector<16xf32>,
    %swap3A_274 = arith.constant 8 : i32
    %swap3A_275 = arith.index_cast %swap3A_274 : i32 to index
    %swap3A_276 = arith.constant 48 : index
    %swap3A_277 = tpu.vector_load %arg13[%swap3A_275, %swap3A_276] {strides = array<i32>} : memref<32x128xf32, #tpu.memory_space<vmem>>, vector<16xf32>,
    tpu.vector_store %arg13[%swap3A_275, %swap3A_276], %broadcast_in_dim3A_0 {strides = array<i32>} : memref<32x128xf32, #tpu.memory_space<vmem>>, vector<16xf32>,
    %swap3A_278 = arith.constant 8 : i32
    %swap3A_279 = arith.index_cast %swap3A_278 : i32 to index
    %swap3A_280 = arith.constant 64 : index
    %swap3A_281 = tpu.vector_load %arg13[%swap3A_279, %swap3A_280] {strides = array<i32>} : memref<32x128xf32, #tpu.memory_space<vmem>>, vector<16xf32>,
    tpu.vector_store %arg13[%swap3A_279, %swap3A_280], %broadcast_in_dim3A_0 {strides = array<i32>} : memref<32x128xf32, #tpu.memory_space<vmem>>, vector<16xf32>,
    %swap3A_282 = arith.constant 8 : i32
    %swap3A_283 = arith.index_cast %swap3A_282 : i32 to index
    %swap3A_284 = arith.constant 80 : index
    %swap3A_285 = tpu.vector_load %arg13[%swap3A_283, %swap3A_284] {strides = array<i32>} : memref<32x128xf32, #tpu.memory_space<vmem>>, vector<16xf32>,
    tpu.vector_store %arg13[%swap3A_283, %swap3A_284], %broadcast_in_dim3A_0 {strides = array<i32>} : memref<32x128xf32, #tpu.memory_space<vmem>>, vector<16xf32>,
    %swap3A_286 = arith.constant 8 : i32
    %swap3A_287 = arith.index_cast %swap3A_286 : i32 to index
    %swap3A_288 = arith.constant 96 : index
    %swap3A_289 = tpu.vector_load %arg13[%swap3A_287, %swap3A_288] {strides = array<i32>} : memref<32x128xf32, #tpu.memory_space<vmem>>, vector<16xf32>,
    tpu.vector_store %arg13[%swap3A_287, %swap3A_288], %broadcast_in_dim3A_0 {strides = array<i32>} : memref<32x128xf32, #tpu.memory_space<vmem>>, vector<16xf32>,
    %swap3A_290 = arith.constant 8 : i32
    %swap3A_291 = arith.index_cast %swap3A_290 : i32 to index
    %swap3A_292 = arith.constant 112 : index
    %swap3A_293 = tpu.vector_load %arg13[%swap3A_291, %swap3A_292] {strides = array<i32>} : memref<32x128xf32, #tpu.memory_space<vmem>>, vector<16xf32>,
    tpu.vector_store %arg13[%swap3A_291, %swap3A_292], %broadcast_in_dim3A_0 {strides = array<i32>} : memref<32x128xf32, #tpu.memory_space<vmem>>, vector<16xf32>,
    %swap3A_294 = arith.constant 9 : i32
    %swap3A_295 = arith.index_cast %swap3A_294 : i32 to index
    %swap3A_296 = arith.constant 0 : index
    %swap3A_297 = tpu.vector_load %arg13[%swap3A_295, %swap3A_296] {strides = array<i32>} : memref<32x128xf32, #tpu.memory_space<vmem>>, vector<16xf32>,
    tpu.vector_store %arg13[%swap3A_295, %swap3A_296], %broadcast_in_dim3A_0 {strides = array<i32>} : memref<32x128xf32, #tpu.memory_space<vmem>>, vector<16xf32>,
    %swap3A_298 = arith.constant 9 : i32
    %swap3A_299 = arith.index_cast %swap3A_298 : i32 to index
    %swap3A_300 = arith.constant 16 : index
    %swap3A_301 = tpu.vector_load %arg13[%swap3A_299, %swap3A_300] {strides = array<i32>} : memref<32x128xf32, #tpu.memory_space<vmem>>, vector<16xf32>,
    tpu.vector_store %arg13[%swap3A_299, %swap3A_300], %broadcast_in_dim3A_0 {strides = array<i32>} : memref<32x128xf32, #tpu.memory_space<vmem>>, vector<16xf32>,
    %swap3A_302 = arith.constant 9 : i32
    %swap3A_303 = arith.index_cast %swap3A_302 : i32 to index
    %swap3A_304 = arith.constant 32 : index
    %swap3A_305 = tpu.vector_load %arg13[%swap3A_303, %swap3A_304] {strides = array<i32>} : memref<32x128xf32, #tpu.memory_space<vmem>>, vector<16xf32>,
    tpu.vector_store %arg13[%swap3A_303, %swap3A_304], %broadcast_in_dim3A_0 {strides = array<i32>} : memref<32x128xf32, #tpu.memory_space<vmem>>, vector<16xf32>,
    %swap3A_306 = arith.constant 9 : i32
    %swap3A_307 = arith.index_cast %swap3A_306 : i32 to index
    %swap3A_308 = arith.constant 48 : index
    %swap3A_309 = tpu.vector_load %arg13[%swap3A_307, %swap3A_308] {strides = array<i32>} : memref<32x128xf32, #tpu.memory_space<vmem>>, vector<16xf32>,
    tpu.vector_store %arg13[%swap3A_307, %swap3A_308], %broadcast_in_dim3A_0 {strides = array<i32>} : memref<32x128xf32, #tpu.memory_space<vmem>>, vector<16xf32>,
    %swap3A_310 = arith.constant 9 : i32
    %swap3A_311 = arith.index_cast %swap3A_310 : i32 to index
    %swap3A_312 = arith.constant 64 : index
    %swap3A_313 = tpu.vector_load %arg13[%swap3A_311, %swap3A_312] {strides = array<i32>} : memref<32x128xf32, #tpu.memory_space<vmem>>, vector<16xf32>,
    tpu.vector_store %arg13[%swap3A_311, %swap3A_312], %broadcast_in_dim3A_0 {strides = array<i32>} : memref<32x128xf32, #tpu.memory_space<vmem>>, vector<16xf32>,
    %swap3A_314 = arith.constant 9 : i32
    %swap3A_315 = arith.index_cast %swap3A_314 : i32 to index
    %swap3A_316 = arith.constant 80 : index
    %swap3A_317 = tpu.vector_load %arg13[%swap3A_315, %swap3A_316] {strides = array<i32>} : memref<32x128xf32, #tpu.memory_space<vmem>>, vector<16xf32>,
    tpu.vector_store %arg13[%swap3A_315, %swap3A_316], %broadcast_in_dim3A_0 {strides = array<i32>} : memref<32x128xf32, #tpu.memory_space<vmem>>, vector<16xf32>,
    %swap3A_318 = arith.constant 9 : i32
    %swap3A_319 = arith.index_cast %swap3A_318 : i32 to index
    %swap3A_320 = arith.constant 96 : index
    %swap3A_321 = tpu.vector_load %arg13[%swap3A_319, %swap3A_320] {strides = array<i32>} : memref<32x128xf32, #tpu.memory_space<vmem>>, vector<16xf32>,
    tpu.vector_store %arg13[%swap3A_319, %swap3A_320], %broadcast_in_dim3A_0 {strides = array<i32>} : memref<32x128xf32, #tpu.memory_space<vmem>>, vector<16xf32>,
    %swap3A_322 = arith.constant 9 : i32
    %swap3A_323 = arith.index_cast %swap3A_322 : i32 to index
    %swap3A_324 = arith.constant 112 : index
    %swap3A_325 = tpu.vector_load %arg13[%swap3A_323, %swap3A_324] {strides = array<i32>} : memref<32x128xf32, #tpu.memory_space<vmem>>, vector<16xf32>,
    tpu.vector_store %arg13[%swap3A_323, %swap3A_324], %broadcast_in_dim3A_0 {strides = array<i32>} : memref<32x128xf32, #tpu.memory_space<vmem>>, vector<16xf32>,
    %swap3A_326 = arith.constant 10 : i32
    %swap3A_327 = arith.index_cast %swap3A_326 : i32 to index
    %swap3A_328 = arith.constant 0 : index
    %swap3A_329 = tpu.vector_load %arg13[%swap3A_327, %swap3A_328] {strides = array<i32>} : memref<32x128xf32, #tpu.memory_space<vmem>>, vector<16xf32>,
    tpu.vector_store %arg13[%swap3A_327, %swap3A_328], %broadcast_in_dim3A_0 {strides = array<i32>} : memref<32x128xf32, #tpu.memory_space<vmem>>, vector<16xf32>,
    %swap3A_330 = arith.constant 10 : i32
    %swap3A_331 = arith.index_cast %swap3A_330 : i32 to index
    %swap3A_332 = arith.constant 16 : index
    %swap3A_333 = tpu.vector_load %arg13[%swap3A_331, %swap3A_332] {strides = array<i32>} : memref<32x128xf32, #tpu.memory_space<vmem>>, vector<16xf32>,
    tpu.vector_store %arg13[%swap3A_331, %swap3A_332], %broadcast_in_dim3A_0 {strides = array<i32>} : memref<32x128xf32, #tpu.memory_space<vmem>>, vector<16xf32>,
    %swap3A_334 = arith.constant 10 : i32
    %swap3A_335 = arith.index_cast %swap3A_334 : i32 to index
    %swap3A_336 = arith.constant 32 : index
    %swap3A_337 = tpu.vector_load %arg13[%swap3A_335, %swap3A_336] {strides = array<i32>} : memref<32x128xf32, #tpu.memory_space<vmem>>, vector<16xf32>,
    tpu.vector_store %arg13[%swap3A_335, %swap3A_336], %broadcast_in_dim3A_0 {strides = array<i32>} : memref<32x128xf32, #tpu.memory_space<vmem>>, vector<16xf32>,
    %swap3A_338 = arith.constant 10 : i32
    %swap3A_339 = arith.index_cast %swap3A_338 : i32 to index
    %swap3A_340 = arith.constant 48 : index
    %swap3A_341 = tpu.vector_load %arg13[%swap3A_339, %swap3A_340] {strides = array<i32>} : memref<32x128xf32, #tpu.memory_space<vmem>>, vector<16xf32>,
    tpu.vector_store %arg13[%swap3A_339, %swap3A_340], %broadcast_in_dim3A_0 {strides = array<i32>} : memref<32x128xf32, #tpu.memory_space<vmem>>, vector<16xf32>,
    %swap3A_342 = arith.constant 10 : i32
    %swap3A_343 = arith.index_cast %swap3A_342 : i32 to index
    %swap3A_344 = arith.constant 64 : index
    %swap3A_345 = tpu.vector_load %arg13[%swap3A_343, %swap3A_344] {strides = array<i32>} : memref<32x128xf32, #tpu.memory_space<vmem>>, vector<16xf32>,
    tpu.vector_store %arg13[%swap3A_343, %swap3A_344], %broadcast_in_dim3A_0 {strides = array<i32>} : memref<32x128xf32, #tpu.memory_space<vmem>>, vector<16xf32>,
    %swap3A_346 = arith.constant 10 : i32
    %swap3A_347 = arith.index_cast %swap3A_346 : i32 to index
    %swap3A_348 = arith.constant 80 : index
    %swap3A_349 = tpu.vector_load %arg13[%swap3A_347, %swap3A_348] {strides = array<i32>} : memref<32x128xf32, #tpu.memory_space<vmem>>, vector<16xf32>,
    tpu.vector_store %arg13[%swap3A_347, %swap3A_348], %broadcast_in_dim3A_0 {strides = array<i32>} : memref<32x128xf32, #tpu.memory_space<vmem>>, vector<16xf32>,
    %swap3A_350 = arith.constant 10 : i32
    %swap3A_351 = arith.index_cast %swap3A_350 : i32 to index
    %swap3A_352 = arith.constant 96 : index
    %swap3A_353 = tpu.vector_load %arg13[%swap3A_351, %swap3A_352] {strides = array<i32>} : memref<32x128xf32, #tpu.memory_space<vmem>>, vector<16xf32>,
    tpu.vector_store %arg13[%swap3A_351, %swap3A_352], %broadcast_in_dim3A_0 {strides = array<i32>} : memref<32x128xf32, #tpu.memory_space<vmem>>, vector<16xf32>,
    %swap3A_354 = arith.constant 10 : i32
    %swap3A_355 = arith.index_cast %swap3A_354 : i32 to index
    %swap3A_356 = arith.constant 112 : index
    %swap3A_357 = tpu.vector_load %arg13[%swap3A_355, %swap3A_356] {strides = array<i32>} : memref<32x128xf32, #tpu.memory_space<vmem>>, vector<16xf32>,
    tpu.vector_store %arg13[%swap3A_355, %swap3A_356], %broadcast_in_dim3A_0 {strides = array<i32>} : memref<32x128xf32, #tpu.memory_space<vmem>>, vector<16xf32>,
    %swap3A_358 = arith.constant 11 : i32
    %swap3A_359 = arith.index_cast %swap3A_358 : i32 to index
    %swap3A_360 = arith.constant 0 : index
    %swap3A_361 = tpu.vector_load %arg13[%swap3A_359, %swap3A_360] {strides = array<i32>} : memref<32x128xf32, #tpu.memory_space<vmem>>, vector<16xf32>,
    tpu.vector_store %arg13[%swap3A_359, %swap3A_360], %broadcast_in_dim3A_0 {strides = array<i32>} : memref<32x128xf32, #tpu.memory_space<vmem>>, vector<16xf32>,
    %swap3A_362 = arith.constant 11 : i32
    %swap3A_363 = arith.index_cast %swap3A_362 : i32 to index
    %swap3A_364 = arith.constant 16 : index
    %swap3A_365 = tpu.vector_load %arg13[%swap3A_363, %swap3A_364] {strides = array<i32>} : memref<32x128xf32, #tpu.memory_space<vmem>>, vector<16xf32>,
    tpu.vector_store %arg13[%swap3A_363, %swap3A_364], %broadcast_in_dim3A_0 {strides = array<i32>} : memref<32x128xf32, #tpu.memory_space<vmem>>, vector<16xf32>,
    %swap3A_366 = arith.constant 11 : i32
    %swap3A_367 = arith.index_cast %swap3A_366 : i32 to index
    %swap3A_368 = arith.constant 32 : index
    %swap3A_369 = tpu.vector_load %arg13[%swap3A_367, %swap3A_368] {strides = array<i32>} : memref<32x128xf32, #tpu.memory_space<vmem>>, vector<16xf32>,
    tpu.vector_store %arg13[%swap3A_367, %swap3A_368], %broadcast_in_dim3A_0 {strides = array<i32>} : memref<32x128xf32, #tpu.memory_space<vmem>>, vector<16xf32>,
    %swap3A_370 = arith.constant 11 : i32
    %swap3A_371 = arith.index_cast %swap3A_370 : i32 to index
    %swap3A_372 = arith.constant 48 : index
    %swap3A_373 = tpu.vector_load %arg13[%swap3A_371, %swap3A_372] {strides = array<i32>} : memref<32x128xf32, #tpu.memory_space<vmem>>, vector<16xf32>,
    tpu.vector_store %arg13[%swap3A_371, %swap3A_372], %broadcast_in_dim3A_0 {strides = array<i32>} : memref<32x128xf32, #tpu.memory_space<vmem>>, vector<16xf32>,
    %swap3A_374 = arith.constant 11 : i32
    %swap3A_375 = arith.index_cast %swap3A_374 : i32 to index
    %swap3A_376 = arith.constant 64 : index
    %swap3A_377 = tpu.vector_load %arg13[%swap3A_375, %swap3A_376] {strides = array<i32>} : memref<32x128xf32, #tpu.memory_space<vmem>>, vector<16xf32>,
    tpu.vector_store %arg13[%swap3A_375, %swap3A_376], %broadcast_in_dim3A_0 {strides = array<i32>} : memref<32x128xf32, #tpu.memory_space<vmem>>, vector<16xf32>,
    %swap3A_378 = arith.constant 11 : i32
    %swap3A_379 = arith.index_cast %swap3A_378 : i32 to index
    %swap3A_380 = arith.constant 80 : index
    %swap3A_381 = tpu.vector_load %arg13[%swap3A_379, %swap3A_380] {strides = array<i32>} : memref<32x128xf32, #tpu.memory_space<vmem>>, vector<16xf32>,
    tpu.vector_store %arg13[%swap3A_379, %swap3A_380], %broadcast_in_dim3A_0 {strides = array<i32>} : memref<32x128xf32, #tpu.memory_space<vmem>>, vector<16xf32>,
    %swap3A_382 = arith.constant 11 : i32
    %swap3A_383 = arith.index_cast %swap3A_382 : i32 to index
    %swap3A_384 = arith.constant 96 : index
    %swap3A_385 = tpu.vector_load %arg13[%swap3A_383, %swap3A_384] {strides = array<i32>} : memref<32x128xf32, #tpu.memory_space<vmem>>, vector<16xf32>,
    tpu.vector_store %arg13[%swap3A_383, %swap3A_384], %broadcast_in_dim3A_0 {strides = array<i32>} : memref<32x128xf32, #tpu.memory_space<vmem>>, vector<16xf32>,
    %swap3A_386 = arith.constant 11 : i32
    %swap3A_387 = arith.index_cast %swap3A_386 : i32 to index
    %swap3A_388 = arith.constant 112 : index
    %swap3A_389 = tpu.vector_load %arg13[%swap3A_387, %swap3A_388] {strides = array<i32>} : memref<32x128xf32, #tpu.memory_space<vmem>>, vector<16xf32>,
    tpu.vector_store %arg13[%swap3A_387, %swap3A_388], %broadcast_in_dim3A_0 {strides = array<i32>} : memref<32x128xf32, #tpu.memory_space<vmem>>, vector<16xf32>,
    %swap3A_390 = arith.constant 12 : i32
    %swap3A_391 = arith.index_cast %swap3A_390 : i32 to index
    %swap3A_392 = arith.constant 0 : index
    %swap3A_393 = tpu.vector_load %arg13[%swap3A_391, %swap3A_392] {strides = array<i32>} : memref<32x128xf32, #tpu.memory_space<vmem>>, vector<16xf32>,
    tpu.vector_store %arg13[%swap3A_391, %swap3A_392], %broadcast_in_dim3A_0 {strides = array<i32>} : memref<32x128xf32, #tpu.memory_space<vmem>>, vector<16xf32>,
    %swap3A_394 = arith.constant 12 : i32
    %swap3A_395 = arith.index_cast %swap3A_394 : i32 to index
    %swap3A_396 = arith.constant 16 : index
    %swap3A_397 = tpu.vector_load %arg13[%swap3A_395, %swap3A_396] {strides = array<i32>} : memref<32x128xf32, #tpu.memory_space<vmem>>, vector<16xf32>,
    tpu.vector_store %arg13[%swap3A_395, %swap3A_396], %broadcast_in_dim3A_0 {strides = array<i32>} : memref<32x128xf32, #tpu.memory_space<vmem>>, vector<16xf32>,
    %swap3A_398 = arith.constant 12 : i32
    %swap3A_399 = arith.index_cast %swap3A_398 : i32 to index
    %swap3A_400 = arith.constant 32 : index
    %swap3A_401 = tpu.vector_load %arg13[%swap3A_399, %swap3A_400] {strides = array<i32>} : memref<32x128xf32, #tpu.memory_space<vmem>>, vector<16xf32>,
    tpu.vector_store %arg13[%swap3A_399, %swap3A_400], %broadcast_in_dim3A_0 {strides = array<i32>} : memref<32x128xf32, #tpu.memory_space<vmem>>, vector<16xf32>,
    %swap3A_402 = arith.constant 12 : i32
    %swap3A_403 = arith.index_cast %swap3A_402 : i32 to index
    %swap3A_404 = arith.constant 48 : index
    %swap3A_405 = tpu.vector_load %arg13[%swap3A_403, %swap3A_404] {strides = array<i32>} : memref<32x128xf32, #tpu.memory_space<vmem>>, vector<16xf32>,
    tpu.vector_store %arg13[%swap3A_403, %swap3A_404], %broadcast_in_dim3A_0 {strides = array<i32>} : memref<32x128xf32, #tpu.memory_space<vmem>>, vector<16xf32>,
    %swap3A_406 = arith.constant 12 : i32
    %swap3A_407 = arith.index_cast %swap3A_406 : i32 to index
    %swap3A_408 = arith.constant 64 : index
    %swap3A_409 = tpu.vector_load %arg13[%swap3A_407, %swap3A_408] {strides = array<i32>} : memref<32x128xf32, #tpu.memory_space<vmem>>, vector<16xf32>,
    tpu.vector_store %arg13[%swap3A_407, %swap3A_408], %broadcast_in_dim3A_0 {strides = array<i32>} : memref<32x128xf32, #tpu.memory_space<vmem>>, vector<16xf32>,
    %swap3A_410 = arith.constant 12 : i32
    %swap3A_411 = arith.index_cast %swap3A_410 : i32 to index
    %swap3A_412 = arith.constant 80 : index
    %swap3A_413 = tpu.vector_load %arg13[%swap3A_411, %swap3A_412] {strides = array<i32>} : memref<32x128xf32, #tpu.memory_space<vmem>>, vector<16xf32>,
    tpu.vector_store %arg13[%swap3A_411, %swap3A_412], %broadcast_in_dim3A_0 {strides = array<i32>} : memref<32x128xf32, #tpu.memory_space<vmem>>, vector<16xf32>,
    %swap3A_414 = arith.constant 12 : i32
    %swap3A_415 = arith.index_cast %swap3A_414 : i32 to index
    %swap3A_416 = arith.constant 96 : index
    %swap3A_417 = tpu.vector_load %arg13[%swap3A_415, %swap3A_416] {strides = array<i32>} : memref<32x128xf32, #tpu.memory_space<vmem>>, vector<16xf32>,
    tpu.vector_store %arg13[%swap3A_415, %swap3A_416], %broadcast_in_dim3A_0 {strides = array<i32>} : memref<32x128xf32, #tpu.memory_space<vmem>>, vector<16xf32>,
    %swap3A_418 = arith.constant 12 : i32
    %swap3A_419 = arith.index_cast %swap3A_418 : i32 to index
    %swap3A_420 = arith.constant 112 : index
    %swap3A_421 = tpu.vector_load %arg13[%swap3A_419, %swap3A_420] {strides = array<i32>} : memref<32x128xf32, #tpu.memory_space<vmem>>, vector<16xf32>,
    tpu.vector_store %arg13[%swap3A_419, %swap3A_420], %broadcast_in_dim3A_0 {strides = array<i32>} : memref<32x128xf32, #tpu.memory_space<vmem>>, vector<16xf32>,
    %swap3A_422 = arith.constant 13 : i32
    %swap3A_423 = arith.index_cast %swap3A_422 : i32 to index
    %swap3A_424 = arith.constant 0 : index
    %swap3A_425 = tpu.vector_load %arg13[%swap3A_423, %swap3A_424] {strides = array<i32>} : memref<32x128xf32, #tpu.memory_space<vmem>>, vector<16xf32>,
    tpu.vector_store %arg13[%swap3A_423, %swap3A_424], %broadcast_in_dim3A_0 {strides = array<i32>} : memref<32x128xf32, #tpu.memory_space<vmem>>, vector<16xf32>,
    %swap3A_426 = arith.constant 13 : i32
    %swap3A_427 = arith.index_cast %swap3A_426 : i32 to index
    %swap3A_428 = arith.constant 16 : index
    %swap3A_429 = tpu.vector_load %arg13[%swap3A_427, %swap3A_428] {strides = array<i32>} : memref<32x128xf32, #tpu.memory_space<vmem>>, vector<16xf32>,
    tpu.vector_store %arg13[%swap3A_427, %swap3A_428], %broadcast_in_dim3A_0 {strides = array<i32>} : memref<32x128xf32, #tpu.memory_space<vmem>>, vector<16xf32>,
    %swap3A_430 = arith.constant 13 : i32
    %swap3A_431 = arith.index_cast %swap3A_430 : i32 to index
    %swap3A_432 = arith.constant 32 : index
    %swap3A_433 = tpu.vector_load %arg13[%swap3A_431, %swap3A_432] {strides = array<i32>} : memref<32x128xf32, #tpu.memory_space<vmem>>, vector<16xf32>,
    tpu.vector_store %arg13[%swap3A_431, %swap3A_432], %broadcast_in_dim3A_0 {strides = array<i32>} : memref<32x128xf32, #tpu.memory_space<vmem>>, vector<16xf32>,
    %swap3A_434 = arith.constant 13 : i32
    %swap3A_435 = arith.index_cast %swap3A_434 : i32 to index
    %swap3A_436 = arith.constant 48 : index
    %swap3A_437 = tpu.vector_load %arg13[%swap3A_435, %swap3A_436] {strides = array<i32>} : memref<32x128xf32, #tpu.memory_space<vmem>>, vector<16xf32>,
    tpu.vector_store %arg13[%swap3A_435, %swap3A_436], %broadcast_in_dim3A_0 {strides = array<i32>} : memref<32x128xf32, #tpu.memory_space<vmem>>, vector<16xf32>,
    %swap3A_438 = arith.constant 13 : i32
    %swap3A_439 = arith.index_cast %swap3A_438 : i32 to index
    %swap3A_440 = arith.constant 64 : index
    %swap3A_441 = tpu.vector_load %arg13[%swap3A_439, %swap3A_440] {strides = array<i32>} : memref<32x128xf32, #tpu.memory_space<vmem>>, vector<16xf32>,
    tpu.vector_store %arg13[%swap3A_439, %swap3A_440], %broadcast_in_dim3A_0 {strides = array<i32>} : memref<32x128xf32, #tpu.memory_space<vmem>>, vector<16xf32>,
    %swap3A_442 = arith.constant 13 : i32
    %swap3A_443 = arith.index_cast %swap3A_442 : i32 to index
    %swap3A_444 = arith.constant 80 : index
    %swap3A_445 = tpu.vector_load %arg13[%swap3A_443, %swap3A_444] {strides = array<i32>} : memref<32x128xf32, #tpu.memory_space<vmem>>, vector<16xf32>,
    tpu.vector_store %arg13[%swap3A_443, %swap3A_444], %broadcast_in_dim3A_0 {strides = array<i32>} : memref<32x128xf32, #tpu.memory_space<vmem>>, vector<16xf32>,
    %swap3A_446 = arith.constant 13 : i32
    %swap3A_447 = arith.index_cast %swap3A_446 : i32 to index
    %swap3A_448 = arith.constant 96 : index
    %swap3A_449 = tpu.vector_load %arg13[%swap3A_447, %swap3A_448] {strides = array<i32>} : memref<32x128xf32, #tpu.memory_space<vmem>>, vector<16xf32>,
    tpu.vector_store %arg13[%swap3A_447, %swap3A_448], %broadcast_in_dim3A_0 {strides = array<i32>} : memref<32x128xf32, #tpu.memory_space<vmem>>, vector<16xf32>,
    %swap3A_450 = arith.constant 13 : i32
    %swap3A_451 = arith.index_cast %swap3A_450 : i32 to index
    %swap3A_452 = arith.constant 112 : index
    %swap3A_453 = tpu.vector_load %arg13[%swap3A_451, %swap3A_452] {strides = array<i32>} : memref<32x128xf32, #tpu.memory_space<vmem>>, vector<16xf32>,
    tpu.vector_store %arg13[%swap3A_451, %swap3A_452], %broadcast_in_dim3A_0 {strides = array<i32>} : memref<32x128xf32, #tpu.memory_space<vmem>>, vector<16xf32>,
    %swap3A_454 = arith.constant 14 : i32
    %swap3A_455 = arith.index_cast %swap3A_454 : i32 to index
    %swap3A_456 = arith.constant 0 : index
    %swap3A_457 = tpu.vector_load %arg13[%swap3A_455, %swap3A_456] {strides = array<i32>} : memref<32x128xf32, #tpu.memory_space<vmem>>, vector<16xf32>,
    tpu.vector_store %arg13[%swap3A_455, %swap3A_456], %broadcast_in_dim3A_0 {strides = array<i32>} : memref<32x128xf32, #tpu.memory_space<vmem>>, vector<16xf32>,
    %swap3A_458 = arith.constant 14 : i32
    %swap3A_459 = arith.index_cast %swap3A_458 : i32 to index
    %swap3A_460 = arith.constant 16 : index
    %swap3A_461 = tpu.vector_load %arg13[%swap3A_459, %swap3A_460] {strides = array<i32>} : memref<32x128xf32, #tpu.memory_space<vmem>>, vector<16xf32>,
    tpu.vector_store %arg13[%swap3A_459, %swap3A_460], %broadcast_in_dim3A_0 {strides = array<i32>} : memref<32x128xf32, #tpu.memory_space<vmem>>, vector<16xf32>,
    %swap3A_462 = arith.constant 14 : i32
    %swap3A_463 = arith.index_cast %swap3A_462 : i32 to index
    %swap3A_464 = arith.constant 32 : index
    %swap3A_465 = tpu.vector_load %arg13[%swap3A_463, %swap3A_464] {strides = array<i32>} : memref<32x128xf32, #tpu.memory_space<vmem>>, vector<16xf32>,
    tpu.vector_store %arg13[%swap3A_463, %swap3A_464], %broadcast_in_dim3A_0 {strides = array<i32>} : memref<32x128xf32, #tpu.memory_space<vmem>>, vector<16xf32>,
    %swap3A_466 = arith.constant 14 : i32
    %swap3A_467 = arith.index_cast %swap3A_466 : i32 to index
    %swap3A_468 = arith.constant 48 : index
    %swap3A_469 = tpu.vector_load %arg13[%swap3A_467, %swap3A_468] {strides = array<i32>} : memref<32x128xf32, #tpu.memory_space<vmem>>, vector<16xf32>,
    tpu.vector_store %arg13[%swap3A_467, %swap3A_468], %broadcast_in_dim3A_0 {strides = array<i32>} : memref<32x128xf32, #tpu.memory_space<vmem>>, vector<16xf32>,
    %swap3A_470 = arith.constant 14 : i32
    %swap3A_471 = arith.index_cast %swap3A_470 : i32 to index
    %swap3A_472 = arith.constant 64 : index
    %swap3A_473 = tpu.vector_load %arg13[%swap3A_471, %swap3A_472] {strides = array<i32>} : memref<32x128xf32, #tpu.memory_space<vmem>>, vector<16xf32>,
    tpu.vector_store %arg13[%swap3A_471, %swap3A_472], %broadcast_in_dim3A_0 {strides = array<i32>} : memref<32x128xf32, #tpu.memory_space<vmem>>, vector<16xf32>,
    %swap3A_474 = arith.constant 14 : i32
    %swap3A_475 = arith.index_cast %swap3A_474 : i32 to index
    %swap3A_476 = arith.constant 80 : index
    %swap3A_477 = tpu.vector_load %arg13[%swap3A_475, %swap3A_476] {strides = array<i32>} : memref<32x128xf32, #tpu.memory_space<vmem>>, vector<16xf32>,
    tpu.vector_store %arg13[%swap3A_475, %swap3A_476], %broadcast_in_dim3A_0 {strides = array<i32>} : memref<32x128xf32, #tpu.memory_space<vmem>>, vector<16xf32>,
    %swap3A_478 = arith.constant 14 : i32
    %swap3A_479 = arith.index_cast %swap3A_478 : i32 to index
    %swap3A_480 = arith.constant 96 : index
    %swap3A_481 = tpu.vector_load %arg13[%swap3A_479, %swap3A_480] {strides = array<i32>} : memref<32x128xf32, #tpu.memory_space<vmem>>, vector<16xf32>,
    tpu.vector_store %arg13[%swap3A_479, %swap3A_480], %broadcast_in_dim3A_0 {strides = array<i32>} : memref<32x128xf32, #tpu.memory_space<vmem>>, vector<16xf32>,
    %swap3A_482 = arith.constant 14 : i32
    %swap3A_483 = arith.index_cast %swap3A_482 : i32 to index
    %swap3A_484 = arith.constant 112 : index
    %swap3A_485 = tpu.vector_load %arg13[%swap3A_483, %swap3A_484] {strides = array<i32>} : memref<32x128xf32, #tpu.memory_space<vmem>>, vector<16xf32>,
    tpu.vector_store %arg13[%swap3A_483, %swap3A_484], %broadcast_in_dim3A_0 {strides = array<i32>} : memref<32x128xf32, #tpu.memory_space<vmem>>, vector<16xf32>,
    %swap3A_486 = arith.constant 15 : i32
    %swap3A_487 = arith.index_cast %swap3A_486 : i32 to index
    %swap3A_488 = arith.constant 0 : index
    %swap3A_489 = tpu.vector_load %arg13[%swap3A_487, %swap3A_488] {strides = array<i32>} : memref<32x128xf32, #tpu.memory_space<vmem>>, vector<16xf32>,
    tpu.vector_store %arg13[%swap3A_487, %swap3A_488], %broadcast_in_dim3A_0 {strides = array<i32>} : memref<32x128xf32, #tpu.memory_space<vmem>>, vector<16xf32>,
    %swap3A_490 = arith.constant 15 : i32
    %swap3A_491 = arith.index_cast %swap3A_490 : i32 to index
    %swap3A_492 = arith.constant 16 : index
    %swap3A_493 = tpu.vector_load %arg13[%swap3A_491, %swap3A_492] {strides = array<i32>} : memref<32x128xf32, #tpu.memory_space<vmem>>, vector<16xf32>,
    tpu.vector_store %arg13[%swap3A_491, %swap3A_492], %broadcast_in_dim3A_0 {strides = array<i32>} : memref<32x128xf32, #tpu.memory_space<vmem>>, vector<16xf32>,
    %swap3A_494 = arith.constant 15 : i32
    %swap3A_495 = arith.index_cast %swap3A_494 : i32 to index
    %swap3A_496 = arith.constant 32 : index
    %swap3A_497 = tpu.vector_load %arg13[%swap3A_495, %swap3A_496] {strides = array<i32>} : memref<32x128xf32, #tpu.memory_space<vmem>>, vector<16xf32>,
    tpu.vector_store %arg13[%swap3A_495, %swap3A_496], %broadcast_in_dim3A_0 {strides = array<i32>} : memref<32x128xf32, #tpu.memory_space<vmem>>, vector<16xf32>,
    %swap3A_498 = arith.constant 15 : i32
    %swap3A_499 = arith.index_cast %swap3A_498 : i32 to index
    %swap3A_500 = arith.constant 48 : index
    %swap3A_501 = tpu.vector_load %arg13[%swap3A_499, %swap3A_500] {strides = array<i32>} : memref<32x128xf32, #tpu.memory_space<vmem>>, vector<16xf32>,
    tpu.vector_store %arg13[%swap3A_499, %swap3A_500], %broadcast_in_dim3A_0 {strides = array<i32>} : memref<32x128xf32, #tpu.memory_space<vmem>>, vector<16xf32>,
    %swap3A_502 = arith.constant 15 : i32
    %swap3A_503 = arith.index_cast %swap3A_502 : i32 to index
    %swap3A_504 = arith.constant 64 : index
    %swap3A_505 = tpu.vector_load %arg13[%swap3A_503, %swap3A_504] {strides = array<i32>} : memref<32x128xf32, #tpu.memory_space<vmem>>, vector<16xf32>,
    tpu.vector_store %arg13[%swap3A_503, %swap3A_504], %broadcast_in_dim3A_0 {strides = array<i32>} : memref<32x128xf32, #tpu.memory_space<vmem>>, vector<16xf32>,
    %swap3A_506 = arith.constant 15 : i32
    %swap3A_507 = arith.index_cast %swap3A_506 : i32 to index
    %swap3A_508 = arith.constant 80 : index
    %swap3A_509 = tpu.vector_load %arg13[%swap3A_507, %swap3A_508] {strides = array<i32>} : memref<32x128xf32, #tpu.memory_space<vmem>>, vector<16xf32>,
    tpu.vector_store %arg13[%swap3A_507, %swap3A_508], %broadcast_in_dim3A_0 {strides = array<i32>} : memref<32x128xf32, #tpu.memory_space<vmem>>, vector<16xf32>,
    %swap3A_510 = arith.constant 15 : i32
    %swap3A_511 = arith.index_cast %swap3A_510 : i32 to index
    %swap3A_512 = arith.constant 96 : index
    %swap3A_513 = tpu.vector_load %arg13[%swap3A_511, %swap3A_512] {strides = array<i32>} : memref<32x128xf32, #tpu.memory_space<vmem>>, vector<16xf32>,
    tpu.vector_store %arg13[%swap3A_511, %swap3A_512], %broadcast_in_dim3A_0 {strides = array<i32>} : memref<32x128xf32, #tpu.memory_space<vmem>>, vector<16xf32>,
    %swap3A_514 = arith.constant 15 : i32
    %swap3A_515 = arith.index_cast %swap3A_514 : i32 to index
    %swap3A_516 = arith.constant 112 : index
    %swap3A_517 = tpu.vector_load %arg13[%swap3A_515, %swap3A_516] {strides = array<i32>} : memref<32x128xf32, #tpu.memory_space<vmem>>, vector<16xf32>,
    tpu.vector_store %arg13[%swap3A_515, %swap3A_516], %broadcast_in_dim3A_0 {strides = array<i32>} : memref<32x128xf32, #tpu.memory_space<vmem>>, vector<16xf32>,
    %swap3A_518 = arith.constant 16 : i32
    %swap3A_519 = arith.index_cast %swap3A_518 : i32 to index
    %swap3A_520 = arith.constant 0 : index
    %swap3A_521 = tpu.vector_load %arg13[%swap3A_519, %swap3A_520] {strides = array<i32>} : memref<32x128xf32, #tpu.memory_space<vmem>>, vector<16xf32>,
    tpu.vector_store %arg13[%swap3A_519, %swap3A_520], %broadcast_in_dim3A_0 {strides = array<i32>} : memref<32x128xf32, #tpu.memory_space<vmem>>, vector<16xf32>,
    %swap3A_522 = arith.constant 16 : i32
    %swap3A_523 = arith.index_cast %swap3A_522 : i32 to index
    %swap3A_524 = arith.constant 16 : index
    %swap3A_525 = tpu.vector_load %arg13[%swap3A_523, %swap3A_524] {strides = array<i32>} : memref<32x128xf32, #tpu.memory_space<vmem>>, vector<16xf32>,
    tpu.vector_store %arg13[%swap3A_523, %swap3A_524], %broadcast_in_dim3A_0 {strides = array<i32>} : memref<32x128xf32, #tpu.memory_space<vmem>>, vector<16xf32>,
    %swap3A_526 = arith.constant 16 : i32
    %swap3A_527 = arith.index_cast %swap3A_526 : i32 to index
    %swap3A_528 = arith.constant 32 : index
    %swap3A_529 = tpu.vector_load %arg13[%swap3A_527, %swap3A_528] {strides = array<i32>} : memref<32x128xf32, #tpu.memory_space<vmem>>, vector<16xf32>,
    tpu.vector_store %arg13[%swap3A_527, %swap3A_528], %broadcast_in_dim3A_0 {strides = array<i32>} : memref<32x128xf32, #tpu.memory_space<vmem>>, vector<16xf32>,
    %swap3A_530 = arith.constant 16 : i32
    %swap3A_531 = arith.index_cast %swap3A_530 : i32 to index
    %swap3A_532 = arith.constant 48 : index
    %swap3A_533 = tpu.vector_load %arg13[%swap3A_531, %swap3A_532] {strides = array<i32>} : memref<32x128xf32, #tpu.memory_space<vmem>>, vector<16xf32>,
    tpu.vector_store %arg13[%swap3A_531, %swap3A_532], %broadcast_in_dim3A_0 {strides = array<i32>} : memref<32x128xf32, #tpu.memory_space<vmem>>, vector<16xf32>,
    %swap3A_534 = arith.constant 16 : i32
    %swap3A_535 = arith.index_cast %swap3A_534 : i32 to index
    %swap3A_536 = arith.constant 64 : index
    %swap3A_537 = tpu.vector_load %arg13[%swap3A_535, %swap3A_536] {strides = array<i32>} : memref<32x128xf32, #tpu.memory_space<vmem>>, vector<16xf32>,
    tpu.vector_store %arg13[%swap3A_535, %swap3A_536], %broadcast_in_dim3A_0 {strides = array<i32>} : memref<32x128xf32, #tpu.memory_space<vmem>>, vector<16xf32>,
    %swap3A_538 = arith.constant 16 : i32
    %swap3A_539 = arith.index_cast %swap3A_538 : i32 to index
    %swap3A_540 = arith.constant 80 : index
    %swap3A_541 = tpu.vector_load %arg13[%swap3A_539, %swap3A_540] {strides = array<i32>} : memref<32x128xf32, #tpu.memory_space<vmem>>, vector<16xf32>,
    tpu.vector_store %arg13[%swap3A_539, %swap3A_540], %broadcast_in_dim3A_0 {strides = array<i32>} : memref<32x128xf32, #tpu.memory_space<vmem>>, vector<16xf32>,
    %swap3A_542 = arith.constant 16 : i32
    %swap3A_543 = arith.index_cast %swap3A_542 : i32 to index
    %swap3A_544 = arith.constant 96 : index
    %swap3A_545 = tpu.vector_load %arg13[%swap3A_543, %swap3A_544] {strides = array<i32>} : memref<32x128xf32, #tpu.memory_space<vmem>>, vector<16xf32>,
    tpu.vector_store %arg13[%swap3A_543, %swap3A_544], %broadcast_in_dim3A_0 {strides = array<i32>} : memref<32x128xf32, #tpu.memory_space<vmem>>, vector<16xf32>,
    %swap3A_546 = arith.constant 16 : i32
    %swap3A_547 = arith.index_cast %swap3A_546 : i32 to index
    %swap3A_548 = arith.constant 112 : index
    %swap3A_549 = tpu.vector_load %arg13[%swap3A_547, %swap3A_548] {strides = array<i32>} : memref<32x128xf32, #tpu.memory_space<vmem>>, vector<16xf32>,
    tpu.vector_store %arg13[%swap3A_547, %swap3A_548], %broadcast_in_dim3A_0 {strides = array<i32>} : memref<32x128xf32, #tpu.memory_space<vmem>>, vector<16xf32>,
    %swap3A_550 = arith.constant 17 : i32
    %swap3A_551 = arith.index_cast %swap3A_550 : i32 to index
    %swap3A_552 = arith.constant 0 : index
    %swap3A_553 = tpu.vector_load %arg13[%swap3A_551, %swap3A_552] {strides = array<i32>} : memref<32x128xf32, #tpu.memory_space<vmem>>, vector<16xf32>,
    tpu.vector_store %arg13[%swap3A_551, %swap3A_552], %broadcast_in_dim3A_0 {strides = array<i32>} : memref<32x128xf32, #tpu.memory_space<vmem>>, vector<16xf32>,
    %swap3A_554 = arith.constant 17 : i32
    %swap3A_555 = arith.index_cast %swap3A_554 : i32 to index
    %swap3A_556 = arith.constant 16 : index
    %swap3A_557 = tpu.vector_load %arg13[%swap3A_555, %swap3A_556] {strides = array<i32>} : memref<32x128xf32, #tpu.memory_space<vmem>>, vector<16xf32>,
    tpu.vector_store %arg13[%swap3A_555, %swap3A_556], %broadcast_in_dim3A_0 {strides = array<i32>} : memref<32x128xf32, #tpu.memory_space<vmem>>, vector<16xf32>,
    %swap3A_558 = arith.constant 17 : i32
    %swap3A_559 = arith.index_cast %swap3A_558 : i32 to index
    %swap3A_560 = arith.constant 32 : index
    %swap3A_561 = tpu.vector_load %arg13[%swap3A_559, %swap3A_560] {strides = array<i32>} : memref<32x128xf32, #tpu.memory_space<vmem>>, vector<16xf32>,
    tpu.vector_store %arg13[%swap3A_559, %swap3A_560], %broadcast_in_dim3A_0 {strides = array<i32>} : memref<32x128xf32, #tpu.memory_space<vmem>>, vector<16xf32>,
    %swap3A_562 = arith.constant 17 : i32
    %swap3A_563 = arith.index_cast %swap3A_562 : i32 to index
    %swap3A_564 = arith.constant 48 : index
    %swap3A_565 = tpu.vector_load %arg13[%swap3A_563, %swap3A_564] {strides = array<i32>} : memref<32x128xf32, #tpu.memory_space<vmem>>, vector<16xf32>,
    tpu.vector_store %arg13[%swap3A_563, %swap3A_564], %broadcast_in_dim3A_0 {strides = array<i32>} : memref<32x128xf32, #tpu.memory_space<vmem>>, vector<16xf32>,
    %swap3A_566 = arith.constant 17 : i32
    %swap3A_567 = arith.index_cast %swap3A_566 : i32 to index
    %swap3A_568 = arith.constant 64 : index
    %swap3A_569 = tpu.vector_load %arg13[%swap3A_567, %swap3A_568] {strides = array<i32>} : memref<32x128xf32, #tpu.memory_space<vmem>>, vector<16xf32>,
    tpu.vector_store %arg13[%swap3A_567, %swap3A_568], %broadcast_in_dim3A_0 {strides = array<i32>} : memref<32x128xf32, #tpu.memory_space<vmem>>, vector<16xf32>,
    %swap3A_570 = arith.constant 17 : i32
    %swap3A_571 = arith.index_cast %swap3A_570 : i32 to index
    %swap3A_572 = arith.constant 80 : index
    %swap3A_573 = tpu.vector_load %arg13[%swap3A_571, %swap3A_572] {strides = array<i32>} : memref<32x128xf32, #tpu.memory_space<vmem>>, vector<16xf32>,
    tpu.vector_store %arg13[%swap3A_571, %swap3A_572], %broadcast_in_dim3A_0 {strides = array<i32>} : memref<32x128xf32, #tpu.memory_space<vmem>>, vector<16xf32>,
    %swap3A_574 = arith.constant 17 : i32
    %swap3A_575 = arith.index_cast %swap3A_574 : i32 to index
    %swap3A_576 = arith.constant 96 : index
    %swap3A_577 = tpu.vector_load %arg13[%swap3A_575, %swap3A_576] {strides = array<i32>} : memref<32x128xf32, #tpu.memory_space<vmem>>, vector<16xf32>,
    tpu.vector_store %arg13[%swap3A_575, %swap3A_576], %broadcast_in_dim3A_0 {strides = array<i32>} : memref<32x128xf32, #tpu.memory_space<vmem>>, vector<16xf32>,
    %swap3A_578 = arith.constant 17 : i32
    %swap3A_579 = arith.index_cast %swap3A_578 : i32 to index
    %swap3A_580 = arith.constant 112 : index
    %swap3A_581 = tpu.vector_load %arg13[%swap3A_579, %swap3A_580] {strides = array<i32>} : memref<32x128xf32, #tpu.memory_space<vmem>>, vector<16xf32>,
    tpu.vector_store %arg13[%swap3A_579, %swap3A_580], %broadcast_in_dim3A_0 {strides = array<i32>} : memref<32x128xf32, #tpu.memory_space<vmem>>, vector<16xf32>,
    %swap3A_582 = arith.constant 18 : i32
    %swap3A_583 = arith.index_cast %swap3A_582 : i32 to index
    %swap3A_584 = arith.constant 0 : index
    %swap3A_585 = tpu.vector_load %arg13[%swap3A_583, %swap3A_584] {strides = array<i32>} : memref<32x128xf32, #tpu.memory_space<vmem>>, vector<16xf32>,
    tpu.vector_store %arg13[%swap3A_583, %swap3A_584], %broadcast_in_dim3A_0 {strides = array<i32>} : memref<32x128xf32, #tpu.memory_space<vmem>>, vector<16xf32>,
    %swap3A_586 = arith.constant 18 : i32
    %swap3A_587 = arith.index_cast %swap3A_586 : i32 to index
    %swap3A_588 = arith.constant 16 : index
    %swap3A_589 = tpu.vector_load %arg13[%swap3A_587, %swap3A_588] {strides = array<i32>} : memref<32x128xf32, #tpu.memory_space<vmem>>, vector<16xf32>,
    tpu.vector_store %arg13[%swap3A_587, %swap3A_588], %broadcast_in_dim3A_0 {strides = array<i32>} : memref<32x128xf32, #tpu.memory_space<vmem>>, vector<16xf32>,
    %swap3A_590 = arith.constant 18 : i32
    %swap3A_591 = arith.index_cast %swap3A_590 : i32 to index
    %swap3A_592 = arith.constant 32 : index
    %swap3A_593 = tpu.vector_load %arg13[%swap3A_591, %swap3A_592] {strides = array<i32>} : memref<32x128xf32, #tpu.memory_space<vmem>>, vector<16xf32>,
    tpu.vector_store %arg13[%swap3A_591, %swap3A_592], %broadcast_in_dim3A_0 {strides = array<i32>} : memref<32x128xf32, #tpu.memory_space<vmem>>, vector<16xf32>,
    %swap3A_594 = arith.constant 18 : i32
    %swap3A_595 = arith.index_cast %swap3A_594 : i32 to index
    %swap3A_596 = arith.constant 48 : index
    %swap3A_597 = tpu.vector_load %arg13[%swap3A_595, %swap3A_596] {strides = array<i32>} : memref<32x128xf32, #tpu.memory_space<vmem>>, vector<16xf32>,
    tpu.vector_store %arg13[%swap3A_595, %swap3A_596], %broadcast_in_dim3A_0 {strides = array<i32>} : memref<32x128xf32, #tpu.memory_space<vmem>>, vector<16xf32>,
    %swap3A_598 = arith.constant 18 : i32
    %swap3A_599 = arith.index_cast %swap3A_598 : i32 to index
    %swap3A_600 = arith.constant 64 : index
    %swap3A_601 = tpu.vector_load %arg13[%swap3A_599, %swap3A_600] {strides = array<i32>} : memref<32x128xf32, #tpu.memory_space<vmem>>, vector<16xf32>,
    tpu.vector_store %arg13[%swap3A_599, %swap3A_600], %broadcast_in_dim3A_0 {strides = array<i32>} : memref<32x128xf32, #tpu.memory_space<vmem>>, vector<16xf32>,
    %swap3A_602 = arith.constant 18 : i32
    %swap3A_603 = arith.index_cast %swap3A_602 : i32 to index
    %swap3A_604 = arith.constant 80 : index
    %swap3A_605 = tpu.vector_load %arg13[%swap3A_603, %swap3A_604] {strides = array<i32>} : memref<32x128xf32, #tpu.memory_space<vmem>>, vector<16xf32>,
    tpu.vector_store %arg13[%swap3A_603, %swap3A_604], %broadcast_in_dim3A_0 {strides = array<i32>} : memref<32x128xf32, #tpu.memory_space<vmem>>, vector<16xf32>,
    %swap3A_606 = arith.constant 18 : i32
    %swap3A_607 = arith.index_cast %swap3A_606 : i32 to index
    %swap3A_608 = arith.constant 96 : index
    %swap3A_609 = tpu.vector_load %arg13[%swap3A_607, %swap3A_608] {strides = array<i32>} : memref<32x128xf32, #tpu.memory_space<vmem>>, vector<16xf32>,
    tpu.vector_store %arg13[%swap3A_607, %swap3A_608], %broadcast_in_dim3A_0 {strides = array<i32>} : memref<32x128xf32, #tpu.memory_space<vmem>>, vector<16xf32>,
    %swap3A_610 = arith.constant 18 : i32
    %swap3A_611 = arith.index_cast %swap3A_610 : i32 to index
    %swap3A_612 = arith.constant 112 : index
    %swap3A_613 = tpu.vector_load %arg13[%swap3A_611, %swap3A_612] {strides = array<i32>} : memref<32x128xf32, #tpu.memory_space<vmem>>, vector<16xf32>,
    tpu.vector_store %arg13[%swap3A_611, %swap3A_612], %broadcast_in_dim3A_0 {strides = array<i32>} : memref<32x128xf32, #tpu.memory_space<vmem>>, vector<16xf32>,
    %swap3A_614 = arith.constant 19 : i32
    %swap3A_615 = arith.index_cast %swap3A_614 : i32 to index
    %swap3A_616 = arith.constant 0 : index
    %swap3A_617 = tpu.vector_load %arg13[%swap3A_615, %swap3A_616] {strides = array<i32>} : memref<32x128xf32, #tpu.memory_space<vmem>>, vector<16xf32>,
    tpu.vector_store %arg13[%swap3A_615, %swap3A_616], %broadcast_in_dim3A_0 {strides = array<i32>} : memref<32x128xf32, #tpu.memory_space<vmem>>, vector<16xf32>,
    %swap3A_618 = arith.constant 19 : i32
    %swap3A_619 = arith.index_cast %swap3A_618 : i32 to index
    %swap3A_620 = arith.constant 16 : index
    %swap3A_621 = tpu.vector_load %arg13[%swap3A_619, %swap3A_620] {strides = array<i32>} : memref<32x128xf32, #tpu.memory_space<vmem>>, vector<16xf32>,
    tpu.vector_store %arg13[%swap3A_619, %swap3A_620], %broadcast_in_dim3A_0 {strides = array<i32>} : memref<32x128xf32, #tpu.memory_space<vmem>>, vector<16xf32>,
    %swap3A_622 = arith.constant 19 : i32
    %swap3A_623 = arith.index_cast %swap3A_622 : i32 to index
    %swap3A_624 = arith.constant 32 : index
    %swap3A_625 = tpu.vector_load %arg13[%swap3A_623, %swap3A_624] {strides = array<i32>} : memref<32x128xf32, #tpu.memory_space<vmem>>, vector<16xf32>,
    tpu.vector_store %arg13[%swap3A_623, %swap3A_624], %broadcast_in_dim3A_0 {strides = array<i32>} : memref<32x128xf32, #tpu.memory_space<vmem>>, vector<16xf32>,
    %swap3A_626 = arith.constant 19 : i32
    %swap3A_627 = arith.index_cast %swap3A_626 : i32 to index
    %swap3A_628 = arith.constant 48 : index
    %swap3A_629 = tpu.vector_load %arg13[%swap3A_627, %swap3A_628] {strides = array<i32>} : memref<32x128xf32, #tpu.memory_space<vmem>>, vector<16xf32>,
    tpu.vector_store %arg13[%swap3A_627, %swap3A_628], %broadcast_in_dim3A_0 {strides = array<i32>} : memref<32x128xf32, #tpu.memory_space<vmem>>, vector<16xf32>,
    %swap3A_630 = arith.constant 19 : i32
    %swap3A_631 = arith.index_cast %swap3A_630 : i32 to index
    %swap3A_632 = arith.constant 64 : index
    %swap3A_633 = tpu.vector_load %arg13[%swap3A_631, %swap3A_632] {strides = array<i32>} : memref<32x128xf32, #tpu.memory_space<vmem>>, vector<16xf32>,
    tpu.vector_store %arg13[%swap3A_631, %swap3A_632], %broadcast_in_dim3A_0 {strides = array<i32>} : memref<32x128xf32, #tpu.memory_space<vmem>>, vector<16xf32>,
    %swap3A_634 = arith.constant 19 : i32
    %swap3A_635 = arith.index_cast %swap3A_634 : i32 to index
    %swap3A_636 = arith.constant 80 : index
    %swap3A_637 = tpu.vector_load %arg13[%swap3A_635, %swap3A_636] {strides = array<i32>} : memref<32x128xf32, #tpu.memory_space<vmem>>, vector<16xf32>,
    tpu.vector_store %arg13[%swap3A_635, %swap3A_636], %broadcast_in_dim3A_0 {strides = array<i32>} : memref<32x128xf32, #tpu.memory_space<vmem>>, vector<16xf32>,
    %swap3A_638 = arith.constant 19 : i32
    %swap3A_639 = arith.index_cast %swap3A_638 : i32 to index
    %swap3A_640 = arith.constant 96 : index
    %swap3A_641 = tpu.vector_load %arg13[%swap3A_639, %swap3A_640] {strides = array<i32>} : memref<32x128xf32, #tpu.memory_space<vmem>>, vector<16xf32>,
    tpu.vector_store %arg13[%swap3A_639, %swap3A_640], %broadcast_in_dim3A_0 {strides = array<i32>} : memref<32x128xf32, #tpu.memory_space<vmem>>, vector<16xf32>,
    %swap3A_642 = arith.constant 19 : i32
    %swap3A_643 = arith.index_cast %swap3A_642 : i32 to index
    %swap3A_644 = arith.constant 112 : index
    %swap3A_645 = tpu.vector_load %arg13[%swap3A_643, %swap3A_644] {strides = array<i32>} : memref<32x128xf32, #tpu.memory_space<vmem>>, vector<16xf32>,
    tpu.vector_store %arg13[%swap3A_643, %swap3A_644], %broadcast_in_dim3A_0 {strides = array<i32>} : memref<32x128xf32, #tpu.memory_space<vmem>>, vector<16xf32>,
    %swap3A_646 = arith.constant 20 : i32
    %swap3A_647 = arith.index_cast %swap3A_646 : i32 to index
    %swap3A_648 = arith.constant 0 : index
    %swap3A_649 = tpu.vector_load %arg13[%swap3A_647, %swap3A_648] {strides = array<i32>} : memref<32x128xf32, #tpu.memory_space<vmem>>, vector<16xf32>,
    tpu.vector_store %arg13[%swap3A_647, %swap3A_648], %broadcast_in_dim3A_0 {strides = array<i32>} : memref<32x128xf32, #tpu.memory_space<vmem>>, vector<16xf32>,
    %swap3A_650 = arith.constant 20 : i32
    %swap3A_651 = arith.index_cast %swap3A_650 : i32 to index
    %swap3A_652 = arith.constant 16 : index
    %swap3A_653 = tpu.vector_load %arg13[%swap3A_651, %swap3A_652] {strides = array<i32>} : memref<32x128xf32, #tpu.memory_space<vmem>>, vector<16xf32>,
    tpu.vector_store %arg13[%swap3A_651, %swap3A_652], %broadcast_in_dim3A_0 {strides = array<i32>} : memref<32x128xf32, #tpu.memory_space<vmem>>, vector<16xf32>,
    %swap3A_654 = arith.constant 20 : i32
    %swap3A_655 = arith.index_cast %swap3A_654 : i32 to index
    %swap3A_656 = arith.constant 32 : index
    %swap3A_657 = tpu.vector_load %arg13[%swap3A_655, %swap3A_656] {strides = array<i32>} : memref<32x128xf32, #tpu.memory_space<vmem>>, vector<16xf32>,
    tpu.vector_store %arg13[%swap3A_655, %swap3A_656], %broadcast_in_dim3A_0 {strides = array<i32>} : memref<32x128xf32, #tpu.memory_space<vmem>>, vector<16xf32>,
    %swap3A_658 = arith.constant 20 : i32
    %swap3A_659 = arith.index_cast %swap3A_658 : i32 to index
    %swap3A_660 = arith.constant 48 : index
    %swap3A_661 = tpu.vector_load %arg13[%swap3A_659, %swap3A_660] {strides = array<i32>} : memref<32x128xf32, #tpu.memory_space<vmem>>, vector<16xf32>,
    tpu.vector_store %arg13[%swap3A_659, %swap3A_660], %broadcast_in_dim3A_0 {strides = array<i32>} : memref<32x128xf32, #tpu.memory_space<vmem>>, vector<16xf32>,
    %swap3A_662 = arith.constant 20 : i32
    %swap3A_663 = arith.index_cast %swap3A_662 : i32 to index
    %swap3A_664 = arith.constant 64 : index
    %swap3A_665 = tpu.vector_load %arg13[%swap3A_663, %swap3A_664] {strides = array<i32>} : memref<32x128xf32, #tpu.memory_space<vmem>>, vector<16xf32>,
    tpu.vector_store %arg13[%swap3A_663, %swap3A_664], %broadcast_in_dim3A_0 {strides = array<i32>} : memref<32x128xf32, #tpu.memory_space<vmem>>, vector<16xf32>,
    %swap3A_666 = arith.constant 20 : i32
    %swap3A_667 = arith.index_cast %swap3A_666 : i32 to index
    %swap3A_668 = arith.constant 80 : index
    %swap3A_669 = tpu.vector_load %arg13[%swap3A_667, %swap3A_668] {strides = array<i32>} : memref<32x128xf32, #tpu.memory_space<vmem>>, vector<16xf32>,
    tpu.vector_store %arg13[%swap3A_667, %swap3A_668], %broadcast_in_dim3A_0 {strides = array<i32>} : memref<32x128xf32, #tpu.memory_space<vmem>>, vector<16xf32>,
    %swap3A_670 = arith.constant 20 : i32
    %swap3A_671 = arith.index_cast %swap3A_670 : i32 to index
    %swap3A_672 = arith.constant 96 : index
    %swap3A_673 = tpu.vector_load %arg13[%swap3A_671, %swap3A_672] {strides = array<i32>} : memref<32x128xf32, #tpu.memory_space<vmem>>, vector<16xf32>,
    tpu.vector_store %arg13[%swap3A_671, %swap3A_672], %broadcast_in_dim3A_0 {strides = array<i32>} : memref<32x128xf32, #tpu.memory_space<vmem>>, vector<16xf32>,
    %swap3A_674 = arith.constant 20 : i32
    %swap3A_675 = arith.index_cast %swap3A_674 : i32 to index
    %swap3A_676 = arith.constant 112 : index
    %swap3A_677 = tpu.vector_load %arg13[%swap3A_675, %swap3A_676] {strides = array<i32>} : memref<32x128xf32, #tpu.memory_space<vmem>>, vector<16xf32>,
    tpu.vector_store %arg13[%swap3A_675, %swap3A_676], %broadcast_in_dim3A_0 {strides = array<i32>} : memref<32x128xf32, #tpu.memory_space<vmem>>, vector<16xf32>,
    %swap3A_678 = arith.constant 21 : i32
    %swap3A_679 = arith.index_cast %swap3A_678 : i32 to index
    %swap3A_680 = arith.constant 0 : index
    %swap3A_681 = tpu.vector_load %arg13[%swap3A_679, %swap3A_680] {strides = array<i32>} : memref<32x128xf32, #tpu.memory_space<vmem>>, vector<16xf32>,
    tpu.vector_store %arg13[%swap3A_679, %swap3A_680], %broadcast_in_dim3A_0 {strides = array<i32>} : memref<32x128xf32, #tpu.memory_space<vmem>>, vector<16xf32>,
    %swap3A_682 = arith.constant 21 : i32
    %swap3A_683 = arith.index_cast %swap3A_682 : i32 to index
    %swap3A_684 = arith.constant 16 : index
    %swap3A_685 = tpu.vector_load %arg13[%swap3A_683, %swap3A_684] {strides = array<i32>} : memref<32x128xf32, #tpu.memory_space<vmem>>, vector<16xf32>,
    tpu.vector_store %arg13[%swap3A_683, %swap3A_684], %broadcast_in_dim3A_0 {strides = array<i32>} : memref<32x128xf32, #tpu.memory_space<vmem>>, vector<16xf32>,
    %swap3A_686 = arith.constant 21 : i32
    %swap3A_687 = arith.index_cast %swap3A_686 : i32 to index
    %swap3A_688 = arith.constant 32 : index
    %swap3A_689 = tpu.vector_load %arg13[%swap3A_687, %swap3A_688] {strides = array<i32>} : memref<32x128xf32, #tpu.memory_space<vmem>>, vector<16xf32>,
    tpu.vector_store %arg13[%swap3A_687, %swap3A_688], %broadcast_in_dim3A_0 {strides = array<i32>} : memref<32x128xf32, #tpu.memory_space<vmem>>, vector<16xf32>,
    %swap3A_690 = arith.constant 21 : i32
    %swap3A_691 = arith.index_cast %swap3A_690 : i32 to index
    %swap3A_692 = arith.constant 48 : index
    %swap3A_693 = tpu.vector_load %arg13[%swap3A_691, %swap3A_692] {strides = array<i32>} : memref<32x128xf32, #tpu.memory_space<vmem>>, vector<16xf32>,
    tpu.vector_store %arg13[%swap3A_691, %swap3A_692], %broadcast_in_dim3A_0 {strides = array<i32>} : memref<32x128xf32, #tpu.memory_space<vmem>>, vector<16xf32>,
    %swap3A_694 = arith.constant 21 : i32
    %swap3A_695 = arith.index_cast %swap3A_694 : i32 to index
    %swap3A_696 = arith.constant 64 : index
    %swap3A_697 = tpu.vector_load %arg13[%swap3A_695, %swap3A_696] {strides = array<i32>} : memref<32x128xf32, #tpu.memory_space<vmem>>, vector<16xf32>,
    tpu.vector_store %arg13[%swap3A_695, %swap3A_696], %broadcast_in_dim3A_0 {strides = array<i32>} : memref<32x128xf32, #tpu.memory_space<vmem>>, vector<16xf32>,
    %swap3A_698 = arith.constant 21 : i32
    %swap3A_699 = arith.index_cast %swap3A_698 : i32 to index
    %swap3A_700 = arith.constant 80 : index
    %swap3A_701 = tpu.vector_load %arg13[%swap3A_699, %swap3A_700] {strides = array<i32>} : memref<32x128xf32, #tpu.memory_space<vmem>>, vector<16xf32>,
    tpu.vector_store %arg13[%swap3A_699, %swap3A_700], %broadcast_in_dim3A_0 {strides = array<i32>} : memref<32x128xf32, #tpu.memory_space<vmem>>, vector<16xf32>,
    %swap3A_702 = arith.constant 21 : i32
    %swap3A_703 = arith.index_cast %swap3A_702 : i32 to index
    %swap3A_704 = arith.constant 96 : index
    %swap3A_705 = tpu.vector_load %arg13[%swap3A_703, %swap3A_704] {strides = array<i32>} : memref<32x128xf32, #tpu.memory_space<vmem>>, vector<16xf32>,
    tpu.vector_store %arg13[%swap3A_703, %swap3A_704], %broadcast_in_dim3A_0 {strides = array<i32>} : memref<32x128xf32, #tpu.memory_space<vmem>>, vector<16xf32>,
    %swap3A_706 = arith.constant 21 : i32
    %swap3A_707 = arith.index_cast %swap3A_706 : i32 to index
    %swap3A_708 = arith.constant 112 : index
    %swap3A_709 = tpu.vector_load %arg13[%swap3A_707, %swap3A_708] {strides = array<i32>} : memref<32x128xf32, #tpu.memory_space<vmem>>, vector<16xf32>,
    tpu.vector_store %arg13[%swap3A_707, %swap3A_708], %broadcast_in_dim3A_0 {strides = array<i32>} : memref<32x128xf32, #tpu.memory_space<vmem>>, vector<16xf32>,
    %swap3A_710 = arith.constant 22 : i32
    %swap3A_711 = arith.index_cast %swap3A_710 : i32 to index
    %swap3A_712 = arith.constant 0 : index
    %swap3A_713 = tpu.vector_load %arg13[%swap3A_711, %swap3A_712] {strides = array<i32>} : memref<32x128xf32, #tpu.memory_space<vmem>>, vector<16xf32>,
    tpu.vector_store %arg13[%swap3A_711, %swap3A_712], %broadcast_in_dim3A_0 {strides = array<i32>} : memref<32x128xf32, #tpu.memory_space<vmem>>, vector<16xf32>,
    %swap3A_714 = arith.constant 22 : i32
    %swap3A_715 = arith.index_cast %swap3A_714 : i32 to index
    %swap3A_716 = arith.constant 16 : index
    %swap3A_717 = tpu.vector_load %arg13[%swap3A_715, %swap3A_716] {strides = array<i32>} : memref<32x128xf32, #tpu.memory_space<vmem>>, vector<16xf32>,
    tpu.vector_store %arg13[%swap3A_715, %swap3A_716], %broadcast_in_dim3A_0 {strides = array<i32>} : memref<32x128xf32, #tpu.memory_space<vmem>>, vector<16xf32>,
    %swap3A_718 = arith.constant 22 : i32
    %swap3A_719 = arith.index_cast %swap3A_718 : i32 to index
    %swap3A_720 = arith.constant 32 : index
    %swap3A_721 = tpu.vector_load %arg13[%swap3A_719, %swap3A_720] {strides = array<i32>} : memref<32x128xf32, #tpu.memory_space<vmem>>, vector<16xf32>,
    tpu.vector_store %arg13[%swap3A_719, %swap3A_720], %broadcast_in_dim3A_0 {strides = array<i32>} : memref<32x128xf32, #tpu.memory_space<vmem>>, vector<16xf32>,
    %swap3A_722 = arith.constant 22 : i32
    %swap3A_723 = arith.index_cast %swap3A_722 : i32 to index
    %swap3A_724 = arith.constant 48 : index
    %swap3A_725 = tpu.vector_load %arg13[%swap3A_723, %swap3A_724] {strides = array<i32>} : memref<32x128xf32, #tpu.memory_space<vmem>>, vector<16xf32>,
    tpu.vector_store %arg13[%swap3A_723, %swap3A_724], %broadcast_in_dim3A_0 {strides = array<i32>} : memref<32x128xf32, #tpu.memory_space<vmem>>, vector<16xf32>,
    %swap3A_726 = arith.constant 22 : i32
    %swap3A_727 = arith.index_cast %swap3A_726 : i32 to index
    %swap3A_728 = arith.constant 64 : index
    %swap3A_729 = tpu.vector_load %arg13[%swap3A_727, %swap3A_728] {strides = array<i32>} : memref<32x128xf32, #tpu.memory_space<vmem>>, vector<16xf32>,
    tpu.vector_store %arg13[%swap3A_727, %swap3A_728], %broadcast_in_dim3A_0 {strides = array<i32>} : memref<32x128xf32, #tpu.memory_space<vmem>>, vector<16xf32>,
    %swap3A_730 = arith.constant 22 : i32
    %swap3A_731 = arith.index_cast %swap3A_730 : i32 to index
    %swap3A_732 = arith.constant 80 : index
    %swap3A_733 = tpu.vector_load %arg13[%swap3A_731, %swap3A_732] {strides = array<i32>} : memref<32x128xf32, #tpu.memory_space<vmem>>, vector<16xf32>,
    tpu.vector_store %arg13[%swap3A_731, %swap3A_732], %broadcast_in_dim3A_0 {strides = array<i32>} : memref<32x128xf32, #tpu.memory_space<vmem>>, vector<16xf32>,
    %swap3A_734 = arith.constant 22 : i32
    %swap3A_735 = arith.index_cast %swap3A_734 : i32 to index
    %swap3A_736 = arith.constant 96 : index
    %swap3A_737 = tpu.vector_load %arg13[%swap3A_735, %swap3A_736] {strides = array<i32>} : memref<32x128xf32, #tpu.memory_space<vmem>>, vector<16xf32>,
    tpu.vector_store %arg13[%swap3A_735, %swap3A_736], %broadcast_in_dim3A_0 {strides = array<i32>} : memref<32x128xf32, #tpu.memory_space<vmem>>, vector<16xf32>,
    %swap3A_738 = arith.constant 22 : i32
    %swap3A_739 = arith.index_cast %swap3A_738 : i32 to index
    %swap3A_740 = arith.constant 112 : index
    %swap3A_741 = tpu.vector_load %arg13[%swap3A_739, %swap3A_740] {strides = array<i32>} : memref<32x128xf32, #tpu.memory_space<vmem>>, vector<16xf32>,
    tpu.vector_store %arg13[%swap3A_739, %swap3A_740], %broadcast_in_dim3A_0 {strides = array<i32>} : memref<32x128xf32, #tpu.memory_space<vmem>>, vector<16xf32>,
    %swap3A_742 = arith.constant 23 : i32
    %swap3A_743 = arith.index_cast %swap3A_742 : i32 to index
    %swap3A_744 = arith.constant 0 : index
    %swap3A_745 = tpu.vector_load %arg13[%swap3A_743, %swap3A_744] {strides = array<i32>} : memref<32x128xf32, #tpu.memory_space<vmem>>, vector<16xf32>,
    tpu.vector_store %arg13[%swap3A_743, %swap3A_744], %broadcast_in_dim3A_0 {strides = array<i32>} : memref<32x128xf32, #tpu.memory_space<vmem>>, vector<16xf32>,
    %swap3A_746 = arith.constant 23 : i32
    %swap3A_747 = arith.index_cast %swap3A_746 : i32 to index
    %swap3A_748 = arith.constant 16 : index
    %swap3A_749 = tpu.vector_load %arg13[%swap3A_747, %swap3A_748] {strides = array<i32>} : memref<32x128xf32, #tpu.memory_space<vmem>>, vector<16xf32>,
    tpu.vector_store %arg13[%swap3A_747, %swap3A_748], %broadcast_in_dim3A_0 {strides = array<i32>} : memref<32x128xf32, #tpu.memory_space<vmem>>, vector<16xf32>,
    %swap3A_750 = arith.constant 23 : i32
    %swap3A_751 = arith.index_cast %swap3A_750 : i32 to index
    %swap3A_752 = arith.constant 32 : index
    %swap3A_753 = tpu.vector_load %arg13[%swap3A_751, %swap3A_752] {strides = array<i32>} : memref<32x128xf32, #tpu.memory_space<vmem>>, vector<16xf32>,
    tpu.vector_store %arg13[%swap3A_751, %swap3A_752], %broadcast_in_dim3A_0 {strides = array<i32>} : memref<32x128xf32, #tpu.memory_space<vmem>>, vector<16xf32>,
    %swap3A_754 = arith.constant 23 : i32
    %swap3A_755 = arith.index_cast %swap3A_754 : i32 to index
    %swap3A_756 = arith.constant 48 : index
    %swap3A_757 = tpu.vector_load %arg13[%swap3A_755, %swap3A_756] {strides = array<i32>} : memref<32x128xf32, #tpu.memory_space<vmem>>, vector<16xf32>,
    tpu.vector_store %arg13[%swap3A_755, %swap3A_756], %broadcast_in_dim3A_0 {strides = array<i32>} : memref<32x128xf32, #tpu.memory_space<vmem>>, vector<16xf32>,
    %swap3A_758 = arith.constant 23 : i32
    %swap3A_759 = arith.index_cast %swap3A_758 : i32 to index
    %swap3A_760 = arith.constant 64 : index
    %swap3A_761 = tpu.vector_load %arg13[%swap3A_759, %swap3A_760] {strides = array<i32>} : memref<32x128xf32, #tpu.memory_space<vmem>>, vector<16xf32>,
    tpu.vector_store %arg13[%swap3A_759, %swap3A_760], %broadcast_in_dim3A_0 {strides = array<i32>} : memref<32x128xf32, #tpu.memory_space<vmem>>, vector<16xf32>,
    %swap3A_762 = arith.constant 23 : i32
    %swap3A_763 = arith.index_cast %swap3A_762 : i32 to index
    %swap3A_764 = arith.constant 80 : index
    %swap3A_765 = tpu.vector_load %arg13[%swap3A_763, %swap3A_764] {strides = array<i32>} : memref<32x128xf32, #tpu.memory_space<vmem>>, vector<16xf32>,
    tpu.vector_store %arg13[%swap3A_763, %swap3A_764], %broadcast_in_dim3A_0 {strides = array<i32>} : memref<32x128xf32, #tpu.memory_space<vmem>>, vector<16xf32>,
    %swap3A_766 = arith.constant 23 : i32
    %swap3A_767 = arith.index_cast %swap3A_766 : i32 to index
    %swap3A_768 = arith.constant 96 : index
    %swap3A_769 = tpu.vector_load %arg13[%swap3A_767, %swap3A_768] {strides = array<i32>} : memref<32x128xf32, #tpu.memory_space<vmem>>, vector<16xf32>,
    tpu.vector_store %arg13[%swap3A_767, %swap3A_768], %broadcast_in_dim3A_0 {strides = array<i32>} : memref<32x128xf32, #tpu.memory_space<vmem>>, vector<16xf32>,
    %swap3A_770 = arith.constant 23 : i32
    %swap3A_771 = arith.index_cast %swap3A_770 : i32 to index
    %swap3A_772 = arith.constant 112 : index
    %swap3A_773 = tpu.vector_load %arg13[%swap3A_771, %swap3A_772] {strides = array<i32>} : memref<32x128xf32, #tpu.memory_space<vmem>>, vector<16xf32>,
    tpu.vector_store %arg13[%swap3A_771, %swap3A_772], %broadcast_in_dim3A_0 {strides = array<i32>} : memref<32x128xf32, #tpu.memory_space<vmem>>, vector<16xf32>,
    %swap3A_774 = arith.constant 24 : i32
    %swap3A_775 = arith.index_cast %swap3A_774 : i32 to index
    %swap3A_776 = arith.constant 0 : index
    %swap3A_777 = tpu.vector_load %arg13[%swap3A_775, %swap3A_776] {strides = array<i32>} : memref<32x128xf32, #tpu.memory_space<vmem>>, vector<16xf32>,
    tpu.vector_store %arg13[%swap3A_775, %swap3A_776], %broadcast_in_dim3A_0 {strides = array<i32>} : memref<32x128xf32, #tpu.memory_space<vmem>>, vector<16xf32>,
    %swap3A_778 = arith.constant 24 : i32
    %swap3A_779 = arith.index_cast %swap3A_778 : i32 to index
    %swap3A_780 = arith.constant 16 : index
    %swap3A_781 = tpu.vector_load %arg13[%swap3A_779, %swap3A_780] {strides = array<i32>} : memref<32x128xf32, #tpu.memory_space<vmem>>, vector<16xf32>,
    tpu.vector_store %arg13[%swap3A_779, %swap3A_780], %broadcast_in_dim3A_0 {strides = array<i32>} : memref<32x128xf32, #tpu.memory_space<vmem>>, vector<16xf32>,
    %swap3A_782 = arith.constant 24 : i32
    %swap3A_783 = arith.index_cast %swap3A_782 : i32 to index
    %swap3A_784 = arith.constant 32 : index
    %swap3A_785 = tpu.vector_load %arg13[%swap3A_783, %swap3A_784] {strides = array<i32>} : memref<32x128xf32, #tpu.memory_space<vmem>>, vector<16xf32>,
    tpu.vector_store %arg13[%swap3A_783, %swap3A_784], %broadcast_in_dim3A_0 {strides = array<i32>} : memref<32x128xf32, #tpu.memory_space<vmem>>, vector<16xf32>,
    %swap3A_786 = arith.constant 24 : i32
    %swap3A_787 = arith.index_cast %swap3A_786 : i32 to index
    %swap3A_788 = arith.constant 48 : index
    %swap3A_789 = tpu.vector_load %arg13[%swap3A_787, %swap3A_788] {strides = array<i32>} : memref<32x128xf32, #tpu.memory_space<vmem>>, vector<16xf32>,
    tpu.vector_store %arg13[%swap3A_787, %swap3A_788], %broadcast_in_dim3A_0 {strides = array<i32>} : memref<32x128xf32, #tpu.memory_space<vmem>>, vector<16xf32>,
    %swap3A_790 = arith.constant 24 : i32
    %swap3A_791 = arith.index_cast %swap3A_790 : i32 to index
    %swap3A_792 = arith.constant 64 : index
    %swap3A_793 = tpu.vector_load %arg13[%swap3A_791, %swap3A_792] {strides = array<i32>} : memref<32x128xf32, #tpu.memory_space<vmem>>, vector<16xf32>,
    tpu.vector_store %arg13[%swap3A_791, %swap3A_792], %broadcast_in_dim3A_0 {strides = array<i32>} : memref<32x128xf32, #tpu.memory_space<vmem>>, vector<16xf32>,
    %swap3A_794 = arith.constant 24 : i32
    %swap3A_795 = arith.index_cast %swap3A_794 : i32 to index
    %swap3A_796 = arith.constant 80 : index
    %swap3A_797 = tpu.vector_load %arg13[%swap3A_795, %swap3A_796] {strides = array<i32>} : memref<32x128xf32, #tpu.memory_space<vmem>>, vector<16xf32>,
    tpu.vector_store %arg13[%swap3A_795, %swap3A_796], %broadcast_in_dim3A_0 {strides = array<i32>} : memref<32x128xf32, #tpu.memory_space<vmem>>, vector<16xf32>,
    %swap3A_798 = arith.constant 24 : i32
    %swap3A_799 = arith.index_cast %swap3A_798 : i32 to index
    %swap3A_800 = arith.constant 96 : index
    %swap3A_801 = tpu.vector_load %arg13[%swap3A_799, %swap3A_800] {strides = array<i32>} : memref<32x128xf32, #tpu.memory_space<vmem>>, vector<16xf32>,
    tpu.vector_store %arg13[%swap3A_799, %swap3A_800], %broadcast_in_dim3A_0 {strides = array<i32>} : memref<32x128xf32, #tpu.memory_space<vmem>>, vector<16xf32>,
    %swap3A_802 = arith.constant 24 : i32
    %swap3A_803 = arith.index_cast %swap3A_802 : i32 to index
    %swap3A_804 = arith.constant 112 : index
    %swap3A_805 = tpu.vector_load %arg13[%swap3A_803, %swap3A_804] {strides = array<i32>} : memref<32x128xf32, #tpu.memory_space<vmem>>, vector<16xf32>,
    tpu.vector_store %arg13[%swap3A_803, %swap3A_804], %broadcast_in_dim3A_0 {strides = array<i32>} : memref<32x128xf32, #tpu.memory_space<vmem>>, vector<16xf32>,
    %swap3A_806 = arith.constant 25 : i32
    %swap3A_807 = arith.index_cast %swap3A_806 : i32 to index
    %swap3A_808 = arith.constant 0 : index
    %swap3A_809 = tpu.vector_load %arg13[%swap3A_807, %swap3A_808] {strides = array<i32>} : memref<32x128xf32, #tpu.memory_space<vmem>>, vector<16xf32>,
    tpu.vector_store %arg13[%swap3A_807, %swap3A_808], %broadcast_in_dim3A_0 {strides = array<i32>} : memref<32x128xf32, #tpu.memory_space<vmem>>, vector<16xf32>,
    %swap3A_810 = arith.constant 25 : i32
    %swap3A_811 = arith.index_cast %swap3A_810 : i32 to index
    %swap3A_812 = arith.constant 16 : index
    %swap3A_813 = tpu.vector_load %arg13[%swap3A_811, %swap3A_812] {strides = array<i32>} : memref<32x128xf32, #tpu.memory_space<vmem>>, vector<16xf32>,
    tpu.vector_store %arg13[%swap3A_811, %swap3A_812], %broadcast_in_dim3A_0 {strides = array<i32>} : memref<32x128xf32, #tpu.memory_space<vmem>>, vector<16xf32>,
    %swap3A_814 = arith.constant 25 : i32
    %swap3A_815 = arith.index_cast %swap3A_814 : i32 to index
    %swap3A_816 = arith.constant 32 : index
    %swap3A_817 = tpu.vector_load %arg13[%swap3A_815, %swap3A_816] {strides = array<i32>} : memref<32x128xf32, #tpu.memory_space<vmem>>, vector<16xf32>,
    tpu.vector_store %arg13[%swap3A_815, %swap3A_816], %broadcast_in_dim3A_0 {strides = array<i32>} : memref<32x128xf32, #tpu.memory_space<vmem>>, vector<16xf32>,
    %swap3A_818 = arith.constant 25 : i32
    %swap3A_819 = arith.index_cast %swap3A_818 : i32 to index
    %swap3A_820 = arith.constant 48 : index
    %swap3A_821 = tpu.vector_load %arg13[%swap3A_819, %swap3A_820] {strides = array<i32>} : memref<32x128xf32, #tpu.memory_space<vmem>>, vector<16xf32>,
    tpu.vector_store %arg13[%swap3A_819, %swap3A_820], %broadcast_in_dim3A_0 {strides = array<i32>} : memref<32x128xf32, #tpu.memory_space<vmem>>, vector<16xf32>,
    %swap3A_822 = arith.constant 25 : i32
    %swap3A_823 = arith.index_cast %swap3A_822 : i32 to index
    %swap3A_824 = arith.constant 64 : index
    %swap3A_825 = tpu.vector_load %arg13[%swap3A_823, %swap3A_824] {strides = array<i32>} : memref<32x128xf32, #tpu.memory_space<vmem>>, vector<16xf32>,
    tpu.vector_store %arg13[%swap3A_823, %swap3A_824], %broadcast_in_dim3A_0 {strides = array<i32>} : memref<32x128xf32, #tpu.memory_space<vmem>>, vector<16xf32>,
    %swap3A_826 = arith.constant 25 : i32
    %swap3A_827 = arith.index_cast %swap3A_826 : i32 to index
    %swap3A_828 = arith.constant 80 : index
    %swap3A_829 = tpu.vector_load %arg13[%swap3A_827, %swap3A_828] {strides = array<i32>} : memref<32x128xf32, #tpu.memory_space<vmem>>, vector<16xf32>,
    tpu.vector_store %arg13[%swap3A_827, %swap3A_828], %broadcast_in_dim3A_0 {strides = array<i32>} : memref<32x128xf32, #tpu.memory_space<vmem>>, vector<16xf32>,
    %swap3A_830 = arith.constant 25 : i32
    %swap3A_831 = arith.index_cast %swap3A_830 : i32 to index
    %swap3A_832 = arith.constant 96 : index
    %swap3A_833 = tpu.vector_load %arg13[%swap3A_831, %swap3A_832] {strides = array<i32>} : memref<32x128xf32, #tpu.memory_space<vmem>>, vector<16xf32>,
    tpu.vector_store %arg13[%swap3A_831, %swap3A_832], %broadcast_in_dim3A_0 {strides = array<i32>} : memref<32x128xf32, #tpu.memory_space<vmem>>, vector<16xf32>,
    %swap3A_834 = arith.constant 25 : i32
    %swap3A_835 = arith.index_cast %swap3A_834 : i32 to index
    %swap3A_836 = arith.constant 112 : index
    %swap3A_837 = tpu.vector_load %arg13[%swap3A_835, %swap3A_836] {strides = array<i32>} : memref<32x128xf32, #tpu.memory_space<vmem>>, vector<16xf32>,
    tpu.vector_store %arg13[%swap3A_835, %swap3A_836], %broadcast_in_dim3A_0 {strides = array<i32>} : memref<32x128xf32, #tpu.memory_space<vmem>>, vector<16xf32>,
    %swap3A_838 = arith.constant 26 : i32
    %swap3A_839 = arith.index_cast %swap3A_838 : i32 to index
    %swap3A_840 = arith.constant 0 : index
    %swap3A_841 = tpu.vector_load %arg13[%swap3A_839, %swap3A_840] {strides = array<i32>} : memref<32x128xf32, #tpu.memory_space<vmem>>, vector<16xf32>,
    tpu.vector_store %arg13[%swap3A_839, %swap3A_840], %broadcast_in_dim3A_0 {strides = array<i32>} : memref<32x128xf32, #tpu.memory_space<vmem>>, vector<16xf32>,
    %swap3A_842 = arith.constant 26 : i32
    %swap3A_843 = arith.index_cast %swap3A_842 : i32 to index
    %swap3A_844 = arith.constant 16 : index
    %swap3A_845 = tpu.vector_load %arg13[%swap3A_843, %swap3A_844] {strides = array<i32>} : memref<32x128xf32, #tpu.memory_space<vmem>>, vector<16xf32>,
    tpu.vector_store %arg13[%swap3A_843, %swap3A_844], %broadcast_in_dim3A_0 {strides = array<i32>} : memref<32x128xf32, #tpu.memory_space<vmem>>, vector<16xf32>,
    %swap3A_846 = arith.constant 26 : i32
    %swap3A_847 = arith.index_cast %swap3A_846 : i32 to index
    %swap3A_848 = arith.constant 32 : index
    %swap3A_849 = tpu.vector_load %arg13[%swap3A_847, %swap3A_848] {strides = array<i32>} : memref<32x128xf32, #tpu.memory_space<vmem>>, vector<16xf32>,
    tpu.vector_store %arg13[%swap3A_847, %swap3A_848], %broadcast_in_dim3A_0 {strides = array<i32>} : memref<32x128xf32, #tpu.memory_space<vmem>>, vector<16xf32>,
    %swap3A_850 = arith.constant 26 : i32
    %swap3A_851 = arith.index_cast %swap3A_850 : i32 to index
    %swap3A_852 = arith.constant 48 : index
    %swap3A_853 = tpu.vector_load %arg13[%swap3A_851, %swap3A_852] {strides = array<i32>} : memref<32x128xf32, #tpu.memory_space<vmem>>, vector<16xf32>,
    tpu.vector_store %arg13[%swap3A_851, %swap3A_852], %broadcast_in_dim3A_0 {strides = array<i32>} : memref<32x128xf32, #tpu.memory_space<vmem>>, vector<16xf32>,
    %swap3A_854 = arith.constant 26 : i32
    %swap3A_855 = arith.index_cast %swap3A_854 : i32 to index
    %swap3A_856 = arith.constant 64 : index
    %swap3A_857 = tpu.vector_load %arg13[%swap3A_855, %swap3A_856] {strides = array<i32>} : memref<32x128xf32, #tpu.memory_space<vmem>>, vector<16xf32>,
    tpu.vector_store %arg13[%swap3A_855, %swap3A_856], %broadcast_in_dim3A_0 {strides = array<i32>} : memref<32x128xf32, #tpu.memory_space<vmem>>, vector<16xf32>,
    %swap3A_858 = arith.constant 26 : i32
    %swap3A_859 = arith.index_cast %swap3A_858 : i32 to index
    %swap3A_860 = arith.constant 80 : index
    %swap3A_861 = tpu.vector_load %arg13[%swap3A_859, %swap3A_860] {strides = array<i32>} : memref<32x128xf32, #tpu.memory_space<vmem>>, vector<16xf32>,
    tpu.vector_store %arg13[%swap3A_859, %swap3A_860], %broadcast_in_dim3A_0 {strides = array<i32>} : memref<32x128xf32, #tpu.memory_space<vmem>>, vector<16xf32>,
    %swap3A_862 = arith.constant 26 : i32
    %swap3A_863 = arith.index_cast %swap3A_862 : i32 to index
    %swap3A_864 = arith.constant 96 : index
    %swap3A_865 = tpu.vector_load %arg13[%swap3A_863, %swap3A_864] {strides = array<i32>} : memref<32x128xf32, #tpu.memory_space<vmem>>, vector<16xf32>,
    tpu.vector_store %arg13[%swap3A_863, %swap3A_864], %broadcast_in_dim3A_0 {strides = array<i32>} : memref<32x128xf32, #tpu.memory_space<vmem>>, vector<16xf32>,
    %swap3A_866 = arith.constant 26 : i32
    %swap3A_867 = arith.index_cast %swap3A_866 : i32 to index
    %swap3A_868 = arith.constant 112 : index
    %swap3A_869 = tpu.vector_load %arg13[%swap3A_867, %swap3A_868] {strides = array<i32>} : memref<32x128xf32, #tpu.memory_space<vmem>>, vector<16xf32>,
    tpu.vector_store %arg13[%swap3A_867, %swap3A_868], %broadcast_in_dim3A_0 {strides = array<i32>} : memref<32x128xf32, #tpu.memory_space<vmem>>, vector<16xf32>,
    %swap3A_870 = arith.constant 27 : i32
    %swap3A_871 = arith.index_cast %swap3A_870 : i32 to index
    %swap3A_872 = arith.constant 0 : index
    %swap3A_873 = tpu.vector_load %arg13[%swap3A_871, %swap3A_872] {strides = array<i32>} : memref<32x128xf32, #tpu.memory_space<vmem>>, vector<16xf32>,
    tpu.vector_store %arg13[%swap3A_871, %swap3A_872], %broadcast_in_dim3A_0 {strides = array<i32>} : memref<32x128xf32, #tpu.memory_space<vmem>>, vector<16xf32>,
    %swap3A_874 = arith.constant 27 : i32
    %swap3A_875 = arith.index_cast %swap3A_874 : i32 to index
    %swap3A_876 = arith.constant 16 : index
    %swap3A_877 = tpu.vector_load %arg13[%swap3A_875, %swap3A_876] {strides = array<i32>} : memref<32x128xf32, #tpu.memory_space<vmem>>, vector<16xf32>,
    tpu.vector_store %arg13[%swap3A_875, %swap3A_876], %broadcast_in_dim3A_0 {strides = array<i32>} : memref<32x128xf32, #tpu.memory_space<vmem>>, vector<16xf32>,
    %swap3A_878 = arith.constant 27 : i32
    %swap3A_879 = arith.index_cast %swap3A_878 : i32 to index
    %swap3A_880 = arith.constant 32 : index
    %swap3A_881 = tpu.vector_load %arg13[%swap3A_879, %swap3A_880] {strides = array<i32>} : memref<32x128xf32, #tpu.memory_space<vmem>>, vector<16xf32>,
    tpu.vector_store %arg13[%swap3A_879, %swap3A_880], %broadcast_in_dim3A_0 {strides = array<i32>} : memref<32x128xf32, #tpu.memory_space<vmem>>, vector<16xf32>,
    %swap3A_882 = arith.constant 27 : i32
    %swap3A_883 = arith.index_cast %swap3A_882 : i32 to index
    %swap3A_884 = arith.constant 48 : index
    %swap3A_885 = tpu.vector_load %arg13[%swap3A_883, %swap3A_884] {strides = array<i32>} : memref<32x128xf32, #tpu.memory_space<vmem>>, vector<16xf32>,
    tpu.vector_store %arg13[%swap3A_883, %swap3A_884], %broadcast_in_dim3A_0 {strides = array<i32>} : memref<32x128xf32, #tpu.memory_space<vmem>>, vector<16xf32>,
    %swap3A_886 = arith.constant 27 : i32
    %swap3A_887 = arith.index_cast %swap3A_886 : i32 to index
    %swap3A_888 = arith.constant 64 : index
    %swap3A_889 = tpu.vector_load %arg13[%swap3A_887, %swap3A_888] {strides = array<i32>} : memref<32x128xf32, #tpu.memory_space<vmem>>, vector<16xf32>,
    tpu.vector_store %arg13[%swap3A_887, %swap3A_888], %broadcast_in_dim3A_0 {strides = array<i32>} : memref<32x128xf32, #tpu.memory_space<vmem>>, vector<16xf32>,
    %swap3A_890 = arith.constant 27 : i32
    %swap3A_891 = arith.index_cast %swap3A_890 : i32 to index
    %swap3A_892 = arith.constant 80 : index
    %swap3A_893 = tpu.vector_load %arg13[%swap3A_891, %swap3A_892] {strides = array<i32>} : memref<32x128xf32, #tpu.memory_space<vmem>>, vector<16xf32>,
    tpu.vector_store %arg13[%swap3A_891, %swap3A_892], %broadcast_in_dim3A_0 {strides = array<i32>} : memref<32x128xf32, #tpu.memory_space<vmem>>, vector<16xf32>,
    %swap3A_894 = arith.constant 27 : i32
    %swap3A_895 = arith.index_cast %swap3A_894 : i32 to index
    %swap3A_896 = arith.constant 96 : index
    %swap3A_897 = tpu.vector_load %arg13[%swap3A_895, %swap3A_896] {strides = array<i32>} : memref<32x128xf32, #tpu.memory_space<vmem>>, vector<16xf32>,
    tpu.vector_store %arg13[%swap3A_895, %swap3A_896], %broadcast_in_dim3A_0 {strides = array<i32>} : memref<32x128xf32, #tpu.memory_space<vmem>>, vector<16xf32>,
    %swap3A_898 = arith.constant 27 : i32
    %swap3A_899 = arith.index_cast %swap3A_898 : i32 to index
    %swap3A_900 = arith.constant 112 : index
    %swap3A_901 = tpu.vector_load %arg13[%swap3A_899, %swap3A_900] {strides = array<i32>} : memref<32x128xf32, #tpu.memory_space<vmem>>, vector<16xf32>,
    tpu.vector_store %arg13[%swap3A_899, %swap3A_900], %broadcast_in_dim3A_0 {strides = array<i32>} : memref<32x128xf32, #tpu.memory_space<vmem>>, vector<16xf32>,
    %swap3A_902 = arith.constant 28 : i32
    %swap3A_903 = arith.index_cast %swap3A_902 : i32 to index
    %swap3A_904 = arith.constant 0 : index
    %swap3A_905 = tpu.vector_load %arg13[%swap3A_903, %swap3A_904] {strides = array<i32>} : memref<32x128xf32, #tpu.memory_space<vmem>>, vector<16xf32>,
    tpu.vector_store %arg13[%swap3A_903, %swap3A_904], %broadcast_in_dim3A_0 {strides = array<i32>} : memref<32x128xf32, #tpu.memory_space<vmem>>, vector<16xf32>,
    %swap3A_906 = arith.constant 28 : i32
    %swap3A_907 = arith.index_cast %swap3A_906 : i32 to index
    %swap3A_908 = arith.constant 16 : index
    %swap3A_909 = tpu.vector_load %arg13[%swap3A_907, %swap3A_908] {strides = array<i32>} : memref<32x128xf32, #tpu.memory_space<vmem>>, vector<16xf32>,
    tpu.vector_store %arg13[%swap3A_907, %swap3A_908], %broadcast_in_dim3A_0 {strides = array<i32>} : memref<32x128xf32, #tpu.memory_space<vmem>>, vector<16xf32>,
    %swap3A_910 = arith.constant 28 : i32
    %swap3A_911 = arith.index_cast %swap3A_910 : i32 to index
    %swap3A_912 = arith.constant 32 : index
    %swap3A_913 = tpu.vector_load %arg13[%swap3A_911, %swap3A_912] {strides = array<i32>} : memref<32x128xf32, #tpu.memory_space<vmem>>, vector<16xf32>,
    tpu.vector_store %arg13[%swap3A_911, %swap3A_912], %broadcast_in_dim3A_0 {strides = array<i32>} : memref<32x128xf32, #tpu.memory_space<vmem>>, vector<16xf32>,
    %swap3A_914 = arith.constant 28 : i32
    %swap3A_915 = arith.index_cast %swap3A_914 : i32 to index
    %swap3A_916 = arith.constant 48 : index
    %swap3A_917 = tpu.vector_load %arg13[%swap3A_915, %swap3A_916] {strides = array<i32>} : memref<32x128xf32, #tpu.memory_space<vmem>>, vector<16xf32>,
    tpu.vector_store %arg13[%swap3A_915, %swap3A_916], %broadcast_in_dim3A_0 {strides = array<i32>} : memref<32x128xf32, #tpu.memory_space<vmem>>, vector<16xf32>,
    %swap3A_918 = arith.constant 28 : i32
    %swap3A_919 = arith.index_cast %swap3A_918 : i32 to index
    %swap3A_920 = arith.constant 64 : index
    %swap3A_921 = tpu.vector_load %arg13[%swap3A_919, %swap3A_920] {strides = array<i32>} : memref<32x128xf32, #tpu.memory_space<vmem>>, vector<16xf32>,
    tpu.vector_store %arg13[%swap3A_919, %swap3A_920], %broadcast_in_dim3A_0 {strides = array<i32>} : memref<32x128xf32, #tpu.memory_space<vmem>>, vector<16xf32>,
    %swap3A_922 = arith.constant 28 : i32
    %swap3A_923 = arith.index_cast %swap3A_922 : i32 to index
    %swap3A_924 = arith.constant 80 : index
    %swap3A_925 = tpu.vector_load %arg13[%swap3A_923, %swap3A_924] {strides = array<i32>} : memref<32x128xf32, #tpu.memory_space<vmem>>, vector<16xf32>,
    tpu.vector_store %arg13[%swap3A_923, %swap3A_924], %broadcast_in_dim3A_0 {strides = array<i32>} : memref<32x128xf32, #tpu.memory_space<vmem>>, vector<16xf32>,
    %swap3A_926 = arith.constant 28 : i32
    %swap3A_927 = arith.index_cast %swap3A_926 : i32 to index
    %swap3A_928 = arith.constant 96 : index
    %swap3A_929 = tpu.vector_load %arg13[%swap3A_927, %swap3A_928] {strides = array<i32>} : memref<32x128xf32, #tpu.memory_space<vmem>>, vector<16xf32>,
    tpu.vector_store %arg13[%swap3A_927, %swap3A_928], %broadcast_in_dim3A_0 {strides = array<i32>} : memref<32x128xf32, #tpu.memory_space<vmem>>, vector<16xf32>,
    %swap3A_930 = arith.constant 28 : i32
    %swap3A_931 = arith.index_cast %swap3A_930 : i32 to index
    %swap3A_932 = arith.constant 112 : index
    %swap3A_933 = tpu.vector_load %arg13[%swap3A_931, %swap3A_932] {strides = array<i32>} : memref<32x128xf32, #tpu.memory_space<vmem>>, vector<16xf32>,
    tpu.vector_store %arg13[%swap3A_931, %swap3A_932], %broadcast_in_dim3A_0 {strides = array<i32>} : memref<32x128xf32, #tpu.memory_space<vmem>>, vector<16xf32>,
    %swap3A_934 = arith.constant 29 : i32
    %swap3A_935 = arith.index_cast %swap3A_934 : i32 to index
    %swap3A_936 = arith.constant 0 : index
    %swap3A_937 = tpu.vector_load %arg13[%swap3A_935, %swap3A_936] {strides = array<i32>} : memref<32x128xf32, #tpu.memory_space<vmem>>, vector<16xf32>,
    tpu.vector_store %arg13[%swap3A_935, %swap3A_936], %broadcast_in_dim3A_0 {strides = array<i32>} : memref<32x128xf32, #tpu.memory_space<vmem>>, vector<16xf32>,
    %swap3A_938 = arith.constant 29 : i32
    %swap3A_939 = arith.index_cast %swap3A_938 : i32 to index
    %swap3A_940 = arith.constant 16 : index
    %swap3A_941 = tpu.vector_load %arg13[%swap3A_939, %swap3A_940] {strides = array<i32>} : memref<32x128xf32, #tpu.memory_space<vmem>>, vector<16xf32>,
    tpu.vector_store %arg13[%swap3A_939, %swap3A_940], %broadcast_in_dim3A_0 {strides = array<i32>} : memref<32x128xf32, #tpu.memory_space<vmem>>, vector<16xf32>,
    %swap3A_942 = arith.constant 29 : i32
    %swap3A_943 = arith.index_cast %swap3A_942 : i32 to index
    %swap3A_944 = arith.constant 32 : index
    %swap3A_945 = tpu.vector_load %arg13[%swap3A_943, %swap3A_944] {strides = array<i32>} : memref<32x128xf32, #tpu.memory_space<vmem>>, vector<16xf32>,
    tpu.vector_store %arg13[%swap3A_943, %swap3A_944], %broadcast_in_dim3A_0 {strides = array<i32>} : memref<32x128xf32, #tpu.memory_space<vmem>>, vector<16xf32>,
    %swap3A_946 = arith.constant 29 : i32
    %swap3A_947 = arith.index_cast %swap3A_946 : i32 to index
    %swap3A_948 = arith.constant 48 : index
    %swap3A_949 = tpu.vector_load %arg13[%swap3A_947, %swap3A_948] {strides = array<i32>} : memref<32x128xf32, #tpu.memory_space<vmem>>, vector<16xf32>,
    tpu.vector_store %arg13[%swap3A_947, %swap3A_948], %broadcast_in_dim3A_0 {strides = array<i32>} : memref<32x128xf32, #tpu.memory_space<vmem>>, vector<16xf32>,
    %swap3A_950 = arith.constant 29 : i32
    %swap3A_951 = arith.index_cast %swap3A_950 : i32 to index
    %swap3A_952 = arith.constant 64 : index
    %swap3A_953 = tpu.vector_load %arg13[%swap3A_951, %swap3A_952] {strides = array<i32>} : memref<32x128xf32, #tpu.memory_space<vmem>>, vector<16xf32>,
    tpu.vector_store %arg13[%swap3A_951, %swap3A_952], %broadcast_in_dim3A_0 {strides = array<i32>} : memref<32x128xf32, #tpu.memory_space<vmem>>, vector<16xf32>,
    %swap3A_954 = arith.constant 29 : i32
    %swap3A_955 = arith.index_cast %swap3A_954 : i32 to index
    %swap3A_956 = arith.constant 80 : index
    %swap3A_957 = tpu.vector_load %arg13[%swap3A_955, %swap3A_956] {strides = array<i32>} : memref<32x128xf32, #tpu.memory_space<vmem>>, vector<16xf32>,
    tpu.vector_store %arg13[%swap3A_955, %swap3A_956], %broadcast_in_dim3A_0 {strides = array<i32>} : memref<32x128xf32, #tpu.memory_space<vmem>>, vector<16xf32>,
    %swap3A_958 = arith.constant 29 : i32
    %swap3A_959 = arith.index_cast %swap3A_958 : i32 to index
    %swap3A_960 = arith.constant 96 : index
    %swap3A_961 = tpu.vector_load %arg13[%swap3A_959, %swap3A_960] {strides = array<i32>} : memref<32x128xf32, #tpu.memory_space<vmem>>, vector<16xf32>,
    tpu.vector_store %arg13[%swap3A_959, %swap3A_960], %broadcast_in_dim3A_0 {strides = array<i32>} : memref<32x128xf32, #tpu.memory_space<vmem>>, vector<16xf32>,
    %swap3A_962 = arith.constant 29 : i32
    %swap3A_963 = arith.index_cast %swap3A_962 : i32 to index
    %swap3A_964 = arith.constant 112 : index
    %swap3A_965 = tpu.vector_load %arg13[%swap3A_963, %swap3A_964] {strides = array<i32>} : memref<32x128xf32, #tpu.memory_space<vmem>>, vector<16xf32>,
    tpu.vector_store %arg13[%swap3A_963, %swap3A_964], %broadcast_in_dim3A_0 {strides = array<i32>} : memref<32x128xf32, #tpu.memory_space<vmem>>, vector<16xf32>,
    %swap3A_966 = arith.constant 30 : i32
    %swap3A_967 = arith.index_cast %swap3A_966 : i32 to index
    %swap3A_968 = arith.constant 0 : index
    %swap3A_969 = tpu.vector_load %arg13[%swap3A_967, %swap3A_968] {strides = array<i32>} : memref<32x128xf32, #tpu.memory_space<vmem>>, vector<16xf32>,
    tpu.vector_store %arg13[%swap3A_967, %swap3A_968], %broadcast_in_dim3A_0 {strides = array<i32>} : memref<32x128xf32, #tpu.memory_space<vmem>>, vector<16xf32>,
    %swap3A_970 = arith.constant 30 : i32
    %swap3A_971 = arith.index_cast %swap3A_970 : i32 to index
    %swap3A_972 = arith.constant 16 : index
    %swap3A_973 = tpu.vector_load %arg13[%swap3A_971, %swap3A_972] {strides = array<i32>} : memref<32x128xf32, #tpu.memory_space<vmem>>, vector<16xf32>,
    tpu.vector_store %arg13[%swap3A_971, %swap3A_972], %broadcast_in_dim3A_0 {strides = array<i32>} : memref<32x128xf32, #tpu.memory_space<vmem>>, vector<16xf32>,
    %swap3A_974 = arith.constant 30 : i32
    %swap3A_975 = arith.index_cast %swap3A_974 : i32 to index
    %swap3A_976 = arith.constant 32 : index
    %swap3A_977 = tpu.vector_load %arg13[%swap3A_975, %swap3A_976] {strides = array<i32>} : memref<32x128xf32, #tpu.memory_space<vmem>>, vector<16xf32>,
    tpu.vector_store %arg13[%swap3A_975, %swap3A_976], %broadcast_in_dim3A_0 {strides = array<i32>} : memref<32x128xf32, #tpu.memory_space<vmem>>, vector<16xf32>,
    %swap3A_978 = arith.constant 30 : i32
    %swap3A_979 = arith.index_cast %swap3A_978 : i32 to index
    %swap3A_980 = arith.constant 48 : index
    %swap3A_981 = tpu.vector_load %arg13[%swap3A_979, %swap3A_980] {strides = array<i32>} : memref<32x128xf32, #tpu.memory_space<vmem>>, vector<16xf32>,
    tpu.vector_store %arg13[%swap3A_979, %swap3A_980], %broadcast_in_dim3A_0 {strides = array<i32>} : memref<32x128xf32, #tpu.memory_space<vmem>>, vector<16xf32>,
    %swap3A_982 = arith.constant 30 : i32
    %swap3A_983 = arith.index_cast %swap3A_982 : i32 to index
    %swap3A_984 = arith.constant 64 : index
    %swap3A_985 = tpu.vector_load %arg13[%swap3A_983, %swap3A_984] {strides = array<i32>} : memref<32x128xf32, #tpu.memory_space<vmem>>, vector<16xf32>,
    tpu.vector_store %arg13[%swap3A_983, %swap3A_984], %broadcast_in_dim3A_0 {strides = array<i32>} : memref<32x128xf32, #tpu.memory_space<vmem>>, vector<16xf32>,
    %swap3A_986 = arith.constant 30 : i32
    %swap3A_987 = arith.index_cast %swap3A_986 : i32 to index
    %swap3A_988 = arith.constant 80 : index
    %swap3A_989 = tpu.vector_load %arg13[%swap3A_987, %swap3A_988] {strides = array<i32>} : memref<32x128xf32, #tpu.memory_space<vmem>>, vector<16xf32>,
    tpu.vector_store %arg13[%swap3A_987, %swap3A_988], %broadcast_in_dim3A_0 {strides = array<i32>} : memref<32x128xf32, #tpu.memory_space<vmem>>, vector<16xf32>,
    %swap3A_990 = arith.constant 30 : i32
    %swap3A_991 = arith.index_cast %swap3A_990 : i32 to index
    %swap3A_992 = arith.constant 96 : index
    %swap3A_993 = tpu.vector_load %arg13[%swap3A_991, %swap3A_992] {strides = array<i32>} : memref<32x128xf32, #tpu.memory_space<vmem>>, vector<16xf32>,
    tpu.vector_store %arg13[%swap3A_991, %swap3A_992], %broadcast_in_dim3A_0 {strides = array<i32>} : memref<32x128xf32, #tpu.memory_space<vmem>>, vector<16xf32>,
    %swap3A_994 = arith.constant 30 : i32
    %swap3A_995 = arith.index_cast %swap3A_994 : i32 to index
    %swap3A_996 = arith.constant 112 : index
    %swap3A_997 = tpu.vector_load %arg13[%swap3A_995, %swap3A_996] {strides = array<i32>} : memref<32x128xf32, #tpu.memory_space<vmem>>, vector<16xf32>,
    tpu.vector_store %arg13[%swap3A_995, %swap3A_996], %broadcast_in_dim3A_0 {strides = array<i32>} : memref<32x128xf32, #tpu.memory_space<vmem>>, vector<16xf32>,
    %swap3A_998 = arith.constant 31 : i32
    %swap3A_999 = arith.index_cast %swap3A_998 : i32 to index
    %swap3A_1000 = arith.constant 0 : index
    %swap3A_1001 = tpu.vector_load %arg13[%swap3A_999, %swap3A_1000] {strides = array<i32>} : memref<32x128xf32, #tpu.memory_space<vmem>>, vector<16xf32>,
    tpu.vector_store %arg13[%swap3A_999, %swap3A_1000], %broadcast_in_dim3A_0 {strides = array<i32>} : memref<32x128xf32, #tpu.memory_space<vmem>>, vector<16xf32>,
    %swap3A_1002 = arith.constant 31 : i32
    %swap3A_1003 = arith.index_cast %swap3A_1002 : i32 to index
    %swap3A_1004 = arith.constant 16 : index
    %swap3A_1005 = tpu.vector_load %arg13[%swap3A_1003, %swap3A_1004] {strides = array<i32>} : memref<32x128xf32, #tpu.memory_space<vmem>>, vector<16xf32>,
    tpu.vector_store %arg13[%swap3A_1003, %swap3A_1004], %broadcast_in_dim3A_0 {strides = array<i32>} : memref<32x128xf32, #tpu.memory_space<vmem>>, vector<16xf32>,
    %swap3A_1006 = arith.constant 31 : i32
    %swap3A_1007 = arith.index_cast %swap3A_1006 : i32 to index
    %swap3A_1008 = arith.constant 32 : index
    %swap3A_1009 = tpu.vector_load %arg13[%swap3A_1007, %swap3A_1008] {strides = array<i32>} : memref<32x128xf32, #tpu.memory_space<vmem>>, vector<16xf32>,
    tpu.vector_store %arg13[%swap3A_1007, %swap3A_1008], %broadcast_in_dim3A_0 {strides = array<i32>} : memref<32x128xf32, #tpu.memory_space<vmem>>, vector<16xf32>,
    %swap3A_1010 = arith.constant 31 : i32
    %swap3A_1011 = arith.index_cast %swap3A_1010 : i32 to index
    %swap3A_1012 = arith.constant 48 : index
    %swap3A_1013 = tpu.vector_load %arg13[%swap3A_1011, %swap3A_1012] {strides = array<i32>} : memref<32x128xf32, #tpu.memory_space<vmem>>, vector<16xf32>,
    tpu.vector_store %arg13[%swap3A_1011, %swap3A_1012], %broadcast_in_dim3A_0 {strides = array<i32>} : memref<32x128xf32, #tpu.memory_space<vmem>>, vector<16xf32>,
    %swap3A_1014 = arith.constant 31 : i32
    %swap3A_1015 = arith.index_cast %swap3A_1014 : i32 to index
    %swap3A_1016 = arith.constant 64 : index
    %swap3A_1017 = tpu.vector_load %arg13[%swap3A_1015, %swap3A_1016] {strides = array<i32>} : memref<32x128xf32, #tpu.memory_space<vmem>>, vector<16xf32>,
    tpu.vector_store %arg13[%swap3A_1015, %swap3A_1016], %broadcast_in_dim3A_0 {strides = array<i32>} : memref<32x128xf32, #tpu.memory_space<vmem>>, vector<16xf32>,
    %swap3A_1018 = arith.constant 31 : i32
    %swap3A_1019 = arith.index_cast %swap3A_1018 : i32 to index
    %swap3A_1020 = arith.constant 80 : index
    %swap3A_1021 = tpu.vector_load %arg13[%swap3A_1019, %swap3A_1020] {strides = array<i32>} : memref<32x128xf32, #tpu.memory_space<vmem>>, vector<16xf32>,
    tpu.vector_store %arg13[%swap3A_1019, %swap3A_1020], %broadcast_in_dim3A_0 {strides = array<i32>} : memref<32x128xf32, #tpu.memory_space<vmem>>, vector<16xf32>,
    %swap3A_1022 = arith.constant 31 : i32
    %swap3A_1023 = arith.index_cast %swap3A_1022 : i32 to index
    %swap3A_1024 = arith.constant 96 : index
    %swap3A_1025 = tpu.vector_load %arg13[%swap3A_1023, %swap3A_1024] {strides = array<i32>} : memref<32x128xf32, #tpu.memory_space<vmem>>, vector<16xf32>,
    tpu.vector_store %arg13[%swap3A_1023, %swap3A_1024], %broadcast_in_dim3A_0 {strides = array<i32>} : memref<32x128xf32, #tpu.memory_space<vmem>>, vector<16xf32>,
    %swap3A_1026 = arith.constant 31 : i32
    %swap3A_1027 = arith.index_cast %swap3A_1026 : i32 to index
    %swap3A_1028 = arith.constant 112 : index
    %swap3A_1029 = tpu.vector_load %arg13[%swap3A_1027, %swap3A_1028] {strides = array<i32>} : memref<32x128xf32, #tpu.memory_space<vmem>>, vector<16xf32>,
    tpu.vector_store %arg13[%swap3A_1027, %swap3A_1028], %broadcast_in_dim3A_0 {strides = array<i32>} : memref<32x128xf32, #tpu.memory_space<vmem>>, vector<16xf32>,
    %mul3A_1030 = arith.constant 312 : i32
    %mul3A_1031 = arith.muli %arg1, %mul3A_1030 : i32
    %add3A = arith.constant 0 : i32
    %add3A_1032 = arith.addi %mul3A_1031, %add3A : i32
    "tpu.region"() ({
      %run_scoped3A = tpu.sem_alloc : memref<!tpu.dma_semaphore, #tpu.memory_space<semaphore_mem>>
      %dma_start3A_1246 = arith.constant 0 : i32
      %dma_start3A_1247 = tpu.memref_slice %arg7[%add3A_1032, %dma_start3A_1246] : memref<5008x128xf32, #tpu.memory_space<vmem_shared>> -> memref<32x128xf32, #tpu.memory_space<vmem_shared>>
      %dma_start3A_1248 = arith.constant 0 : i32
      %dma_start3A_1249 = tpu.memref_slice %arg7[%add3A_1032, %dma_start3A_1248] : memref<5008x128xf32, #tpu.memory_space<vmem_shared>> -> memref<32x128xf32, #tpu.memory_space<vmem_shared>>
      tpu.enqueue_dma source(%arg13 : memref<32x128xf32, #tpu.memory_space<vmem>>) target(%dma_start3A_1249 : memref<32x128xf32, #tpu.memory_space<vmem_shared>>) target_semaphore(%run_scoped3A : memref<!tpu.dma_semaphore, #tpu.memory_space<semaphore_mem>>)
      %dma_wait3A_1250 = arith.constant 0 : i32
      %dma_wait3A_1251 = tpu.memref_slice %arg7[%add3A_1032, %dma_wait3A_1250] : memref<5008x128xf32, #tpu.memory_space<vmem_shared>> -> memref<32x128xf32, #tpu.memory_space<vmem_shared>>
      %dma_wait3A_1252 = arith.constant 0 : i32
      %dma_wait3A_1253 = tpu.memref_slice %arg7[%add3A_1032, %dma_wait3A_1252] : memref<5008x128xf32, #tpu.memory_space<vmem_shared>> -> memref<32x128xf32, #tpu.memory_space<vmem_shared>>
      tpu.wait_dma2 semaphore(%run_scoped3A : memref<!tpu.dma_semaphore, #tpu.memory_space<semaphore_mem>>) src(%arg13 : memref<32x128xf32, #tpu.memory_space<vmem>>) dst(%dma_wait3A_1253 : memref<32x128xf32, #tpu.memory_space<vmem_shared>>)
      tpu.yield
    }) : () -> ()
    %add3A_1033 = arith.constant 32 : i32
    %add3A_1034 = arith.addi %mul3A_1031, %add3A_1033 : i32
    "tpu.region"() ({
      %run_scoped3A = tpu.sem_alloc : memref<!tpu.dma_semaphore, #tpu.memory_space<semaphore_mem>>
      %dma_start3A_1246 = arith.constant 0 : i32
      %dma_start3A_1247 = tpu.memref_slice %arg7[%add3A_1034, %dma_start3A_1246] : memref<5008x128xf32, #tpu.memory_space<vmem_shared>> -> memref<32x128xf32, #tpu.memory_space<vmem_shared>>
      %dma_start3A_1248 = arith.constant 0 : i32
      %dma_start3A_1249 = tpu.memref_slice %arg7[%add3A_1034, %dma_start3A_1248] : memref<5008x128xf32, #tpu.memory_space<vmem_shared>> -> memref<32x128xf32, #tpu.memory_space<vmem_shared>>
      tpu.enqueue_dma source(%arg13 : memref<32x128xf32, #tpu.memory_space<vmem>>) target(%dma_start3A_1249 : memref<32x128xf32, #tpu.memory_space<vmem_shared>>) target_semaphore(%run_scoped3A : memref<!tpu.dma_semaphore, #tpu.memory_space<semaphore_mem>>)
      %dma_wait3A_1250 = arith.constant 0 : i32
      %dma_wait3A_1251 = tpu.memref_slice %arg7[%add3A_1034, %dma_wait3A_1250] : memref<5008x128xf32, #tpu.memory_space<vmem_shared>> -> memref<32x128xf32, #tpu.memory_space<vmem_shared>>
      %dma_wait3A_1252 = arith.constant 0 : i32
      %dma_wait3A_1253 = tpu.memref_slice %arg7[%add3A_1034, %dma_wait3A_1252] : memref<5008x128xf32, #tpu.memory_space<vmem_shared>> -> memref<32x128xf32, #tpu.memory_space<vmem_shared>>
      tpu.wait_dma2 semaphore(%run_scoped3A : memref<!tpu.dma_semaphore, #tpu.memory_space<semaphore_mem>>) src(%arg13 : memref<32x128xf32, #tpu.memory_space<vmem>>) dst(%dma_wait3A_1253 : memref<32x128xf32, #tpu.memory_space<vmem_shared>>)
      tpu.yield
    }) : () -> ()
    %add3A_1035 = arith.constant 64 : i32
    %add3A_1036 = arith.addi %mul3A_1031, %add3A_1035 : i32
    "tpu.region"() ({
      %run_scoped3A = tpu.sem_alloc : memref<!tpu.dma_semaphore, #tpu.memory_space<semaphore_mem>>
      %dma_start3A_1246 = arith.constant 0 : i32
      %dma_start3A_1247 = tpu.memref_slice %arg7[%add3A_1036, %dma_start3A_1246] : memref<5008x128xf32, #tpu.memory_space<vmem_shared>> -> memref<32x128xf32, #tpu.memory_space<vmem_shared>>
      %dma_start3A_1248 = arith.constant 0 : i32
      %dma_start3A_1249 = tpu.memref_slice %arg7[%add3A_1036, %dma_start3A_1248] : memref<5008x128xf32, #tpu.memory_space<vmem_shared>> -> memref<32x128xf32, #tpu.memory_space<vmem_shared>>
      tpu.enqueue_dma source(%arg13 : memref<32x128xf32, #tpu.memory_space<vmem>>) target(%dma_start3A_1249 : memref<32x128xf32, #tpu.memory_space<vmem_shared>>) target_semaphore(%run_scoped3A : memref<!tpu.dma_semaphore, #tpu.memory_space<semaphore_mem>>)
      %dma_wait3A_1250 = arith.constant 0 : i32
      %dma_wait3A_1251 = tpu.memref_slice %arg7[%add3A_1036, %dma_wait3A_1250] : memref<5008x128xf32, #tpu.memory_space<vmem_shared>> -> memref<32x128xf32, #tpu.memory_space<vmem_shared>>
      %dma_wait3A_1252 = arith.constant 0 : i32
      %dma_wait3A_1253 = tpu.memref_slice %arg7[%add3A_1036, %dma_wait3A_1252] : memref<5008x128xf32, #tpu.memory_space<vmem_shared>> -> memref<32x128xf32, #tpu.memory_space<vmem_shared>>
      tpu.wait_dma2 semaphore(%run_scoped3A : memref<!tpu.dma_semaphore, #tpu.memory_space<semaphore_mem>>) src(%arg13 : memref<32x128xf32, #tpu.memory_space<vmem>>) dst(%dma_wait3A_1253 : memref<32x128xf32, #tpu.memory_space<vmem_shared>>)
      tpu.yield
    }) : () -> ()
    %add3A_1037 = arith.constant 96 : i32
    %add3A_1038 = arith.addi %mul3A_1031, %add3A_1037 : i32
    "tpu.region"() ({
      %run_scoped3A = tpu.sem_alloc : memref<!tpu.dma_semaphore, #tpu.memory_space<semaphore_mem>>
      %dma_start3A_1246 = arith.constant 0 : i32
      %dma_start3A_1247 = tpu.memref_slice %arg7[%add3A_1038, %dma_start3A_1246] : memref<5008x128xf32, #tpu.memory_space<vmem_shared>> -> memref<32x128xf32, #tpu.memory_space<vmem_shared>>
      %dma_start3A_1248 = arith.constant 0 : i32
      %dma_start3A_1249 = tpu.memref_slice %arg7[%add3A_1038, %dma_start3A_1248] : memref<5008x128xf32, #tpu.memory_space<vmem_shared>> -> memref<32x128xf32, #tpu.memory_space<vmem_shared>>
      tpu.enqueue_dma source(%arg13 : memref<32x128xf32, #tpu.memory_space<vmem>>) target(%dma_start3A_1249 : memref<32x128xf32, #tpu.memory_space<vmem_shared>>) target_semaphore(%run_scoped3A : memref<!tpu.dma_semaphore, #tpu.memory_space<semaphore_mem>>)
      %dma_wait3A_1250 = arith.constant 0 : i32
      %dma_wait3A_1251 = tpu.memref_slice %arg7[%add3A_1038, %dma_wait3A_1250] : memref<5008x128xf32, #tpu.memory_space<vmem_shared>> -> memref<32x128xf32, #tpu.memory_space<vmem_shared>>
      %dma_wait3A_1252 = arith.constant 0 : i32
      %dma_wait3A_1253 = tpu.memref_slice %arg7[%add3A_1038, %dma_wait3A_1252] : memref<5008x128xf32, #tpu.memory_space<vmem_shared>> -> memref<32x128xf32, #tpu.memory_space<vmem_shared>>
      tpu.wait_dma2 semaphore(%run_scoped3A : memref<!tpu.dma_semaphore, #tpu.memory_space<semaphore_mem>>) src(%arg13 : memref<32x128xf32, #tpu.memory_space<vmem>>) dst(%dma_wait3A_1253 : memref<32x128xf32, #tpu.memory_space<vmem_shared>>)
      tpu.yield
    }) : () -> ()
    %add3A_1039 = arith.constant 128 : i32
    %add3A_1040 = arith.addi %mul3A_1031, %add3A_1039 : i32
    "tpu.region"() ({
      %run_scoped3A = tpu.sem_alloc : memref<!tpu.dma_semaphore, #tpu.memory_space<semaphore_mem>>
      %dma_start3A_1246 = arith.constant 0 : i32
      %dma_start3A_1247 = tpu.memref_slice %arg7[%add3A_1040, %dma_start3A_1246] : memref<5008x128xf32, #tpu.memory_space<vmem_shared>> -> memref<32x128xf32, #tpu.memory_space<vmem_shared>>
      %dma_start3A_1248 = arith.constant 0 : i32
      %dma_start3A_1249 = tpu.memref_slice %arg7[%add3A_1040, %dma_start3A_1248] : memref<5008x128xf32, #tpu.memory_space<vmem_shared>> -> memref<32x128xf32, #tpu.memory_space<vmem_shared>>
      tpu.enqueue_dma source(%arg13 : memref<32x128xf32, #tpu.memory_space<vmem>>) target(%dma_start3A_1249 : memref<32x128xf32, #tpu.memory_space<vmem_shared>>) target_semaphore(%run_scoped3A : memref<!tpu.dma_semaphore, #tpu.memory_space<semaphore_mem>>)
      %dma_wait3A_1250 = arith.constant 0 : i32
      %dma_wait3A_1251 = tpu.memref_slice %arg7[%add3A_1040, %dma_wait3A_1250] : memref<5008x128xf32, #tpu.memory_space<vmem_shared>> -> memref<32x128xf32, #tpu.memory_space<vmem_shared>>
      %dma_wait3A_1252 = arith.constant 0 : i32
      %dma_wait3A_1253 = tpu.memref_slice %arg7[%add3A_1040, %dma_wait3A_1252] : memref<5008x128xf32, #tpu.memory_space<vmem_shared>> -> memref<32x128xf32, #tpu.memory_space<vmem_shared>>
      tpu.wait_dma2 semaphore(%run_scoped3A : memref<!tpu.dma_semaphore, #tpu.memory_space<semaphore_mem>>) src(%arg13 : memref<32x128xf32, #tpu.memory_space<vmem>>) dst(%dma_wait3A_1253 : memref<32x128xf32, #tpu.memory_space<vmem_shared>>)
      tpu.yield
    }) : () -> ()
    %add3A_1041 = arith.constant 160 : i32
    %add3A_1042 = arith.addi %mul3A_1031, %add3A_1041 : i32
    "tpu.region"() ({
      %run_scoped3A = tpu.sem_alloc : memref<!tpu.dma_semaphore, #tpu.memory_space<semaphore_mem>>
      %dma_start3A_1246 = arith.constant 0 : i32
      %dma_start3A_1247 = tpu.memref_slice %arg7[%add3A_1042, %dma_start3A_1246] : memref<5008x128xf32, #tpu.memory_space<vmem_shared>> -> memref<32x128xf32, #tpu.memory_space<vmem_shared>>
      %dma_start3A_1248 = arith.constant 0 : i32
      %dma_start3A_1249 = tpu.memref_slice %arg7[%add3A_1042, %dma_start3A_1248] : memref<5008x128xf32, #tpu.memory_space<vmem_shared>> -> memref<32x128xf32, #tpu.memory_space<vmem_shared>>
      tpu.enqueue_dma source(%arg13 : memref<32x128xf32, #tpu.memory_space<vmem>>) target(%dma_start3A_1249 : memref<32x128xf32, #tpu.memory_space<vmem_shared>>) target_semaphore(%run_scoped3A : memref<!tpu.dma_semaphore, #tpu.memory_space<semaphore_mem>>)
      %dma_wait3A_1250 = arith.constant 0 : i32
      %dma_wait3A_1251 = tpu.memref_slice %arg7[%add3A_1042, %dma_wait3A_1250] : memref<5008x128xf32, #tpu.memory_space<vmem_shared>> -> memref<32x128xf32, #tpu.memory_space<vmem_shared>>
      %dma_wait3A_1252 = arith.constant 0 : i32
      %dma_wait3A_1253 = tpu.memref_slice %arg7[%add3A_1042, %dma_wait3A_1252] : memref<5008x128xf32, #tpu.memory_space<vmem_shared>> -> memref<32x128xf32, #tpu.memory_space<vmem_shared>>
      tpu.wait_dma2 semaphore(%run_scoped3A : memref<!tpu.dma_semaphore, #tpu.memory_space<semaphore_mem>>) src(%arg13 : memref<32x128xf32, #tpu.memory_space<vmem>>) dst(%dma_wait3A_1253 : memref<32x128xf32, #tpu.memory_space<vmem_shared>>)
      tpu.yield
    }) : () -> ()
    %add3A_1043 = arith.constant 192 : i32
    %add3A_1044 = arith.addi %mul3A_1031, %add3A_1043 : i32
    "tpu.region"() ({
      %run_scoped3A = tpu.sem_alloc : memref<!tpu.dma_semaphore, #tpu.memory_space<semaphore_mem>>
      %dma_start3A_1246 = arith.constant 0 : i32
      %dma_start3A_1247 = tpu.memref_slice %arg7[%add3A_1044, %dma_start3A_1246] : memref<5008x128xf32, #tpu.memory_space<vmem_shared>> -> memref<32x128xf32, #tpu.memory_space<vmem_shared>>
      %dma_start3A_1248 = arith.constant 0 : i32
      %dma_start3A_1249 = tpu.memref_slice %arg7[%add3A_1044, %dma_start3A_1248] : memref<5008x128xf32, #tpu.memory_space<vmem_shared>> -> memref<32x128xf32, #tpu.memory_space<vmem_shared>>
      tpu.enqueue_dma source(%arg13 : memref<32x128xf32, #tpu.memory_space<vmem>>) target(%dma_start3A_1249 : memref<32x128xf32, #tpu.memory_space<vmem_shared>>) target_semaphore(%run_scoped3A : memref<!tpu.dma_semaphore, #tpu.memory_space<semaphore_mem>>)
      %dma_wait3A_1250 = arith.constant 0 : i32
      %dma_wait3A_1251 = tpu.memref_slice %arg7[%add3A_1044, %dma_wait3A_1250] : memref<5008x128xf32, #tpu.memory_space<vmem_shared>> -> memref<32x128xf32, #tpu.memory_space<vmem_shared>>
      %dma_wait3A_1252 = arith.constant 0 : i32
      %dma_wait3A_1253 = tpu.memref_slice %arg7[%add3A_1044, %dma_wait3A_1252] : memref<5008x128xf32, #tpu.memory_space<vmem_shared>> -> memref<32x128xf32, #tpu.memory_space<vmem_shared>>
      tpu.wait_dma2 semaphore(%run_scoped3A : memref<!tpu.dma_semaphore, #tpu.memory_space<semaphore_mem>>) src(%arg13 : memref<32x128xf32, #tpu.memory_space<vmem>>) dst(%dma_wait3A_1253 : memref<32x128xf32, #tpu.memory_space<vmem_shared>>)
      tpu.yield
    }) : () -> ()
    %add3A_1045 = arith.constant 224 : i32
    %add3A_1046 = arith.addi %mul3A_1031, %add3A_1045 : i32
    "tpu.region"() ({
      %run_scoped3A = tpu.sem_alloc : memref<!tpu.dma_semaphore, #tpu.memory_space<semaphore_mem>>
      %dma_start3A_1246 = arith.constant 0 : i32
      %dma_start3A_1247 = tpu.memref_slice %arg7[%add3A_1046, %dma_start3A_1246] : memref<5008x128xf32, #tpu.memory_space<vmem_shared>> -> memref<32x128xf32, #tpu.memory_space<vmem_shared>>
      %dma_start3A_1248 = arith.constant 0 : i32
      %dma_start3A_1249 = tpu.memref_slice %arg7[%add3A_1046, %dma_start3A_1248] : memref<5008x128xf32, #tpu.memory_space<vmem_shared>> -> memref<32x128xf32, #tpu.memory_space<vmem_shared>>
      tpu.enqueue_dma source(%arg13 : memref<32x128xf32, #tpu.memory_space<vmem>>) target(%dma_start3A_1249 : memref<32x128xf32, #tpu.memory_space<vmem_shared>>) target_semaphore(%run_scoped3A : memref<!tpu.dma_semaphore, #tpu.memory_space<semaphore_mem>>)
      %dma_wait3A_1250 = arith.constant 0 : i32
      %dma_wait3A_1251 = tpu.memref_slice %arg7[%add3A_1046, %dma_wait3A_1250] : memref<5008x128xf32, #tpu.memory_space<vmem_shared>> -> memref<32x128xf32, #tpu.memory_space<vmem_shared>>
      %dma_wait3A_1252 = arith.constant 0 : i32
      %dma_wait3A_1253 = tpu.memref_slice %arg7[%add3A_1046, %dma_wait3A_1252] : memref<5008x128xf32, #tpu.memory_space<vmem_shared>> -> memref<32x128xf32, #tpu.memory_space<vmem_shared>>
      tpu.wait_dma2 semaphore(%run_scoped3A : memref<!tpu.dma_semaphore, #tpu.memory_space<semaphore_mem>>) src(%arg13 : memref<32x128xf32, #tpu.memory_space<vmem>>) dst(%dma_wait3A_1253 : memref<32x128xf32, #tpu.memory_space<vmem_shared>>)
      tpu.yield
    }) : () -> ()
    %add3A_1047 = arith.constant 256 : i32
    %add3A_1048 = arith.addi %mul3A_1031, %add3A_1047 : i32
    "tpu.region"() ({
      %run_scoped3A = tpu.sem_alloc : memref<!tpu.dma_semaphore, #tpu.memory_space<semaphore_mem>>
      %dma_start3A_1246 = arith.constant 0 : i32
      %dma_start3A_1247 = tpu.memref_slice %arg7[%add3A_1048, %dma_start3A_1246] : memref<5008x128xf32, #tpu.memory_space<vmem_shared>> -> memref<32x128xf32, #tpu.memory_space<vmem_shared>>
      %dma_start3A_1248 = arith.constant 0 : i32
      %dma_start3A_1249 = tpu.memref_slice %arg7[%add3A_1048, %dma_start3A_1248] : memref<5008x128xf32, #tpu.memory_space<vmem_shared>> -> memref<32x128xf32, #tpu.memory_space<vmem_shared>>
      tpu.enqueue_dma source(%arg13 : memref<32x128xf32, #tpu.memory_space<vmem>>) target(%dma_start3A_1249 : memref<32x128xf32, #tpu.memory_space<vmem_shared>>) target_semaphore(%run_scoped3A : memref<!tpu.dma_semaphore, #tpu.memory_space<semaphore_mem>>)
      %dma_wait3A_1250 = arith.constant 0 : i32
      %dma_wait3A_1251 = tpu.memref_slice %arg7[%add3A_1048, %dma_wait3A_1250] : memref<5008x128xf32, #tpu.memory_space<vmem_shared>> -> memref<32x128xf32, #tpu.memory_space<vmem_shared>>
      %dma_wait3A_1252 = arith.constant 0 : i32
      %dma_wait3A_1253 = tpu.memref_slice %arg7[%add3A_1048, %dma_wait3A_1252] : memref<5008x128xf32, #tpu.memory_space<vmem_shared>> -> memref<32x128xf32, #tpu.memory_space<vmem_shared>>
      tpu.wait_dma2 semaphore(%run_scoped3A : memref<!tpu.dma_semaphore, #tpu.memory_space<semaphore_mem>>) src(%arg13 : memref<32x128xf32, #tpu.memory_space<vmem>>) dst(%dma_wait3A_1253 : memref<32x128xf32, #tpu.memory_space<vmem_shared>>)
      tpu.yield
    }) : () -> ()
    %add3A_1049 = arith.constant 288 : i32
    %add3A_1050 = arith.addi %mul3A_1031, %add3A_1049 : i32
    "tpu.region"() ({
      %run_scoped3A = tpu.sem_alloc : memref<!tpu.dma_semaphore, #tpu.memory_space<semaphore_mem>>
      %dma_start3A_1246 = arith.constant 0 : i32
      %dma_start3A_1247 = arith.constant 0 : i32
      %dma_start3A_1248 = tpu.memref_slice %arg13[%dma_start3A_1246, %dma_start3A_1247] : memref<32x128xf32, #tpu.memory_space<vmem>> -> memref<24x128xf32, #tpu.memory_space<vmem>>
      %dma_start3A_1249 = arith.constant 0 : i32
      %dma_start3A_1250 = tpu.memref_slice %arg7[%add3A_1050, %dma_start3A_1249] : memref<5008x128xf32, #tpu.memory_space<vmem_shared>> -> memref<24x128xf32, #tpu.memory_space<vmem_shared>>
      %dma_start3A_1251 = arith.constant 0 : i32
      %dma_start3A_1252 = tpu.memref_slice %arg7[%add3A_1050, %dma_start3A_1251] : memref<5008x128xf32, #tpu.memory_space<vmem_shared>> -> memref<24x128xf32, #tpu.memory_space<vmem_shared>>
      %dma_start3A_1253 = arith.constant 0 : i32
      %dma_start3A_1254 = arith.constant 0 : i32
      %dma_start3A_1255 = tpu.memref_slice %arg13[%dma_start3A_1253, %dma_start3A_1254] : memref<32x128xf32, #tpu.memory_space<vmem>> -> memref<24x128xf32, #tpu.memory_space<vmem>>
      tpu.enqueue_dma source(%dma_start3A_1255 : memref<24x128xf32, #tpu.memory_space<vmem>>) target(%dma_start3A_1252 : memref<24x128xf32, #tpu.memory_space<vmem_shared>>) target_semaphore(%run_scoped3A : memref<!tpu.dma_semaphore, #tpu.memory_space<semaphore_mem>>)
      %dma_wait3A_1256 = arith.constant 0 : i32
      %dma_wait3A_1257 = arith.constant 0 : i32
      %dma_wait3A_1258 = tpu.memref_slice %arg13[%dma_wait3A_1256, %dma_wait3A_1257] : memref<32x128xf32, #tpu.memory_space<vmem>> -> memref<24x128xf32, #tpu.memory_space<vmem>>
      %dma_wait3A_1259 = arith.constant 0 : i32
      %dma_wait3A_1260 = tpu.memref_slice %arg7[%add3A_1050, %dma_wait3A_1259] : memref<5008x128xf32, #tpu.memory_space<vmem_shared>> -> memref<24x128xf32, #tpu.memory_space<vmem_shared>>
      %dma_wait3A_1261 = arith.constant 0 : i32
      %dma_wait3A_1262 = tpu.memref_slice %arg7[%add3A_1050, %dma_wait3A_1261] : memref<5008x128xf32, #tpu.memory_space<vmem_shared>> -> memref<24x128xf32, #tpu.memory_space<vmem_shared>>
      %dma_wait3A_1263 = arith.constant 0 : i32
      %dma_wait3A_1264 = arith.constant 0 : i32
      %dma_wait3A_1265 = tpu.memref_slice %arg13[%dma_wait3A_1263, %dma_wait3A_1264] : memref<32x128xf32, #tpu.memory_space<vmem>> -> memref<24x128xf32, #tpu.memory_space<vmem>>
      tpu.wait_dma2 semaphore(%run_scoped3A : memref<!tpu.dma_semaphore, #tpu.memory_space<semaphore_mem>>) src(%dma_wait3A_1265 : memref<24x128xf32, #tpu.memory_space<vmem>>) dst(%dma_wait3A_1262 : memref<24x128xf32, #tpu.memory_space<vmem_shared>>)
      tpu.yield
    }) : () -> ()
    %eq3A = arith.constant 15 : i32
    %eq3A_1051 = arith.cmpi eq, %arg1, %eq3A : i32
    %convert_element_type3A = arith.extui %eq3A_1051 : i1 to i32
    %cond3A = arith.constant 0 : i32
    %cond3A_1052 = arith.cmpi ne, %convert_element_type3A, %cond3A : i32
    scf.if %cond3A_1052 {
      "tpu.region"() ({
        %run_scoped3A = tpu.sem_alloc : memref<!tpu.dma_semaphore, #tpu.memory_space<semaphore_mem>>
        %dma_start3A_1246 = arith.constant 0 : i32
        %dma_start3A_1247 = arith.constant 0 : i32
        %dma_start3A_1248 = tpu.memref_slice %arg13[%dma_start3A_1246, %dma_start3A_1247] : memref<32x128xf32, #tpu.memory_space<vmem>> -> memref<16x128xf32, #tpu.memory_space<vmem>>
        %dma_start3A_1249 = arith.constant 4992 : i32
        %dma_start3A_1250 = arith.constant 0 : i32
        %dma_start3A_1251 = tpu.memref_slice %arg7[%dma_start3A_1249, %dma_start3A_1250] : memref<5008x128xf32, #tpu.memory_space<vmem_shared>> -> memref<16x128xf32, #tpu.memory_space<vmem_shared>>
        %dma_start3A_1252 = arith.constant 4992 : i32
        %dma_start3A_1253 = arith.constant 0 : i32
        %dma_start3A_1254 = tpu.memref_slice %arg7[%dma_start3A_1252, %dma_start3A_1253] : memref<5008x128xf32, #tpu.memory_space<vmem_shared>> -> memref<16x128xf32, #tpu.memory_space<vmem_shared>>
        %dma_start3A_1255 = arith.constant 0 : i32
        %dma_start3A_1256 = arith.constant 0 : i32
        %dma_start3A_1257 = tpu.memref_slice %arg13[%dma_start3A_1255, %dma_start3A_1256] : memref<32x128xf32, #tpu.memory_space<vmem>> -> memref<16x128xf32, #tpu.memory_space<vmem>>
        tpu.enqueue_dma source(%dma_start3A_1257 : memref<16x128xf32, #tpu.memory_space<vmem>>) target(%dma_start3A_1254 : memref<16x128xf32, #tpu.memory_space<vmem_shared>>) target_semaphore(%run_scoped3A : memref<!tpu.dma_semaphore, #tpu.memory_space<semaphore_mem>>)
        %dma_wait3A_1258 = arith.constant 0 : i32
        %dma_wait3A_1259 = arith.constant 0 : i32
        %dma_wait3A_1260 = tpu.memref_slice %arg13[%dma_wait3A_1258, %dma_wait3A_1259] : memref<32x128xf32, #tpu.memory_space<vmem>> -> memref<16x128xf32, #tpu.memory_space<vmem>>
        %dma_wait3A_1261 = arith.constant 4992 : i32
        %dma_wait3A_1262 = arith.constant 0 : i32
        %dma_wait3A_1263 = tpu.memref_slice %arg7[%dma_wait3A_1261, %dma_wait3A_1262] : memref<5008x128xf32, #tpu.memory_space<vmem_shared>> -> memref<16x128xf32, #tpu.memory_space<vmem_shared>>
        %dma_wait3A_1264 = arith.constant 4992 : i32
        %dma_wait3A_1265 = arith.constant 0 : i32
        %dma_wait3A_1266 = tpu.memref_slice %arg7[%dma_wait3A_1264, %dma_wait3A_1265] : memref<5008x128xf32, #tpu.memory_space<vmem_shared>> -> memref<16x128xf32, #tpu.memory_space<vmem_shared>>
        %dma_wait3A_1267 = arith.constant 0 : i32
        %dma_wait3A_1268 = arith.constant 0 : i32
        %dma_wait3A_1269 = tpu.memref_slice %arg13[%dma_wait3A_1267, %dma_wait3A_1268] : memref<32x128xf32, #tpu.memory_space<vmem>> -> memref<16x128xf32, #tpu.memory_space<vmem>>
        tpu.wait_dma2 semaphore(%run_scoped3A : memref<!tpu.dma_semaphore, #tpu.memory_space<semaphore_mem>>) src(%dma_wait3A_1269 : memref<16x128xf32, #tpu.memory_space<vmem>>) dst(%dma_wait3A_1266 : memref<16x128xf32, #tpu.memory_space<vmem_shared>>)
        tpu.yield
      }) : () -> ()
    } else {
    }
    %mul3A_1053 = arith.constant 20000 : i32
    %mul3A_1054 = arith.muli %arg1, %mul3A_1053 : i32
    %dma_start3A_1055 = arith.constant 0 : i32
    %dma_start3A_1056 = tpu.memref_slice %arg9[%dma_start3A_1055] : memref<256xi32, #tpu.memory_space<vmem>> -> memref<224xi32, #tpu.memory_space<vmem>>
    %dma_start3A_1057 = tpu.memref_slice %arg3[%mul3A_1054] : memref<320000xi32, #tpu.memory_space<hbm>> -> memref<224xi32, #tpu.memory_space<hbm>>
    %dma_start3A_1058 = arith.constant 0 : i32
    %dma_start3A_1059 = tpu.memref_slice %arg9[%dma_start3A_1058] : memref<256xi32, #tpu.memory_space<vmem>> -> memref<224xi32, #tpu.memory_space<vmem>>
    %dma_start3A_1060 = tpu.memref_slice %arg3[%mul3A_1054] : memref<320000xi32, #tpu.memory_space<hbm>> -> memref<224xi32, #tpu.memory_space<hbm>>
    tpu.enqueue_dma source(%dma_start3A_1060 : memref<224xi32, #tpu.memory_space<hbm>>) target(%dma_start3A_1059 : memref<224xi32, #tpu.memory_space<vmem>>) target_semaphore(%arg20 : memref<!tpu.dma_semaphore, #tpu.memory_space<semaphore_mem>>)
    %mul3A_1061 = arith.constant 20000 : i32
    %mul3A_1062 = arith.muli %arg1, %mul3A_1061 : i32
    %dma_start3A_1063 = arith.constant 0 : i32
    %dma_start3A_1064 = tpu.memref_slice %arg10[%dma_start3A_1063] : memref<256xi32, #tpu.memory_space<vmem>> -> memref<224xi32, #tpu.memory_space<vmem>>
    %dma_start3A_1065 = tpu.memref_slice %arg4[%mul3A_1062] : memref<320000xi32, #tpu.memory_space<hbm>> -> memref<224xi32, #tpu.memory_space<hbm>>
    %dma_start3A_1066 = arith.constant 0 : i32
    %dma_start3A_1067 = tpu.memref_slice %arg10[%dma_start3A_1066] : memref<256xi32, #tpu.memory_space<vmem>> -> memref<224xi32, #tpu.memory_space<vmem>>
    %dma_start3A_1068 = tpu.memref_slice %arg4[%mul3A_1062] : memref<320000xi32, #tpu.memory_space<hbm>> -> memref<224xi32, #tpu.memory_space<hbm>>
    tpu.enqueue_dma source(%dma_start3A_1068 : memref<224xi32, #tpu.memory_space<hbm>>) target(%dma_start3A_1067 : memref<224xi32, #tpu.memory_space<vmem>>) target_semaphore(%arg20 : memref<!tpu.dma_semaphore, #tpu.memory_space<semaphore_mem>>)
    %dma_wait3A = arith.constant 0 : i32
    %dma_wait3A_1069 = tpu.memref_slice %arg8[%mul3A_3, %dma_wait3A] : memref<10000x128xf32, #tpu.memory_space<vmem_shared>> -> memref<624x128xf32, #tpu.memory_space<vmem_shared>>
    %dma_wait3A_1070 = arith.constant 0 : i32
    %dma_wait3A_1071 = tpu.memref_slice %arg2[%mul3A_1, %dma_wait3A_1070] : memref<10000x128xf32, #tpu.memory_space<hbm>> -> memref<624x128xf32, #tpu.memory_space<hbm>>
    tpu.wait_dma2 semaphore(%arg21 : memref<!tpu.dma_semaphore, #tpu.memory_space<semaphore_mem>>) src(%dma_wait3A_1071 : memref<624x128xf32, #tpu.memory_space<hbm>>) dst(%dma_wait3A_1069 : memref<624x128xf32, #tpu.memory_space<vmem_shared>>)
    %eq3A_1072 = arith.constant 15 : i32
    %eq3A_1073 = arith.cmpi eq, %arg1, %eq3A_1072 : i32
    %convert_element_type3A_1074 = arith.extui %eq3A_1073 : i1 to i32
    %cond3A_1075 = arith.constant 0 : i32
    %cond3A_1076 = arith.cmpi ne, %convert_element_type3A_1074, %cond3A_1075 : i32
    scf.if %cond3A_1076 {
      "tpu.region"() ({
        %run_scoped3A = tpu.sem_alloc : memref<!tpu.dma_semaphore, #tpu.memory_space<semaphore_mem>>
        %dma_start3A_1246 = arith.constant 9984 : i32
        %dma_start3A_1247 = arith.constant 0 : i32
        %dma_start3A_1248 = tpu.memref_slice %arg8[%dma_start3A_1246, %dma_start3A_1247] : memref<10000x128xf32, #tpu.memory_space<vmem_shared>> -> memref<16x128xf32, #tpu.memory_space<vmem_shared>>
        %dma_start3A_1249 = arith.constant 9984 : i32
        %dma_start3A_1250 = arith.constant 0 : i32
        %dma_start3A_1251 = tpu.memref_slice %arg2[%dma_start3A_1249, %dma_start3A_1250] : memref<10000x128xf32, #tpu.memory_space<hbm>> -> memref<16x128xf32, #tpu.memory_space<hbm>>
        tpu.enqueue_dma source(%dma_start3A_1251 : memref<16x128xf32, #tpu.memory_space<hbm>>) target(%dma_start3A_1248 : memref<16x128xf32, #tpu.memory_space<vmem_shared>>) target_semaphore(%run_scoped3A : memref<!tpu.dma_semaphore, #tpu.memory_space<semaphore_mem>>)
        %dma_wait3A_1252 = arith.constant 9984 : i32
        %dma_wait3A_1253 = arith.constant 0 : i32
        %dma_wait3A_1254 = tpu.memref_slice %arg8[%dma_wait3A_1252, %dma_wait3A_1253] : memref<10000x128xf32, #tpu.memory_space<vmem_shared>> -> memref<16x128xf32, #tpu.memory_space<vmem_shared>>
        %dma_wait3A_1255 = arith.constant 9984 : i32
        %dma_wait3A_1256 = arith.constant 0 : i32
        %dma_wait3A_1257 = tpu.memref_slice %arg2[%dma_wait3A_1255, %dma_wait3A_1256] : memref<10000x128xf32, #tpu.memory_space<hbm>> -> memref<16x128xf32, #tpu.memory_space<hbm>>
        tpu.wait_dma2 semaphore(%run_scoped3A : memref<!tpu.dma_semaphore, #tpu.memory_space<semaphore_mem>>) src(%dma_wait3A_1257 : memref<16x128xf32, #tpu.memory_space<hbm>>) dst(%dma_wait3A_1254 : memref<16x128xf32, #tpu.memory_space<vmem_shared>>)
        tpu.yield
      }) : () -> ()
    } else {
    }
    %dma_wait3A_1077 = arith.constant 0 : i32
    %dma_wait3A_1078 = tpu.memref_slice %arg9[%dma_wait3A_1077] : memref<256xi32, #tpu.memory_space<vmem>> -> memref<224xi32, #tpu.memory_space<vmem>>
    %dma_wait3A_1079 = tpu.memref_slice %arg3[%mul3A_1054] : memref<320000xi32, #tpu.memory_space<hbm>> -> memref<224xi32, #tpu.memory_space<hbm>>
    %dma_wait3A_1080 = arith.constant 0 : i32
    %dma_wait3A_1081 = tpu.memref_slice %arg9[%dma_wait3A_1080] : memref<256xi32, #tpu.memory_space<vmem>> -> memref<224xi32, #tpu.memory_space<vmem>>
    %dma_wait3A_1082 = tpu.memref_slice %arg3[%mul3A_1054] : memref<320000xi32, #tpu.memory_space<hbm>> -> memref<224xi32, #tpu.memory_space<hbm>>
    tpu.wait_dma2 semaphore(%arg20 : memref<!tpu.dma_semaphore, #tpu.memory_space<semaphore_mem>>) src(%dma_wait3A_1082 : memref<224xi32, #tpu.memory_space<hbm>>) dst(%dma_wait3A_1081 : memref<224xi32, #tpu.memory_space<vmem>>)
    %dma_wait3A_1083 = arith.constant 0 : i32
    %dma_wait3A_1084 = tpu.memref_slice %arg10[%dma_wait3A_1083] : memref<256xi32, #tpu.memory_space<vmem>> -> memref<224xi32, #tpu.memory_space<vmem>>
    %dma_wait3A_1085 = tpu.memref_slice %arg4[%mul3A_1062] : memref<320000xi32, #tpu.memory_space<hbm>> -> memref<224xi32, #tpu.memory_space<hbm>>
    %dma_wait3A_1086 = arith.constant 0 : i32
    %dma_wait3A_1087 = tpu.memref_slice %arg10[%dma_wait3A_1086] : memref<256xi32, #tpu.memory_space<vmem>> -> memref<224xi32, #tpu.memory_space<vmem>>
    %dma_wait3A_1088 = tpu.memref_slice %arg4[%mul3A_1062] : memref<320000xi32, #tpu.memory_space<hbm>> -> memref<224xi32, #tpu.memory_space<hbm>>
    tpu.wait_dma2 semaphore(%arg20 : memref<!tpu.dma_semaphore, #tpu.memory_space<semaphore_mem>>) src(%dma_wait3A_1088 : memref<224xi32, #tpu.memory_space<hbm>>) dst(%dma_wait3A_1087 : memref<224xi32, #tpu.memory_space<vmem>>)
    %barrier3A = arith.constant 0 : index
    tpu.barrier barrier_id(%barrier3A)
    %mul3A_1089 = arith.constant 5000 : i32
    %mul3A_1090 = arith.muli %arg0, %mul3A_1089 : i32
    %iota3A = tpu.iota {dimensions = array<i32: 0>} : vector<16xi32>
    %broadcast_in_dim3A_1091 = arith.constant true
    %broadcast_in_dim3A_1092 = vector.broadcast %broadcast_in_dim3A_1091 : i1 to vector<16xi1>
    %broadcast_in_dim3A_1093 = arith.constant 5000 : i32
    %broadcast_in_dim3A_1094 = vector.broadcast %broadcast_in_dim3A_1093 : i32 to vector<16xi32>
    %broadcast_in_dim3A_1095 = arith.constant 0 : i32
    %broadcast_in_dim3A_1096 = vector.broadcast %broadcast_in_dim3A_1095 : i32 to vector<16xi32>
    %scan3A = arith.constant 0 : i32
    %scan3A_1097 = arith.constant 0 : i32
    %scan3A_1098 = arith.constant 90 : i32
    %scan3A_1099 = arith.addi %scan3A_1097, %scan3A_1098 : i32
    %scan3A_1100 = arith.constant 1 : i32
    %scan3A_1101 = scf.for %scan3A_1246 = %scan3A_1097 to %scan3A_1099 step %scan3A_1100 iter_args(%scan3A_1247 = %scan3A) -> (i32)  : i32 {
      %eq3A_1248 = arith.constant 89 : i32
      %eq3A_1249 = arith.cmpi eq, %scan3A_1246, %eq3A_1248 : i32
      %convert_element_type3A_1250 = arith.extui %eq3A_1249 : i1 to i32
      %cond3A_1251 = arith.constant 0 : i32
      %cond3A_1252 = arith.cmpi ne, %convert_element_type3A_1250, %cond3A_1251 : i32
      %cond3A_1253 = scf.if %cond3A_1252 -> (i32) {
        %scan3A_1340 = arith.constant 0 : i32
        %scan3A_1341 = arith.constant 10 : i32
        %scan3A_1342 = arith.constant 4 : i32
        %scan3A_1343 = arith.addi %scan3A_1341, %scan3A_1342 : i32
        %scan3A_1344 = arith.constant 1 : i32
        %scan3A_1345 = scf.for %scan3A_1347 = %scan3A_1341 to %scan3A_1343 step %scan3A_1344 iter_args(%scan3A_1348 = %scan3A_1340) -> (i32)  : i32 {
          %mul3A_1349 = arith.constant 16 : i32
          %mul3A_1350 = arith.muli %scan3A_1347, %mul3A_1349 : i32
          %get3A_1351 = arith.index_cast %mul3A_1350 : i32 to index
          %get3A_1352 = tpu.vector_load %arg9[%get3A_1351] {strides = array<i32>} : memref<256xi32, #tpu.memory_space<vmem>>, vector<16xi32>,
          %mul3A_1353 = arith.constant 16 : i32
          %mul3A_1354 = arith.muli %scan3A_1347, %mul3A_1353 : i32
          %get3A_1355 = arith.index_cast %mul3A_1354 : i32 to index
          %get3A_1356 = tpu.vector_load %arg10[%get3A_1355] {strides = array<i32>} : memref<256xi32, #tpu.memory_space<vmem>>, vector<16xi32>,
          %sub3A = vector.broadcast %mul3A_1090 : i32 to vector<16xi32>
          %sub3A_1357 = arith.subi %get3A_1356, %sub3A : vector<16xi32>
          %ge3A = arith.constant 0 : i32
          %ge3A_1358 = vector.broadcast %ge3A : i32 to vector<16xi32>
          %ge3A_1359 = arith.cmpi sge, %sub3A_1357, %ge3A_1358 : vector<16xi32>
          %lt3A_1360 = arith.constant 5000 : i32
          %lt3A_1361 = vector.broadcast %lt3A_1360 : i32 to vector<16xi32>
          %lt3A_1362 = arith.cmpi slt, %sub3A_1357, %lt3A_1361 : vector<16xi32>
          %and3A_1363 = arith.andi %ge3A_1359, %lt3A_1362 : vector<16xi1>
          %convert_element_type3A_1364 = arith.extui %and3A_1363 : vector<16xi1> to vector<16xi32>
          %cumsum3A = arith.constant true
          %cumsum3A_1365 = vector.broadcast %cumsum3A : i1 to vector<16xi1>
          %cumsum3A_1366 = tpu.scan <sum>, %convert_element_type3A_1364 masked %cumsum3A_1365 : vector<16xi32>, vector<16xi1> -> vector<16xi32>
          %add3A_1367 = vector.broadcast %scan3A_1348 : i32 to vector<16xi32>
          %add3A_1368 = arith.addi %add3A_1367, %cumsum3A_1366 : vector<16xi32>
          %sub3A_1369 = arith.constant 1 : i32
          %sub3A_1370 = vector.broadcast %sub3A_1369 : i32 to vector<16xi32>
          %sub3A_1371 = arith.subi %add3A_1368, %sub3A_1370 : vector<16xi32>
          %shift_right_arithmetic3A_1372 = arith.constant 5 : i32
          %shift_right_arithmetic3A_1373 = vector.broadcast %shift_right_arithmetic3A_1372 : i32 to vector<16xi32>
          %shift_right_arithmetic3A_1374 = arith.shrsi %sub3A_1371, %shift_right_arithmetic3A_1373 : vector<16xi32>
          %and3A_1375 = arith.constant 31 : i32
          %and3A_1376 = vector.broadcast %and3A_1375 : i32 to vector<16xi32>
          %and3A_1377 = arith.andi %sub3A_1371, %and3A_1376 : vector<16xi32>
          tpu.vector_store_idx %arg11[%shift_right_arithmetic3A_1374, %and3A_1377], %get3A_1352 masked %and3A_1363 : memref<8x32xi32, #tpu.memory_space<vmem>>[vector<16xi32>, vector<16xi32>], vector<16xi32>, vector<16xi1>
          %shift_right_arithmetic3A_1378 = arith.constant 5 : i32
          %shift_right_arithmetic3A_1379 = vector.broadcast %shift_right_arithmetic3A_1378 : i32 to vector<16xi32>
          %shift_right_arithmetic3A_1380 = arith.shrsi %sub3A_1371, %shift_right_arithmetic3A_1379 : vector<16xi32>
          %and3A_1381 = arith.constant 31 : i32
          %and3A_1382 = vector.broadcast %and3A_1381 : i32 to vector<16xi32>
          %and3A_1383 = arith.andi %sub3A_1371, %and3A_1382 : vector<16xi32>
          tpu.vector_store_idx %arg12[%shift_right_arithmetic3A_1380, %and3A_1383], %sub3A_1357 masked %and3A_1363 : memref<8x32xi32, #tpu.memory_space<vmem>>[vector<16xi32>, vector<16xi32>], vector<16xi32>, vector<16xi1>
          %reduce_sum3A = arith.constant true
          %reduce_sum3A_1384 = vector.broadcast %reduce_sum3A : i1 to vector<16xi1>
          %reduce_sum3A_1385 = tpu.scan <sum>, %convert_element_type3A_1364 masked %reduce_sum3A_1384 : vector<16xi32>, vector<16xi1> -> vector<16xi32>
          %reduce_sum3A_1386 = vector.extract %reduce_sum3A_1385[15] : i32 from vector<16xi32>
          %add3A_1387 = arith.addi %scan3A_1348, %reduce_sum3A_1386 : i32
          scf.yield %add3A_1387 : i32
        }
        %scan3A_1346 = arith.constant 4 : i32
        scf.yield %scan3A_1345 : i32
      } else {
        %scan3A_1340 = arith.constant 0 : i32
        %scan3A_1341 = arith.constant 0 : i32
        %scan3A_1342 = arith.constant 14 : i32
        %scan3A_1343 = arith.addi %scan3A_1341, %scan3A_1342 : i32
        %scan3A_1344 = arith.constant 7 : i32
        %scan3A_1345 = scf.for %scan3A_1347 = %scan3A_1341 to %scan3A_1343 step %scan3A_1344 iter_args(%scan3A_1348 = %scan3A_1340) -> (i32)  : i32 {
          %mul3A_1349 = arith.constant 16 : i32
          %mul3A_1350 = arith.muli %scan3A_1347, %mul3A_1349 : i32
          %get3A_1351 = arith.index_cast %mul3A_1350 : i32 to index
          %get3A_1352 = tpu.vector_load %arg9[%get3A_1351] {strides = array<i32>} : memref<256xi32, #tpu.memory_space<vmem>>, vector<16xi32>,
          %mul3A_1353 = arith.constant 16 : i32
          %mul3A_1354 = arith.muli %scan3A_1347, %mul3A_1353 : i32
          %get3A_1355 = arith.index_cast %mul3A_1354 : i32 to index
          %get3A_1356 = tpu.vector_load %arg10[%get3A_1355] {strides = array<i32>} : memref<256xi32, #tpu.memory_space<vmem>>, vector<16xi32>,
          %sub3A = vector.broadcast %mul3A_1090 : i32 to vector<16xi32>
          %sub3A_1357 = arith.subi %get3A_1356, %sub3A : vector<16xi32>
          %ge3A = arith.constant 0 : i32
          %ge3A_1358 = vector.broadcast %ge3A : i32 to vector<16xi32>
          %ge3A_1359 = arith.cmpi sge, %sub3A_1357, %ge3A_1358 : vector<16xi32>
          %lt3A_1360 = arith.constant 5000 : i32
          %lt3A_1361 = vector.broadcast %lt3A_1360 : i32 to vector<16xi32>
          %lt3A_1362 = arith.cmpi slt, %sub3A_1357, %lt3A_1361 : vector<16xi32>
          %and3A_1363 = arith.andi %ge3A_1359, %lt3A_1362 : vector<16xi1>
          %convert_element_type3A_1364 = arith.extui %and3A_1363 : vector<16xi1> to vector<16xi32>
          %cumsum3A = arith.constant true
          %cumsum3A_1365 = vector.broadcast %cumsum3A : i1 to vector<16xi1>
          %cumsum3A_1366 = tpu.scan <sum>, %convert_element_type3A_1364 masked %cumsum3A_1365 : vector<16xi32>, vector<16xi1> -> vector<16xi32>
          %add3A_1367 = vector.broadcast %scan3A_1348 : i32 to vector<16xi32>
          %add3A_1368 = arith.addi %add3A_1367, %cumsum3A_1366 : vector<16xi32>
          %sub3A_1369 = arith.constant 1 : i32
          %sub3A_1370 = vector.broadcast %sub3A_1369 : i32 to vector<16xi32>
          %sub3A_1371 = arith.subi %add3A_1368, %sub3A_1370 : vector<16xi32>
          %shift_right_arithmetic3A_1372 = arith.constant 5 : i32
          %shift_right_arithmetic3A_1373 = vector.broadcast %shift_right_arithmetic3A_1372 : i32 to vector<16xi32>
          %shift_right_arithmetic3A_1374 = arith.shrsi %sub3A_1371, %shift_right_arithmetic3A_1373 : vector<16xi32>
          %and3A_1375 = arith.constant 31 : i32
          %and3A_1376 = vector.broadcast %and3A_1375 : i32 to vector<16xi32>
          %and3A_1377 = arith.andi %sub3A_1371, %and3A_1376 : vector<16xi32>
          tpu.vector_store_idx %arg11[%shift_right_arithmetic3A_1374, %and3A_1377], %get3A_1352 masked %and3A_1363 : memref<8x32xi32, #tpu.memory_space<vmem>>[vector<16xi32>, vector<16xi32>], vector<16xi32>, vector<16xi1>
          %shift_right_arithmetic3A_1378 = arith.constant 5 : i32
          %shift_right_arithmetic3A_1379 = vector.broadcast %shift_right_arithmetic3A_1378 : i32 to vector<16xi32>
          %shift_right_arithmetic3A_1380 = arith.shrsi %sub3A_1371, %shift_right_arithmetic3A_1379 : vector<16xi32>
          %and3A_1381 = arith.constant 31 : i32
          %and3A_1382 = vector.broadcast %and3A_1381 : i32 to vector<16xi32>
          %and3A_1383 = arith.andi %sub3A_1371, %and3A_1382 : vector<16xi32>
          tpu.vector_store_idx %arg12[%shift_right_arithmetic3A_1380, %and3A_1383], %sub3A_1357 masked %and3A_1363 : memref<8x32xi32, #tpu.memory_space<vmem>>[vector<16xi32>, vector<16xi32>], vector<16xi32>, vector<16xi1>
          %reduce_sum3A = arith.constant true
          %reduce_sum3A_1384 = vector.broadcast %reduce_sum3A : i1 to vector<16xi1>
          %reduce_sum3A_1385 = tpu.scan <sum>, %convert_element_type3A_1364 masked %reduce_sum3A_1384 : vector<16xi32>, vector<16xi1> -> vector<16xi32>
          %reduce_sum3A_1386 = vector.extract %reduce_sum3A_1385[15] : i32 from vector<16xi32>
          %add3A_1387 = arith.addi %scan3A_1348, %reduce_sum3A_1386 : i32
          %scan3A_1388 = arith.constant 1 : i32
          %scan3A_1389 = arith.addi %scan3A_1347, %scan3A_1388 : i32
          %mul3A_1390 = arith.constant 16 : i32
          %mul3A_1391 = arith.muli %scan3A_1389, %mul3A_1390 : i32
          %get3A_1392 = arith.index_cast %mul3A_1391 : i32 to index
          %get3A_1393 = tpu.vector_load %arg9[%get3A_1392] {strides = array<i32>} : memref<256xi32, #tpu.memory_space<vmem>>, vector<16xi32>,
          %mul3A_1394 = arith.constant 16 : i32
          %mul3A_1395 = arith.muli %scan3A_1389, %mul3A_1394 : i32
          %get3A_1396 = arith.index_cast %mul3A_1395 : i32 to index
          %get3A_1397 = tpu.vector_load %arg10[%get3A_1396] {strides = array<i32>} : memref<256xi32, #tpu.memory_space<vmem>>, vector<16xi32>,
          %sub3A_1398 = vector.broadcast %mul3A_1090 : i32 to vector<16xi32>
          %sub3A_1399 = arith.subi %get3A_1397, %sub3A_1398 : vector<16xi32>
          %ge3A_1400 = arith.constant 0 : i32
          %ge3A_1401 = vector.broadcast %ge3A_1400 : i32 to vector<16xi32>
          %ge3A_1402 = arith.cmpi sge, %sub3A_1399, %ge3A_1401 : vector<16xi32>
          %lt3A_1403 = arith.constant 5000 : i32
          %lt3A_1404 = vector.broadcast %lt3A_1403 : i32 to vector<16xi32>
          %lt3A_1405 = arith.cmpi slt, %sub3A_1399, %lt3A_1404 : vector<16xi32>
          %and3A_1406 = arith.andi %ge3A_1402, %lt3A_1405 : vector<16xi1>
          %convert_element_type3A_1407 = arith.extui %and3A_1406 : vector<16xi1> to vector<16xi32>
          %cumsum3A_1408 = arith.constant true
          %cumsum3A_1409 = vector.broadcast %cumsum3A_1408 : i1 to vector<16xi1>
          %cumsum3A_1410 = tpu.scan <sum>, %convert_element_type3A_1407 masked %cumsum3A_1409 : vector<16xi32>, vector<16xi1> -> vector<16xi32>
          %add3A_1411 = vector.broadcast %add3A_1387 : i32 to vector<16xi32>
          %add3A_1412 = arith.addi %add3A_1411, %cumsum3A_1410 : vector<16xi32>
          %sub3A_1413 = arith.constant 1 : i32
          %sub3A_1414 = vector.broadcast %sub3A_1413 : i32 to vector<16xi32>
          %sub3A_1415 = arith.subi %add3A_1412, %sub3A_1414 : vector<16xi32>
          %shift_right_arithmetic3A_1416 = arith.constant 5 : i32
          %shift_right_arithmetic3A_1417 = vector.broadcast %shift_right_arithmetic3A_1416 : i32 to vector<16xi32>
          %shift_right_arithmetic3A_1418 = arith.shrsi %sub3A_1415, %shift_right_arithmetic3A_1417 : vector<16xi32>
          %and3A_1419 = arith.constant 31 : i32
          %and3A_1420 = vector.broadcast %and3A_1419 : i32 to vector<16xi32>
          %and3A_1421 = arith.andi %sub3A_1415, %and3A_1420 : vector<16xi32>
          tpu.vector_store_idx %arg11[%shift_right_arithmetic3A_1418, %and3A_1421], %get3A_1393 masked %and3A_1406 : memref<8x32xi32, #tpu.memory_space<vmem>>[vector<16xi32>, vector<16xi32>], vector<16xi32>, vector<16xi1>
          %shift_right_arithmetic3A_1422 = arith.constant 5 : i32
          %shift_right_arithmetic3A_1423 = vector.broadcast %shift_right_arithmetic3A_1422 : i32 to vector<16xi32>
          %shift_right_arithmetic3A_1424 = arith.shrsi %sub3A_1415, %shift_right_arithmetic3A_1423 : vector<16xi32>
          %and3A_1425 = arith.constant 31 : i32
          %and3A_1426 = vector.broadcast %and3A_1425 : i32 to vector<16xi32>
          %and3A_1427 = arith.andi %sub3A_1415, %and3A_1426 : vector<16xi32>
          tpu.vector_store_idx %arg12[%shift_right_arithmetic3A_1424, %and3A_1427], %sub3A_1399 masked %and3A_1406 : memref<8x32xi32, #tpu.memory_space<vmem>>[vector<16xi32>, vector<16xi32>], vector<16xi32>, vector<16xi1>
          %reduce_sum3A_1428 = arith.constant true
          %reduce_sum3A_1429 = vector.broadcast %reduce_sum3A_1428 : i1 to vector<16xi1>
          %reduce_sum3A_1430 = tpu.scan <sum>, %convert_element_type3A_1407 masked %reduce_sum3A_1429 : vector<16xi32>, vector<16xi1> -> vector<16xi32>
          %reduce_sum3A_1431 = vector.extract %reduce_sum3A_1430[15] : i32 from vector<16xi32>
          %add3A_1432 = arith.addi %add3A_1387, %reduce_sum3A_1431 : i32
          %scan3A_1433 = arith.constant 2 : i32
          %scan3A_1434 = arith.addi %scan3A_1347, %scan3A_1433 : i32
          %mul3A_1435 = arith.constant 16 : i32
          %mul3A_1436 = arith.muli %scan3A_1434, %mul3A_1435 : i32
          %get3A_1437 = arith.index_cast %mul3A_1436 : i32 to index
          %get3A_1438 = tpu.vector_load %arg9[%get3A_1437] {strides = array<i32>} : memref<256xi32, #tpu.memory_space<vmem>>, vector<16xi32>,
          %mul3A_1439 = arith.constant 16 : i32
          %mul3A_1440 = arith.muli %scan3A_1434, %mul3A_1439 : i32
          %get3A_1441 = arith.index_cast %mul3A_1440 : i32 to index
          %get3A_1442 = tpu.vector_load %arg10[%get3A_1441] {strides = array<i32>} : memref<256xi32, #tpu.memory_space<vmem>>, vector<16xi32>,
          %sub3A_1443 = vector.broadcast %mul3A_1090 : i32 to vector<16xi32>
          %sub3A_1444 = arith.subi %get3A_1442, %sub3A_1443 : vector<16xi32>
          %ge3A_1445 = arith.constant 0 : i32
          %ge3A_1446 = vector.broadcast %ge3A_1445 : i32 to vector<16xi32>
          %ge3A_1447 = arith.cmpi sge, %sub3A_1444, %ge3A_1446 : vector<16xi32>
          %lt3A_1448 = arith.constant 5000 : i32
          %lt3A_1449 = vector.broadcast %lt3A_1448 : i32 to vector<16xi32>
          %lt3A_1450 = arith.cmpi slt, %sub3A_1444, %lt3A_1449 : vector<16xi32>
          %and3A_1451 = arith.andi %ge3A_1447, %lt3A_1450 : vector<16xi1>
          %convert_element_type3A_1452 = arith.extui %and3A_1451 : vector<16xi1> to vector<16xi32>
          %cumsum3A_1453 = arith.constant true
          %cumsum3A_1454 = vector.broadcast %cumsum3A_1453 : i1 to vector<16xi1>
          %cumsum3A_1455 = tpu.scan <sum>, %convert_element_type3A_1452 masked %cumsum3A_1454 : vector<16xi32>, vector<16xi1> -> vector<16xi32>
          %add3A_1456 = vector.broadcast %add3A_1432 : i32 to vector<16xi32>
          %add3A_1457 = arith.addi %add3A_1456, %cumsum3A_1455 : vector<16xi32>
          %sub3A_1458 = arith.constant 1 : i32
          %sub3A_1459 = vector.broadcast %sub3A_1458 : i32 to vector<16xi32>
          %sub3A_1460 = arith.subi %add3A_1457, %sub3A_1459 : vector<16xi32>
          %shift_right_arithmetic3A_1461 = arith.constant 5 : i32
          %shift_right_arithmetic3A_1462 = vector.broadcast %shift_right_arithmetic3A_1461 : i32 to vector<16xi32>
          %shift_right_arithmetic3A_1463 = arith.shrsi %sub3A_1460, %shift_right_arithmetic3A_1462 : vector<16xi32>
          %and3A_1464 = arith.constant 31 : i32
          %and3A_1465 = vector.broadcast %and3A_1464 : i32 to vector<16xi32>
          %and3A_1466 = arith.andi %sub3A_1460, %and3A_1465 : vector<16xi32>
          tpu.vector_store_idx %arg11[%shift_right_arithmetic3A_1463, %and3A_1466], %get3A_1438 masked %and3A_1451 : memref<8x32xi32, #tpu.memory_space<vmem>>[vector<16xi32>, vector<16xi32>], vector<16xi32>, vector<16xi1>
          %shift_right_arithmetic3A_1467 = arith.constant 5 : i32
          %shift_right_arithmetic3A_1468 = vector.broadcast %shift_right_arithmetic3A_1467 : i32 to vector<16xi32>
          %shift_right_arithmetic3A_1469 = arith.shrsi %sub3A_1460, %shift_right_arithmetic3A_1468 : vector<16xi32>
          %and3A_1470 = arith.constant 31 : i32
          %and3A_1471 = vector.broadcast %and3A_1470 : i32 to vector<16xi32>
          %and3A_1472 = arith.andi %sub3A_1460, %and3A_1471 : vector<16xi32>
          tpu.vector_store_idx %arg12[%shift_right_arithmetic3A_1469, %and3A_1472], %sub3A_1444 masked %and3A_1451 : memref<8x32xi32, #tpu.memory_space<vmem>>[vector<16xi32>, vector<16xi32>], vector<16xi32>, vector<16xi1>
          %reduce_sum3A_1473 = arith.constant true
          %reduce_sum3A_1474 = vector.broadcast %reduce_sum3A_1473 : i1 to vector<16xi1>
          %reduce_sum3A_1475 = tpu.scan <sum>, %convert_element_type3A_1452 masked %reduce_sum3A_1474 : vector<16xi32>, vector<16xi1> -> vector<16xi32>
          %reduce_sum3A_1476 = vector.extract %reduce_sum3A_1475[15] : i32 from vector<16xi32>
          %add3A_1477 = arith.addi %add3A_1432, %reduce_sum3A_1476 : i32
          %scan3A_1478 = arith.constant 3 : i32
          %scan3A_1479 = arith.addi %scan3A_1347, %scan3A_1478 : i32
          %mul3A_1480 = arith.constant 16 : i32
          %mul3A_1481 = arith.muli %scan3A_1479, %mul3A_1480 : i32
          %get3A_1482 = arith.index_cast %mul3A_1481 : i32 to index
          %get3A_1483 = tpu.vector_load %arg9[%get3A_1482] {strides = array<i32>} : memref<256xi32, #tpu.memory_space<vmem>>, vector<16xi32>,
          %mul3A_1484 = arith.constant 16 : i32
          %mul3A_1485 = arith.muli %scan3A_1479, %mul3A_1484 : i32
          %get3A_1486 = arith.index_cast %mul3A_1485 : i32 to index
          %get3A_1487 = tpu.vector_load %arg10[%get3A_1486] {strides = array<i32>} : memref<256xi32, #tpu.memory_space<vmem>>, vector<16xi32>,
          %sub3A_1488 = vector.broadcast %mul3A_1090 : i32 to vector<16xi32>
          %sub3A_1489 = arith.subi %get3A_1487, %sub3A_1488 : vector<16xi32>
          %ge3A_1490 = arith.constant 0 : i32
          %ge3A_1491 = vector.broadcast %ge3A_1490 : i32 to vector<16xi32>
          %ge3A_1492 = arith.cmpi sge, %sub3A_1489, %ge3A_1491 : vector<16xi32>
          %lt3A_1493 = arith.constant 5000 : i32
          %lt3A_1494 = vector.broadcast %lt3A_1493 : i32 to vector<16xi32>
          %lt3A_1495 = arith.cmpi slt, %sub3A_1489, %lt3A_1494 : vector<16xi32>
          %and3A_1496 = arith.andi %ge3A_1492, %lt3A_1495 : vector<16xi1>
          %convert_element_type3A_1497 = arith.extui %and3A_1496 : vector<16xi1> to vector<16xi32>
          %cumsum3A_1498 = arith.constant true
          %cumsum3A_1499 = vector.broadcast %cumsum3A_1498 : i1 to vector<16xi1>
          %cumsum3A_1500 = tpu.scan <sum>, %convert_element_type3A_1497 masked %cumsum3A_1499 : vector<16xi32>, vector<16xi1> -> vector<16xi32>
          %add3A_1501 = vector.broadcast %add3A_1477 : i32 to vector<16xi32>
          %add3A_1502 = arith.addi %add3A_1501, %cumsum3A_1500 : vector<16xi32>
          %sub3A_1503 = arith.constant 1 : i32
          %sub3A_1504 = vector.broadcast %sub3A_1503 : i32 to vector<16xi32>
          %sub3A_1505 = arith.subi %add3A_1502, %sub3A_1504 : vector<16xi32>
          %shift_right_arithmetic3A_1506 = arith.constant 5 : i32
          %shift_right_arithmetic3A_1507 = vector.broadcast %shift_right_arithmetic3A_1506 : i32 to vector<16xi32>
          %shift_right_arithmetic3A_1508 = arith.shrsi %sub3A_1505, %shift_right_arithmetic3A_1507 : vector<16xi32>
          %and3A_1509 = arith.constant 31 : i32
          %and3A_1510 = vector.broadcast %and3A_1509 : i32 to vector<16xi32>
          %and3A_1511 = arith.andi %sub3A_1505, %and3A_1510 : vector<16xi32>
          tpu.vector_store_idx %arg11[%shift_right_arithmetic3A_1508, %and3A_1511], %get3A_1483 masked %and3A_1496 : memref<8x32xi32, #tpu.memory_space<vmem>>[vector<16xi32>, vector<16xi32>], vector<16xi32>, vector<16xi1>
          %shift_right_arithmetic3A_1512 = arith.constant 5 : i32
          %shift_right_arithmetic3A_1513 = vector.broadcast %shift_right_arithmetic3A_1512 : i32 to vector<16xi32>
          %shift_right_arithmetic3A_1514 = arith.shrsi %sub3A_1505, %shift_right_arithmetic3A_1513 : vector<16xi32>
          %and3A_1515 = arith.constant 31 : i32
          %and3A_1516 = vector.broadcast %and3A_1515 : i32 to vector<16xi32>
          %and3A_1517 = arith.andi %sub3A_1505, %and3A_1516 : vector<16xi32>
          tpu.vector_store_idx %arg12[%shift_right_arithmetic3A_1514, %and3A_1517], %sub3A_1489 masked %and3A_1496 : memref<8x32xi32, #tpu.memory_space<vmem>>[vector<16xi32>, vector<16xi32>], vector<16xi32>, vector<16xi1>
          %reduce_sum3A_1518 = arith.constant true
          %reduce_sum3A_1519 = vector.broadcast %reduce_sum3A_1518 : i1 to vector<16xi1>
          %reduce_sum3A_1520 = tpu.scan <sum>, %convert_element_type3A_1497 masked %reduce_sum3A_1519 : vector<16xi32>, vector<16xi1> -> vector<16xi32>
          %reduce_sum3A_1521 = vector.extract %reduce_sum3A_1520[15] : i32 from vector<16xi32>
          %add3A_1522 = arith.addi %add3A_1477, %reduce_sum3A_1521 : i32
          %scan3A_1523 = arith.constant 4 : i32
          %scan3A_1524 = arith.addi %scan3A_1347, %scan3A_1523 : i32
          %mul3A_1525 = arith.constant 16 : i32
          %mul3A_1526 = arith.muli %scan3A_1524, %mul3A_1525 : i32
          %get3A_1527 = arith.index_cast %mul3A_1526 : i32 to index
          %get3A_1528 = tpu.vector_load %arg9[%get3A_1527] {strides = array<i32>} : memref<256xi32, #tpu.memory_space<vmem>>, vector<16xi32>,
          %mul3A_1529 = arith.constant 16 : i32
          %mul3A_1530 = arith.muli %scan3A_1524, %mul3A_1529 : i32
          %get3A_1531 = arith.index_cast %mul3A_1530 : i32 to index
          %get3A_1532 = tpu.vector_load %arg10[%get3A_1531] {strides = array<i32>} : memref<256xi32, #tpu.memory_space<vmem>>, vector<16xi32>,
          %sub3A_1533 = vector.broadcast %mul3A_1090 : i32 to vector<16xi32>
          %sub3A_1534 = arith.subi %get3A_1532, %sub3A_1533 : vector<16xi32>
          %ge3A_1535 = arith.constant 0 : i32
          %ge3A_1536 = vector.broadcast %ge3A_1535 : i32 to vector<16xi32>
          %ge3A_1537 = arith.cmpi sge, %sub3A_1534, %ge3A_1536 : vector<16xi32>
          %lt3A_1538 = arith.constant 5000 : i32
          %lt3A_1539 = vector.broadcast %lt3A_1538 : i32 to vector<16xi32>
          %lt3A_1540 = arith.cmpi slt, %sub3A_1534, %lt3A_1539 : vector<16xi32>
          %and3A_1541 = arith.andi %ge3A_1537, %lt3A_1540 : vector<16xi1>
          %convert_element_type3A_1542 = arith.extui %and3A_1541 : vector<16xi1> to vector<16xi32>
          %cumsum3A_1543 = arith.constant true
          %cumsum3A_1544 = vector.broadcast %cumsum3A_1543 : i1 to vector<16xi1>
          %cumsum3A_1545 = tpu.scan <sum>, %convert_element_type3A_1542 masked %cumsum3A_1544 : vector<16xi32>, vector<16xi1> -> vector<16xi32>
          %add3A_1546 = vector.broadcast %add3A_1522 : i32 to vector<16xi32>
          %add3A_1547 = arith.addi %add3A_1546, %cumsum3A_1545 : vector<16xi32>
          %sub3A_1548 = arith.constant 1 : i32
          %sub3A_1549 = vector.broadcast %sub3A_1548 : i32 to vector<16xi32>
          %sub3A_1550 = arith.subi %add3A_1547, %sub3A_1549 : vector<16xi32>
          %shift_right_arithmetic3A_1551 = arith.constant 5 : i32
          %shift_right_arithmetic3A_1552 = vector.broadcast %shift_right_arithmetic3A_1551 : i32 to vector<16xi32>
          %shift_right_arithmetic3A_1553 = arith.shrsi %sub3A_1550, %shift_right_arithmetic3A_1552 : vector<16xi32>
          %and3A_1554 = arith.constant 31 : i32
          %and3A_1555 = vector.broadcast %and3A_1554 : i32 to vector<16xi32>
          %and3A_1556 = arith.andi %sub3A_1550, %and3A_1555 : vector<16xi32>
          tpu.vector_store_idx %arg11[%shift_right_arithmetic3A_1553, %and3A_1556], %get3A_1528 masked %and3A_1541 : memref<8x32xi32, #tpu.memory_space<vmem>>[vector<16xi32>, vector<16xi32>], vector<16xi32>, vector<16xi1>
          %shift_right_arithmetic3A_1557 = arith.constant 5 : i32
          %shift_right_arithmetic3A_1558 = vector.broadcast %shift_right_arithmetic3A_1557 : i32 to vector<16xi32>
          %shift_right_arithmetic3A_1559 = arith.shrsi %sub3A_1550, %shift_right_arithmetic3A_1558 : vector<16xi32>
          %and3A_1560 = arith.constant 31 : i32
          %and3A_1561 = vector.broadcast %and3A_1560 : i32 to vector<16xi32>
          %and3A_1562 = arith.andi %sub3A_1550, %and3A_1561 : vector<16xi32>
          tpu.vector_store_idx %arg12[%shift_right_arithmetic3A_1559, %and3A_1562], %sub3A_1534 masked %and3A_1541 : memref<8x32xi32, #tpu.memory_space<vmem>>[vector<16xi32>, vector<16xi32>], vector<16xi32>, vector<16xi1>
          %reduce_sum3A_1563 = arith.constant true
          %reduce_sum3A_1564 = vector.broadcast %reduce_sum3A_1563 : i1 to vector<16xi1>
          %reduce_sum3A_1565 = tpu.scan <sum>, %convert_element_type3A_1542 masked %reduce_sum3A_1564 : vector<16xi32>, vector<16xi1> -> vector<16xi32>
          %reduce_sum3A_1566 = vector.extract %reduce_sum3A_1565[15] : i32 from vector<16xi32>
          %add3A_1567 = arith.addi %add3A_1522, %reduce_sum3A_1566 : i32
          %scan3A_1568 = arith.constant 5 : i32
          %scan3A_1569 = arith.addi %scan3A_1347, %scan3A_1568 : i32
          %mul3A_1570 = arith.constant 16 : i32
          %mul3A_1571 = arith.muli %scan3A_1569, %mul3A_1570 : i32
          %get3A_1572 = arith.index_cast %mul3A_1571 : i32 to index
          %get3A_1573 = tpu.vector_load %arg9[%get3A_1572] {strides = array<i32>} : memref<256xi32, #tpu.memory_space<vmem>>, vector<16xi32>,
          %mul3A_1574 = arith.constant 16 : i32
          %mul3A_1575 = arith.muli %scan3A_1569, %mul3A_1574 : i32
          %get3A_1576 = arith.index_cast %mul3A_1575 : i32 to index
          %get3A_1577 = tpu.vector_load %arg10[%get3A_1576] {strides = array<i32>} : memref<256xi32, #tpu.memory_space<vmem>>, vector<16xi32>,
          %sub3A_1578 = vector.broadcast %mul3A_1090 : i32 to vector<16xi32>
          %sub3A_1579 = arith.subi %get3A_1577, %sub3A_1578 : vector<16xi32>
          %ge3A_1580 = arith.constant 0 : i32
          %ge3A_1581 = vector.broadcast %ge3A_1580 : i32 to vector<16xi32>
          %ge3A_1582 = arith.cmpi sge, %sub3A_1579, %ge3A_1581 : vector<16xi32>
          %lt3A_1583 = arith.constant 5000 : i32
          %lt3A_1584 = vector.broadcast %lt3A_1583 : i32 to vector<16xi32>
          %lt3A_1585 = arith.cmpi slt, %sub3A_1579, %lt3A_1584 : vector<16xi32>
          %and3A_1586 = arith.andi %ge3A_1582, %lt3A_1585 : vector<16xi1>
          %convert_element_type3A_1587 = arith.extui %and3A_1586 : vector<16xi1> to vector<16xi32>
          %cumsum3A_1588 = arith.constant true
          %cumsum3A_1589 = vector.broadcast %cumsum3A_1588 : i1 to vector<16xi1>
          %cumsum3A_1590 = tpu.scan <sum>, %convert_element_type3A_1587 masked %cumsum3A_1589 : vector<16xi32>, vector<16xi1> -> vector<16xi32>
          %add3A_1591 = vector.broadcast %add3A_1567 : i32 to vector<16xi32>
          %add3A_1592 = arith.addi %add3A_1591, %cumsum3A_1590 : vector<16xi32>
          %sub3A_1593 = arith.constant 1 : i32
          %sub3A_1594 = vector.broadcast %sub3A_1593 : i32 to vector<16xi32>
          %sub3A_1595 = arith.subi %add3A_1592, %sub3A_1594 : vector<16xi32>
          %shift_right_arithmetic3A_1596 = arith.constant 5 : i32
          %shift_right_arithmetic3A_1597 = vector.broadcast %shift_right_arithmetic3A_1596 : i32 to vector<16xi32>
          %shift_right_arithmetic3A_1598 = arith.shrsi %sub3A_1595, %shift_right_arithmetic3A_1597 : vector<16xi32>
          %and3A_1599 = arith.constant 31 : i32
          %and3A_1600 = vector.broadcast %and3A_1599 : i32 to vector<16xi32>
          %and3A_1601 = arith.andi %sub3A_1595, %and3A_1600 : vector<16xi32>
          tpu.vector_store_idx %arg11[%shift_right_arithmetic3A_1598, %and3A_1601], %get3A_1573 masked %and3A_1586 : memref<8x32xi32, #tpu.memory_space<vmem>>[vector<16xi32>, vector<16xi32>], vector<16xi32>, vector<16xi1>
          %shift_right_arithmetic3A_1602 = arith.constant 5 : i32
          %shift_right_arithmetic3A_1603 = vector.broadcast %shift_right_arithmetic3A_1602 : i32 to vector<16xi32>
          %shift_right_arithmetic3A_1604 = arith.shrsi %sub3A_1595, %shift_right_arithmetic3A_1603 : vector<16xi32>
          %and3A_1605 = arith.constant 31 : i32
          %and3A_1606 = vector.broadcast %and3A_1605 : i32 to vector<16xi32>
          %and3A_1607 = arith.andi %sub3A_1595, %and3A_1606 : vector<16xi32>
          tpu.vector_store_idx %arg12[%shift_right_arithmetic3A_1604, %and3A_1607], %sub3A_1579 masked %and3A_1586 : memref<8x32xi32, #tpu.memory_space<vmem>>[vector<16xi32>, vector<16xi32>], vector<16xi32>, vector<16xi1>
          %reduce_sum3A_1608 = arith.constant true
          %reduce_sum3A_1609 = vector.broadcast %reduce_sum3A_1608 : i1 to vector<16xi1>
          %reduce_sum3A_1610 = tpu.scan <sum>, %convert_element_type3A_1587 masked %reduce_sum3A_1609 : vector<16xi32>, vector<16xi1> -> vector<16xi32>
          %reduce_sum3A_1611 = vector.extract %reduce_sum3A_1610[15] : i32 from vector<16xi32>
          %add3A_1612 = arith.addi %add3A_1567, %reduce_sum3A_1611 : i32
          %scan3A_1613 = arith.constant 6 : i32
          %scan3A_1614 = arith.addi %scan3A_1347, %scan3A_1613 : i32
          %mul3A_1615 = arith.constant 16 : i32
          %mul3A_1616 = arith.muli %scan3A_1614, %mul3A_1615 : i32
          %get3A_1617 = arith.index_cast %mul3A_1616 : i32 to index
          %get3A_1618 = tpu.vector_load %arg9[%get3A_1617] {strides = array<i32>} : memref<256xi32, #tpu.memory_space<vmem>>, vector<16xi32>,
          %mul3A_1619 = arith.constant 16 : i32
          %mul3A_1620 = arith.muli %scan3A_1614, %mul3A_1619 : i32
          %get3A_1621 = arith.index_cast %mul3A_1620 : i32 to index
          %get3A_1622 = tpu.vector_load %arg10[%get3A_1621] {strides = array<i32>} : memref<256xi32, #tpu.memory_space<vmem>>, vector<16xi32>,
          %sub3A_1623 = vector.broadcast %mul3A_1090 : i32 to vector<16xi32>
          %sub3A_1624 = arith.subi %get3A_1622, %sub3A_1623 : vector<16xi32>
          %ge3A_1625 = arith.constant 0 : i32
          %ge3A_1626 = vector.broadcast %ge3A_1625 : i32 to vector<16xi32>
          %ge3A_1627 = arith.cmpi sge, %sub3A_1624, %ge3A_1626 : vector<16xi32>
          %lt3A_1628 = arith.constant 5000 : i32
          %lt3A_1629 = vector.broadcast %lt3A_1628 : i32 to vector<16xi32>
          %lt3A_1630 = arith.cmpi slt, %sub3A_1624, %lt3A_1629 : vector<16xi32>
          %and3A_1631 = arith.andi %ge3A_1627, %lt3A_1630 : vector<16xi1>
          %convert_element_type3A_1632 = arith.extui %and3A_1631 : vector<16xi1> to vector<16xi32>
          %cumsum3A_1633 = arith.constant true
          %cumsum3A_1634 = vector.broadcast %cumsum3A_1633 : i1 to vector<16xi1>
          %cumsum3A_1635 = tpu.scan <sum>, %convert_element_type3A_1632 masked %cumsum3A_1634 : vector<16xi32>, vector<16xi1> -> vector<16xi32>
          %add3A_1636 = vector.broadcast %add3A_1612 : i32 to vector<16xi32>
          %add3A_1637 = arith.addi %add3A_1636, %cumsum3A_1635 : vector<16xi32>
          %sub3A_1638 = arith.constant 1 : i32
          %sub3A_1639 = vector.broadcast %sub3A_1638 : i32 to vector<16xi32>
          %sub3A_1640 = arith.subi %add3A_1637, %sub3A_1639 : vector<16xi32>
          %shift_right_arithmetic3A_1641 = arith.constant 5 : i32
          %shift_right_arithmetic3A_1642 = vector.broadcast %shift_right_arithmetic3A_1641 : i32 to vector<16xi32>
          %shift_right_arithmetic3A_1643 = arith.shrsi %sub3A_1640, %shift_right_arithmetic3A_1642 : vector<16xi32>
          %and3A_1644 = arith.constant 31 : i32
          %and3A_1645 = vector.broadcast %and3A_1644 : i32 to vector<16xi32>
          %and3A_1646 = arith.andi %sub3A_1640, %and3A_1645 : vector<16xi32>
          tpu.vector_store_idx %arg11[%shift_right_arithmetic3A_1643, %and3A_1646], %get3A_1618 masked %and3A_1631 : memref<8x32xi32, #tpu.memory_space<vmem>>[vector<16xi32>, vector<16xi32>], vector<16xi32>, vector<16xi1>
          %shift_right_arithmetic3A_1647 = arith.constant 5 : i32
          %shift_right_arithmetic3A_1648 = vector.broadcast %shift_right_arithmetic3A_1647 : i32 to vector<16xi32>
          %shift_right_arithmetic3A_1649 = arith.shrsi %sub3A_1640, %shift_right_arithmetic3A_1648 : vector<16xi32>
          %and3A_1650 = arith.constant 31 : i32
          %and3A_1651 = vector.broadcast %and3A_1650 : i32 to vector<16xi32>
          %and3A_1652 = arith.andi %sub3A_1640, %and3A_1651 : vector<16xi32>
          tpu.vector_store_idx %arg12[%shift_right_arithmetic3A_1649, %and3A_1652], %sub3A_1624 masked %and3A_1631 : memref<8x32xi32, #tpu.memory_space<vmem>>[vector<16xi32>, vector<16xi32>], vector<16xi32>, vector<16xi1>
          %reduce_sum3A_1653 = arith.constant true
          %reduce_sum3A_1654 = vector.broadcast %reduce_sum3A_1653 : i1 to vector<16xi1>
          %reduce_sum3A_1655 = tpu.scan <sum>, %convert_element_type3A_1632 masked %reduce_sum3A_1654 : vector<16xi32>, vector<16xi1> -> vector<16xi32>
          %reduce_sum3A_1656 = vector.extract %reduce_sum3A_1655[15] : i32 from vector<16xi32>
          %add3A_1657 = arith.addi %add3A_1612, %reduce_sum3A_1656 : i32
          scf.yield %add3A_1657 : i32
        }
        %scan3A_1346 = arith.constant 14 : i32
        scf.yield %scan3A_1345 : i32
      }
      %add3A_1254 = arith.constant 1 : i32
      %add3A_1255 = arith.addi %scan3A_1246, %add3A_1254 : i32
      %lt3A = arith.constant 90 : i32
      %lt3A_1256 = arith.cmpi slt, %add3A_1255, %lt3A : i32
      %convert_element_type3A_1257 = arith.extui %lt3A_1256 : i1 to i32
      %cond3A_1258 = arith.constant 0 : i32
      %cond3A_1259 = arith.cmpi ne, %convert_element_type3A_1257, %cond3A_1258 : i32
      scf.if %cond3A_1259 {
        %mul3A_1340 = arith.constant 20000 : i32
        %mul3A_1341 = arith.muli %arg1, %mul3A_1340 : i32
        %add3A_1342 = arith.constant 1 : i32
        %add3A_1343 = arith.addi %scan3A_1246, %add3A_1342 : i32
        %eq3A_1344 = arith.constant 89 : i32
        %eq3A_1345 = arith.cmpi eq, %add3A_1343, %eq3A_1344 : i32
        %add3A_1346 = arith.constant 1 : i32
        %add3A_1347 = arith.addi %scan3A_1246, %add3A_1346 : i32
        %mul3A_1348 = arith.constant 224 : i32
        %mul3A_1349 = arith.muli %add3A_1347, %mul3A_1348 : i32
        %jit3A = arith.constant 19776 : i32
        %select_n3A = arith.select %eq3A_1345, %jit3A, %mul3A_1349 : i32
        %add3A_1350 = arith.addi %mul3A_1341, %select_n3A : i32
        %dma_start3A_1351 = arith.constant 0 : i32
        %dma_start3A_1352 = tpu.memref_slice %arg9[%dma_start3A_1351] : memref<256xi32, #tpu.memory_space<vmem>> -> memref<224xi32, #tpu.memory_space<vmem>>
        %dma_start3A_1353 = tpu.memref_slice %arg3[%add3A_1350] : memref<320000xi32, #tpu.memory_space<hbm>> -> memref<224xi32, #tpu.memory_space<hbm>>
        %dma_start3A_1354 = arith.constant 0 : i32
        %dma_start3A_1355 = tpu.memref_slice %arg9[%dma_start3A_1354] : memref<256xi32, #tpu.memory_space<vmem>> -> memref<224xi32, #tpu.memory_space<vmem>>
        %dma_start3A_1356 = tpu.memref_slice %arg3[%add3A_1350] : memref<320000xi32, #tpu.memory_space<hbm>> -> memref<224xi32, #tpu.memory_space<hbm>>
        tpu.enqueue_dma source(%dma_start3A_1356 : memref<224xi32, #tpu.memory_space<hbm>>) target(%dma_start3A_1355 : memref<224xi32, #tpu.memory_space<vmem>>) target_semaphore(%arg20 : memref<!tpu.dma_semaphore, #tpu.memory_space<semaphore_mem>>)
        %dma_start3A_1357 = arith.constant 0 : i32
        %dma_start3A_1358 = tpu.memref_slice %arg10[%dma_start3A_1357] : memref<256xi32, #tpu.memory_space<vmem>> -> memref<224xi32, #tpu.memory_space<vmem>>
        %dma_start3A_1359 = tpu.memref_slice %arg4[%add3A_1350] : memref<320000xi32, #tpu.memory_space<hbm>> -> memref<224xi32, #tpu.memory_space<hbm>>
        %dma_start3A_1360 = arith.constant 0 : i32
        %dma_start3A_1361 = tpu.memref_slice %arg10[%dma_start3A_1360] : memref<256xi32, #tpu.memory_space<vmem>> -> memref<224xi32, #tpu.memory_space<vmem>>
        %dma_start3A_1362 = tpu.memref_slice %arg4[%add3A_1350] : memref<320000xi32, #tpu.memory_space<hbm>> -> memref<224xi32, #tpu.memory_space<hbm>>
        tpu.enqueue_dma source(%dma_start3A_1362 : memref<224xi32, #tpu.memory_space<hbm>>) target(%dma_start3A_1361 : memref<224xi32, #tpu.memory_space<vmem>>) target_semaphore(%arg20 : memref<!tpu.dma_semaphore, #tpu.memory_space<semaphore_mem>>)
      } else {
      }
      %add3A_1260 = arith.constant 0 : i32
      %add3A_1261 = arith.addi %cond3A_1253, %add3A_1260 : i32
      %add3A_1262 = vector.broadcast %add3A_1261 : i32 to vector<16xi32>
      %add3A_1263 = arith.addi %add3A_1262, %iota3A : vector<16xi32>
      %shift_right_arithmetic3A = arith.constant 5 : i32
      %shift_right_arithmetic3A_1264 = vector.broadcast %shift_right_arithmetic3A : i32 to vector<16xi32>
      %shift_right_arithmetic3A_1265 = arith.shrsi %add3A_1263, %shift_right_arithmetic3A_1264 : vector<16xi32>
      %and3A = arith.constant 31 : i32
      %and3A_1266 = vector.broadcast %and3A : i32 to vector<16xi32>
      %and3A_1267 = arith.andi %add3A_1263, %and3A_1266 : vector<16xi32>
      tpu.vector_store_idx %arg11[%shift_right_arithmetic3A_1265, %and3A_1267], %broadcast_in_dim3A_1096 masked %broadcast_in_dim3A_1092 : memref<8x32xi32, #tpu.memory_space<vmem>>[vector<16xi32>, vector<16xi32>], vector<16xi32>, vector<16xi1>
      %shift_right_arithmetic3A_1268 = arith.constant 5 : i32
      %shift_right_arithmetic3A_1269 = vector.broadcast %shift_right_arithmetic3A_1268 : i32 to vector<16xi32>
      %shift_right_arithmetic3A_1270 = arith.shrsi %add3A_1263, %shift_right_arithmetic3A_1269 : vector<16xi32>
      %and3A_1271 = arith.constant 31 : i32
      %and3A_1272 = vector.broadcast %and3A_1271 : i32 to vector<16xi32>
      %and3A_1273 = arith.andi %add3A_1263, %and3A_1272 : vector<16xi32>
      tpu.vector_store_idx %arg12[%shift_right_arithmetic3A_1270, %and3A_1273], %broadcast_in_dim3A_1094 masked %broadcast_in_dim3A_1092 : memref<8x32xi32, #tpu.memory_space<vmem>>[vector<16xi32>, vector<16xi32>], vector<16xi32>, vector<16xi1>
      %add3A_1274 = arith.constant 16 : i32
      %add3A_1275 = arith.addi %cond3A_1253, %add3A_1274 : i32
      %add3A_1276 = vector.broadcast %add3A_1275 : i32 to vector<16xi32>
      %add3A_1277 = arith.addi %add3A_1276, %iota3A : vector<16xi32>
      %shift_right_arithmetic3A_1278 = arith.constant 5 : i32
      %shift_right_arithmetic3A_1279 = vector.broadcast %shift_right_arithmetic3A_1278 : i32 to vector<16xi32>
      %shift_right_arithmetic3A_1280 = arith.shrsi %add3A_1277, %shift_right_arithmetic3A_1279 : vector<16xi32>
      %and3A_1281 = arith.constant 31 : i32
      %and3A_1282 = vector.broadcast %and3A_1281 : i32 to vector<16xi32>
      %and3A_1283 = arith.andi %add3A_1277, %and3A_1282 : vector<16xi32>
      tpu.vector_store_idx %arg11[%shift_right_arithmetic3A_1280, %and3A_1283], %broadcast_in_dim3A_1096 masked %broadcast_in_dim3A_1092 : memref<8x32xi32, #tpu.memory_space<vmem>>[vector<16xi32>, vector<16xi32>], vector<16xi32>, vector<16xi1>
      %shift_right_arithmetic3A_1284 = arith.constant 5 : i32
      %shift_right_arithmetic3A_1285 = vector.broadcast %shift_right_arithmetic3A_1284 : i32 to vector<16xi32>
      %shift_right_arithmetic3A_1286 = arith.shrsi %add3A_1277, %shift_right_arithmetic3A_1285 : vector<16xi32>
      %and3A_1287 = arith.constant 31 : i32
      %and3A_1288 = vector.broadcast %and3A_1287 : i32 to vector<16xi32>
      %and3A_1289 = arith.andi %add3A_1277, %and3A_1288 : vector<16xi32>
      tpu.vector_store_idx %arg12[%shift_right_arithmetic3A_1286, %and3A_1289], %broadcast_in_dim3A_1094 masked %broadcast_in_dim3A_1092 : memref<8x32xi32, #tpu.memory_space<vmem>>[vector<16xi32>, vector<16xi32>], vector<16xi32>, vector<16xi1>
      %add3A_1290 = arith.constant 31 : i32
      %add3A_1291 = arith.addi %cond3A_1253, %add3A_1290 : i32
      %shift_right_arithmetic3A_1292 = arith.constant 5 : i32
      %shift_right_arithmetic3A_1293 = arith.shrsi %add3A_1291, %shift_right_arithmetic3A_1292 : i32
      %shift_right_arithmetic3A_1294 = arith.constant 1 : i32
      %shift_right_arithmetic3A_1295 = arith.shrsi %shift_right_arithmetic3A_1293, %shift_right_arithmetic3A_1294 : i32
      %gt3A = arith.constant 0 : i32
      %gt3A_1296 = arith.cmpi sgt, %shift_right_arithmetic3A_1295, %gt3A : i32
      %convert_element_type3A_1297 = arith.extui %gt3A_1296 : i1 to i32
      %cond3A_1298 = arith.constant 0 : i32
      %cond3A_1299 = arith.cmpi ne, %convert_element_type3A_1297, %cond3A_1298 : i32
      scf.if %cond3A_1299 {
        %dma_start3A_1340 = arith.constant 0 : i32
        %dma_start3A_1341 = arith.constant 0 : i32
        %dma_start3A_1342 = tpu.memref_slice %arg11[%dma_start3A_1340, %dma_start3A_1341] : memref<8x32xi32, #tpu.memory_space<vmem>> -> memref<1x32xi32, #tpu.memory_space<vmem>>
        %dma_start3A_1343 = tpu.memref_squeeze %dma_start3A_1342 : memref<1x32xi32, #tpu.memory_space<vmem>> -> memref<32xi32, #tpu.memory_space<vmem>>
        %dma_start3A_1344 = arith.constant 0 : i32
        %dma_start3A_1345 = arith.constant 0 : i32
        %dma_start3A_1346 = tpu.memref_slice %arg8[%dma_start3A_1344, %dma_start3A_1345] : memref<10000x128xf32, #tpu.memory_space<vmem_shared>> -> memref<10000x128xf32, #tpu.memory_space<vmem_shared>>
        tpu.enqueue_indirect_dma source(%dma_start3A_1346 : memref<10000x128xf32, #tpu.memory_space<vmem_shared>>) target(%arg13 : memref<32x128xf32, #tpu.memory_space<vmem>>) offsets(%dma_start3A_1343 : memref<32xi32, #tpu.memory_space<vmem>>) semaphore(%arg16 : memref<!tpu.dma_semaphore, #tpu.memory_space<semaphore_mem>>)
        %dma_start3A_1347 = arith.constant 1 : i32
        %dma_start3A_1348 = arith.constant 0 : i32
        %dma_start3A_1349 = tpu.memref_slice %arg11[%dma_start3A_1347, %dma_start3A_1348] : memref<8x32xi32, #tpu.memory_space<vmem>> -> memref<1x32xi32, #tpu.memory_space<vmem>>
        %dma_start3A_1350 = tpu.memref_squeeze %dma_start3A_1349 : memref<1x32xi32, #tpu.memory_space<vmem>> -> memref<32xi32, #tpu.memory_space<vmem>>
        %dma_start3A_1351 = arith.constant 0 : i32
        %dma_start3A_1352 = arith.constant 0 : i32
        %dma_start3A_1353 = tpu.memref_slice %arg8[%dma_start3A_1351, %dma_start3A_1352] : memref<10000x128xf32, #tpu.memory_space<vmem_shared>> -> memref<10000x128xf32, #tpu.memory_space<vmem_shared>>
        tpu.enqueue_indirect_dma source(%dma_start3A_1353 : memref<10000x128xf32, #tpu.memory_space<vmem_shared>>) target(%arg14 : memref<32x128xf32, #tpu.memory_space<vmem>>) offsets(%dma_start3A_1350 : memref<32xi32, #tpu.memory_space<vmem>>) semaphore(%arg17 : memref<!tpu.dma_semaphore, #tpu.memory_space<semaphore_mem>>)
        %dma_wait3A_1354 = arith.constant 0 : i32
        %dma_wait3A_1355 = arith.constant 0 : i32
        %dma_wait3A_1356 = tpu.memref_slice %arg11[%dma_wait3A_1354, %dma_wait3A_1355] : memref<8x32xi32, #tpu.memory_space<vmem>> -> memref<1x32xi32, #tpu.memory_space<vmem>>
        %dma_wait3A_1357 = tpu.memref_squeeze %dma_wait3A_1356 : memref<1x32xi32, #tpu.memory_space<vmem>> -> memref<32xi32, #tpu.memory_space<vmem>>
        %dma_wait3A_1358 = arith.constant 0 : i32
        %dma_wait3A_1359 = arith.constant 0 : i32
        %dma_wait3A_1360 = tpu.memref_slice %arg8[%dma_wait3A_1358, %dma_wait3A_1359] : memref<10000x128xf32, #tpu.memory_space<vmem_shared>> -> memref<10000x128xf32, #tpu.memory_space<vmem_shared>>
        tpu.wait_indirect_dma semaphore(%arg16 : memref<!tpu.dma_semaphore, #tpu.memory_space<semaphore_mem>>) src(%dma_wait3A_1360 : memref<10000x128xf32, #tpu.memory_space<vmem_shared>>) dst(%arg13 : memref<32x128xf32, #tpu.memory_space<vmem>>)
        %dma_start3A_1361 = arith.constant 0 : i32
        %dma_start3A_1362 = arith.constant 0 : i32
        %dma_start3A_1363 = tpu.memref_slice %arg12[%dma_start3A_1361, %dma_start3A_1362] : memref<8x32xi32, #tpu.memory_space<vmem>> -> memref<1x32xi32, #tpu.memory_space<vmem>>
        %dma_start3A_1364 = tpu.memref_squeeze %dma_start3A_1363 : memref<1x32xi32, #tpu.memory_space<vmem>> -> memref<32xi32, #tpu.memory_space<vmem>>
        %dma_start3A_1365 = arith.constant 0 : i32
        %dma_start3A_1366 = arith.constant 0 : i32
        %dma_start3A_1367 = tpu.memref_slice %arg7[%dma_start3A_1365, %dma_start3A_1366] : memref<5008x128xf32, #tpu.memory_space<vmem_shared>> -> memref<5008x128xf32, #tpu.memory_space<vmem_shared>>
        tpu.enqueue_indirect_dma source(%arg13 : memref<32x128xf32, #tpu.memory_space<vmem>>) target(%dma_start3A_1367 : memref<5008x128xf32, #tpu.memory_space<vmem_shared>>) offsets(%dma_start3A_1364 : memref<32xi32, #tpu.memory_space<vmem>>) semaphore(%arg18 : memref<!tpu.dma_semaphore, #tpu.memory_space<semaphore_mem>>) {add = true}
        %dma_wait3A_1368 = arith.constant 1 : i32
        %dma_wait3A_1369 = arith.constant 0 : i32
        %dma_wait3A_1370 = tpu.memref_slice %arg11[%dma_wait3A_1368, %dma_wait3A_1369] : memref<8x32xi32, #tpu.memory_space<vmem>> -> memref<1x32xi32, #tpu.memory_space<vmem>>
        %dma_wait3A_1371 = tpu.memref_squeeze %dma_wait3A_1370 : memref<1x32xi32, #tpu.memory_space<vmem>> -> memref<32xi32, #tpu.memory_space<vmem>>
        %dma_wait3A_1372 = arith.constant 0 : i32
        %dma_wait3A_1373 = arith.constant 0 : i32
        %dma_wait3A_1374 = tpu.memref_slice %arg8[%dma_wait3A_1372, %dma_wait3A_1373] : memref<10000x128xf32, #tpu.memory_space<vmem_shared>> -> memref<10000x128xf32, #tpu.memory_space<vmem_shared>>
        tpu.wait_indirect_dma semaphore(%arg17 : memref<!tpu.dma_semaphore, #tpu.memory_space<semaphore_mem>>) src(%dma_wait3A_1374 : memref<10000x128xf32, #tpu.memory_space<vmem_shared>>) dst(%arg14 : memref<32x128xf32, #tpu.memory_space<vmem>>)
        %dma_start3A_1375 = arith.constant 1 : i32
        %dma_start3A_1376 = arith.constant 0 : i32
        %dma_start3A_1377 = tpu.memref_slice %arg12[%dma_start3A_1375, %dma_start3A_1376] : memref<8x32xi32, #tpu.memory_space<vmem>> -> memref<1x32xi32, #tpu.memory_space<vmem>>
        %dma_start3A_1378 = tpu.memref_squeeze %dma_start3A_1377 : memref<1x32xi32, #tpu.memory_space<vmem>> -> memref<32xi32, #tpu.memory_space<vmem>>
        %dma_start3A_1379 = arith.constant 0 : i32
        %dma_start3A_1380 = arith.constant 0 : i32
        %dma_start3A_1381 = tpu.memref_slice %arg7[%dma_start3A_1379, %dma_start3A_1380] : memref<5008x128xf32, #tpu.memory_space<vmem_shared>> -> memref<5008x128xf32, #tpu.memory_space<vmem_shared>>
        tpu.enqueue_indirect_dma source(%arg14 : memref<32x128xf32, #tpu.memory_space<vmem>>) target(%dma_start3A_1381 : memref<5008x128xf32, #tpu.memory_space<vmem_shared>>) offsets(%dma_start3A_1378 : memref<32xi32, #tpu.memory_space<vmem>>) semaphore(%arg19 : memref<!tpu.dma_semaphore, #tpu.memory_space<semaphore_mem>>) {add = true}
      } else {
      }
      %gt3A_1300 = arith.constant 1 : i32
      %gt3A_1301 = arith.cmpi sgt, %shift_right_arithmetic3A_1295, %gt3A_1300 : i32
      %convert_element_type3A_1302 = arith.extui %gt3A_1301 : i1 to i32
      %cond3A_1303 = arith.constant 0 : i32
      %cond3A_1304 = arith.cmpi ne, %convert_element_type3A_1302, %cond3A_1303 : i32
      scf.if %cond3A_1304 {
        %dma_wait3A_1340 = arith.constant 0 : i32
        %dma_wait3A_1341 = arith.constant 0 : i32
        %dma_wait3A_1342 = tpu.memref_slice %arg12[%dma_wait3A_1340, %dma_wait3A_1341] : memref<8x32xi32, #tpu.memory_space<vmem>> -> memref<1x32xi32, #tpu.memory_space<vmem>>
        %dma_wait3A_1343 = tpu.memref_squeeze %dma_wait3A_1342 : memref<1x32xi32, #tpu.memory_space<vmem>> -> memref<32xi32, #tpu.memory_space<vmem>>
        %dma_wait3A_1344 = arith.constant 0 : i32
        %dma_wait3A_1345 = arith.constant 0 : i32
        %dma_wait3A_1346 = tpu.memref_slice %arg7[%dma_wait3A_1344, %dma_wait3A_1345] : memref<5008x128xf32, #tpu.memory_space<vmem_shared>> -> memref<5008x128xf32, #tpu.memory_space<vmem_shared>>
        tpu.wait_indirect_dma semaphore(%arg18 : memref<!tpu.dma_semaphore, #tpu.memory_space<semaphore_mem>>) src(%arg13 : memref<32x128xf32, #tpu.memory_space<vmem>>) dst(%dma_wait3A_1346 : memref<5008x128xf32, #tpu.memory_space<vmem_shared>>)
        %dma_start3A_1347 = arith.constant 2 : i32
        %dma_start3A_1348 = arith.constant 0 : i32
        %dma_start3A_1349 = tpu.memref_slice %arg11[%dma_start3A_1347, %dma_start3A_1348] : memref<8x32xi32, #tpu.memory_space<vmem>> -> memref<1x32xi32, #tpu.memory_space<vmem>>
        %dma_start3A_1350 = tpu.memref_squeeze %dma_start3A_1349 : memref<1x32xi32, #tpu.memory_space<vmem>> -> memref<32xi32, #tpu.memory_space<vmem>>
        %dma_start3A_1351 = arith.constant 0 : i32
        %dma_start3A_1352 = arith.constant 0 : i32
        %dma_start3A_1353 = tpu.memref_slice %arg8[%dma_start3A_1351, %dma_start3A_1352] : memref<10000x128xf32, #tpu.memory_space<vmem_shared>> -> memref<10000x128xf32, #tpu.memory_space<vmem_shared>>
        tpu.enqueue_indirect_dma source(%dma_start3A_1353 : memref<10000x128xf32, #tpu.memory_space<vmem_shared>>) target(%arg13 : memref<32x128xf32, #tpu.memory_space<vmem>>) offsets(%dma_start3A_1350 : memref<32xi32, #tpu.memory_space<vmem>>) semaphore(%arg16 : memref<!tpu.dma_semaphore, #tpu.memory_space<semaphore_mem>>)
        %dma_wait3A_1354 = arith.constant 0 : i32
        %dma_wait3A_1355 = arith.constant 0 : i32
        %dma_wait3A_1356 = tpu.memref_slice %arg12[%dma_wait3A_1354, %dma_wait3A_1355] : memref<8x32xi32, #tpu.memory_space<vmem>> -> memref<1x32xi32, #tpu.memory_space<vmem>>
        %dma_wait3A_1357 = tpu.memref_squeeze %dma_wait3A_1356 : memref<1x32xi32, #tpu.memory_space<vmem>> -> memref<32xi32, #tpu.memory_space<vmem>>
        %dma_wait3A_1358 = arith.constant 0 : i32
        %dma_wait3A_1359 = arith.constant 0 : i32
        %dma_wait3A_1360 = tpu.memref_slice %arg7[%dma_wait3A_1358, %dma_wait3A_1359] : memref<5008x128xf32, #tpu.memory_space<vmem_shared>> -> memref<5008x128xf32, #tpu.memory_space<vmem_shared>>
        tpu.wait_indirect_dma semaphore(%arg19 : memref<!tpu.dma_semaphore, #tpu.memory_space<semaphore_mem>>) src(%arg14 : memref<32x128xf32, #tpu.memory_space<vmem>>) dst(%dma_wait3A_1360 : memref<5008x128xf32, #tpu.memory_space<vmem_shared>>)
        %dma_start3A_1361 = arith.constant 3 : i32
        %dma_start3A_1362 = arith.constant 0 : i32
        %dma_start3A_1363 = tpu.memref_slice %arg11[%dma_start3A_1361, %dma_start3A_1362] : memref<8x32xi32, #tpu.memory_space<vmem>> -> memref<1x32xi32, #tpu.memory_space<vmem>>
        %dma_start3A_1364 = tpu.memref_squeeze %dma_start3A_1363 : memref<1x32xi32, #tpu.memory_space<vmem>> -> memref<32xi32, #tpu.memory_space<vmem>>
        %dma_start3A_1365 = arith.constant 0 : i32
        %dma_start3A_1366 = arith.constant 0 : i32
        %dma_start3A_1367 = tpu.memref_slice %arg8[%dma_start3A_1365, %dma_start3A_1366] : memref<10000x128xf32, #tpu.memory_space<vmem_shared>> -> memref<10000x128xf32, #tpu.memory_space<vmem_shared>>
        tpu.enqueue_indirect_dma source(%dma_start3A_1367 : memref<10000x128xf32, #tpu.memory_space<vmem_shared>>) target(%arg14 : memref<32x128xf32, #tpu.memory_space<vmem>>) offsets(%dma_start3A_1364 : memref<32xi32, #tpu.memory_space<vmem>>) semaphore(%arg17 : memref<!tpu.dma_semaphore, #tpu.memory_space<semaphore_mem>>)
        %dma_wait3A_1368 = arith.constant 2 : i32
        %dma_wait3A_1369 = arith.constant 0 : i32
        %dma_wait3A_1370 = tpu.memref_slice %arg11[%dma_wait3A_1368, %dma_wait3A_1369] : memref<8x32xi32, #tpu.memory_space<vmem>> -> memref<1x32xi32, #tpu.memory_space<vmem>>
        %dma_wait3A_1371 = tpu.memref_squeeze %dma_wait3A_1370 : memref<1x32xi32, #tpu.memory_space<vmem>> -> memref<32xi32, #tpu.memory_space<vmem>>
        %dma_wait3A_1372 = arith.constant 0 : i32
        %dma_wait3A_1373 = arith.constant 0 : i32
        %dma_wait3A_1374 = tpu.memref_slice %arg8[%dma_wait3A_1372, %dma_wait3A_1373] : memref<10000x128xf32, #tpu.memory_space<vmem_shared>> -> memref<10000x128xf32, #tpu.memory_space<vmem_shared>>
        tpu.wait_indirect_dma semaphore(%arg16 : memref<!tpu.dma_semaphore, #tpu.memory_space<semaphore_mem>>) src(%dma_wait3A_1374 : memref<10000x128xf32, #tpu.memory_space<vmem_shared>>) dst(%arg13 : memref<32x128xf32, #tpu.memory_space<vmem>>)
        %dma_start3A_1375 = arith.constant 2 : i32
        %dma_start3A_1376 = arith.constant 0 : i32
        %dma_start3A_1377 = tpu.memref_slice %arg12[%dma_start3A_1375, %dma_start3A_1376] : memref<8x32xi32, #tpu.memory_space<vmem>> -> memref<1x32xi32, #tpu.memory_space<vmem>>
        %dma_start3A_1378 = tpu.memref_squeeze %dma_start3A_1377 : memref<1x32xi32, #tpu.memory_space<vmem>> -> memref<32xi32, #tpu.memory_space<vmem>>
        %dma_start3A_1379 = arith.constant 0 : i32
        %dma_start3A_1380 = arith.constant 0 : i32
        %dma_start3A_1381 = tpu.memref_slice %arg7[%dma_start3A_1379, %dma_start3A_1380] : memref<5008x128xf32, #tpu.memory_space<vmem_shared>> -> memref<5008x128xf32, #tpu.memory_space<vmem_shared>>
        tpu.enqueue_indirect_dma source(%arg13 : memref<32x128xf32, #tpu.memory_space<vmem>>) target(%dma_start3A_1381 : memref<5008x128xf32, #tpu.memory_space<vmem_shared>>) offsets(%dma_start3A_1378 : memref<32xi32, #tpu.memory_space<vmem>>) semaphore(%arg18 : memref<!tpu.dma_semaphore, #tpu.memory_space<semaphore_mem>>) {add = true}
        %dma_wait3A_1382 = arith.constant 3 : i32
        %dma_wait3A_1383 = arith.constant 0 : i32
        %dma_wait3A_1384 = tpu.memref_slice %arg11[%dma_wait3A_1382, %dma_wait3A_1383] : memref<8x32xi32, #tpu.memory_space<vmem>> -> memref<1x32xi32, #tpu.memory_space<vmem>>
        %dma_wait3A_1385 = tpu.memref_squeeze %dma_wait3A_1384 : memref<1x32xi32, #tpu.memory_space<vmem>> -> memref<32xi32, #tpu.memory_space<vmem>>
        %dma_wait3A_1386 = arith.constant 0 : i32
        %dma_wait3A_1387 = arith.constant 0 : i32
        %dma_wait3A_1388 = tpu.memref_slice %arg8[%dma_wait3A_1386, %dma_wait3A_1387] : memref<10000x128xf32, #tpu.memory_space<vmem_shared>> -> memref<10000x128xf32, #tpu.memory_space<vmem_shared>>
        tpu.wait_indirect_dma semaphore(%arg17 : memref<!tpu.dma_semaphore, #tpu.memory_space<semaphore_mem>>) src(%dma_wait3A_1388 : memref<10000x128xf32, #tpu.memory_space<vmem_shared>>) dst(%arg14 : memref<32x128xf32, #tpu.memory_space<vmem>>)
        %dma_start3A_1389 = arith.constant 3 : i32
        %dma_start3A_1390 = arith.constant 0 : i32
        %dma_start3A_1391 = tpu.memref_slice %arg12[%dma_start3A_1389, %dma_start3A_1390] : memref<8x32xi32, #tpu.memory_space<vmem>> -> memref<1x32xi32, #tpu.memory_space<vmem>>
        %dma_start3A_1392 = tpu.memref_squeeze %dma_start3A_1391 : memref<1x32xi32, #tpu.memory_space<vmem>> -> memref<32xi32, #tpu.memory_space<vmem>>
        %dma_start3A_1393 = arith.constant 0 : i32
        %dma_start3A_1394 = arith.constant 0 : i32
        %dma_start3A_1395 = tpu.memref_slice %arg7[%dma_start3A_1393, %dma_start3A_1394] : memref<5008x128xf32, #tpu.memory_space<vmem_shared>> -> memref<5008x128xf32, #tpu.memory_space<vmem_shared>>
        tpu.enqueue_indirect_dma source(%arg14 : memref<32x128xf32, #tpu.memory_space<vmem>>) target(%dma_start3A_1395 : memref<5008x128xf32, #tpu.memory_space<vmem_shared>>) offsets(%dma_start3A_1392 : memref<32xi32, #tpu.memory_space<vmem>>) semaphore(%arg19 : memref<!tpu.dma_semaphore, #tpu.memory_space<semaphore_mem>>) {add = true}
      } else {
      }
      %gt3A_1305 = arith.constant 2 : i32
      %gt3A_1306 = arith.cmpi sgt, %shift_right_arithmetic3A_1295, %gt3A_1305 : i32
      %convert_element_type3A_1307 = arith.extui %gt3A_1306 : i1 to i32
      %cond3A_1308 = arith.constant 0 : i32
      %cond3A_1309 = arith.cmpi ne, %convert_element_type3A_1307, %cond3A_1308 : i32
      scf.if %cond3A_1309 {
        %dma_wait3A_1340 = arith.constant 0 : i32
        %dma_wait3A_1341 = arith.constant 0 : i32
        %dma_wait3A_1342 = tpu.memref_slice %arg12[%dma_wait3A_1340, %dma_wait3A_1341] : memref<8x32xi32, #tpu.memory_space<vmem>> -> memref<1x32xi32, #tpu.memory_space<vmem>>
        %dma_wait3A_1343 = tpu.memref_squeeze %dma_wait3A_1342 : memref<1x32xi32, #tpu.memory_space<vmem>> -> memref<32xi32, #tpu.memory_space<vmem>>
        %dma_wait3A_1344 = arith.constant 0 : i32
        %dma_wait3A_1345 = arith.constant 0 : i32
        %dma_wait3A_1346 = tpu.memref_slice %arg7[%dma_wait3A_1344, %dma_wait3A_1345] : memref<5008x128xf32, #tpu.memory_space<vmem_shared>> -> memref<5008x128xf32, #tpu.memory_space<vmem_shared>>
        tpu.wait_indirect_dma semaphore(%arg18 : memref<!tpu.dma_semaphore, #tpu.memory_space<semaphore_mem>>) src(%arg13 : memref<32x128xf32, #tpu.memory_space<vmem>>) dst(%dma_wait3A_1346 : memref<5008x128xf32, #tpu.memory_space<vmem_shared>>)
        %dma_start3A_1347 = arith.constant 4 : i32
        %dma_start3A_1348 = arith.constant 0 : i32
        %dma_start3A_1349 = tpu.memref_slice %arg11[%dma_start3A_1347, %dma_start3A_1348] : memref<8x32xi32, #tpu.memory_space<vmem>> -> memref<1x32xi32, #tpu.memory_space<vmem>>
        %dma_start3A_1350 = tpu.memref_squeeze %dma_start3A_1349 : memref<1x32xi32, #tpu.memory_space<vmem>> -> memref<32xi32, #tpu.memory_space<vmem>>
        %dma_start3A_1351 = arith.constant 0 : i32
        %dma_start3A_1352 = arith.constant 0 : i32
        %dma_start3A_1353 = tpu.memref_slice %arg8[%dma_start3A_1351, %dma_start3A_1352] : memref<10000x128xf32, #tpu.memory_space<vmem_shared>> -> memref<10000x128xf32, #tpu.memory_space<vmem_shared>>
        tpu.enqueue_indirect_dma source(%dma_start3A_1353 : memref<10000x128xf32, #tpu.memory_space<vmem_shared>>) target(%arg13 : memref<32x128xf32, #tpu.memory_space<vmem>>) offsets(%dma_start3A_1350 : memref<32xi32, #tpu.memory_space<vmem>>) semaphore(%arg16 : memref<!tpu.dma_semaphore, #tpu.memory_space<semaphore_mem>>)
        %dma_wait3A_1354 = arith.constant 0 : i32
        %dma_wait3A_1355 = arith.constant 0 : i32
        %dma_wait3A_1356 = tpu.memref_slice %arg12[%dma_wait3A_1354, %dma_wait3A_1355] : memref<8x32xi32, #tpu.memory_space<vmem>> -> memref<1x32xi32, #tpu.memory_space<vmem>>
        %dma_wait3A_1357 = tpu.memref_squeeze %dma_wait3A_1356 : memref<1x32xi32, #tpu.memory_space<vmem>> -> memref<32xi32, #tpu.memory_space<vmem>>
        %dma_wait3A_1358 = arith.constant 0 : i32
        %dma_wait3A_1359 = arith.constant 0 : i32
        %dma_wait3A_1360 = tpu.memref_slice %arg7[%dma_wait3A_1358, %dma_wait3A_1359] : memref<5008x128xf32, #tpu.memory_space<vmem_shared>> -> memref<5008x128xf32, #tpu.memory_space<vmem_shared>>
        tpu.wait_indirect_dma semaphore(%arg19 : memref<!tpu.dma_semaphore, #tpu.memory_space<semaphore_mem>>) src(%arg14 : memref<32x128xf32, #tpu.memory_space<vmem>>) dst(%dma_wait3A_1360 : memref<5008x128xf32, #tpu.memory_space<vmem_shared>>)
        %dma_start3A_1361 = arith.constant 5 : i32
        %dma_start3A_1362 = arith.constant 0 : i32
        %dma_start3A_1363 = tpu.memref_slice %arg11[%dma_start3A_1361, %dma_start3A_1362] : memref<8x32xi32, #tpu.memory_space<vmem>> -> memref<1x32xi32, #tpu.memory_space<vmem>>
        %dma_start3A_1364 = tpu.memref_squeeze %dma_start3A_1363 : memref<1x32xi32, #tpu.memory_space<vmem>> -> memref<32xi32, #tpu.memory_space<vmem>>
        %dma_start3A_1365 = arith.constant 0 : i32
        %dma_start3A_1366 = arith.constant 0 : i32
        %dma_start3A_1367 = tpu.memref_slice %arg8[%dma_start3A_1365, %dma_start3A_1366] : memref<10000x128xf32, #tpu.memory_space<vmem_shared>> -> memref<10000x128xf32, #tpu.memory_space<vmem_shared>>
        tpu.enqueue_indirect_dma source(%dma_start3A_1367 : memref<10000x128xf32, #tpu.memory_space<vmem_shared>>) target(%arg14 : memref<32x128xf32, #tpu.memory_space<vmem>>) offsets(%dma_start3A_1364 : memref<32xi32, #tpu.memory_space<vmem>>) semaphore(%arg17 : memref<!tpu.dma_semaphore, #tpu.memory_space<semaphore_mem>>)
        %dma_wait3A_1368 = arith.constant 4 : i32
        %dma_wait3A_1369 = arith.constant 0 : i32
        %dma_wait3A_1370 = tpu.memref_slice %arg11[%dma_wait3A_1368, %dma_wait3A_1369] : memref<8x32xi32, #tpu.memory_space<vmem>> -> memref<1x32xi32, #tpu.memory_space<vmem>>
        %dma_wait3A_1371 = tpu.memref_squeeze %dma_wait3A_1370 : memref<1x32xi32, #tpu.memory_space<vmem>> -> memref<32xi32, #tpu.memory_space<vmem>>
        %dma_wait3A_1372 = arith.constant 0 : i32
        %dma_wait3A_1373 = arith.constant 0 : i32
        %dma_wait3A_1374 = tpu.memref_slice %arg8[%dma_wait3A_1372, %dma_wait3A_1373] : memref<10000x128xf32, #tpu.memory_space<vmem_shared>> -> memref<10000x128xf32, #tpu.memory_space<vmem_shared>>
        tpu.wait_indirect_dma semaphore(%arg16 : memref<!tpu.dma_semaphore, #tpu.memory_space<semaphore_mem>>) src(%dma_wait3A_1374 : memref<10000x128xf32, #tpu.memory_space<vmem_shared>>) dst(%arg13 : memref<32x128xf32, #tpu.memory_space<vmem>>)
        %dma_start3A_1375 = arith.constant 4 : i32
        %dma_start3A_1376 = arith.constant 0 : i32
        %dma_start3A_1377 = tpu.memref_slice %arg12[%dma_start3A_1375, %dma_start3A_1376] : memref<8x32xi32, #tpu.memory_space<vmem>> -> memref<1x32xi32, #tpu.memory_space<vmem>>
        %dma_start3A_1378 = tpu.memref_squeeze %dma_start3A_1377 : memref<1x32xi32, #tpu.memory_space<vmem>> -> memref<32xi32, #tpu.memory_space<vmem>>
        %dma_start3A_1379 = arith.constant 0 : i32
        %dma_start3A_1380 = arith.constant 0 : i32
        %dma_start3A_1381 = tpu.memref_slice %arg7[%dma_start3A_1379, %dma_start3A_1380] : memref<5008x128xf32, #tpu.memory_space<vmem_shared>> -> memref<5008x128xf32, #tpu.memory_space<vmem_shared>>
        tpu.enqueue_indirect_dma source(%arg13 : memref<32x128xf32, #tpu.memory_space<vmem>>) target(%dma_start3A_1381 : memref<5008x128xf32, #tpu.memory_space<vmem_shared>>) offsets(%dma_start3A_1378 : memref<32xi32, #tpu.memory_space<vmem>>) semaphore(%arg18 : memref<!tpu.dma_semaphore, #tpu.memory_space<semaphore_mem>>) {add = true}
        %dma_wait3A_1382 = arith.constant 5 : i32
        %dma_wait3A_1383 = arith.constant 0 : i32
        %dma_wait3A_1384 = tpu.memref_slice %arg11[%dma_wait3A_1382, %dma_wait3A_1383] : memref<8x32xi32, #tpu.memory_space<vmem>> -> memref<1x32xi32, #tpu.memory_space<vmem>>
        %dma_wait3A_1385 = tpu.memref_squeeze %dma_wait3A_1384 : memref<1x32xi32, #tpu.memory_space<vmem>> -> memref<32xi32, #tpu.memory_space<vmem>>
        %dma_wait3A_1386 = arith.constant 0 : i32
        %dma_wait3A_1387 = arith.constant 0 : i32
        %dma_wait3A_1388 = tpu.memref_slice %arg8[%dma_wait3A_1386, %dma_wait3A_1387] : memref<10000x128xf32, #tpu.memory_space<vmem_shared>> -> memref<10000x128xf32, #tpu.memory_space<vmem_shared>>
        tpu.wait_indirect_dma semaphore(%arg17 : memref<!tpu.dma_semaphore, #tpu.memory_space<semaphore_mem>>) src(%dma_wait3A_1388 : memref<10000x128xf32, #tpu.memory_space<vmem_shared>>) dst(%arg14 : memref<32x128xf32, #tpu.memory_space<vmem>>)
        %dma_start3A_1389 = arith.constant 5 : i32
        %dma_start3A_1390 = arith.constant 0 : i32
        %dma_start3A_1391 = tpu.memref_slice %arg12[%dma_start3A_1389, %dma_start3A_1390] : memref<8x32xi32, #tpu.memory_space<vmem>> -> memref<1x32xi32, #tpu.memory_space<vmem>>
        %dma_start3A_1392 = tpu.memref_squeeze %dma_start3A_1391 : memref<1x32xi32, #tpu.memory_space<vmem>> -> memref<32xi32, #tpu.memory_space<vmem>>
        %dma_start3A_1393 = arith.constant 0 : i32
        %dma_start3A_1394 = arith.constant 0 : i32
        %dma_start3A_1395 = tpu.memref_slice %arg7[%dma_start3A_1393, %dma_start3A_1394] : memref<5008x128xf32, #tpu.memory_space<vmem_shared>> -> memref<5008x128xf32, #tpu.memory_space<vmem_shared>>
        tpu.enqueue_indirect_dma source(%arg14 : memref<32x128xf32, #tpu.memory_space<vmem>>) target(%dma_start3A_1395 : memref<5008x128xf32, #tpu.memory_space<vmem_shared>>) offsets(%dma_start3A_1392 : memref<32xi32, #tpu.memory_space<vmem>>) semaphore(%arg19 : memref<!tpu.dma_semaphore, #tpu.memory_space<semaphore_mem>>) {add = true}
      } else {
      }
      %gt3A_1310 = arith.constant 3 : i32
      %gt3A_1311 = arith.cmpi sgt, %shift_right_arithmetic3A_1295, %gt3A_1310 : i32
      %convert_element_type3A_1312 = arith.extui %gt3A_1311 : i1 to i32
      %cond3A_1313 = arith.constant 0 : i32
      %cond3A_1314 = arith.cmpi ne, %convert_element_type3A_1312, %cond3A_1313 : i32
      scf.if %cond3A_1314 {
        %dma_wait3A_1340 = arith.constant 0 : i32
        %dma_wait3A_1341 = arith.constant 0 : i32
        %dma_wait3A_1342 = tpu.memref_slice %arg12[%dma_wait3A_1340, %dma_wait3A_1341] : memref<8x32xi32, #tpu.memory_space<vmem>> -> memref<1x32xi32, #tpu.memory_space<vmem>>
        %dma_wait3A_1343 = tpu.memref_squeeze %dma_wait3A_1342 : memref<1x32xi32, #tpu.memory_space<vmem>> -> memref<32xi32, #tpu.memory_space<vmem>>
        %dma_wait3A_1344 = arith.constant 0 : i32
        %dma_wait3A_1345 = arith.constant 0 : i32
        %dma_wait3A_1346 = tpu.memref_slice %arg7[%dma_wait3A_1344, %dma_wait3A_1345] : memref<5008x128xf32, #tpu.memory_space<vmem_shared>> -> memref<5008x128xf32, #tpu.memory_space<vmem_shared>>
        tpu.wait_indirect_dma semaphore(%arg18 : memref<!tpu.dma_semaphore, #tpu.memory_space<semaphore_mem>>) src(%arg13 : memref<32x128xf32, #tpu.memory_space<vmem>>) dst(%dma_wait3A_1346 : memref<5008x128xf32, #tpu.memory_space<vmem_shared>>)
        %dma_start3A_1347 = arith.constant 6 : i32
        %dma_start3A_1348 = arith.constant 0 : i32
        %dma_start3A_1349 = tpu.memref_slice %arg11[%dma_start3A_1347, %dma_start3A_1348] : memref<8x32xi32, #tpu.memory_space<vmem>> -> memref<1x32xi32, #tpu.memory_space<vmem>>
        %dma_start3A_1350 = tpu.memref_squeeze %dma_start3A_1349 : memref<1x32xi32, #tpu.memory_space<vmem>> -> memref<32xi32, #tpu.memory_space<vmem>>
        %dma_start3A_1351 = arith.constant 0 : i32
        %dma_start3A_1352 = arith.constant 0 : i32
        %dma_start3A_1353 = tpu.memref_slice %arg8[%dma_start3A_1351, %dma_start3A_1352] : memref<10000x128xf32, #tpu.memory_space<vmem_shared>> -> memref<10000x128xf32, #tpu.memory_space<vmem_shared>>
        tpu.enqueue_indirect_dma source(%dma_start3A_1353 : memref<10000x128xf32, #tpu.memory_space<vmem_shared>>) target(%arg13 : memref<32x128xf32, #tpu.memory_space<vmem>>) offsets(%dma_start3A_1350 : memref<32xi32, #tpu.memory_space<vmem>>) semaphore(%arg16 : memref<!tpu.dma_semaphore, #tpu.memory_space<semaphore_mem>>)
        %dma_wait3A_1354 = arith.constant 0 : i32
        %dma_wait3A_1355 = arith.constant 0 : i32
        %dma_wait3A_1356 = tpu.memref_slice %arg12[%dma_wait3A_1354, %dma_wait3A_1355] : memref<8x32xi32, #tpu.memory_space<vmem>> -> memref<1x32xi32, #tpu.memory_space<vmem>>
        %dma_wait3A_1357 = tpu.memref_squeeze %dma_wait3A_1356 : memref<1x32xi32, #tpu.memory_space<vmem>> -> memref<32xi32, #tpu.memory_space<vmem>>
        %dma_wait3A_1358 = arith.constant 0 : i32
        %dma_wait3A_1359 = arith.constant 0 : i32
        %dma_wait3A_1360 = tpu.memref_slice %arg7[%dma_wait3A_1358, %dma_wait3A_1359] : memref<5008x128xf32, #tpu.memory_space<vmem_shared>> -> memref<5008x128xf32, #tpu.memory_space<vmem_shared>>
        tpu.wait_indirect_dma semaphore(%arg19 : memref<!tpu.dma_semaphore, #tpu.memory_space<semaphore_mem>>) src(%arg14 : memref<32x128xf32, #tpu.memory_space<vmem>>) dst(%dma_wait3A_1360 : memref<5008x128xf32, #tpu.memory_space<vmem_shared>>)
        %dma_start3A_1361 = arith.constant 7 : i32
        %dma_start3A_1362 = arith.constant 0 : i32
        %dma_start3A_1363 = tpu.memref_slice %arg11[%dma_start3A_1361, %dma_start3A_1362] : memref<8x32xi32, #tpu.memory_space<vmem>> -> memref<1x32xi32, #tpu.memory_space<vmem>>
        %dma_start3A_1364 = tpu.memref_squeeze %dma_start3A_1363 : memref<1x32xi32, #tpu.memory_space<vmem>> -> memref<32xi32, #tpu.memory_space<vmem>>
        %dma_start3A_1365 = arith.constant 0 : i32
        %dma_start3A_1366 = arith.constant 0 : i32
        %dma_start3A_1367 = tpu.memref_slice %arg8[%dma_start3A_1365, %dma_start3A_1366] : memref<10000x128xf32, #tpu.memory_space<vmem_shared>> -> memref<10000x128xf32, #tpu.memory_space<vmem_shared>>
        tpu.enqueue_indirect_dma source(%dma_start3A_1367 : memref<10000x128xf32, #tpu.memory_space<vmem_shared>>) target(%arg14 : memref<32x128xf32, #tpu.memory_space<vmem>>) offsets(%dma_start3A_1364 : memref<32xi32, #tpu.memory_space<vmem>>) semaphore(%arg17 : memref<!tpu.dma_semaphore, #tpu.memory_space<semaphore_mem>>)
        %dma_wait3A_1368 = arith.constant 6 : i32
        %dma_wait3A_1369 = arith.constant 0 : i32
        %dma_wait3A_1370 = tpu.memref_slice %arg11[%dma_wait3A_1368, %dma_wait3A_1369] : memref<8x32xi32, #tpu.memory_space<vmem>> -> memref<1x32xi32, #tpu.memory_space<vmem>>
        %dma_wait3A_1371 = tpu.memref_squeeze %dma_wait3A_1370 : memref<1x32xi32, #tpu.memory_space<vmem>> -> memref<32xi32, #tpu.memory_space<vmem>>
        %dma_wait3A_1372 = arith.constant 0 : i32
        %dma_wait3A_1373 = arith.constant 0 : i32
        %dma_wait3A_1374 = tpu.memref_slice %arg8[%dma_wait3A_1372, %dma_wait3A_1373] : memref<10000x128xf32, #tpu.memory_space<vmem_shared>> -> memref<10000x128xf32, #tpu.memory_space<vmem_shared>>
        tpu.wait_indirect_dma semaphore(%arg16 : memref<!tpu.dma_semaphore, #tpu.memory_space<semaphore_mem>>) src(%dma_wait3A_1374 : memref<10000x128xf32, #tpu.memory_space<vmem_shared>>) dst(%arg13 : memref<32x128xf32, #tpu.memory_space<vmem>>)
        %dma_start3A_1375 = arith.constant 6 : i32
        %dma_start3A_1376 = arith.constant 0 : i32
        %dma_start3A_1377 = tpu.memref_slice %arg12[%dma_start3A_1375, %dma_start3A_1376] : memref<8x32xi32, #tpu.memory_space<vmem>> -> memref<1x32xi32, #tpu.memory_space<vmem>>
        %dma_start3A_1378 = tpu.memref_squeeze %dma_start3A_1377 : memref<1x32xi32, #tpu.memory_space<vmem>> -> memref<32xi32, #tpu.memory_space<vmem>>
        %dma_start3A_1379 = arith.constant 0 : i32
        %dma_start3A_1380 = arith.constant 0 : i32
        %dma_start3A_1381 = tpu.memref_slice %arg7[%dma_start3A_1379, %dma_start3A_1380] : memref<5008x128xf32, #tpu.memory_space<vmem_shared>> -> memref<5008x128xf32, #tpu.memory_space<vmem_shared>>
        tpu.enqueue_indirect_dma source(%arg13 : memref<32x128xf32, #tpu.memory_space<vmem>>) target(%dma_start3A_1381 : memref<5008x128xf32, #tpu.memory_space<vmem_shared>>) offsets(%dma_start3A_1378 : memref<32xi32, #tpu.memory_space<vmem>>) semaphore(%arg18 : memref<!tpu.dma_semaphore, #tpu.memory_space<semaphore_mem>>) {add = true}
        %dma_wait3A_1382 = arith.constant 7 : i32
        %dma_wait3A_1383 = arith.constant 0 : i32
        %dma_wait3A_1384 = tpu.memref_slice %arg11[%dma_wait3A_1382, %dma_wait3A_1383] : memref<8x32xi32, #tpu.memory_space<vmem>> -> memref<1x32xi32, #tpu.memory_space<vmem>>
        %dma_wait3A_1385 = tpu.memref_squeeze %dma_wait3A_1384 : memref<1x32xi32, #tpu.memory_space<vmem>> -> memref<32xi32, #tpu.memory_space<vmem>>
        %dma_wait3A_1386 = arith.constant 0 : i32
        %dma_wait3A_1387 = arith.constant 0 : i32
        %dma_wait3A_1388 = tpu.memref_slice %arg8[%dma_wait3A_1386, %dma_wait3A_1387] : memref<10000x128xf32, #tpu.memory_space<vmem_shared>> -> memref<10000x128xf32, #tpu.memory_space<vmem_shared>>
        tpu.wait_indirect_dma semaphore(%arg17 : memref<!tpu.dma_semaphore, #tpu.memory_space<semaphore_mem>>) src(%dma_wait3A_1388 : memref<10000x128xf32, #tpu.memory_space<vmem_shared>>) dst(%arg14 : memref<32x128xf32, #tpu.memory_space<vmem>>)
        %dma_start3A_1389 = arith.constant 7 : i32
        %dma_start3A_1390 = arith.constant 0 : i32
        %dma_start3A_1391 = tpu.memref_slice %arg12[%dma_start3A_1389, %dma_start3A_1390] : memref<8x32xi32, #tpu.memory_space<vmem>> -> memref<1x32xi32, #tpu.memory_space<vmem>>
        %dma_start3A_1392 = tpu.memref_squeeze %dma_start3A_1391 : memref<1x32xi32, #tpu.memory_space<vmem>> -> memref<32xi32, #tpu.memory_space<vmem>>
        %dma_start3A_1393 = arith.constant 0 : i32
        %dma_start3A_1394 = arith.constant 0 : i32
        %dma_start3A_1395 = tpu.memref_slice %arg7[%dma_start3A_1393, %dma_start3A_1394] : memref<5008x128xf32, #tpu.memory_space<vmem_shared>> -> memref<5008x128xf32, #tpu.memory_space<vmem_shared>>
        tpu.enqueue_indirect_dma source(%arg14 : memref<32x128xf32, #tpu.memory_space<vmem>>) target(%dma_start3A_1395 : memref<5008x128xf32, #tpu.memory_space<vmem_shared>>) offsets(%dma_start3A_1392 : memref<32xi32, #tpu.memory_space<vmem>>) semaphore(%arg19 : memref<!tpu.dma_semaphore, #tpu.memory_space<semaphore_mem>>) {add = true}
      } else {
      }
      %and3A_1315 = arith.constant 1 : i32
      %and3A_1316 = arith.andi %shift_right_arithmetic3A_1293, %and3A_1315 : i32
      %eq3A_1317 = arith.constant 1 : i32
      %eq3A_1318 = arith.cmpi eq, %and3A_1316, %eq3A_1317 : i32
      %convert_element_type3A_1319 = arith.extui %eq3A_1318 : i1 to i32
      %cond3A_1320 = arith.constant 0 : i32
      %cond3A_1321 = arith.cmpi ne, %convert_element_type3A_1319, %cond3A_1320 : i32
      scf.if %cond3A_1321 {
        %gt3A_1340 = arith.constant 0 : i32
        %gt3A_1341 = arith.cmpi sgt, %shift_right_arithmetic3A_1295, %gt3A_1340 : i32
        %convert_element_type3A_1342 = arith.extui %gt3A_1341 : i1 to i32
        %cond3A_1343 = arith.constant 0 : i32
        %cond3A_1344 = arith.cmpi ne, %convert_element_type3A_1342, %cond3A_1343 : i32
        scf.if %cond3A_1344 {
          %dma_wait3A_1367 = arith.constant 0 : i32
          %dma_wait3A_1368 = arith.constant 0 : i32
          %dma_wait3A_1369 = tpu.memref_slice %arg12[%dma_wait3A_1367, %dma_wait3A_1368] : memref<8x32xi32, #tpu.memory_space<vmem>> -> memref<1x32xi32, #tpu.memory_space<vmem>>
          %dma_wait3A_1370 = tpu.memref_squeeze %dma_wait3A_1369 : memref<1x32xi32, #tpu.memory_space<vmem>> -> memref<32xi32, #tpu.memory_space<vmem>>
          %dma_wait3A_1371 = arith.constant 0 : i32
          %dma_wait3A_1372 = arith.constant 0 : i32
          %dma_wait3A_1373 = tpu.memref_slice %arg7[%dma_wait3A_1371, %dma_wait3A_1372] : memref<5008x128xf32, #tpu.memory_space<vmem_shared>> -> memref<5008x128xf32, #tpu.memory_space<vmem_shared>>
          tpu.wait_indirect_dma semaphore(%arg18 : memref<!tpu.dma_semaphore, #tpu.memory_space<semaphore_mem>>) src(%arg13 : memref<32x128xf32, #tpu.memory_space<vmem>>) dst(%dma_wait3A_1373 : memref<5008x128xf32, #tpu.memory_space<vmem_shared>>)
        } else {
        }
        %mul3A_1345 = arith.constant 2 : i32
        %mul3A_1346 = arith.muli %mul3A_1345, %shift_right_arithmetic3A_1295 : i32
        %dma_start3A_1347 = arith.constant 0 : i32
        %dma_start3A_1348 = tpu.memref_slice %arg11[%mul3A_1346, %dma_start3A_1347] : memref<8x32xi32, #tpu.memory_space<vmem>> -> memref<1x32xi32, #tpu.memory_space<vmem>>
        %dma_start3A_1349 = tpu.memref_squeeze %dma_start3A_1348 : memref<1x32xi32, #tpu.memory_space<vmem>> -> memref<32xi32, #tpu.memory_space<vmem>>
        %dma_start3A_1350 = arith.constant 0 : i32
        %dma_start3A_1351 = arith.constant 0 : i32
        %dma_start3A_1352 = tpu.memref_slice %arg8[%dma_start3A_1350, %dma_start3A_1351] : memref<10000x128xf32, #tpu.memory_space<vmem_shared>> -> memref<10000x128xf32, #tpu.memory_space<vmem_shared>>
        tpu.enqueue_indirect_dma source(%dma_start3A_1352 : memref<10000x128xf32, #tpu.memory_space<vmem_shared>>) target(%arg13 : memref<32x128xf32, #tpu.memory_space<vmem>>) offsets(%dma_start3A_1349 : memref<32xi32, #tpu.memory_space<vmem>>) semaphore(%arg16 : memref<!tpu.dma_semaphore, #tpu.memory_space<semaphore_mem>>)
        %dma_wait3A_1353 = arith.constant 0 : i32
        %dma_wait3A_1354 = tpu.memref_slice %arg11[%mul3A_1346, %dma_wait3A_1353] : memref<8x32xi32, #tpu.memory_space<vmem>> -> memref<1x32xi32, #tpu.memory_space<vmem>>
        %dma_wait3A_1355 = tpu.memref_squeeze %dma_wait3A_1354 : memref<1x32xi32, #tpu.memory_space<vmem>> -> memref<32xi32, #tpu.memory_space<vmem>>
        %dma_wait3A_1356 = arith.constant 0 : i32
        %dma_wait3A_1357 = arith.constant 0 : i32
        %dma_wait3A_1358 = tpu.memref_slice %arg8[%dma_wait3A_1356, %dma_wait3A_1357] : memref<10000x128xf32, #tpu.memory_space<vmem_shared>> -> memref<10000x128xf32, #tpu.memory_space<vmem_shared>>
        tpu.wait_indirect_dma semaphore(%arg16 : memref<!tpu.dma_semaphore, #tpu.memory_space<semaphore_mem>>) src(%dma_wait3A_1358 : memref<10000x128xf32, #tpu.memory_space<vmem_shared>>) dst(%arg13 : memref<32x128xf32, #tpu.memory_space<vmem>>)
        %mul3A_1359 = arith.constant 2 : i32
        %mul3A_1360 = arith.muli %mul3A_1359, %shift_right_arithmetic3A_1295 : i32
        %dma_start3A_1361 = arith.constant 0 : i32
        %dma_start3A_1362 = tpu.memref_slice %arg12[%mul3A_1360, %dma_start3A_1361] : memref<8x32xi32, #tpu.memory_space<vmem>> -> memref<1x32xi32, #tpu.memory_space<vmem>>
        %dma_start3A_1363 = tpu.memref_squeeze %dma_start3A_1362 : memref<1x32xi32, #tpu.memory_space<vmem>> -> memref<32xi32, #tpu.memory_space<vmem>>
        %dma_start3A_1364 = arith.constant 0 : i32
        %dma_start3A_1365 = arith.constant 0 : i32
        %dma_start3A_1366 = tpu.memref_slice %arg7[%dma_start3A_1364, %dma_start3A_1365] : memref<5008x128xf32, #tpu.memory_space<vmem_shared>> -> memref<5008x128xf32, #tpu.memory_space<vmem_shared>>
        tpu.enqueue_indirect_dma source(%arg13 : memref<32x128xf32, #tpu.memory_space<vmem>>) target(%dma_start3A_1366 : memref<5008x128xf32, #tpu.memory_space<vmem_shared>>) offsets(%dma_start3A_1363 : memref<32xi32, #tpu.memory_space<vmem>>) semaphore(%arg18 : memref<!tpu.dma_semaphore, #tpu.memory_space<semaphore_mem>>) {add = true}
      } else {
      }
      %gt3A_1322 = arith.constant 0 : i32
      %gt3A_1323 = arith.cmpi sgt, %shift_right_arithmetic3A_1293, %gt3A_1322 : i32
      %convert_element_type3A_1324 = arith.extui %gt3A_1323 : i1 to i32
      %cond3A_1325 = arith.constant 0 : i32
      %cond3A_1326 = arith.cmpi ne, %convert_element_type3A_1324, %cond3A_1325 : i32
      scf.if %cond3A_1326 {
        %dma_wait3A_1340 = arith.constant 0 : i32
        %dma_wait3A_1341 = arith.constant 0 : i32
        %dma_wait3A_1342 = tpu.memref_slice %arg12[%dma_wait3A_1340, %dma_wait3A_1341] : memref<8x32xi32, #tpu.memory_space<vmem>> -> memref<1x32xi32, #tpu.memory_space<vmem>>
        %dma_wait3A_1343 = tpu.memref_squeeze %dma_wait3A_1342 : memref<1x32xi32, #tpu.memory_space<vmem>> -> memref<32xi32, #tpu.memory_space<vmem>>
        %dma_wait3A_1344 = arith.constant 0 : i32
        %dma_wait3A_1345 = arith.constant 0 : i32
        %dma_wait3A_1346 = tpu.memref_slice %arg7[%dma_wait3A_1344, %dma_wait3A_1345] : memref<5008x128xf32, #tpu.memory_space<vmem_shared>> -> memref<5008x128xf32, #tpu.memory_space<vmem_shared>>
        tpu.wait_indirect_dma semaphore(%arg18 : memref<!tpu.dma_semaphore, #tpu.memory_space<semaphore_mem>>) src(%arg13 : memref<32x128xf32, #tpu.memory_space<vmem>>) dst(%dma_wait3A_1346 : memref<5008x128xf32, #tpu.memory_space<vmem_shared>>)
      } else {
      }
      %gt3A_1327 = arith.constant 0 : i32
      %gt3A_1328 = arith.cmpi sgt, %shift_right_arithmetic3A_1295, %gt3A_1327 : i32
      %convert_element_type3A_1329 = arith.extui %gt3A_1328 : i1 to i32
      %cond3A_1330 = arith.constant 0 : i32
      %cond3A_1331 = arith.cmpi ne, %convert_element_type3A_1329, %cond3A_1330 : i32
      scf.if %cond3A_1331 {
        %dma_wait3A_1340 = arith.constant 0 : i32
        %dma_wait3A_1341 = arith.constant 0 : i32
        %dma_wait3A_1342 = tpu.memref_slice %arg12[%dma_wait3A_1340, %dma_wait3A_1341] : memref<8x32xi32, #tpu.memory_space<vmem>> -> memref<1x32xi32, #tpu.memory_space<vmem>>
        %dma_wait3A_1343 = tpu.memref_squeeze %dma_wait3A_1342 : memref<1x32xi32, #tpu.memory_space<vmem>> -> memref<32xi32, #tpu.memory_space<vmem>>
        %dma_wait3A_1344 = arith.constant 0 : i32
        %dma_wait3A_1345 = arith.constant 0 : i32
        %dma_wait3A_1346 = tpu.memref_slice %arg7[%dma_wait3A_1344, %dma_wait3A_1345] : memref<5008x128xf32, #tpu.memory_space<vmem_shared>> -> memref<5008x128xf32, #tpu.memory_space<vmem_shared>>
        tpu.wait_indirect_dma semaphore(%arg19 : memref<!tpu.dma_semaphore, #tpu.memory_space<semaphore_mem>>) src(%arg14 : memref<32x128xf32, #tpu.memory_space<vmem>>) dst(%dma_wait3A_1346 : memref<5008x128xf32, #tpu.memory_space<vmem_shared>>)
      } else {
      }
      %add3A_1332 = arith.constant 1 : i32
      %add3A_1333 = arith.addi %scan3A_1246, %add3A_1332 : i32
      %lt3A_1334 = arith.constant 90 : i32
      %lt3A_1335 = arith.cmpi slt, %add3A_1333, %lt3A_1334 : i32
      %convert_element_type3A_1336 = arith.extui %lt3A_1335 : i1 to i32
      %cond3A_1337 = arith.constant 0 : i32
      %cond3A_1338 = arith.cmpi ne, %convert_element_type3A_1336, %cond3A_1337 : i32
      scf.if %cond3A_1338 {
        %dma_wait3A_1340 = arith.constant 0 : i32
        %dma_wait3A_1341 = tpu.memref_slice %arg9[%dma_wait3A_1340] : memref<256xi32, #tpu.memory_space<vmem>> -> memref<224xi32, #tpu.memory_space<vmem>>
        %dma_wait3A_1342 = arith.constant 0 : i32
        %dma_wait3A_1343 = tpu.memref_slice %arg3[%dma_wait3A_1342] : memref<320000xi32, #tpu.memory_space<hbm>> -> memref<224xi32, #tpu.memory_space<hbm>>
        %dma_wait3A_1344 = arith.constant 0 : i32
        %dma_wait3A_1345 = tpu.memref_slice %arg9[%dma_wait3A_1344] : memref<256xi32, #tpu.memory_space<vmem>> -> memref<224xi32, #tpu.memory_space<vmem>>
        %dma_wait3A_1346 = arith.constant 0 : i32
        %dma_wait3A_1347 = tpu.memref_slice %arg3[%dma_wait3A_1346] : memref<320000xi32, #tpu.memory_space<hbm>> -> memref<224xi32, #tpu.memory_space<hbm>>
        tpu.wait_dma2 semaphore(%arg20 : memref<!tpu.dma_semaphore, #tpu.memory_space<semaphore_mem>>) src(%dma_wait3A_1347 : memref<224xi32, #tpu.memory_space<hbm>>) dst(%dma_wait3A_1345 : memref<224xi32, #tpu.memory_space<vmem>>)
        %dma_wait3A_1348 = arith.constant 0 : i32
        %dma_wait3A_1349 = tpu.memref_slice %arg10[%dma_wait3A_1348] : memref<256xi32, #tpu.memory_space<vmem>> -> memref<224xi32, #tpu.memory_space<vmem>>
        %dma_wait3A_1350 = arith.constant 0 : i32
        %dma_wait3A_1351 = tpu.memref_slice %arg4[%dma_wait3A_1350] : memref<320000xi32, #tpu.memory_space<hbm>> -> memref<224xi32, #tpu.memory_space<hbm>>
        %dma_wait3A_1352 = arith.constant 0 : i32
        %dma_wait3A_1353 = tpu.memref_slice %arg10[%dma_wait3A_1352] : memref<256xi32, #tpu.memory_space<vmem>> -> memref<224xi32, #tpu.memory_space<vmem>>
        %dma_wait3A_1354 = arith.constant 0 : i32
        %dma_wait3A_1355 = tpu.memref_slice %arg4[%dma_wait3A_1354] : memref<320000xi32, #tpu.memory_space<hbm>> -> memref<224xi32, #tpu.memory_space<hbm>>
        tpu.wait_dma2 semaphore(%arg20 : memref<!tpu.dma_semaphore, #tpu.memory_space<semaphore_mem>>) src(%dma_wait3A_1355 : memref<224xi32, #tpu.memory_space<hbm>>) dst(%dma_wait3A_1353 : memref<224xi32, #tpu.memory_space<vmem>>)
      } else {
      }
      %scan3A_1339 = arith.constant 0 : i32
      scf.yield %scan3A_1339 : i32
    }
    %scan3A_1102 = arith.constant 90 : i32
    %barrier3A_1103 = arith.constant 0 : index
    tpu.barrier barrier_id(%barrier3A_1103)
    %get3A = arith.constant 0 : index
    %get3A_1104 = tpu.vector_load %arg15[%get3A] {strides = array<i32>} : memref<128xf32, #tpu.memory_space<vmem>>, vector<16xf32>,
    %get3A_1105 = arith.constant 16 : index
    %get3A_1106 = tpu.vector_load %arg15[%get3A_1105] {strides = array<i32>} : memref<128xf32, #tpu.memory_space<vmem>>, vector<16xf32>,
    %get3A_1107 = arith.constant 32 : index
    %get3A_1108 = tpu.vector_load %arg15[%get3A_1107] {strides = array<i32>} : memref<128xf32, #tpu.memory_space<vmem>>, vector<16xf32>,
    %get3A_1109 = arith.constant 48 : index
    %get3A_1110 = tpu.vector_load %arg15[%get3A_1109] {strides = array<i32>} : memref<128xf32, #tpu.memory_space<vmem>>, vector<16xf32>,
    %get3A_1111 = arith.constant 64 : index
    %get3A_1112 = tpu.vector_load %arg15[%get3A_1111] {strides = array<i32>} : memref<128xf32, #tpu.memory_space<vmem>>, vector<16xf32>,
    %get3A_1113 = arith.constant 80 : index
    %get3A_1114 = tpu.vector_load %arg15[%get3A_1113] {strides = array<i32>} : memref<128xf32, #tpu.memory_space<vmem>>, vector<16xf32>,
    %get3A_1115 = arith.constant 96 : index
    %get3A_1116 = tpu.vector_load %arg15[%get3A_1115] {strides = array<i32>} : memref<128xf32, #tpu.memory_space<vmem>>, vector<16xf32>,
    %get3A_1117 = arith.constant 112 : index
    %get3A_1118 = tpu.vector_load %arg15[%get3A_1117] {strides = array<i32>} : memref<128xf32, #tpu.memory_space<vmem>>, vector<16xf32>,
    %add3A_1119 = arith.constant 0 : i32
    %add3A_1120 = arith.addi %mul3A_1031, %add3A_1119 : i32
    "tpu.region"() ({
      %run_scoped3A = tpu.sem_alloc : memref<!tpu.dma_semaphore, #tpu.memory_space<semaphore_mem>>
      %dma_start3A_1246 = arith.constant 0 : i32
      %dma_start3A_1247 = tpu.memref_slice %arg7[%add3A_1120, %dma_start3A_1246] : memref<5008x128xf32, #tpu.memory_space<vmem_shared>> -> memref<32x128xf32, #tpu.memory_space<vmem_shared>>
      %dma_start3A_1248 = arith.constant 0 : i32
      %dma_start3A_1249 = tpu.memref_slice %arg7[%add3A_1120, %dma_start3A_1248] : memref<5008x128xf32, #tpu.memory_space<vmem_shared>> -> memref<32x128xf32, #tpu.memory_space<vmem_shared>>
      tpu.enqueue_dma source(%dma_start3A_1249 : memref<32x128xf32, #tpu.memory_space<vmem_shared>>) target(%arg13 : memref<32x128xf32, #tpu.memory_space<vmem>>) target_semaphore(%run_scoped3A : memref<!tpu.dma_semaphore, #tpu.memory_space<semaphore_mem>>)
      %dma_wait3A_1250 = arith.constant 0 : i32
      %dma_wait3A_1251 = tpu.memref_slice %arg7[%add3A_1120, %dma_wait3A_1250] : memref<5008x128xf32, #tpu.memory_space<vmem_shared>> -> memref<32x128xf32, #tpu.memory_space<vmem_shared>>
      %dma_wait3A_1252 = arith.constant 0 : i32
      %dma_wait3A_1253 = tpu.memref_slice %arg7[%add3A_1120, %dma_wait3A_1252] : memref<5008x128xf32, #tpu.memory_space<vmem_shared>> -> memref<32x128xf32, #tpu.memory_space<vmem_shared>>
      tpu.wait_dma2 semaphore(%run_scoped3A : memref<!tpu.dma_semaphore, #tpu.memory_space<semaphore_mem>>) src(%dma_wait3A_1253 : memref<32x128xf32, #tpu.memory_space<vmem_shared>>) dst(%arg13 : memref<32x128xf32, #tpu.memory_space<vmem>>)
      tpu.yield
    }) : () -> ()
    %scan3A_1121 = arith.constant 0 : i32
    %scan3A_1122 = arith.constant 0 : i32
    %scan3A_1123 = arith.constant 32 : i32
    %scan3A_1124 = arith.addi %scan3A_1122, %scan3A_1123 : i32
    %scan3A_1125 = arith.constant 2 : i32
    %scan3A_1126 = scf.for %scan3A_1246 = %scan3A_1122 to %scan3A_1124 step %scan3A_1125 iter_args(%scan3A_1247 = %scan3A_1121) -> (i32)  : i32 {
      %get3A_1248 = arith.index_cast %scan3A_1246 : i32 to index
      %get3A_1249 = arith.constant 0 : index
      %get3A_1250 = tpu.vector_load %arg13[%get3A_1248, %get3A_1249] {strides = array<i32>} : memref<32x128xf32, #tpu.memory_space<vmem>>, vector<16xf32>,
      %mul3A_1251 = arith.mulf %get3A_1250, %get3A_1104 : vector<16xf32>
      %swap3A_1252 = arith.index_cast %scan3A_1246 : i32 to index
      %swap3A_1253 = arith.constant 0 : index
      %swap3A_1254 = tpu.vector_load %arg13[%swap3A_1252, %swap3A_1253] {strides = array<i32>} : memref<32x128xf32, #tpu.memory_space<vmem>>, vector<16xf32>,
      tpu.vector_store %arg13[%swap3A_1252, %swap3A_1253], %mul3A_1251 {strides = array<i32>} : memref<32x128xf32, #tpu.memory_space<vmem>>, vector<16xf32>,
      %get3A_1255 = arith.index_cast %scan3A_1246 : i32 to index
      %get3A_1256 = arith.constant 16 : index
      %get3A_1257 = tpu.vector_load %arg13[%get3A_1255, %get3A_1256] {strides = array<i32>} : memref<32x128xf32, #tpu.memory_space<vmem>>, vector<16xf32>,
      %mul3A_1258 = arith.mulf %get3A_1257, %get3A_1106 : vector<16xf32>
      %swap3A_1259 = arith.index_cast %scan3A_1246 : i32 to index
      %swap3A_1260 = arith.constant 16 : index
      %swap3A_1261 = tpu.vector_load %arg13[%swap3A_1259, %swap3A_1260] {strides = array<i32>} : memref<32x128xf32, #tpu.memory_space<vmem>>, vector<16xf32>,
      tpu.vector_store %arg13[%swap3A_1259, %swap3A_1260], %mul3A_1258 {strides = array<i32>} : memref<32x128xf32, #tpu.memory_space<vmem>>, vector<16xf32>,
      %get3A_1262 = arith.index_cast %scan3A_1246 : i32 to index
      %get3A_1263 = arith.constant 32 : index
      %get3A_1264 = tpu.vector_load %arg13[%get3A_1262, %get3A_1263] {strides = array<i32>} : memref<32x128xf32, #tpu.memory_space<vmem>>, vector<16xf32>,
      %mul3A_1265 = arith.mulf %get3A_1264, %get3A_1108 : vector<16xf32>
      %swap3A_1266 = arith.index_cast %scan3A_1246 : i32 to index
      %swap3A_1267 = arith.constant 32 : index
      %swap3A_1268 = tpu.vector_load %arg13[%swap3A_1266, %swap3A_1267] {strides = array<i32>} : memref<32x128xf32, #tpu.memory_space<vmem>>, vector<16xf32>,
      tpu.vector_store %arg13[%swap3A_1266, %swap3A_1267], %mul3A_1265 {strides = array<i32>} : memref<32x128xf32, #tpu.memory_space<vmem>>, vector<16xf32>,
      %get3A_1269 = arith.index_cast %scan3A_1246 : i32 to index
      %get3A_1270 = arith.constant 48 : index
      %get3A_1271 = tpu.vector_load %arg13[%get3A_1269, %get3A_1270] {strides = array<i32>} : memref<32x128xf32, #tpu.memory_space<vmem>>, vector<16xf32>,
      %mul3A_1272 = arith.mulf %get3A_1271, %get3A_1110 : vector<16xf32>
      %swap3A_1273 = arith.index_cast %scan3A_1246 : i32 to index
      %swap3A_1274 = arith.constant 48 : index
      %swap3A_1275 = tpu.vector_load %arg13[%swap3A_1273, %swap3A_1274] {strides = array<i32>} : memref<32x128xf32, #tpu.memory_space<vmem>>, vector<16xf32>,
      tpu.vector_store %arg13[%swap3A_1273, %swap3A_1274], %mul3A_1272 {strides = array<i32>} : memref<32x128xf32, #tpu.memory_space<vmem>>, vector<16xf32>,
      %get3A_1276 = arith.index_cast %scan3A_1246 : i32 to index
      %get3A_1277 = arith.constant 64 : index
      %get3A_1278 = tpu.vector_load %arg13[%get3A_1276, %get3A_1277] {strides = array<i32>} : memref<32x128xf32, #tpu.memory_space<vmem>>, vector<16xf32>,
      %mul3A_1279 = arith.mulf %get3A_1278, %get3A_1112 : vector<16xf32>
      %swap3A_1280 = arith.index_cast %scan3A_1246 : i32 to index
      %swap3A_1281 = arith.constant 64 : index
      %swap3A_1282 = tpu.vector_load %arg13[%swap3A_1280, %swap3A_1281] {strides = array<i32>} : memref<32x128xf32, #tpu.memory_space<vmem>>, vector<16xf32>,
      tpu.vector_store %arg13[%swap3A_1280, %swap3A_1281], %mul3A_1279 {strides = array<i32>} : memref<32x128xf32, #tpu.memory_space<vmem>>, vector<16xf32>,
      %get3A_1283 = arith.index_cast %scan3A_1246 : i32 to index
      %get3A_1284 = arith.constant 80 : index
      %get3A_1285 = tpu.vector_load %arg13[%get3A_1283, %get3A_1284] {strides = array<i32>} : memref<32x128xf32, #tpu.memory_space<vmem>>, vector<16xf32>,
      %mul3A_1286 = arith.mulf %get3A_1285, %get3A_1114 : vector<16xf32>
      %swap3A_1287 = arith.index_cast %scan3A_1246 : i32 to index
      %swap3A_1288 = arith.constant 80 : index
      %swap3A_1289 = tpu.vector_load %arg13[%swap3A_1287, %swap3A_1288] {strides = array<i32>} : memref<32x128xf32, #tpu.memory_space<vmem>>, vector<16xf32>,
      tpu.vector_store %arg13[%swap3A_1287, %swap3A_1288], %mul3A_1286 {strides = array<i32>} : memref<32x128xf32, #tpu.memory_space<vmem>>, vector<16xf32>,
      %get3A_1290 = arith.index_cast %scan3A_1246 : i32 to index
      %get3A_1291 = arith.constant 96 : index
      %get3A_1292 = tpu.vector_load %arg13[%get3A_1290, %get3A_1291] {strides = array<i32>} : memref<32x128xf32, #tpu.memory_space<vmem>>, vector<16xf32>,
      %mul3A_1293 = arith.mulf %get3A_1292, %get3A_1116 : vector<16xf32>
      %swap3A_1294 = arith.index_cast %scan3A_1246 : i32 to index
      %swap3A_1295 = arith.constant 96 : index
      %swap3A_1296 = tpu.vector_load %arg13[%swap3A_1294, %swap3A_1295] {strides = array<i32>} : memref<32x128xf32, #tpu.memory_space<vmem>>, vector<16xf32>,
      tpu.vector_store %arg13[%swap3A_1294, %swap3A_1295], %mul3A_1293 {strides = array<i32>} : memref<32x128xf32, #tpu.memory_space<vmem>>, vector<16xf32>,
      %get3A_1297 = arith.index_cast %scan3A_1246 : i32 to index
      %get3A_1298 = arith.constant 112 : index
      %get3A_1299 = tpu.vector_load %arg13[%get3A_1297, %get3A_1298] {strides = array<i32>} : memref<32x128xf32, #tpu.memory_space<vmem>>, vector<16xf32>,
      %mul3A_1300 = arith.mulf %get3A_1299, %get3A_1118 : vector<16xf32>
      %swap3A_1301 = arith.index_cast %scan3A_1246 : i32 to index
      %swap3A_1302 = arith.constant 112 : index
      %swap3A_1303 = tpu.vector_load %arg13[%swap3A_1301, %swap3A_1302] {strides = array<i32>} : memref<32x128xf32, #tpu.memory_space<vmem>>, vector<16xf32>,
      tpu.vector_store %arg13[%swap3A_1301, %swap3A_1302], %mul3A_1300 {strides = array<i32>} : memref<32x128xf32, #tpu.memory_space<vmem>>, vector<16xf32>,
      %scan3A_1304 = arith.constant 0 : i32
      %scan3A_1305 = arith.constant 1 : i32
      %scan3A_1306 = arith.addi %scan3A_1246, %scan3A_1305 : i32
      %get3A_1307 = arith.index_cast %scan3A_1306 : i32 to index
      %get3A_1308 = arith.constant 0 : index
      %get3A_1309 = tpu.vector_load %arg13[%get3A_1307, %get3A_1308] {strides = array<i32>} : memref<32x128xf32, #tpu.memory_space<vmem>>, vector<16xf32>,
      %mul3A_1310 = arith.mulf %get3A_1309, %get3A_1104 : vector<16xf32>
      %swap3A_1311 = arith.index_cast %scan3A_1306 : i32 to index
      %swap3A_1312 = arith.constant 0 : index
      %swap3A_1313 = tpu.vector_load %arg13[%swap3A_1311, %swap3A_1312] {strides = array<i32>} : memref<32x128xf32, #tpu.memory_space<vmem>>, vector<16xf32>,
      tpu.vector_store %arg13[%swap3A_1311, %swap3A_1312], %mul3A_1310 {strides = array<i32>} : memref<32x128xf32, #tpu.memory_space<vmem>>, vector<16xf32>,
      %get3A_1314 = arith.index_cast %scan3A_1306 : i32 to index
      %get3A_1315 = arith.constant 16 : index
      %get3A_1316 = tpu.vector_load %arg13[%get3A_1314, %get3A_1315] {strides = array<i32>} : memref<32x128xf32, #tpu.memory_space<vmem>>, vector<16xf32>,
      %mul3A_1317 = arith.mulf %get3A_1316, %get3A_1106 : vector<16xf32>
      %swap3A_1318 = arith.index_cast %scan3A_1306 : i32 to index
      %swap3A_1319 = arith.constant 16 : index
      %swap3A_1320 = tpu.vector_load %arg13[%swap3A_1318, %swap3A_1319] {strides = array<i32>} : memref<32x128xf32, #tpu.memory_space<vmem>>, vector<16xf32>,
      tpu.vector_store %arg13[%swap3A_1318, %swap3A_1319], %mul3A_1317 {strides = array<i32>} : memref<32x128xf32, #tpu.memory_space<vmem>>, vector<16xf32>,
      %get3A_1321 = arith.index_cast %scan3A_1306 : i32 to index
      %get3A_1322 = arith.constant 32 : index
      %get3A_1323 = tpu.vector_load %arg13[%get3A_1321, %get3A_1322] {strides = array<i32>} : memref<32x128xf32, #tpu.memory_space<vmem>>, vector<16xf32>,
      %mul3A_1324 = arith.mulf %get3A_1323, %get3A_1108 : vector<16xf32>
      %swap3A_1325 = arith.index_cast %scan3A_1306 : i32 to index
      %swap3A_1326 = arith.constant 32 : index
      %swap3A_1327 = tpu.vector_load %arg13[%swap3A_1325, %swap3A_1326] {strides = array<i32>} : memref<32x128xf32, #tpu.memory_space<vmem>>, vector<16xf32>,
      tpu.vector_store %arg13[%swap3A_1325, %swap3A_1326], %mul3A_1324 {strides = array<i32>} : memref<32x128xf32, #tpu.memory_space<vmem>>, vector<16xf32>,
      %get3A_1328 = arith.index_cast %scan3A_1306 : i32 to index
      %get3A_1329 = arith.constant 48 : index
      %get3A_1330 = tpu.vector_load %arg13[%get3A_1328, %get3A_1329] {strides = array<i32>} : memref<32x128xf32, #tpu.memory_space<vmem>>, vector<16xf32>,
      %mul3A_1331 = arith.mulf %get3A_1330, %get3A_1110 : vector<16xf32>
      %swap3A_1332 = arith.index_cast %scan3A_1306 : i32 to index
      %swap3A_1333 = arith.constant 48 : index
      %swap3A_1334 = tpu.vector_load %arg13[%swap3A_1332, %swap3A_1333] {strides = array<i32>} : memref<32x128xf32, #tpu.memory_space<vmem>>, vector<16xf32>,
      tpu.vector_store %arg13[%swap3A_1332, %swap3A_1333], %mul3A_1331 {strides = array<i32>} : memref<32x128xf32, #tpu.memory_space<vmem>>, vector<16xf32>,
      %get3A_1335 = arith.index_cast %scan3A_1306 : i32 to index
      %get3A_1336 = arith.constant 64 : index
      %get3A_1337 = tpu.vector_load %arg13[%get3A_1335, %get3A_1336] {strides = array<i32>} : memref<32x128xf32, #tpu.memory_space<vmem>>, vector<16xf32>,
      %mul3A_1338 = arith.mulf %get3A_1337, %get3A_1112 : vector<16xf32>
      %swap3A_1339 = arith.index_cast %scan3A_1306 : i32 to index
      %swap3A_1340 = arith.constant 64 : index
      %swap3A_1341 = tpu.vector_load %arg13[%swap3A_1339, %swap3A_1340] {strides = array<i32>} : memref<32x128xf32, #tpu.memory_space<vmem>>, vector<16xf32>,
      tpu.vector_store %arg13[%swap3A_1339, %swap3A_1340], %mul3A_1338 {strides = array<i32>} : memref<32x128xf32, #tpu.memory_space<vmem>>, vector<16xf32>,
      %get3A_1342 = arith.index_cast %scan3A_1306 : i32 to index
      %get3A_1343 = arith.constant 80 : index
      %get3A_1344 = tpu.vector_load %arg13[%get3A_1342, %get3A_1343] {strides = array<i32>} : memref<32x128xf32, #tpu.memory_space<vmem>>, vector<16xf32>,
      %mul3A_1345 = arith.mulf %get3A_1344, %get3A_1114 : vector<16xf32>
      %swap3A_1346 = arith.index_cast %scan3A_1306 : i32 to index
      %swap3A_1347 = arith.constant 80 : index
      %swap3A_1348 = tpu.vector_load %arg13[%swap3A_1346, %swap3A_1347] {strides = array<i32>} : memref<32x128xf32, #tpu.memory_space<vmem>>, vector<16xf32>,
      tpu.vector_store %arg13[%swap3A_1346, %swap3A_1347], %mul3A_1345 {strides = array<i32>} : memref<32x128xf32, #tpu.memory_space<vmem>>, vector<16xf32>,
      %get3A_1349 = arith.index_cast %scan3A_1306 : i32 to index
      %get3A_1350 = arith.constant 96 : index
      %get3A_1351 = tpu.vector_load %arg13[%get3A_1349, %get3A_1350] {strides = array<i32>} : memref<32x128xf32, #tpu.memory_space<vmem>>, vector<16xf32>,
      %mul3A_1352 = arith.mulf %get3A_1351, %get3A_1116 : vector<16xf32>
      %swap3A_1353 = arith.index_cast %scan3A_1306 : i32 to index
      %swap3A_1354 = arith.constant 96 : index
      %swap3A_1355 = tpu.vector_load %arg13[%swap3A_1353, %swap3A_1354] {strides = array<i32>} : memref<32x128xf32, #tpu.memory_space<vmem>>, vector<16xf32>,
      tpu.vector_store %arg13[%swap3A_1353, %swap3A_1354], %mul3A_1352 {strides = array<i32>} : memref<32x128xf32, #tpu.memory_space<vmem>>, vector<16xf32>,
      %get3A_1356 = arith.index_cast %scan3A_1306 : i32 to index
      %get3A_1357 = arith.constant 112 : index
      %get3A_1358 = tpu.vector_load %arg13[%get3A_1356, %get3A_1357] {strides = array<i32>} : memref<32x128xf32, #tpu.memory_space<vmem>>, vector<16xf32>,
      %mul3A_1359 = arith.mulf %get3A_1358, %get3A_1118 : vector<16xf32>
      %swap3A_1360 = arith.index_cast %scan3A_1306 : i32 to index
      %swap3A_1361 = arith.constant 112 : index
      %swap3A_1362 = tpu.vector_load %arg13[%swap3A_1360, %swap3A_1361] {strides = array<i32>} : memref<32x128xf32, #tpu.memory_space<vmem>>, vector<16xf32>,
      tpu.vector_store %arg13[%swap3A_1360, %swap3A_1361], %mul3A_1359 {strides = array<i32>} : memref<32x128xf32, #tpu.memory_space<vmem>>, vector<16xf32>,
      %scan3A_1363 = arith.constant 0 : i32
      scf.yield %scan3A_1363 : i32
    }
    %scan3A_1127 = arith.constant 32 : i32
    %mul3A_1128 = arith.constant 5000 : i32
    %mul3A_1129 = arith.muli %arg0, %mul3A_1128 : i32
    %add3A_1130 = arith.addi %mul3A_1129, %add3A_1120 : i32
    "tpu.region"() ({
      %run_scoped3A = tpu.sem_alloc : memref<!tpu.dma_semaphore, #tpu.memory_space<semaphore_mem>>
      %dma_start3A_1246 = arith.constant 0 : i32
      %dma_start3A_1247 = tpu.memref_slice %arg6[%add3A_1130, %dma_start3A_1246] : memref<10000x128xf32, #tpu.memory_space<hbm>> -> memref<32x128xf32, #tpu.memory_space<hbm>>
      %dma_start3A_1248 = arith.constant 0 : i32
      %dma_start3A_1249 = tpu.memref_slice %arg6[%add3A_1130, %dma_start3A_1248] : memref<10000x128xf32, #tpu.memory_space<hbm>> -> memref<32x128xf32, #tpu.memory_space<hbm>>
      tpu.enqueue_dma source(%arg13 : memref<32x128xf32, #tpu.memory_space<vmem>>) target(%dma_start3A_1249 : memref<32x128xf32, #tpu.memory_space<hbm>>) target_semaphore(%run_scoped3A : memref<!tpu.dma_semaphore, #tpu.memory_space<semaphore_mem>>)
      %dma_wait3A_1250 = arith.constant 0 : i32
      %dma_wait3A_1251 = tpu.memref_slice %arg6[%add3A_1130, %dma_wait3A_1250] : memref<10000x128xf32, #tpu.memory_space<hbm>> -> memref<32x128xf32, #tpu.memory_space<hbm>>
      %dma_wait3A_1252 = arith.constant 0 : i32
      %dma_wait3A_1253 = tpu.memref_slice %arg6[%add3A_1130, %dma_wait3A_1252] : memref<10000x128xf32, #tpu.memory_space<hbm>> -> memref<32x128xf32, #tpu.memory_space<hbm>>
      tpu.wait_dma2 semaphore(%run_scoped3A : memref<!tpu.dma_semaphore, #tpu.memory_space<semaphore_mem>>) src(%arg13 : memref<32x128xf32, #tpu.memory_space<vmem>>) dst(%dma_wait3A_1253 : memref<32x128xf32, #tpu.memory_space<hbm>>)
      tpu.yield
    }) : () -> ()
    %add3A_1131 = arith.constant 32 : i32
    %add3A_1132 = arith.addi %mul3A_1031, %add3A_1131 : i32
    "tpu.region"() ({
      %run_scoped3A = tpu.sem_alloc : memref<!tpu.dma_semaphore, #tpu.memory_space<semaphore_mem>>
      %dma_start3A_1246 = arith.constant 0 : i32
      %dma_start3A_1247 = tpu.memref_slice %arg7[%add3A_1132, %dma_start3A_1246] : memref<5008x128xf32, #tpu.memory_space<vmem_shared>> -> memref<32x128xf32, #tpu.memory_space<vmem_shared>>
      %dma_start3A_1248 = arith.constant 0 : i32
      %dma_start3A_1249 = tpu.memref_slice %arg7[%add3A_1132, %dma_start3A_1248] : memref<5008x128xf32, #tpu.memory_space<vmem_shared>> -> memref<32x128xf32, #tpu.memory_space<vmem_shared>>
      tpu.enqueue_dma source(%dma_start3A_1249 : memref<32x128xf32, #tpu.memory_space<vmem_shared>>) target(%arg13 : memref<32x128xf32, #tpu.memory_space<vmem>>) target_semaphore(%run_scoped3A : memref<!tpu.dma_semaphore, #tpu.memory_space<semaphore_mem>>)
      %dma_wait3A_1250 = arith.constant 0 : i32
      %dma_wait3A_1251 = tpu.memref_slice %arg7[%add3A_1132, %dma_wait3A_1250] : memref<5008x128xf32, #tpu.memory_space<vmem_shared>> -> memref<32x128xf32, #tpu.memory_space<vmem_shared>>
      %dma_wait3A_1252 = arith.constant 0 : i32
      %dma_wait3A_1253 = tpu.memref_slice %arg7[%add3A_1132, %dma_wait3A_1252] : memref<5008x128xf32, #tpu.memory_space<vmem_shared>> -> memref<32x128xf32, #tpu.memory_space<vmem_shared>>
      tpu.wait_dma2 semaphore(%run_scoped3A : memref<!tpu.dma_semaphore, #tpu.memory_space<semaphore_mem>>) src(%dma_wait3A_1253 : memref<32x128xf32, #tpu.memory_space<vmem_shared>>) dst(%arg13 : memref<32x128xf32, #tpu.memory_space<vmem>>)
      tpu.yield
    }) : () -> ()
    %scan3A_1133 = arith.constant 0 : i32
    %scan3A_1134 = arith.constant 0 : i32
    %scan3A_1135 = arith.constant 32 : i32
    %scan3A_1136 = arith.addi %scan3A_1134, %scan3A_1135 : i32
    %scan3A_1137 = arith.constant 2 : i32
    %scan3A_1138 = scf.for %scan3A_1246 = %scan3A_1134 to %scan3A_1136 step %scan3A_1137 iter_args(%scan3A_1247 = %scan3A_1133) -> (i32)  : i32 {
      %get3A_1248 = arith.index_cast %scan3A_1246 : i32 to index
      %get3A_1249 = arith.constant 0 : index
      %get3A_1250 = tpu.vector_load %arg13[%get3A_1248, %get3A_1249] {strides = array<i32>} : memref<32x128xf32, #tpu.memory_space<vmem>>, vector<16xf32>,
      %mul3A_1251 = arith.mulf %get3A_1250, %get3A_1104 : vector<16xf32>
      %swap3A_1252 = arith.index_cast %scan3A_1246 : i32 to index
      %swap3A_1253 = arith.constant 0 : index
      %swap3A_1254 = tpu.vector_load %arg13[%swap3A_1252, %swap3A_1253] {strides = array<i32>} : memref<32x128xf32, #tpu.memory_space<vmem>>, vector<16xf32>,
      tpu.vector_store %arg13[%swap3A_1252, %swap3A_1253], %mul3A_1251 {strides = array<i32>} : memref<32x128xf32, #tpu.memory_space<vmem>>, vector<16xf32>,
      %get3A_1255 = arith.index_cast %scan3A_1246 : i32 to index
      %get3A_1256 = arith.constant 16 : index
      %get3A_1257 = tpu.vector_load %arg13[%get3A_1255, %get3A_1256] {strides = array<i32>} : memref<32x128xf32, #tpu.memory_space<vmem>>, vector<16xf32>,
      %mul3A_1258 = arith.mulf %get3A_1257, %get3A_1106 : vector<16xf32>
      %swap3A_1259 = arith.index_cast %scan3A_1246 : i32 to index
      %swap3A_1260 = arith.constant 16 : index
      %swap3A_1261 = tpu.vector_load %arg13[%swap3A_1259, %swap3A_1260] {strides = array<i32>} : memref<32x128xf32, #tpu.memory_space<vmem>>, vector<16xf32>,
      tpu.vector_store %arg13[%swap3A_1259, %swap3A_1260], %mul3A_1258 {strides = array<i32>} : memref<32x128xf32, #tpu.memory_space<vmem>>, vector<16xf32>,
      %get3A_1262 = arith.index_cast %scan3A_1246 : i32 to index
      %get3A_1263 = arith.constant 32 : index
      %get3A_1264 = tpu.vector_load %arg13[%get3A_1262, %get3A_1263] {strides = array<i32>} : memref<32x128xf32, #tpu.memory_space<vmem>>, vector<16xf32>,
      %mul3A_1265 = arith.mulf %get3A_1264, %get3A_1108 : vector<16xf32>
      %swap3A_1266 = arith.index_cast %scan3A_1246 : i32 to index
      %swap3A_1267 = arith.constant 32 : index
      %swap3A_1268 = tpu.vector_load %arg13[%swap3A_1266, %swap3A_1267] {strides = array<i32>} : memref<32x128xf32, #tpu.memory_space<vmem>>, vector<16xf32>,
      tpu.vector_store %arg13[%swap3A_1266, %swap3A_1267], %mul3A_1265 {strides = array<i32>} : memref<32x128xf32, #tpu.memory_space<vmem>>, vector<16xf32>,
      %get3A_1269 = arith.index_cast %scan3A_1246 : i32 to index
      %get3A_1270 = arith.constant 48 : index
      %get3A_1271 = tpu.vector_load %arg13[%get3A_1269, %get3A_1270] {strides = array<i32>} : memref<32x128xf32, #tpu.memory_space<vmem>>, vector<16xf32>,
      %mul3A_1272 = arith.mulf %get3A_1271, %get3A_1110 : vector<16xf32>
      %swap3A_1273 = arith.index_cast %scan3A_1246 : i32 to index
      %swap3A_1274 = arith.constant 48 : index
      %swap3A_1275 = tpu.vector_load %arg13[%swap3A_1273, %swap3A_1274] {strides = array<i32>} : memref<32x128xf32, #tpu.memory_space<vmem>>, vector<16xf32>,
      tpu.vector_store %arg13[%swap3A_1273, %swap3A_1274], %mul3A_1272 {strides = array<i32>} : memref<32x128xf32, #tpu.memory_space<vmem>>, vector<16xf32>,
      %get3A_1276 = arith.index_cast %scan3A_1246 : i32 to index
      %get3A_1277 = arith.constant 64 : index
      %get3A_1278 = tpu.vector_load %arg13[%get3A_1276, %get3A_1277] {strides = array<i32>} : memref<32x128xf32, #tpu.memory_space<vmem>>, vector<16xf32>,
      %mul3A_1279 = arith.mulf %get3A_1278, %get3A_1112 : vector<16xf32>
      %swap3A_1280 = arith.index_cast %scan3A_1246 : i32 to index
      %swap3A_1281 = arith.constant 64 : index
      %swap3A_1282 = tpu.vector_load %arg13[%swap3A_1280, %swap3A_1281] {strides = array<i32>} : memref<32x128xf32, #tpu.memory_space<vmem>>, vector<16xf32>,
      tpu.vector_store %arg13[%swap3A_1280, %swap3A_1281], %mul3A_1279 {strides = array<i32>} : memref<32x128xf32, #tpu.memory_space<vmem>>, vector<16xf32>,
      %get3A_1283 = arith.index_cast %scan3A_1246 : i32 to index
      %get3A_1284 = arith.constant 80 : index
      %get3A_1285 = tpu.vector_load %arg13[%get3A_1283, %get3A_1284] {strides = array<i32>} : memref<32x128xf32, #tpu.memory_space<vmem>>, vector<16xf32>,
      %mul3A_1286 = arith.mulf %get3A_1285, %get3A_1114 : vector<16xf32>
      %swap3A_1287 = arith.index_cast %scan3A_1246 : i32 to index
      %swap3A_1288 = arith.constant 80 : index
      %swap3A_1289 = tpu.vector_load %arg13[%swap3A_1287, %swap3A_1288] {strides = array<i32>} : memref<32x128xf32, #tpu.memory_space<vmem>>, vector<16xf32>,
      tpu.vector_store %arg13[%swap3A_1287, %swap3A_1288], %mul3A_1286 {strides = array<i32>} : memref<32x128xf32, #tpu.memory_space<vmem>>, vector<16xf32>,
      %get3A_1290 = arith.index_cast %scan3A_1246 : i32 to index
      %get3A_1291 = arith.constant 96 : index
      %get3A_1292 = tpu.vector_load %arg13[%get3A_1290, %get3A_1291] {strides = array<i32>} : memref<32x128xf32, #tpu.memory_space<vmem>>, vector<16xf32>,
      %mul3A_1293 = arith.mulf %get3A_1292, %get3A_1116 : vector<16xf32>
      %swap3A_1294 = arith.index_cast %scan3A_1246 : i32 to index
      %swap3A_1295 = arith.constant 96 : index
      %swap3A_1296 = tpu.vector_load %arg13[%swap3A_1294, %swap3A_1295] {strides = array<i32>} : memref<32x128xf32, #tpu.memory_space<vmem>>, vector<16xf32>,
      tpu.vector_store %arg13[%swap3A_1294, %swap3A_1295], %mul3A_1293 {strides = array<i32>} : memref<32x128xf32, #tpu.memory_space<vmem>>, vector<16xf32>,
      %get3A_1297 = arith.index_cast %scan3A_1246 : i32 to index
      %get3A_1298 = arith.constant 112 : index
      %get3A_1299 = tpu.vector_load %arg13[%get3A_1297, %get3A_1298] {strides = array<i32>} : memref<32x128xf32, #tpu.memory_space<vmem>>, vector<16xf32>,
      %mul3A_1300 = arith.mulf %get3A_1299, %get3A_1118 : vector<16xf32>
      %swap3A_1301 = arith.index_cast %scan3A_1246 : i32 to index
      %swap3A_1302 = arith.constant 112 : index
      %swap3A_1303 = tpu.vector_load %arg13[%swap3A_1301, %swap3A_1302] {strides = array<i32>} : memref<32x128xf32, #tpu.memory_space<vmem>>, vector<16xf32>,
      tpu.vector_store %arg13[%swap3A_1301, %swap3A_1302], %mul3A_1300 {strides = array<i32>} : memref<32x128xf32, #tpu.memory_space<vmem>>, vector<16xf32>,
      %scan3A_1304 = arith.constant 0 : i32
      %scan3A_1305 = arith.constant 1 : i32
      %scan3A_1306 = arith.addi %scan3A_1246, %scan3A_1305 : i32
      %get3A_1307 = arith.index_cast %scan3A_1306 : i32 to index
      %get3A_1308 = arith.constant 0 : index
      %get3A_1309 = tpu.vector_load %arg13[%get3A_1307, %get3A_1308] {strides = array<i32>} : memref<32x128xf32, #tpu.memory_space<vmem>>, vector<16xf32>,
      %mul3A_1310 = arith.mulf %get3A_1309, %get3A_1104 : vector<16xf32>
      %swap3A_1311 = arith.index_cast %scan3A_1306 : i32 to index
      %swap3A_1312 = arith.constant 0 : index
      %swap3A_1313 = tpu.vector_load %arg13[%swap3A_1311, %swap3A_1312] {strides = array<i32>} : memref<32x128xf32, #tpu.memory_space<vmem>>, vector<16xf32>,
      tpu.vector_store %arg13[%swap3A_1311, %swap3A_1312], %mul3A_1310 {strides = array<i32>} : memref<32x128xf32, #tpu.memory_space<vmem>>, vector<16xf32>,
      %get3A_1314 = arith.index_cast %scan3A_1306 : i32 to index
      %get3A_1315 = arith.constant 16 : index
      %get3A_1316 = tpu.vector_load %arg13[%get3A_1314, %get3A_1315] {strides = array<i32>} : memref<32x128xf32, #tpu.memory_space<vmem>>, vector<16xf32>,
      %mul3A_1317 = arith.mulf %get3A_1316, %get3A_1106 : vector<16xf32>
      %swap3A_1318 = arith.index_cast %scan3A_1306 : i32 to index
      %swap3A_1319 = arith.constant 16 : index
      %swap3A_1320 = tpu.vector_load %arg13[%swap3A_1318, %swap3A_1319] {strides = array<i32>} : memref<32x128xf32, #tpu.memory_space<vmem>>, vector<16xf32>,
      tpu.vector_store %arg13[%swap3A_1318, %swap3A_1319], %mul3A_1317 {strides = array<i32>} : memref<32x128xf32, #tpu.memory_space<vmem>>, vector<16xf32>,
      %get3A_1321 = arith.index_cast %scan3A_1306 : i32 to index
      %get3A_1322 = arith.constant 32 : index
      %get3A_1323 = tpu.vector_load %arg13[%get3A_1321, %get3A_1322] {strides = array<i32>} : memref<32x128xf32, #tpu.memory_space<vmem>>, vector<16xf32>,
      %mul3A_1324 = arith.mulf %get3A_1323, %get3A_1108 : vector<16xf32>
      %swap3A_1325 = arith.index_cast %scan3A_1306 : i32 to index
      %swap3A_1326 = arith.constant 32 : index
      %swap3A_1327 = tpu.vector_load %arg13[%swap3A_1325, %swap3A_1326] {strides = array<i32>} : memref<32x128xf32, #tpu.memory_space<vmem>>, vector<16xf32>,
      tpu.vector_store %arg13[%swap3A_1325, %swap3A_1326], %mul3A_1324 {strides = array<i32>} : memref<32x128xf32, #tpu.memory_space<vmem>>, vector<16xf32>,
      %get3A_1328 = arith.index_cast %scan3A_1306 : i32 to index
      %get3A_1329 = arith.constant 48 : index
      %get3A_1330 = tpu.vector_load %arg13[%get3A_1328, %get3A_1329] {strides = array<i32>} : memref<32x128xf32, #tpu.memory_space<vmem>>, vector<16xf32>,
      %mul3A_1331 = arith.mulf %get3A_1330, %get3A_1110 : vector<16xf32>
      %swap3A_1332 = arith.index_cast %scan3A_1306 : i32 to index
      %swap3A_1333 = arith.constant 48 : index
      %swap3A_1334 = tpu.vector_load %arg13[%swap3A_1332, %swap3A_1333] {strides = array<i32>} : memref<32x128xf32, #tpu.memory_space<vmem>>, vector<16xf32>,
      tpu.vector_store %arg13[%swap3A_1332, %swap3A_1333], %mul3A_1331 {strides = array<i32>} : memref<32x128xf32, #tpu.memory_space<vmem>>, vector<16xf32>,
      %get3A_1335 = arith.index_cast %scan3A_1306 : i32 to index
      %get3A_1336 = arith.constant 64 : index
      %get3A_1337 = tpu.vector_load %arg13[%get3A_1335, %get3A_1336] {strides = array<i32>} : memref<32x128xf32, #tpu.memory_space<vmem>>, vector<16xf32>,
      %mul3A_1338 = arith.mulf %get3A_1337, %get3A_1112 : vector<16xf32>
      %swap3A_1339 = arith.index_cast %scan3A_1306 : i32 to index
      %swap3A_1340 = arith.constant 64 : index
      %swap3A_1341 = tpu.vector_load %arg13[%swap3A_1339, %swap3A_1340] {strides = array<i32>} : memref<32x128xf32, #tpu.memory_space<vmem>>, vector<16xf32>,
      tpu.vector_store %arg13[%swap3A_1339, %swap3A_1340], %mul3A_1338 {strides = array<i32>} : memref<32x128xf32, #tpu.memory_space<vmem>>, vector<16xf32>,
      %get3A_1342 = arith.index_cast %scan3A_1306 : i32 to index
      %get3A_1343 = arith.constant 80 : index
      %get3A_1344 = tpu.vector_load %arg13[%get3A_1342, %get3A_1343] {strides = array<i32>} : memref<32x128xf32, #tpu.memory_space<vmem>>, vector<16xf32>,
      %mul3A_1345 = arith.mulf %get3A_1344, %get3A_1114 : vector<16xf32>
      %swap3A_1346 = arith.index_cast %scan3A_1306 : i32 to index
      %swap3A_1347 = arith.constant 80 : index
      %swap3A_1348 = tpu.vector_load %arg13[%swap3A_1346, %swap3A_1347] {strides = array<i32>} : memref<32x128xf32, #tpu.memory_space<vmem>>, vector<16xf32>,
      tpu.vector_store %arg13[%swap3A_1346, %swap3A_1347], %mul3A_1345 {strides = array<i32>} : memref<32x128xf32, #tpu.memory_space<vmem>>, vector<16xf32>,
      %get3A_1349 = arith.index_cast %scan3A_1306 : i32 to index
      %get3A_1350 = arith.constant 96 : index
      %get3A_1351 = tpu.vector_load %arg13[%get3A_1349, %get3A_1350] {strides = array<i32>} : memref<32x128xf32, #tpu.memory_space<vmem>>, vector<16xf32>,
      %mul3A_1352 = arith.mulf %get3A_1351, %get3A_1116 : vector<16xf32>
      %swap3A_1353 = arith.index_cast %scan3A_1306 : i32 to index
      %swap3A_1354 = arith.constant 96 : index
      %swap3A_1355 = tpu.vector_load %arg13[%swap3A_1353, %swap3A_1354] {strides = array<i32>} : memref<32x128xf32, #tpu.memory_space<vmem>>, vector<16xf32>,
      tpu.vector_store %arg13[%swap3A_1353, %swap3A_1354], %mul3A_1352 {strides = array<i32>} : memref<32x128xf32, #tpu.memory_space<vmem>>, vector<16xf32>,
      %get3A_1356 = arith.index_cast %scan3A_1306 : i32 to index
      %get3A_1357 = arith.constant 112 : index
      %get3A_1358 = tpu.vector_load %arg13[%get3A_1356, %get3A_1357] {strides = array<i32>} : memref<32x128xf32, #tpu.memory_space<vmem>>, vector<16xf32>,
      %mul3A_1359 = arith.mulf %get3A_1358, %get3A_1118 : vector<16xf32>
      %swap3A_1360 = arith.index_cast %scan3A_1306 : i32 to index
      %swap3A_1361 = arith.constant 112 : index
      %swap3A_1362 = tpu.vector_load %arg13[%swap3A_1360, %swap3A_1361] {strides = array<i32>} : memref<32x128xf32, #tpu.memory_space<vmem>>, vector<16xf32>,
      tpu.vector_store %arg13[%swap3A_1360, %swap3A_1361], %mul3A_1359 {strides = array<i32>} : memref<32x128xf32, #tpu.memory_space<vmem>>, vector<16xf32>,
      %scan3A_1363 = arith.constant 0 : i32
      scf.yield %scan3A_1363 : i32
    }
    %scan3A_1139 = arith.constant 32 : i32
    %mul3A_1140 = arith.constant 5000 : i32
    %mul3A_1141 = arith.muli %arg0, %mul3A_1140 : i32
    %add3A_1142 = arith.addi %mul3A_1141, %add3A_1132 : i32
    "tpu.region"() ({
      %run_scoped3A = tpu.sem_alloc : memref<!tpu.dma_semaphore, #tpu.memory_space<semaphore_mem>>
      %dma_start3A_1246 = arith.constant 0 : i32
      %dma_start3A_1247 = tpu.memref_slice %arg6[%add3A_1142, %dma_start3A_1246] : memref<10000x128xf32, #tpu.memory_space<hbm>> -> memref<32x128xf32, #tpu.memory_space<hbm>>
      %dma_start3A_1248 = arith.constant 0 : i32
      %dma_start3A_1249 = tpu.memref_slice %arg6[%add3A_1142, %dma_start3A_1248] : memref<10000x128xf32, #tpu.memory_space<hbm>> -> memref<32x128xf32, #tpu.memory_space<hbm>>
      tpu.enqueue_dma source(%arg13 : memref<32x128xf32, #tpu.memory_space<vmem>>) target(%dma_start3A_1249 : memref<32x128xf32, #tpu.memory_space<hbm>>) target_semaphore(%run_scoped3A : memref<!tpu.dma_semaphore, #tpu.memory_space<semaphore_mem>>)
      %dma_wait3A_1250 = arith.constant 0 : i32
      %dma_wait3A_1251 = tpu.memref_slice %arg6[%add3A_1142, %dma_wait3A_1250] : memref<10000x128xf32, #tpu.memory_space<hbm>> -> memref<32x128xf32, #tpu.memory_space<hbm>>
      %dma_wait3A_1252 = arith.constant 0 : i32
      %dma_wait3A_1253 = tpu.memref_slice %arg6[%add3A_1142, %dma_wait3A_1252] : memref<10000x128xf32, #tpu.memory_space<hbm>> -> memref<32x128xf32, #tpu.memory_space<hbm>>
      tpu.wait_dma2 semaphore(%run_scoped3A : memref<!tpu.dma_semaphore, #tpu.memory_space<semaphore_mem>>) src(%arg13 : memref<32x128xf32, #tpu.memory_space<vmem>>) dst(%dma_wait3A_1253 : memref<32x128xf32, #tpu.memory_space<hbm>>)
      tpu.yield
    }) : () -> ()
    %add3A_1143 = arith.constant 64 : i32
    %add3A_1144 = arith.addi %mul3A_1031, %add3A_1143 : i32
    "tpu.region"() ({
      %run_scoped3A = tpu.sem_alloc : memref<!tpu.dma_semaphore, #tpu.memory_space<semaphore_mem>>
      %dma_start3A_1246 = arith.constant 0 : i32
      %dma_start3A_1247 = tpu.memref_slice %arg7[%add3A_1144, %dma_start3A_1246] : memref<5008x128xf32, #tpu.memory_space<vmem_shared>> -> memref<32x128xf32, #tpu.memory_space<vmem_shared>>
      %dma_start3A_1248 = arith.constant 0 : i32
      %dma_start3A_1249 = tpu.memref_slice %arg7[%add3A_1144, %dma_start3A_1248] : memref<5008x128xf32, #tpu.memory_space<vmem_shared>> -> memref<32x128xf32, #tpu.memory_space<vmem_shared>>
      tpu.enqueue_dma source(%dma_start3A_1249 : memref<32x128xf32, #tpu.memory_space<vmem_shared>>) target(%arg13 : memref<32x128xf32, #tpu.memory_space<vmem>>) target_semaphore(%run_scoped3A : memref<!tpu.dma_semaphore, #tpu.memory_space<semaphore_mem>>)
      %dma_wait3A_1250 = arith.constant 0 : i32
      %dma_wait3A_1251 = tpu.memref_slice %arg7[%add3A_1144, %dma_wait3A_1250] : memref<5008x128xf32, #tpu.memory_space<vmem_shared>> -> memref<32x128xf32, #tpu.memory_space<vmem_shared>>
      %dma_wait3A_1252 = arith.constant 0 : i32
      %dma_wait3A_1253 = tpu.memref_slice %arg7[%add3A_1144, %dma_wait3A_1252] : memref<5008x128xf32, #tpu.memory_space<vmem_shared>> -> memref<32x128xf32, #tpu.memory_space<vmem_shared>>
      tpu.wait_dma2 semaphore(%run_scoped3A : memref<!tpu.dma_semaphore, #tpu.memory_space<semaphore_mem>>) src(%dma_wait3A_1253 : memref<32x128xf32, #tpu.memory_space<vmem_shared>>) dst(%arg13 : memref<32x128xf32, #tpu.memory_space<vmem>>)
      tpu.yield
    }) : () -> ()
    %scan3A_1145 = arith.constant 0 : i32
    %scan3A_1146 = arith.constant 0 : i32
    %scan3A_1147 = arith.constant 32 : i32
    %scan3A_1148 = arith.addi %scan3A_1146, %scan3A_1147 : i32
    %scan3A_1149 = arith.constant 2 : i32
    %scan3A_1150 = scf.for %scan3A_1246 = %scan3A_1146 to %scan3A_1148 step %scan3A_1149 iter_args(%scan3A_1247 = %scan3A_1145) -> (i32)  : i32 {
      %get3A_1248 = arith.index_cast %scan3A_1246 : i32 to index
      %get3A_1249 = arith.constant 0 : index
      %get3A_1250 = tpu.vector_load %arg13[%get3A_1248, %get3A_1249] {strides = array<i32>} : memref<32x128xf32, #tpu.memory_space<vmem>>, vector<16xf32>,
      %mul3A_1251 = arith.mulf %get3A_1250, %get3A_1104 : vector<16xf32>
      %swap3A_1252 = arith.index_cast %scan3A_1246 : i32 to index
      %swap3A_1253 = arith.constant 0 : index
      %swap3A_1254 = tpu.vector_load %arg13[%swap3A_1252, %swap3A_1253] {strides = array<i32>} : memref<32x128xf32, #tpu.memory_space<vmem>>, vector<16xf32>,
      tpu.vector_store %arg13[%swap3A_1252, %swap3A_1253], %mul3A_1251 {strides = array<i32>} : memref<32x128xf32, #tpu.memory_space<vmem>>, vector<16xf32>,
      %get3A_1255 = arith.index_cast %scan3A_1246 : i32 to index
      %get3A_1256 = arith.constant 16 : index
      %get3A_1257 = tpu.vector_load %arg13[%get3A_1255, %get3A_1256] {strides = array<i32>} : memref<32x128xf32, #tpu.memory_space<vmem>>, vector<16xf32>,
      %mul3A_1258 = arith.mulf %get3A_1257, %get3A_1106 : vector<16xf32>
      %swap3A_1259 = arith.index_cast %scan3A_1246 : i32 to index
      %swap3A_1260 = arith.constant 16 : index
      %swap3A_1261 = tpu.vector_load %arg13[%swap3A_1259, %swap3A_1260] {strides = array<i32>} : memref<32x128xf32, #tpu.memory_space<vmem>>, vector<16xf32>,
      tpu.vector_store %arg13[%swap3A_1259, %swap3A_1260], %mul3A_1258 {strides = array<i32>} : memref<32x128xf32, #tpu.memory_space<vmem>>, vector<16xf32>,
      %get3A_1262 = arith.index_cast %scan3A_1246 : i32 to index
      %get3A_1263 = arith.constant 32 : index
      %get3A_1264 = tpu.vector_load %arg13[%get3A_1262, %get3A_1263] {strides = array<i32>} : memref<32x128xf32, #tpu.memory_space<vmem>>, vector<16xf32>,
      %mul3A_1265 = arith.mulf %get3A_1264, %get3A_1108 : vector<16xf32>
      %swap3A_1266 = arith.index_cast %scan3A_1246 : i32 to index
      %swap3A_1267 = arith.constant 32 : index
      %swap3A_1268 = tpu.vector_load %arg13[%swap3A_1266, %swap3A_1267] {strides = array<i32>} : memref<32x128xf32, #tpu.memory_space<vmem>>, vector<16xf32>,
      tpu.vector_store %arg13[%swap3A_1266, %swap3A_1267], %mul3A_1265 {strides = array<i32>} : memref<32x128xf32, #tpu.memory_space<vmem>>, vector<16xf32>,
      %get3A_1269 = arith.index_cast %scan3A_1246 : i32 to index
      %get3A_1270 = arith.constant 48 : index
      %get3A_1271 = tpu.vector_load %arg13[%get3A_1269, %get3A_1270] {strides = array<i32>} : memref<32x128xf32, #tpu.memory_space<vmem>>, vector<16xf32>,
      %mul3A_1272 = arith.mulf %get3A_1271, %get3A_1110 : vector<16xf32>
      %swap3A_1273 = arith.index_cast %scan3A_1246 : i32 to index
      %swap3A_1274 = arith.constant 48 : index
      %swap3A_1275 = tpu.vector_load %arg13[%swap3A_1273, %swap3A_1274] {strides = array<i32>} : memref<32x128xf32, #tpu.memory_space<vmem>>, vector<16xf32>,
      tpu.vector_store %arg13[%swap3A_1273, %swap3A_1274], %mul3A_1272 {strides = array<i32>} : memref<32x128xf32, #tpu.memory_space<vmem>>, vector<16xf32>,
      %get3A_1276 = arith.index_cast %scan3A_1246 : i32 to index
      %get3A_1277 = arith.constant 64 : index
      %get3A_1278 = tpu.vector_load %arg13[%get3A_1276, %get3A_1277] {strides = array<i32>} : memref<32x128xf32, #tpu.memory_space<vmem>>, vector<16xf32>,
      %mul3A_1279 = arith.mulf %get3A_1278, %get3A_1112 : vector<16xf32>
      %swap3A_1280 = arith.index_cast %scan3A_1246 : i32 to index
      %swap3A_1281 = arith.constant 64 : index
      %swap3A_1282 = tpu.vector_load %arg13[%swap3A_1280, %swap3A_1281] {strides = array<i32>} : memref<32x128xf32, #tpu.memory_space<vmem>>, vector<16xf32>,
      tpu.vector_store %arg13[%swap3A_1280, %swap3A_1281], %mul3A_1279 {strides = array<i32>} : memref<32x128xf32, #tpu.memory_space<vmem>>, vector<16xf32>,
      %get3A_1283 = arith.index_cast %scan3A_1246 : i32 to index
      %get3A_1284 = arith.constant 80 : index
      %get3A_1285 = tpu.vector_load %arg13[%get3A_1283, %get3A_1284] {strides = array<i32>} : memref<32x128xf32, #tpu.memory_space<vmem>>, vector<16xf32>,
      %mul3A_1286 = arith.mulf %get3A_1285, %get3A_1114 : vector<16xf32>
      %swap3A_1287 = arith.index_cast %scan3A_1246 : i32 to index
      %swap3A_1288 = arith.constant 80 : index
      %swap3A_1289 = tpu.vector_load %arg13[%swap3A_1287, %swap3A_1288] {strides = array<i32>} : memref<32x128xf32, #tpu.memory_space<vmem>>, vector<16xf32>,
      tpu.vector_store %arg13[%swap3A_1287, %swap3A_1288], %mul3A_1286 {strides = array<i32>} : memref<32x128xf32, #tpu.memory_space<vmem>>, vector<16xf32>,
      %get3A_1290 = arith.index_cast %scan3A_1246 : i32 to index
      %get3A_1291 = arith.constant 96 : index
      %get3A_1292 = tpu.vector_load %arg13[%get3A_1290, %get3A_1291] {strides = array<i32>} : memref<32x128xf32, #tpu.memory_space<vmem>>, vector<16xf32>,
      %mul3A_1293 = arith.mulf %get3A_1292, %get3A_1116 : vector<16xf32>
      %swap3A_1294 = arith.index_cast %scan3A_1246 : i32 to index
      %swap3A_1295 = arith.constant 96 : index
      %swap3A_1296 = tpu.vector_load %arg13[%swap3A_1294, %swap3A_1295] {strides = array<i32>} : memref<32x128xf32, #tpu.memory_space<vmem>>, vector<16xf32>,
      tpu.vector_store %arg13[%swap3A_1294, %swap3A_1295], %mul3A_1293 {strides = array<i32>} : memref<32x128xf32, #tpu.memory_space<vmem>>, vector<16xf32>,
      %get3A_1297 = arith.index_cast %scan3A_1246 : i32 to index
      %get3A_1298 = arith.constant 112 : index
      %get3A_1299 = tpu.vector_load %arg13[%get3A_1297, %get3A_1298] {strides = array<i32>} : memref<32x128xf32, #tpu.memory_space<vmem>>, vector<16xf32>,
      %mul3A_1300 = arith.mulf %get3A_1299, %get3A_1118 : vector<16xf32>
      %swap3A_1301 = arith.index_cast %scan3A_1246 : i32 to index
      %swap3A_1302 = arith.constant 112 : index
      %swap3A_1303 = tpu.vector_load %arg13[%swap3A_1301, %swap3A_1302] {strides = array<i32>} : memref<32x128xf32, #tpu.memory_space<vmem>>, vector<16xf32>,
      tpu.vector_store %arg13[%swap3A_1301, %swap3A_1302], %mul3A_1300 {strides = array<i32>} : memref<32x128xf32, #tpu.memory_space<vmem>>, vector<16xf32>,
      %scan3A_1304 = arith.constant 0 : i32
      %scan3A_1305 = arith.constant 1 : i32
      %scan3A_1306 = arith.addi %scan3A_1246, %scan3A_1305 : i32
      %get3A_1307 = arith.index_cast %scan3A_1306 : i32 to index
      %get3A_1308 = arith.constant 0 : index
      %get3A_1309 = tpu.vector_load %arg13[%get3A_1307, %get3A_1308] {strides = array<i32>} : memref<32x128xf32, #tpu.memory_space<vmem>>, vector<16xf32>,
      %mul3A_1310 = arith.mulf %get3A_1309, %get3A_1104 : vector<16xf32>
      %swap3A_1311 = arith.index_cast %scan3A_1306 : i32 to index
      %swap3A_1312 = arith.constant 0 : index
      %swap3A_1313 = tpu.vector_load %arg13[%swap3A_1311, %swap3A_1312] {strides = array<i32>} : memref<32x128xf32, #tpu.memory_space<vmem>>, vector<16xf32>,
      tpu.vector_store %arg13[%swap3A_1311, %swap3A_1312], %mul3A_1310 {strides = array<i32>} : memref<32x128xf32, #tpu.memory_space<vmem>>, vector<16xf32>,
      %get3A_1314 = arith.index_cast %scan3A_1306 : i32 to index
      %get3A_1315 = arith.constant 16 : index
      %get3A_1316 = tpu.vector_load %arg13[%get3A_1314, %get3A_1315] {strides = array<i32>} : memref<32x128xf32, #tpu.memory_space<vmem>>, vector<16xf32>,
      %mul3A_1317 = arith.mulf %get3A_1316, %get3A_1106 : vector<16xf32>
      %swap3A_1318 = arith.index_cast %scan3A_1306 : i32 to index
      %swap3A_1319 = arith.constant 16 : index
      %swap3A_1320 = tpu.vector_load %arg13[%swap3A_1318, %swap3A_1319] {strides = array<i32>} : memref<32x128xf32, #tpu.memory_space<vmem>>, vector<16xf32>,
      tpu.vector_store %arg13[%swap3A_1318, %swap3A_1319], %mul3A_1317 {strides = array<i32>} : memref<32x128xf32, #tpu.memory_space<vmem>>, vector<16xf32>,
      %get3A_1321 = arith.index_cast %scan3A_1306 : i32 to index
      %get3A_1322 = arith.constant 32 : index
      %get3A_1323 = tpu.vector_load %arg13[%get3A_1321, %get3A_1322] {strides = array<i32>} : memref<32x128xf32, #tpu.memory_space<vmem>>, vector<16xf32>,
      %mul3A_1324 = arith.mulf %get3A_1323, %get3A_1108 : vector<16xf32>
      %swap3A_1325 = arith.index_cast %scan3A_1306 : i32 to index
      %swap3A_1326 = arith.constant 32 : index
      %swap3A_1327 = tpu.vector_load %arg13[%swap3A_1325, %swap3A_1326] {strides = array<i32>} : memref<32x128xf32, #tpu.memory_space<vmem>>, vector<16xf32>,
      tpu.vector_store %arg13[%swap3A_1325, %swap3A_1326], %mul3A_1324 {strides = array<i32>} : memref<32x128xf32, #tpu.memory_space<vmem>>, vector<16xf32>,
      %get3A_1328 = arith.index_cast %scan3A_1306 : i32 to index
      %get3A_1329 = arith.constant 48 : index
      %get3A_1330 = tpu.vector_load %arg13[%get3A_1328, %get3A_1329] {strides = array<i32>} : memref<32x128xf32, #tpu.memory_space<vmem>>, vector<16xf32>,
      %mul3A_1331 = arith.mulf %get3A_1330, %get3A_1110 : vector<16xf32>
      %swap3A_1332 = arith.index_cast %scan3A_1306 : i32 to index
      %swap3A_1333 = arith.constant 48 : index
      %swap3A_1334 = tpu.vector_load %arg13[%swap3A_1332, %swap3A_1333] {strides = array<i32>} : memref<32x128xf32, #tpu.memory_space<vmem>>, vector<16xf32>,
      tpu.vector_store %arg13[%swap3A_1332, %swap3A_1333], %mul3A_1331 {strides = array<i32>} : memref<32x128xf32, #tpu.memory_space<vmem>>, vector<16xf32>,
      %get3A_1335 = arith.index_cast %scan3A_1306 : i32 to index
      %get3A_1336 = arith.constant 64 : index
      %get3A_1337 = tpu.vector_load %arg13[%get3A_1335, %get3A_1336] {strides = array<i32>} : memref<32x128xf32, #tpu.memory_space<vmem>>, vector<16xf32>,
      %mul3A_1338 = arith.mulf %get3A_1337, %get3A_1112 : vector<16xf32>
      %swap3A_1339 = arith.index_cast %scan3A_1306 : i32 to index
      %swap3A_1340 = arith.constant 64 : index
      %swap3A_1341 = tpu.vector_load %arg13[%swap3A_1339, %swap3A_1340] {strides = array<i32>} : memref<32x128xf32, #tpu.memory_space<vmem>>, vector<16xf32>,
      tpu.vector_store %arg13[%swap3A_1339, %swap3A_1340], %mul3A_1338 {strides = array<i32>} : memref<32x128xf32, #tpu.memory_space<vmem>>, vector<16xf32>,
      %get3A_1342 = arith.index_cast %scan3A_1306 : i32 to index
      %get3A_1343 = arith.constant 80 : index
      %get3A_1344 = tpu.vector_load %arg13[%get3A_1342, %get3A_1343] {strides = array<i32>} : memref<32x128xf32, #tpu.memory_space<vmem>>, vector<16xf32>,
      %mul3A_1345 = arith.mulf %get3A_1344, %get3A_1114 : vector<16xf32>
      %swap3A_1346 = arith.index_cast %scan3A_1306 : i32 to index
      %swap3A_1347 = arith.constant 80 : index
      %swap3A_1348 = tpu.vector_load %arg13[%swap3A_1346, %swap3A_1347] {strides = array<i32>} : memref<32x128xf32, #tpu.memory_space<vmem>>, vector<16xf32>,
      tpu.vector_store %arg13[%swap3A_1346, %swap3A_1347], %mul3A_1345 {strides = array<i32>} : memref<32x128xf32, #tpu.memory_space<vmem>>, vector<16xf32>,
      %get3A_1349 = arith.index_cast %scan3A_1306 : i32 to index
      %get3A_1350 = arith.constant 96 : index
      %get3A_1351 = tpu.vector_load %arg13[%get3A_1349, %get3A_1350] {strides = array<i32>} : memref<32x128xf32, #tpu.memory_space<vmem>>, vector<16xf32>,
      %mul3A_1352 = arith.mulf %get3A_1351, %get3A_1116 : vector<16xf32>
      %swap3A_1353 = arith.index_cast %scan3A_1306 : i32 to index
      %swap3A_1354 = arith.constant 96 : index
      %swap3A_1355 = tpu.vector_load %arg13[%swap3A_1353, %swap3A_1354] {strides = array<i32>} : memref<32x128xf32, #tpu.memory_space<vmem>>, vector<16xf32>,
      tpu.vector_store %arg13[%swap3A_1353, %swap3A_1354], %mul3A_1352 {strides = array<i32>} : memref<32x128xf32, #tpu.memory_space<vmem>>, vector<16xf32>,
      %get3A_1356 = arith.index_cast %scan3A_1306 : i32 to index
      %get3A_1357 = arith.constant 112 : index
      %get3A_1358 = tpu.vector_load %arg13[%get3A_1356, %get3A_1357] {strides = array<i32>} : memref<32x128xf32, #tpu.memory_space<vmem>>, vector<16xf32>,
      %mul3A_1359 = arith.mulf %get3A_1358, %get3A_1118 : vector<16xf32>
      %swap3A_1360 = arith.index_cast %scan3A_1306 : i32 to index
      %swap3A_1361 = arith.constant 112 : index
      %swap3A_1362 = tpu.vector_load %arg13[%swap3A_1360, %swap3A_1361] {strides = array<i32>} : memref<32x128xf32, #tpu.memory_space<vmem>>, vector<16xf32>,
      tpu.vector_store %arg13[%swap3A_1360, %swap3A_1361], %mul3A_1359 {strides = array<i32>} : memref<32x128xf32, #tpu.memory_space<vmem>>, vector<16xf32>,
      %scan3A_1363 = arith.constant 0 : i32
      scf.yield %scan3A_1363 : i32
    }
    %scan3A_1151 = arith.constant 32 : i32
    %mul3A_1152 = arith.constant 5000 : i32
    %mul3A_1153 = arith.muli %arg0, %mul3A_1152 : i32
    %add3A_1154 = arith.addi %mul3A_1153, %add3A_1144 : i32
    "tpu.region"() ({
      %run_scoped3A = tpu.sem_alloc : memref<!tpu.dma_semaphore, #tpu.memory_space<semaphore_mem>>
      %dma_start3A_1246 = arith.constant 0 : i32
      %dma_start3A_1247 = tpu.memref_slice %arg6[%add3A_1154, %dma_start3A_1246] : memref<10000x128xf32, #tpu.memory_space<hbm>> -> memref<32x128xf32, #tpu.memory_space<hbm>>
      %dma_start3A_1248 = arith.constant 0 : i32
      %dma_start3A_1249 = tpu.memref_slice %arg6[%add3A_1154, %dma_start3A_1248] : memref<10000x128xf32, #tpu.memory_space<hbm>> -> memref<32x128xf32, #tpu.memory_space<hbm>>
      tpu.enqueue_dma source(%arg13 : memref<32x128xf32, #tpu.memory_space<vmem>>) target(%dma_start3A_1249 : memref<32x128xf32, #tpu.memory_space<hbm>>) target_semaphore(%run_scoped3A : memref<!tpu.dma_semaphore, #tpu.memory_space<semaphore_mem>>)
      %dma_wait3A_1250 = arith.constant 0 : i32
      %dma_wait3A_1251 = tpu.memref_slice %arg6[%add3A_1154, %dma_wait3A_1250] : memref<10000x128xf32, #tpu.memory_space<hbm>> -> memref<32x128xf32, #tpu.memory_space<hbm>>
      %dma_wait3A_1252 = arith.constant 0 : i32
      %dma_wait3A_1253 = tpu.memref_slice %arg6[%add3A_1154, %dma_wait3A_1252] : memref<10000x128xf32, #tpu.memory_space<hbm>> -> memref<32x128xf32, #tpu.memory_space<hbm>>
      tpu.wait_dma2 semaphore(%run_scoped3A : memref<!tpu.dma_semaphore, #tpu.memory_space<semaphore_mem>>) src(%arg13 : memref<32x128xf32, #tpu.memory_space<vmem>>) dst(%dma_wait3A_1253 : memref<32x128xf32, #tpu.memory_space<hbm>>)
      tpu.yield
    }) : () -> ()
    %add3A_1155 = arith.constant 96 : i32
    %add3A_1156 = arith.addi %mul3A_1031, %add3A_1155 : i32
    "tpu.region"() ({
      %run_scoped3A = tpu.sem_alloc : memref<!tpu.dma_semaphore, #tpu.memory_space<semaphore_mem>>
      %dma_start3A_1246 = arith.constant 0 : i32
      %dma_start3A_1247 = tpu.memref_slice %arg7[%add3A_1156, %dma_start3A_1246] : memref<5008x128xf32, #tpu.memory_space<vmem_shared>> -> memref<32x128xf32, #tpu.memory_space<vmem_shared>>
      %dma_start3A_1248 = arith.constant 0 : i32
      %dma_start3A_1249 = tpu.memref_slice %arg7[%add3A_1156, %dma_start3A_1248] : memref<5008x128xf32, #tpu.memory_space<vmem_shared>> -> memref<32x128xf32, #tpu.memory_space<vmem_shared>>
      tpu.enqueue_dma source(%dma_start3A_1249 : memref<32x128xf32, #tpu.memory_space<vmem_shared>>) target(%arg13 : memref<32x128xf32, #tpu.memory_space<vmem>>) target_semaphore(%run_scoped3A : memref<!tpu.dma_semaphore, #tpu.memory_space<semaphore_mem>>)
      %dma_wait3A_1250 = arith.constant 0 : i32
      %dma_wait3A_1251 = tpu.memref_slice %arg7[%add3A_1156, %dma_wait3A_1250] : memref<5008x128xf32, #tpu.memory_space<vmem_shared>> -> memref<32x128xf32, #tpu.memory_space<vmem_shared>>
      %dma_wait3A_1252 = arith.constant 0 : i32
      %dma_wait3A_1253 = tpu.memref_slice %arg7[%add3A_1156, %dma_wait3A_1252] : memref<5008x128xf32, #tpu.memory_space<vmem_shared>> -> memref<32x128xf32, #tpu.memory_space<vmem_shared>>
      tpu.wait_dma2 semaphore(%run_scoped3A : memref<!tpu.dma_semaphore, #tpu.memory_space<semaphore_mem>>) src(%dma_wait3A_1253 : memref<32x128xf32, #tpu.memory_space<vmem_shared>>) dst(%arg13 : memref<32x128xf32, #tpu.memory_space<vmem>>)
      tpu.yield
    }) : () -> ()
    %scan3A_1157 = arith.constant 0 : i32
    %scan3A_1158 = arith.constant 0 : i32
    %scan3A_1159 = arith.constant 32 : i32
    %scan3A_1160 = arith.addi %scan3A_1158, %scan3A_1159 : i32
    %scan3A_1161 = arith.constant 2 : i32
    %scan3A_1162 = scf.for %scan3A_1246 = %scan3A_1158 to %scan3A_1160 step %scan3A_1161 iter_args(%scan3A_1247 = %scan3A_1157) -> (i32)  : i32 {
      %get3A_1248 = arith.index_cast %scan3A_1246 : i32 to index
      %get3A_1249 = arith.constant 0 : index
      %get3A_1250 = tpu.vector_load %arg13[%get3A_1248, %get3A_1249] {strides = array<i32>} : memref<32x128xf32, #tpu.memory_space<vmem>>, vector<16xf32>,
      %mul3A_1251 = arith.mulf %get3A_1250, %get3A_1104 : vector<16xf32>
      %swap3A_1252 = arith.index_cast %scan3A_1246 : i32 to index
      %swap3A_1253 = arith.constant 0 : index
      %swap3A_1254 = tpu.vector_load %arg13[%swap3A_1252, %swap3A_1253] {strides = array<i32>} : memref<32x128xf32, #tpu.memory_space<vmem>>, vector<16xf32>,
      tpu.vector_store %arg13[%swap3A_1252, %swap3A_1253], %mul3A_1251 {strides = array<i32>} : memref<32x128xf32, #tpu.memory_space<vmem>>, vector<16xf32>,
      %get3A_1255 = arith.index_cast %scan3A_1246 : i32 to index
      %get3A_1256 = arith.constant 16 : index
      %get3A_1257 = tpu.vector_load %arg13[%get3A_1255, %get3A_1256] {strides = array<i32>} : memref<32x128xf32, #tpu.memory_space<vmem>>, vector<16xf32>,
      %mul3A_1258 = arith.mulf %get3A_1257, %get3A_1106 : vector<16xf32>
      %swap3A_1259 = arith.index_cast %scan3A_1246 : i32 to index
      %swap3A_1260 = arith.constant 16 : index
      %swap3A_1261 = tpu.vector_load %arg13[%swap3A_1259, %swap3A_1260] {strides = array<i32>} : memref<32x128xf32, #tpu.memory_space<vmem>>, vector<16xf32>,
      tpu.vector_store %arg13[%swap3A_1259, %swap3A_1260], %mul3A_1258 {strides = array<i32>} : memref<32x128xf32, #tpu.memory_space<vmem>>, vector<16xf32>,
      %get3A_1262 = arith.index_cast %scan3A_1246 : i32 to index
      %get3A_1263 = arith.constant 32 : index
      %get3A_1264 = tpu.vector_load %arg13[%get3A_1262, %get3A_1263] {strides = array<i32>} : memref<32x128xf32, #tpu.memory_space<vmem>>, vector<16xf32>,
      %mul3A_1265 = arith.mulf %get3A_1264, %get3A_1108 : vector<16xf32>
      %swap3A_1266 = arith.index_cast %scan3A_1246 : i32 to index
      %swap3A_1267 = arith.constant 32 : index
      %swap3A_1268 = tpu.vector_load %arg13[%swap3A_1266, %swap3A_1267] {strides = array<i32>} : memref<32x128xf32, #tpu.memory_space<vmem>>, vector<16xf32>,
      tpu.vector_store %arg13[%swap3A_1266, %swap3A_1267], %mul3A_1265 {strides = array<i32>} : memref<32x128xf32, #tpu.memory_space<vmem>>, vector<16xf32>,
      %get3A_1269 = arith.index_cast %scan3A_1246 : i32 to index
      %get3A_1270 = arith.constant 48 : index
      %get3A_1271 = tpu.vector_load %arg13[%get3A_1269, %get3A_1270] {strides = array<i32>} : memref<32x128xf32, #tpu.memory_space<vmem>>, vector<16xf32>,
      %mul3A_1272 = arith.mulf %get3A_1271, %get3A_1110 : vector<16xf32>
      %swap3A_1273 = arith.index_cast %scan3A_1246 : i32 to index
      %swap3A_1274 = arith.constant 48 : index
      %swap3A_1275 = tpu.vector_load %arg13[%swap3A_1273, %swap3A_1274] {strides = array<i32>} : memref<32x128xf32, #tpu.memory_space<vmem>>, vector<16xf32>,
      tpu.vector_store %arg13[%swap3A_1273, %swap3A_1274], %mul3A_1272 {strides = array<i32>} : memref<32x128xf32, #tpu.memory_space<vmem>>, vector<16xf32>,
      %get3A_1276 = arith.index_cast %scan3A_1246 : i32 to index
      %get3A_1277 = arith.constant 64 : index
      %get3A_1278 = tpu.vector_load %arg13[%get3A_1276, %get3A_1277] {strides = array<i32>} : memref<32x128xf32, #tpu.memory_space<vmem>>, vector<16xf32>,
      %mul3A_1279 = arith.mulf %get3A_1278, %get3A_1112 : vector<16xf32>
      %swap3A_1280 = arith.index_cast %scan3A_1246 : i32 to index
      %swap3A_1281 = arith.constant 64 : index
      %swap3A_1282 = tpu.vector_load %arg13[%swap3A_1280, %swap3A_1281] {strides = array<i32>} : memref<32x128xf32, #tpu.memory_space<vmem>>, vector<16xf32>,
      tpu.vector_store %arg13[%swap3A_1280, %swap3A_1281], %mul3A_1279 {strides = array<i32>} : memref<32x128xf32, #tpu.memory_space<vmem>>, vector<16xf32>,
      %get3A_1283 = arith.index_cast %scan3A_1246 : i32 to index
      %get3A_1284 = arith.constant 80 : index
      %get3A_1285 = tpu.vector_load %arg13[%get3A_1283, %get3A_1284] {strides = array<i32>} : memref<32x128xf32, #tpu.memory_space<vmem>>, vector<16xf32>,
      %mul3A_1286 = arith.mulf %get3A_1285, %get3A_1114 : vector<16xf32>
      %swap3A_1287 = arith.index_cast %scan3A_1246 : i32 to index
      %swap3A_1288 = arith.constant 80 : index
      %swap3A_1289 = tpu.vector_load %arg13[%swap3A_1287, %swap3A_1288] {strides = array<i32>} : memref<32x128xf32, #tpu.memory_space<vmem>>, vector<16xf32>,
      tpu.vector_store %arg13[%swap3A_1287, %swap3A_1288], %mul3A_1286 {strides = array<i32>} : memref<32x128xf32, #tpu.memory_space<vmem>>, vector<16xf32>,
      %get3A_1290 = arith.index_cast %scan3A_1246 : i32 to index
      %get3A_1291 = arith.constant 96 : index
      %get3A_1292 = tpu.vector_load %arg13[%get3A_1290, %get3A_1291] {strides = array<i32>} : memref<32x128xf32, #tpu.memory_space<vmem>>, vector<16xf32>,
      %mul3A_1293 = arith.mulf %get3A_1292, %get3A_1116 : vector<16xf32>
      %swap3A_1294 = arith.index_cast %scan3A_1246 : i32 to index
      %swap3A_1295 = arith.constant 96 : index
      %swap3A_1296 = tpu.vector_load %arg13[%swap3A_1294, %swap3A_1295] {strides = array<i32>} : memref<32x128xf32, #tpu.memory_space<vmem>>, vector<16xf32>,
      tpu.vector_store %arg13[%swap3A_1294, %swap3A_1295], %mul3A_1293 {strides = array<i32>} : memref<32x128xf32, #tpu.memory_space<vmem>>, vector<16xf32>,
      %get3A_1297 = arith.index_cast %scan3A_1246 : i32 to index
      %get3A_1298 = arith.constant 112 : index
      %get3A_1299 = tpu.vector_load %arg13[%get3A_1297, %get3A_1298] {strides = array<i32>} : memref<32x128xf32, #tpu.memory_space<vmem>>, vector<16xf32>,
      %mul3A_1300 = arith.mulf %get3A_1299, %get3A_1118 : vector<16xf32>
      %swap3A_1301 = arith.index_cast %scan3A_1246 : i32 to index
      %swap3A_1302 = arith.constant 112 : index
      %swap3A_1303 = tpu.vector_load %arg13[%swap3A_1301, %swap3A_1302] {strides = array<i32>} : memref<32x128xf32, #tpu.memory_space<vmem>>, vector<16xf32>,
      tpu.vector_store %arg13[%swap3A_1301, %swap3A_1302], %mul3A_1300 {strides = array<i32>} : memref<32x128xf32, #tpu.memory_space<vmem>>, vector<16xf32>,
      %scan3A_1304 = arith.constant 0 : i32
      %scan3A_1305 = arith.constant 1 : i32
      %scan3A_1306 = arith.addi %scan3A_1246, %scan3A_1305 : i32
      %get3A_1307 = arith.index_cast %scan3A_1306 : i32 to index
      %get3A_1308 = arith.constant 0 : index
      %get3A_1309 = tpu.vector_load %arg13[%get3A_1307, %get3A_1308] {strides = array<i32>} : memref<32x128xf32, #tpu.memory_space<vmem>>, vector<16xf32>,
      %mul3A_1310 = arith.mulf %get3A_1309, %get3A_1104 : vector<16xf32>
      %swap3A_1311 = arith.index_cast %scan3A_1306 : i32 to index
      %swap3A_1312 = arith.constant 0 : index
      %swap3A_1313 = tpu.vector_load %arg13[%swap3A_1311, %swap3A_1312] {strides = array<i32>} : memref<32x128xf32, #tpu.memory_space<vmem>>, vector<16xf32>,
      tpu.vector_store %arg13[%swap3A_1311, %swap3A_1312], %mul3A_1310 {strides = array<i32>} : memref<32x128xf32, #tpu.memory_space<vmem>>, vector<16xf32>,
      %get3A_1314 = arith.index_cast %scan3A_1306 : i32 to index
      %get3A_1315 = arith.constant 16 : index
      %get3A_1316 = tpu.vector_load %arg13[%get3A_1314, %get3A_1315] {strides = array<i32>} : memref<32x128xf32, #tpu.memory_space<vmem>>, vector<16xf32>,
      %mul3A_1317 = arith.mulf %get3A_1316, %get3A_1106 : vector<16xf32>
      %swap3A_1318 = arith.index_cast %scan3A_1306 : i32 to index
      %swap3A_1319 = arith.constant 16 : index
      %swap3A_1320 = tpu.vector_load %arg13[%swap3A_1318, %swap3A_1319] {strides = array<i32>} : memref<32x128xf32, #tpu.memory_space<vmem>>, vector<16xf32>,
      tpu.vector_store %arg13[%swap3A_1318, %swap3A_1319], %mul3A_1317 {strides = array<i32>} : memref<32x128xf32, #tpu.memory_space<vmem>>, vector<16xf32>,
      %get3A_1321 = arith.index_cast %scan3A_1306 : i32 to index
      %get3A_1322 = arith.constant 32 : index
      %get3A_1323 = tpu.vector_load %arg13[%get3A_1321, %get3A_1322] {strides = array<i32>} : memref<32x128xf32, #tpu.memory_space<vmem>>, vector<16xf32>,
      %mul3A_1324 = arith.mulf %get3A_1323, %get3A_1108 : vector<16xf32>
      %swap3A_1325 = arith.index_cast %scan3A_1306 : i32 to index
      %swap3A_1326 = arith.constant 32 : index
      %swap3A_1327 = tpu.vector_load %arg13[%swap3A_1325, %swap3A_1326] {strides = array<i32>} : memref<32x128xf32, #tpu.memory_space<vmem>>, vector<16xf32>,
      tpu.vector_store %arg13[%swap3A_1325, %swap3A_1326], %mul3A_1324 {strides = array<i32>} : memref<32x128xf32, #tpu.memory_space<vmem>>, vector<16xf32>,
      %get3A_1328 = arith.index_cast %scan3A_1306 : i32 to index
      %get3A_1329 = arith.constant 48 : index
      %get3A_1330 = tpu.vector_load %arg13[%get3A_1328, %get3A_1329] {strides = array<i32>} : memref<32x128xf32, #tpu.memory_space<vmem>>, vector<16xf32>,
      %mul3A_1331 = arith.mulf %get3A_1330, %get3A_1110 : vector<16xf32>
      %swap3A_1332 = arith.index_cast %scan3A_1306 : i32 to index
      %swap3A_1333 = arith.constant 48 : index
      %swap3A_1334 = tpu.vector_load %arg13[%swap3A_1332, %swap3A_1333] {strides = array<i32>} : memref<32x128xf32, #tpu.memory_space<vmem>>, vector<16xf32>,
      tpu.vector_store %arg13[%swap3A_1332, %swap3A_1333], %mul3A_1331 {strides = array<i32>} : memref<32x128xf32, #tpu.memory_space<vmem>>, vector<16xf32>,
      %get3A_1335 = arith.index_cast %scan3A_1306 : i32 to index
      %get3A_1336 = arith.constant 64 : index
      %get3A_1337 = tpu.vector_load %arg13[%get3A_1335, %get3A_1336] {strides = array<i32>} : memref<32x128xf32, #tpu.memory_space<vmem>>, vector<16xf32>,
      %mul3A_1338 = arith.mulf %get3A_1337, %get3A_1112 : vector<16xf32>
      %swap3A_1339 = arith.index_cast %scan3A_1306 : i32 to index
      %swap3A_1340 = arith.constant 64 : index
      %swap3A_1341 = tpu.vector_load %arg13[%swap3A_1339, %swap3A_1340] {strides = array<i32>} : memref<32x128xf32, #tpu.memory_space<vmem>>, vector<16xf32>,
      tpu.vector_store %arg13[%swap3A_1339, %swap3A_1340], %mul3A_1338 {strides = array<i32>} : memref<32x128xf32, #tpu.memory_space<vmem>>, vector<16xf32>,
      %get3A_1342 = arith.index_cast %scan3A_1306 : i32 to index
      %get3A_1343 = arith.constant 80 : index
      %get3A_1344 = tpu.vector_load %arg13[%get3A_1342, %get3A_1343] {strides = array<i32>} : memref<32x128xf32, #tpu.memory_space<vmem>>, vector<16xf32>,
      %mul3A_1345 = arith.mulf %get3A_1344, %get3A_1114 : vector<16xf32>
      %swap3A_1346 = arith.index_cast %scan3A_1306 : i32 to index
      %swap3A_1347 = arith.constant 80 : index
      %swap3A_1348 = tpu.vector_load %arg13[%swap3A_1346, %swap3A_1347] {strides = array<i32>} : memref<32x128xf32, #tpu.memory_space<vmem>>, vector<16xf32>,
      tpu.vector_store %arg13[%swap3A_1346, %swap3A_1347], %mul3A_1345 {strides = array<i32>} : memref<32x128xf32, #tpu.memory_space<vmem>>, vector<16xf32>,
      %get3A_1349 = arith.index_cast %scan3A_1306 : i32 to index
      %get3A_1350 = arith.constant 96 : index
      %get3A_1351 = tpu.vector_load %arg13[%get3A_1349, %get3A_1350] {strides = array<i32>} : memref<32x128xf32, #tpu.memory_space<vmem>>, vector<16xf32>,
      %mul3A_1352 = arith.mulf %get3A_1351, %get3A_1116 : vector<16xf32>
      %swap3A_1353 = arith.index_cast %scan3A_1306 : i32 to index
      %swap3A_1354 = arith.constant 96 : index
      %swap3A_1355 = tpu.vector_load %arg13[%swap3A_1353, %swap3A_1354] {strides = array<i32>} : memref<32x128xf32, #tpu.memory_space<vmem>>, vector<16xf32>,
      tpu.vector_store %arg13[%swap3A_1353, %swap3A_1354], %mul3A_1352 {strides = array<i32>} : memref<32x128xf32, #tpu.memory_space<vmem>>, vector<16xf32>,
      %get3A_1356 = arith.index_cast %scan3A_1306 : i32 to index
      %get3A_1357 = arith.constant 112 : index
      %get3A_1358 = tpu.vector_load %arg13[%get3A_1356, %get3A_1357] {strides = array<i32>} : memref<32x128xf32, #tpu.memory_space<vmem>>, vector<16xf32>,
      %mul3A_1359 = arith.mulf %get3A_1358, %get3A_1118 : vector<16xf32>
      %swap3A_1360 = arith.index_cast %scan3A_1306 : i32 to index
      %swap3A_1361 = arith.constant 112 : index
      %swap3A_1362 = tpu.vector_load %arg13[%swap3A_1360, %swap3A_1361] {strides = array<i32>} : memref<32x128xf32, #tpu.memory_space<vmem>>, vector<16xf32>,
      tpu.vector_store %arg13[%swap3A_1360, %swap3A_1361], %mul3A_1359 {strides = array<i32>} : memref<32x128xf32, #tpu.memory_space<vmem>>, vector<16xf32>,
      %scan3A_1363 = arith.constant 0 : i32
      scf.yield %scan3A_1363 : i32
    }
    %scan3A_1163 = arith.constant 32 : i32
    %mul3A_1164 = arith.constant 5000 : i32
    %mul3A_1165 = arith.muli %arg0, %mul3A_1164 : i32
    %add3A_1166 = arith.addi %mul3A_1165, %add3A_1156 : i32
    "tpu.region"() ({
      %run_scoped3A = tpu.sem_alloc : memref<!tpu.dma_semaphore, #tpu.memory_space<semaphore_mem>>
      %dma_start3A_1246 = arith.constant 0 : i32
      %dma_start3A_1247 = tpu.memref_slice %arg6[%add3A_1166, %dma_start3A_1246] : memref<10000x128xf32, #tpu.memory_space<hbm>> -> memref<32x128xf32, #tpu.memory_space<hbm>>
      %dma_start3A_1248 = arith.constant 0 : i32
      %dma_start3A_1249 = tpu.memref_slice %arg6[%add3A_1166, %dma_start3A_1248] : memref<10000x128xf32, #tpu.memory_space<hbm>> -> memref<32x128xf32, #tpu.memory_space<hbm>>
      tpu.enqueue_dma source(%arg13 : memref<32x128xf32, #tpu.memory_space<vmem>>) target(%dma_start3A_1249 : memref<32x128xf32, #tpu.memory_space<hbm>>) target_semaphore(%run_scoped3A : memref<!tpu.dma_semaphore, #tpu.memory_space<semaphore_mem>>)
      %dma_wait3A_1250 = arith.constant 0 : i32
      %dma_wait3A_1251 = tpu.memref_slice %arg6[%add3A_1166, %dma_wait3A_1250] : memref<10000x128xf32, #tpu.memory_space<hbm>> -> memref<32x128xf32, #tpu.memory_space<hbm>>
      %dma_wait3A_1252 = arith.constant 0 : i32
      %dma_wait3A_1253 = tpu.memref_slice %arg6[%add3A_1166, %dma_wait3A_1252] : memref<10000x128xf32, #tpu.memory_space<hbm>> -> memref<32x128xf32, #tpu.memory_space<hbm>>
      tpu.wait_dma2 semaphore(%run_scoped3A : memref<!tpu.dma_semaphore, #tpu.memory_space<semaphore_mem>>) src(%arg13 : memref<32x128xf32, #tpu.memory_space<vmem>>) dst(%dma_wait3A_1253 : memref<32x128xf32, #tpu.memory_space<hbm>>)
      tpu.yield
    }) : () -> ()
    %add3A_1167 = arith.constant 128 : i32
    %add3A_1168 = arith.addi %mul3A_1031, %add3A_1167 : i32
    "tpu.region"() ({
      %run_scoped3A = tpu.sem_alloc : memref<!tpu.dma_semaphore, #tpu.memory_space<semaphore_mem>>
      %dma_start3A_1246 = arith.constant 0 : i32
      %dma_start3A_1247 = tpu.memref_slice %arg7[%add3A_1168, %dma_start3A_1246] : memref<5008x128xf32, #tpu.memory_space<vmem_shared>> -> memref<32x128xf32, #tpu.memory_space<vmem_shared>>
      %dma_start3A_1248 = arith.constant 0 : i32
      %dma_start3A_1249 = tpu.memref_slice %arg7[%add3A_1168, %dma_start3A_1248] : memref<5008x128xf32, #tpu.memory_space<vmem_shared>> -> memref<32x128xf32, #tpu.memory_space<vmem_shared>>
      tpu.enqueue_dma source(%dma_start3A_1249 : memref<32x128xf32, #tpu.memory_space<vmem_shared>>) target(%arg13 : memref<32x128xf32, #tpu.memory_space<vmem>>) target_semaphore(%run_scoped3A : memref<!tpu.dma_semaphore, #tpu.memory_space<semaphore_mem>>)
      %dma_wait3A_1250 = arith.constant 0 : i32
      %dma_wait3A_1251 = tpu.memref_slice %arg7[%add3A_1168, %dma_wait3A_1250] : memref<5008x128xf32, #tpu.memory_space<vmem_shared>> -> memref<32x128xf32, #tpu.memory_space<vmem_shared>>
      %dma_wait3A_1252 = arith.constant 0 : i32
      %dma_wait3A_1253 = tpu.memref_slice %arg7[%add3A_1168, %dma_wait3A_1252] : memref<5008x128xf32, #tpu.memory_space<vmem_shared>> -> memref<32x128xf32, #tpu.memory_space<vmem_shared>>
      tpu.wait_dma2 semaphore(%run_scoped3A : memref<!tpu.dma_semaphore, #tpu.memory_space<semaphore_mem>>) src(%dma_wait3A_1253 : memref<32x128xf32, #tpu.memory_space<vmem_shared>>) dst(%arg13 : memref<32x128xf32, #tpu.memory_space<vmem>>)
      tpu.yield
    }) : () -> ()
    %scan3A_1169 = arith.constant 0 : i32
    %scan3A_1170 = arith.constant 0 : i32
    %scan3A_1171 = arith.constant 32 : i32
    %scan3A_1172 = arith.addi %scan3A_1170, %scan3A_1171 : i32
    %scan3A_1173 = arith.constant 2 : i32
    %scan3A_1174 = scf.for %scan3A_1246 = %scan3A_1170 to %scan3A_1172 step %scan3A_1173 iter_args(%scan3A_1247 = %scan3A_1169) -> (i32)  : i32 {
      %get3A_1248 = arith.index_cast %scan3A_1246 : i32 to index
      %get3A_1249 = arith.constant 0 : index
      %get3A_1250 = tpu.vector_load %arg13[%get3A_1248, %get3A_1249] {strides = array<i32>} : memref<32x128xf32, #tpu.memory_space<vmem>>, vector<16xf32>,
      %mul3A_1251 = arith.mulf %get3A_1250, %get3A_1104 : vector<16xf32>
      %swap3A_1252 = arith.index_cast %scan3A_1246 : i32 to index
      %swap3A_1253 = arith.constant 0 : index
      %swap3A_1254 = tpu.vector_load %arg13[%swap3A_1252, %swap3A_1253] {strides = array<i32>} : memref<32x128xf32, #tpu.memory_space<vmem>>, vector<16xf32>,
      tpu.vector_store %arg13[%swap3A_1252, %swap3A_1253], %mul3A_1251 {strides = array<i32>} : memref<32x128xf32, #tpu.memory_space<vmem>>, vector<16xf32>,
      %get3A_1255 = arith.index_cast %scan3A_1246 : i32 to index
      %get3A_1256 = arith.constant 16 : index
      %get3A_1257 = tpu.vector_load %arg13[%get3A_1255, %get3A_1256] {strides = array<i32>} : memref<32x128xf32, #tpu.memory_space<vmem>>, vector<16xf32>,
      %mul3A_1258 = arith.mulf %get3A_1257, %get3A_1106 : vector<16xf32>
      %swap3A_1259 = arith.index_cast %scan3A_1246 : i32 to index
      %swap3A_1260 = arith.constant 16 : index
      %swap3A_1261 = tpu.vector_load %arg13[%swap3A_1259, %swap3A_1260] {strides = array<i32>} : memref<32x128xf32, #tpu.memory_space<vmem>>, vector<16xf32>,
      tpu.vector_store %arg13[%swap3A_1259, %swap3A_1260], %mul3A_1258 {strides = array<i32>} : memref<32x128xf32, #tpu.memory_space<vmem>>, vector<16xf32>,
      %get3A_1262 = arith.index_cast %scan3A_1246 : i32 to index
      %get3A_1263 = arith.constant 32 : index
      %get3A_1264 = tpu.vector_load %arg13[%get3A_1262, %get3A_1263] {strides = array<i32>} : memref<32x128xf32, #tpu.memory_space<vmem>>, vector<16xf32>,
      %mul3A_1265 = arith.mulf %get3A_1264, %get3A_1108 : vector<16xf32>
      %swap3A_1266 = arith.index_cast %scan3A_1246 : i32 to index
      %swap3A_1267 = arith.constant 32 : index
      %swap3A_1268 = tpu.vector_load %arg13[%swap3A_1266, %swap3A_1267] {strides = array<i32>} : memref<32x128xf32, #tpu.memory_space<vmem>>, vector<16xf32>,
      tpu.vector_store %arg13[%swap3A_1266, %swap3A_1267], %mul3A_1265 {strides = array<i32>} : memref<32x128xf32, #tpu.memory_space<vmem>>, vector<16xf32>,
      %get3A_1269 = arith.index_cast %scan3A_1246 : i32 to index
      %get3A_1270 = arith.constant 48 : index
      %get3A_1271 = tpu.vector_load %arg13[%get3A_1269, %get3A_1270] {strides = array<i32>} : memref<32x128xf32, #tpu.memory_space<vmem>>, vector<16xf32>,
      %mul3A_1272 = arith.mulf %get3A_1271, %get3A_1110 : vector<16xf32>
      %swap3A_1273 = arith.index_cast %scan3A_1246 : i32 to index
      %swap3A_1274 = arith.constant 48 : index
      %swap3A_1275 = tpu.vector_load %arg13[%swap3A_1273, %swap3A_1274] {strides = array<i32>} : memref<32x128xf32, #tpu.memory_space<vmem>>, vector<16xf32>,
      tpu.vector_store %arg13[%swap3A_1273, %swap3A_1274], %mul3A_1272 {strides = array<i32>} : memref<32x128xf32, #tpu.memory_space<vmem>>, vector<16xf32>,
      %get3A_1276 = arith.index_cast %scan3A_1246 : i32 to index
      %get3A_1277 = arith.constant 64 : index
      %get3A_1278 = tpu.vector_load %arg13[%get3A_1276, %get3A_1277] {strides = array<i32>} : memref<32x128xf32, #tpu.memory_space<vmem>>, vector<16xf32>,
      %mul3A_1279 = arith.mulf %get3A_1278, %get3A_1112 : vector<16xf32>
      %swap3A_1280 = arith.index_cast %scan3A_1246 : i32 to index
      %swap3A_1281 = arith.constant 64 : index
      %swap3A_1282 = tpu.vector_load %arg13[%swap3A_1280, %swap3A_1281] {strides = array<i32>} : memref<32x128xf32, #tpu.memory_space<vmem>>, vector<16xf32>,
      tpu.vector_store %arg13[%swap3A_1280, %swap3A_1281], %mul3A_1279 {strides = array<i32>} : memref<32x128xf32, #tpu.memory_space<vmem>>, vector<16xf32>,
      %get3A_1283 = arith.index_cast %scan3A_1246 : i32 to index
      %get3A_1284 = arith.constant 80 : index
      %get3A_1285 = tpu.vector_load %arg13[%get3A_1283, %get3A_1284] {strides = array<i32>} : memref<32x128xf32, #tpu.memory_space<vmem>>, vector<16xf32>,
      %mul3A_1286 = arith.mulf %get3A_1285, %get3A_1114 : vector<16xf32>
      %swap3A_1287 = arith.index_cast %scan3A_1246 : i32 to index
      %swap3A_1288 = arith.constant 80 : index
      %swap3A_1289 = tpu.vector_load %arg13[%swap3A_1287, %swap3A_1288] {strides = array<i32>} : memref<32x128xf32, #tpu.memory_space<vmem>>, vector<16xf32>,
      tpu.vector_store %arg13[%swap3A_1287, %swap3A_1288], %mul3A_1286 {strides = array<i32>} : memref<32x128xf32, #tpu.memory_space<vmem>>, vector<16xf32>,
      %get3A_1290 = arith.index_cast %scan3A_1246 : i32 to index
      %get3A_1291 = arith.constant 96 : index
      %get3A_1292 = tpu.vector_load %arg13[%get3A_1290, %get3A_1291] {strides = array<i32>} : memref<32x128xf32, #tpu.memory_space<vmem>>, vector<16xf32>,
      %mul3A_1293 = arith.mulf %get3A_1292, %get3A_1116 : vector<16xf32>
      %swap3A_1294 = arith.index_cast %scan3A_1246 : i32 to index
      %swap3A_1295 = arith.constant 96 : index
      %swap3A_1296 = tpu.vector_load %arg13[%swap3A_1294, %swap3A_1295] {strides = array<i32>} : memref<32x128xf32, #tpu.memory_space<vmem>>, vector<16xf32>,
      tpu.vector_store %arg13[%swap3A_1294, %swap3A_1295], %mul3A_1293 {strides = array<i32>} : memref<32x128xf32, #tpu.memory_space<vmem>>, vector<16xf32>,
      %get3A_1297 = arith.index_cast %scan3A_1246 : i32 to index
      %get3A_1298 = arith.constant 112 : index
      %get3A_1299 = tpu.vector_load %arg13[%get3A_1297, %get3A_1298] {strides = array<i32>} : memref<32x128xf32, #tpu.memory_space<vmem>>, vector<16xf32>,
      %mul3A_1300 = arith.mulf %get3A_1299, %get3A_1118 : vector<16xf32>
      %swap3A_1301 = arith.index_cast %scan3A_1246 : i32 to index
      %swap3A_1302 = arith.constant 112 : index
      %swap3A_1303 = tpu.vector_load %arg13[%swap3A_1301, %swap3A_1302] {strides = array<i32>} : memref<32x128xf32, #tpu.memory_space<vmem>>, vector<16xf32>,
      tpu.vector_store %arg13[%swap3A_1301, %swap3A_1302], %mul3A_1300 {strides = array<i32>} : memref<32x128xf32, #tpu.memory_space<vmem>>, vector<16xf32>,
      %scan3A_1304 = arith.constant 0 : i32
      %scan3A_1305 = arith.constant 1 : i32
      %scan3A_1306 = arith.addi %scan3A_1246, %scan3A_1305 : i32
      %get3A_1307 = arith.index_cast %scan3A_1306 : i32 to index
      %get3A_1308 = arith.constant 0 : index
      %get3A_1309 = tpu.vector_load %arg13[%get3A_1307, %get3A_1308] {strides = array<i32>} : memref<32x128xf32, #tpu.memory_space<vmem>>, vector<16xf32>,
      %mul3A_1310 = arith.mulf %get3A_1309, %get3A_1104 : vector<16xf32>
      %swap3A_1311 = arith.index_cast %scan3A_1306 : i32 to index
      %swap3A_1312 = arith.constant 0 : index
      %swap3A_1313 = tpu.vector_load %arg13[%swap3A_1311, %swap3A_1312] {strides = array<i32>} : memref<32x128xf32, #tpu.memory_space<vmem>>, vector<16xf32>,
      tpu.vector_store %arg13[%swap3A_1311, %swap3A_1312], %mul3A_1310 {strides = array<i32>} : memref<32x128xf32, #tpu.memory_space<vmem>>, vector<16xf32>,
      %get3A_1314 = arith.index_cast %scan3A_1306 : i32 to index
      %get3A_1315 = arith.constant 16 : index
      %get3A_1316 = tpu.vector_load %arg13[%get3A_1314, %get3A_1315] {strides = array<i32>} : memref<32x128xf32, #tpu.memory_space<vmem>>, vector<16xf32>,
      %mul3A_1317 = arith.mulf %get3A_1316, %get3A_1106 : vector<16xf32>
      %swap3A_1318 = arith.index_cast %scan3A_1306 : i32 to index
      %swap3A_1319 = arith.constant 16 : index
      %swap3A_1320 = tpu.vector_load %arg13[%swap3A_1318, %swap3A_1319] {strides = array<i32>} : memref<32x128xf32, #tpu.memory_space<vmem>>, vector<16xf32>,
      tpu.vector_store %arg13[%swap3A_1318, %swap3A_1319], %mul3A_1317 {strides = array<i32>} : memref<32x128xf32, #tpu.memory_space<vmem>>, vector<16xf32>,
      %get3A_1321 = arith.index_cast %scan3A_1306 : i32 to index
      %get3A_1322 = arith.constant 32 : index
      %get3A_1323 = tpu.vector_load %arg13[%get3A_1321, %get3A_1322] {strides = array<i32>} : memref<32x128xf32, #tpu.memory_space<vmem>>, vector<16xf32>,
      %mul3A_1324 = arith.mulf %get3A_1323, %get3A_1108 : vector<16xf32>
      %swap3A_1325 = arith.index_cast %scan3A_1306 : i32 to index
      %swap3A_1326 = arith.constant 32 : index
      %swap3A_1327 = tpu.vector_load %arg13[%swap3A_1325, %swap3A_1326] {strides = array<i32>} : memref<32x128xf32, #tpu.memory_space<vmem>>, vector<16xf32>,
      tpu.vector_store %arg13[%swap3A_1325, %swap3A_1326], %mul3A_1324 {strides = array<i32>} : memref<32x128xf32, #tpu.memory_space<vmem>>, vector<16xf32>,
      %get3A_1328 = arith.index_cast %scan3A_1306 : i32 to index
      %get3A_1329 = arith.constant 48 : index
      %get3A_1330 = tpu.vector_load %arg13[%get3A_1328, %get3A_1329] {strides = array<i32>} : memref<32x128xf32, #tpu.memory_space<vmem>>, vector<16xf32>,
      %mul3A_1331 = arith.mulf %get3A_1330, %get3A_1110 : vector<16xf32>
      %swap3A_1332 = arith.index_cast %scan3A_1306 : i32 to index
      %swap3A_1333 = arith.constant 48 : index
      %swap3A_1334 = tpu.vector_load %arg13[%swap3A_1332, %swap3A_1333] {strides = array<i32>} : memref<32x128xf32, #tpu.memory_space<vmem>>, vector<16xf32>,
      tpu.vector_store %arg13[%swap3A_1332, %swap3A_1333], %mul3A_1331 {strides = array<i32>} : memref<32x128xf32, #tpu.memory_space<vmem>>, vector<16xf32>,
      %get3A_1335 = arith.index_cast %scan3A_1306 : i32 to index
      %get3A_1336 = arith.constant 64 : index
      %get3A_1337 = tpu.vector_load %arg13[%get3A_1335, %get3A_1336] {strides = array<i32>} : memref<32x128xf32, #tpu.memory_space<vmem>>, vector<16xf32>,
      %mul3A_1338 = arith.mulf %get3A_1337, %get3A_1112 : vector<16xf32>
      %swap3A_1339 = arith.index_cast %scan3A_1306 : i32 to index
      %swap3A_1340 = arith.constant 64 : index
      %swap3A_1341 = tpu.vector_load %arg13[%swap3A_1339, %swap3A_1340] {strides = array<i32>} : memref<32x128xf32, #tpu.memory_space<vmem>>, vector<16xf32>,
      tpu.vector_store %arg13[%swap3A_1339, %swap3A_1340], %mul3A_1338 {strides = array<i32>} : memref<32x128xf32, #tpu.memory_space<vmem>>, vector<16xf32>,
      %get3A_1342 = arith.index_cast %scan3A_1306 : i32 to index
      %get3A_1343 = arith.constant 80 : index
      %get3A_1344 = tpu.vector_load %arg13[%get3A_1342, %get3A_1343] {strides = array<i32>} : memref<32x128xf32, #tpu.memory_space<vmem>>, vector<16xf32>,
      %mul3A_1345 = arith.mulf %get3A_1344, %get3A_1114 : vector<16xf32>
      %swap3A_1346 = arith.index_cast %scan3A_1306 : i32 to index
      %swap3A_1347 = arith.constant 80 : index
      %swap3A_1348 = tpu.vector_load %arg13[%swap3A_1346, %swap3A_1347] {strides = array<i32>} : memref<32x128xf32, #tpu.memory_space<vmem>>, vector<16xf32>,
      tpu.vector_store %arg13[%swap3A_1346, %swap3A_1347], %mul3A_1345 {strides = array<i32>} : memref<32x128xf32, #tpu.memory_space<vmem>>, vector<16xf32>,
      %get3A_1349 = arith.index_cast %scan3A_1306 : i32 to index
      %get3A_1350 = arith.constant 96 : index
      %get3A_1351 = tpu.vector_load %arg13[%get3A_1349, %get3A_1350] {strides = array<i32>} : memref<32x128xf32, #tpu.memory_space<vmem>>, vector<16xf32>,
      %mul3A_1352 = arith.mulf %get3A_1351, %get3A_1116 : vector<16xf32>
      %swap3A_1353 = arith.index_cast %scan3A_1306 : i32 to index
      %swap3A_1354 = arith.constant 96 : index
      %swap3A_1355 = tpu.vector_load %arg13[%swap3A_1353, %swap3A_1354] {strides = array<i32>} : memref<32x128xf32, #tpu.memory_space<vmem>>, vector<16xf32>,
      tpu.vector_store %arg13[%swap3A_1353, %swap3A_1354], %mul3A_1352 {strides = array<i32>} : memref<32x128xf32, #tpu.memory_space<vmem>>, vector<16xf32>,
      %get3A_1356 = arith.index_cast %scan3A_1306 : i32 to index
      %get3A_1357 = arith.constant 112 : index
      %get3A_1358 = tpu.vector_load %arg13[%get3A_1356, %get3A_1357] {strides = array<i32>} : memref<32x128xf32, #tpu.memory_space<vmem>>, vector<16xf32>,
      %mul3A_1359 = arith.mulf %get3A_1358, %get3A_1118 : vector<16xf32>
      %swap3A_1360 = arith.index_cast %scan3A_1306 : i32 to index
      %swap3A_1361 = arith.constant 112 : index
      %swap3A_1362 = tpu.vector_load %arg13[%swap3A_1360, %swap3A_1361] {strides = array<i32>} : memref<32x128xf32, #tpu.memory_space<vmem>>, vector<16xf32>,
      tpu.vector_store %arg13[%swap3A_1360, %swap3A_1361], %mul3A_1359 {strides = array<i32>} : memref<32x128xf32, #tpu.memory_space<vmem>>, vector<16xf32>,
      %scan3A_1363 = arith.constant 0 : i32
      scf.yield %scan3A_1363 : i32
    }
    %scan3A_1175 = arith.constant 32 : i32
    %mul3A_1176 = arith.constant 5000 : i32
    %mul3A_1177 = arith.muli %arg0, %mul3A_1176 : i32
    %add3A_1178 = arith.addi %mul3A_1177, %add3A_1168 : i32
    "tpu.region"() ({
      %run_scoped3A = tpu.sem_alloc : memref<!tpu.dma_semaphore, #tpu.memory_space<semaphore_mem>>
      %dma_start3A_1246 = arith.constant 0 : i32
      %dma_start3A_1247 = tpu.memref_slice %arg6[%add3A_1178, %dma_start3A_1246] : memref<10000x128xf32, #tpu.memory_space<hbm>> -> memref<32x128xf32, #tpu.memory_space<hbm>>
      %dma_start3A_1248 = arith.constant 0 : i32
      %dma_start3A_1249 = tpu.memref_slice %arg6[%add3A_1178, %dma_start3A_1248] : memref<10000x128xf32, #tpu.memory_space<hbm>> -> memref<32x128xf32, #tpu.memory_space<hbm>>
      tpu.enqueue_dma source(%arg13 : memref<32x128xf32, #tpu.memory_space<vmem>>) target(%dma_start3A_1249 : memref<32x128xf32, #tpu.memory_space<hbm>>) target_semaphore(%run_scoped3A : memref<!tpu.dma_semaphore, #tpu.memory_space<semaphore_mem>>)
      %dma_wait3A_1250 = arith.constant 0 : i32
      %dma_wait3A_1251 = tpu.memref_slice %arg6[%add3A_1178, %dma_wait3A_1250] : memref<10000x128xf32, #tpu.memory_space<hbm>> -> memref<32x128xf32, #tpu.memory_space<hbm>>
      %dma_wait3A_1252 = arith.constant 0 : i32
      %dma_wait3A_1253 = tpu.memref_slice %arg6[%add3A_1178, %dma_wait3A_1252] : memref<10000x128xf32, #tpu.memory_space<hbm>> -> memref<32x128xf32, #tpu.memory_space<hbm>>
      tpu.wait_dma2 semaphore(%run_scoped3A : memref<!tpu.dma_semaphore, #tpu.memory_space<semaphore_mem>>) src(%arg13 : memref<32x128xf32, #tpu.memory_space<vmem>>) dst(%dma_wait3A_1253 : memref<32x128xf32, #tpu.memory_space<hbm>>)
      tpu.yield
    }) : () -> ()
    %add3A_1179 = arith.constant 160 : i32
    %add3A_1180 = arith.addi %mul3A_1031, %add3A_1179 : i32
    "tpu.region"() ({
      %run_scoped3A = tpu.sem_alloc : memref<!tpu.dma_semaphore, #tpu.memory_space<semaphore_mem>>
      %dma_start3A_1246 = arith.constant 0 : i32
      %dma_start3A_1247 = tpu.memref_slice %arg7[%add3A_1180, %dma_start3A_1246] : memref<5008x128xf32, #tpu.memory_space<vmem_shared>> -> memref<32x128xf32, #tpu.memory_space<vmem_shared>>
      %dma_start3A_1248 = arith.constant 0 : i32
      %dma_start3A_1249 = tpu.memref_slice %arg7[%add3A_1180, %dma_start3A_1248] : memref<5008x128xf32, #tpu.memory_space<vmem_shared>> -> memref<32x128xf32, #tpu.memory_space<vmem_shared>>
      tpu.enqueue_dma source(%dma_start3A_1249 : memref<32x128xf32, #tpu.memory_space<vmem_shared>>) target(%arg13 : memref<32x128xf32, #tpu.memory_space<vmem>>) target_semaphore(%run_scoped3A : memref<!tpu.dma_semaphore, #tpu.memory_space<semaphore_mem>>)
      %dma_wait3A_1250 = arith.constant 0 : i32
      %dma_wait3A_1251 = tpu.memref_slice %arg7[%add3A_1180, %dma_wait3A_1250] : memref<5008x128xf32, #tpu.memory_space<vmem_shared>> -> memref<32x128xf32, #tpu.memory_space<vmem_shared>>
      %dma_wait3A_1252 = arith.constant 0 : i32
      %dma_wait3A_1253 = tpu.memref_slice %arg7[%add3A_1180, %dma_wait3A_1252] : memref<5008x128xf32, #tpu.memory_space<vmem_shared>> -> memref<32x128xf32, #tpu.memory_space<vmem_shared>>
      tpu.wait_dma2 semaphore(%run_scoped3A : memref<!tpu.dma_semaphore, #tpu.memory_space<semaphore_mem>>) src(%dma_wait3A_1253 : memref<32x128xf32, #tpu.memory_space<vmem_shared>>) dst(%arg13 : memref<32x128xf32, #tpu.memory_space<vmem>>)
      tpu.yield
    }) : () -> ()
    %scan3A_1181 = arith.constant 0 : i32
    %scan3A_1182 = arith.constant 0 : i32
    %scan3A_1183 = arith.constant 32 : i32
    %scan3A_1184 = arith.addi %scan3A_1182, %scan3A_1183 : i32
    %scan3A_1185 = arith.constant 2 : i32
    %scan3A_1186 = scf.for %scan3A_1246 = %scan3A_1182 to %scan3A_1184 step %scan3A_1185 iter_args(%scan3A_1247 = %scan3A_1181) -> (i32)  : i32 {
      %get3A_1248 = arith.index_cast %scan3A_1246 : i32 to index
      %get3A_1249 = arith.constant 0 : index
      %get3A_1250 = tpu.vector_load %arg13[%get3A_1248, %get3A_1249] {strides = array<i32>} : memref<32x128xf32, #tpu.memory_space<vmem>>, vector<16xf32>,
      %mul3A_1251 = arith.mulf %get3A_1250, %get3A_1104 : vector<16xf32>
      %swap3A_1252 = arith.index_cast %scan3A_1246 : i32 to index
      %swap3A_1253 = arith.constant 0 : index
      %swap3A_1254 = tpu.vector_load %arg13[%swap3A_1252, %swap3A_1253] {strides = array<i32>} : memref<32x128xf32, #tpu.memory_space<vmem>>, vector<16xf32>,
      tpu.vector_store %arg13[%swap3A_1252, %swap3A_1253], %mul3A_1251 {strides = array<i32>} : memref<32x128xf32, #tpu.memory_space<vmem>>, vector<16xf32>,
      %get3A_1255 = arith.index_cast %scan3A_1246 : i32 to index
      %get3A_1256 = arith.constant 16 : index
      %get3A_1257 = tpu.vector_load %arg13[%get3A_1255, %get3A_1256] {strides = array<i32>} : memref<32x128xf32, #tpu.memory_space<vmem>>, vector<16xf32>,
      %mul3A_1258 = arith.mulf %get3A_1257, %get3A_1106 : vector<16xf32>
      %swap3A_1259 = arith.index_cast %scan3A_1246 : i32 to index
      %swap3A_1260 = arith.constant 16 : index
      %swap3A_1261 = tpu.vector_load %arg13[%swap3A_1259, %swap3A_1260] {strides = array<i32>} : memref<32x128xf32, #tpu.memory_space<vmem>>, vector<16xf32>,
      tpu.vector_store %arg13[%swap3A_1259, %swap3A_1260], %mul3A_1258 {strides = array<i32>} : memref<32x128xf32, #tpu.memory_space<vmem>>, vector<16xf32>,
      %get3A_1262 = arith.index_cast %scan3A_1246 : i32 to index
      %get3A_1263 = arith.constant 32 : index
      %get3A_1264 = tpu.vector_load %arg13[%get3A_1262, %get3A_1263] {strides = array<i32>} : memref<32x128xf32, #tpu.memory_space<vmem>>, vector<16xf32>,
      %mul3A_1265 = arith.mulf %get3A_1264, %get3A_1108 : vector<16xf32>
      %swap3A_1266 = arith.index_cast %scan3A_1246 : i32 to index
      %swap3A_1267 = arith.constant 32 : index
      %swap3A_1268 = tpu.vector_load %arg13[%swap3A_1266, %swap3A_1267] {strides = array<i32>} : memref<32x128xf32, #tpu.memory_space<vmem>>, vector<16xf32>,
      tpu.vector_store %arg13[%swap3A_1266, %swap3A_1267], %mul3A_1265 {strides = array<i32>} : memref<32x128xf32, #tpu.memory_space<vmem>>, vector<16xf32>,
      %get3A_1269 = arith.index_cast %scan3A_1246 : i32 to index
      %get3A_1270 = arith.constant 48 : index
      %get3A_1271 = tpu.vector_load %arg13[%get3A_1269, %get3A_1270] {strides = array<i32>} : memref<32x128xf32, #tpu.memory_space<vmem>>, vector<16xf32>,
      %mul3A_1272 = arith.mulf %get3A_1271, %get3A_1110 : vector<16xf32>
      %swap3A_1273 = arith.index_cast %scan3A_1246 : i32 to index
      %swap3A_1274 = arith.constant 48 : index
      %swap3A_1275 = tpu.vector_load %arg13[%swap3A_1273, %swap3A_1274] {strides = array<i32>} : memref<32x128xf32, #tpu.memory_space<vmem>>, vector<16xf32>,
      tpu.vector_store %arg13[%swap3A_1273, %swap3A_1274], %mul3A_1272 {strides = array<i32>} : memref<32x128xf32, #tpu.memory_space<vmem>>, vector<16xf32>,
      %get3A_1276 = arith.index_cast %scan3A_1246 : i32 to index
      %get3A_1277 = arith.constant 64 : index
      %get3A_1278 = tpu.vector_load %arg13[%get3A_1276, %get3A_1277] {strides = array<i32>} : memref<32x128xf32, #tpu.memory_space<vmem>>, vector<16xf32>,
      %mul3A_1279 = arith.mulf %get3A_1278, %get3A_1112 : vector<16xf32>
      %swap3A_1280 = arith.index_cast %scan3A_1246 : i32 to index
      %swap3A_1281 = arith.constant 64 : index
      %swap3A_1282 = tpu.vector_load %arg13[%swap3A_1280, %swap3A_1281] {strides = array<i32>} : memref<32x128xf32, #tpu.memory_space<vmem>>, vector<16xf32>,
      tpu.vector_store %arg13[%swap3A_1280, %swap3A_1281], %mul3A_1279 {strides = array<i32>} : memref<32x128xf32, #tpu.memory_space<vmem>>, vector<16xf32>,
      %get3A_1283 = arith.index_cast %scan3A_1246 : i32 to index
      %get3A_1284 = arith.constant 80 : index
      %get3A_1285 = tpu.vector_load %arg13[%get3A_1283, %get3A_1284] {strides = array<i32>} : memref<32x128xf32, #tpu.memory_space<vmem>>, vector<16xf32>,
      %mul3A_1286 = arith.mulf %get3A_1285, %get3A_1114 : vector<16xf32>
      %swap3A_1287 = arith.index_cast %scan3A_1246 : i32 to index
      %swap3A_1288 = arith.constant 80 : index
      %swap3A_1289 = tpu.vector_load %arg13[%swap3A_1287, %swap3A_1288] {strides = array<i32>} : memref<32x128xf32, #tpu.memory_space<vmem>>, vector<16xf32>,
      tpu.vector_store %arg13[%swap3A_1287, %swap3A_1288], %mul3A_1286 {strides = array<i32>} : memref<32x128xf32, #tpu.memory_space<vmem>>, vector<16xf32>,
      %get3A_1290 = arith.index_cast %scan3A_1246 : i32 to index
      %get3A_1291 = arith.constant 96 : index
      %get3A_1292 = tpu.vector_load %arg13[%get3A_1290, %get3A_1291] {strides = array<i32>} : memref<32x128xf32, #tpu.memory_space<vmem>>, vector<16xf32>,
      %mul3A_1293 = arith.mulf %get3A_1292, %get3A_1116 : vector<16xf32>
      %swap3A_1294 = arith.index_cast %scan3A_1246 : i32 to index
      %swap3A_1295 = arith.constant 96 : index
      %swap3A_1296 = tpu.vector_load %arg13[%swap3A_1294, %swap3A_1295] {strides = array<i32>} : memref<32x128xf32, #tpu.memory_space<vmem>>, vector<16xf32>,
      tpu.vector_store %arg13[%swap3A_1294, %swap3A_1295], %mul3A_1293 {strides = array<i32>} : memref<32x128xf32, #tpu.memory_space<vmem>>, vector<16xf32>,
      %get3A_1297 = arith.index_cast %scan3A_1246 : i32 to index
      %get3A_1298 = arith.constant 112 : index
      %get3A_1299 = tpu.vector_load %arg13[%get3A_1297, %get3A_1298] {strides = array<i32>} : memref<32x128xf32, #tpu.memory_space<vmem>>, vector<16xf32>,
      %mul3A_1300 = arith.mulf %get3A_1299, %get3A_1118 : vector<16xf32>
      %swap3A_1301 = arith.index_cast %scan3A_1246 : i32 to index
      %swap3A_1302 = arith.constant 112 : index
      %swap3A_1303 = tpu.vector_load %arg13[%swap3A_1301, %swap3A_1302] {strides = array<i32>} : memref<32x128xf32, #tpu.memory_space<vmem>>, vector<16xf32>,
      tpu.vector_store %arg13[%swap3A_1301, %swap3A_1302], %mul3A_1300 {strides = array<i32>} : memref<32x128xf32, #tpu.memory_space<vmem>>, vector<16xf32>,
      %scan3A_1304 = arith.constant 0 : i32
      %scan3A_1305 = arith.constant 1 : i32
      %scan3A_1306 = arith.addi %scan3A_1246, %scan3A_1305 : i32
      %get3A_1307 = arith.index_cast %scan3A_1306 : i32 to index
      %get3A_1308 = arith.constant 0 : index
      %get3A_1309 = tpu.vector_load %arg13[%get3A_1307, %get3A_1308] {strides = array<i32>} : memref<32x128xf32, #tpu.memory_space<vmem>>, vector<16xf32>,
      %mul3A_1310 = arith.mulf %get3A_1309, %get3A_1104 : vector<16xf32>
      %swap3A_1311 = arith.index_cast %scan3A_1306 : i32 to index
      %swap3A_1312 = arith.constant 0 : index
      %swap3A_1313 = tpu.vector_load %arg13[%swap3A_1311, %swap3A_1312] {strides = array<i32>} : memref<32x128xf32, #tpu.memory_space<vmem>>, vector<16xf32>,
      tpu.vector_store %arg13[%swap3A_1311, %swap3A_1312], %mul3A_1310 {strides = array<i32>} : memref<32x128xf32, #tpu.memory_space<vmem>>, vector<16xf32>,
      %get3A_1314 = arith.index_cast %scan3A_1306 : i32 to index
      %get3A_1315 = arith.constant 16 : index
      %get3A_1316 = tpu.vector_load %arg13[%get3A_1314, %get3A_1315] {strides = array<i32>} : memref<32x128xf32, #tpu.memory_space<vmem>>, vector<16xf32>,
      %mul3A_1317 = arith.mulf %get3A_1316, %get3A_1106 : vector<16xf32>
      %swap3A_1318 = arith.index_cast %scan3A_1306 : i32 to index
      %swap3A_1319 = arith.constant 16 : index
      %swap3A_1320 = tpu.vector_load %arg13[%swap3A_1318, %swap3A_1319] {strides = array<i32>} : memref<32x128xf32, #tpu.memory_space<vmem>>, vector<16xf32>,
      tpu.vector_store %arg13[%swap3A_1318, %swap3A_1319], %mul3A_1317 {strides = array<i32>} : memref<32x128xf32, #tpu.memory_space<vmem>>, vector<16xf32>,
      %get3A_1321 = arith.index_cast %scan3A_1306 : i32 to index
      %get3A_1322 = arith.constant 32 : index
      %get3A_1323 = tpu.vector_load %arg13[%get3A_1321, %get3A_1322] {strides = array<i32>} : memref<32x128xf32, #tpu.memory_space<vmem>>, vector<16xf32>,
      %mul3A_1324 = arith.mulf %get3A_1323, %get3A_1108 : vector<16xf32>
      %swap3A_1325 = arith.index_cast %scan3A_1306 : i32 to index
      %swap3A_1326 = arith.constant 32 : index
      %swap3A_1327 = tpu.vector_load %arg13[%swap3A_1325, %swap3A_1326] {strides = array<i32>} : memref<32x128xf32, #tpu.memory_space<vmem>>, vector<16xf32>,
      tpu.vector_store %arg13[%swap3A_1325, %swap3A_1326], %mul3A_1324 {strides = array<i32>} : memref<32x128xf32, #tpu.memory_space<vmem>>, vector<16xf32>,
      %get3A_1328 = arith.index_cast %scan3A_1306 : i32 to index
      %get3A_1329 = arith.constant 48 : index
      %get3A_1330 = tpu.vector_load %arg13[%get3A_1328, %get3A_1329] {strides = array<i32>} : memref<32x128xf32, #tpu.memory_space<vmem>>, vector<16xf32>,
      %mul3A_1331 = arith.mulf %get3A_1330, %get3A_1110 : vector<16xf32>
      %swap3A_1332 = arith.index_cast %scan3A_1306 : i32 to index
      %swap3A_1333 = arith.constant 48 : index
      %swap3A_1334 = tpu.vector_load %arg13[%swap3A_1332, %swap3A_1333] {strides = array<i32>} : memref<32x128xf32, #tpu.memory_space<vmem>>, vector<16xf32>,
      tpu.vector_store %arg13[%swap3A_1332, %swap3A_1333], %mul3A_1331 {strides = array<i32>} : memref<32x128xf32, #tpu.memory_space<vmem>>, vector<16xf32>,
      %get3A_1335 = arith.index_cast %scan3A_1306 : i32 to index
      %get3A_1336 = arith.constant 64 : index
      %get3A_1337 = tpu.vector_load %arg13[%get3A_1335, %get3A_1336] {strides = array<i32>} : memref<32x128xf32, #tpu.memory_space<vmem>>, vector<16xf32>,
      %mul3A_1338 = arith.mulf %get3A_1337, %get3A_1112 : vector<16xf32>
      %swap3A_1339 = arith.index_cast %scan3A_1306 : i32 to index
      %swap3A_1340 = arith.constant 64 : index
      %swap3A_1341 = tpu.vector_load %arg13[%swap3A_1339, %swap3A_1340] {strides = array<i32>} : memref<32x128xf32, #tpu.memory_space<vmem>>, vector<16xf32>,
      tpu.vector_store %arg13[%swap3A_1339, %swap3A_1340], %mul3A_1338 {strides = array<i32>} : memref<32x128xf32, #tpu.memory_space<vmem>>, vector<16xf32>,
      %get3A_1342 = arith.index_cast %scan3A_1306 : i32 to index
      %get3A_1343 = arith.constant 80 : index
      %get3A_1344 = tpu.vector_load %arg13[%get3A_1342, %get3A_1343] {strides = array<i32>} : memref<32x128xf32, #tpu.memory_space<vmem>>, vector<16xf32>,
      %mul3A_1345 = arith.mulf %get3A_1344, %get3A_1114 : vector<16xf32>
      %swap3A_1346 = arith.index_cast %scan3A_1306 : i32 to index
      %swap3A_1347 = arith.constant 80 : index
      %swap3A_1348 = tpu.vector_load %arg13[%swap3A_1346, %swap3A_1347] {strides = array<i32>} : memref<32x128xf32, #tpu.memory_space<vmem>>, vector<16xf32>,
      tpu.vector_store %arg13[%swap3A_1346, %swap3A_1347], %mul3A_1345 {strides = array<i32>} : memref<32x128xf32, #tpu.memory_space<vmem>>, vector<16xf32>,
      %get3A_1349 = arith.index_cast %scan3A_1306 : i32 to index
      %get3A_1350 = arith.constant 96 : index
      %get3A_1351 = tpu.vector_load %arg13[%get3A_1349, %get3A_1350] {strides = array<i32>} : memref<32x128xf32, #tpu.memory_space<vmem>>, vector<16xf32>,
      %mul3A_1352 = arith.mulf %get3A_1351, %get3A_1116 : vector<16xf32>
      %swap3A_1353 = arith.index_cast %scan3A_1306 : i32 to index
      %swap3A_1354 = arith.constant 96 : index
      %swap3A_1355 = tpu.vector_load %arg13[%swap3A_1353, %swap3A_1354] {strides = array<i32>} : memref<32x128xf32, #tpu.memory_space<vmem>>, vector<16xf32>,
      tpu.vector_store %arg13[%swap3A_1353, %swap3A_1354], %mul3A_1352 {strides = array<i32>} : memref<32x128xf32, #tpu.memory_space<vmem>>, vector<16xf32>,
      %get3A_1356 = arith.index_cast %scan3A_1306 : i32 to index
      %get3A_1357 = arith.constant 112 : index
      %get3A_1358 = tpu.vector_load %arg13[%get3A_1356, %get3A_1357] {strides = array<i32>} : memref<32x128xf32, #tpu.memory_space<vmem>>, vector<16xf32>,
      %mul3A_1359 = arith.mulf %get3A_1358, %get3A_1118 : vector<16xf32>
      %swap3A_1360 = arith.index_cast %scan3A_1306 : i32 to index
      %swap3A_1361 = arith.constant 112 : index
      %swap3A_1362 = tpu.vector_load %arg13[%swap3A_1360, %swap3A_1361] {strides = array<i32>} : memref<32x128xf32, #tpu.memory_space<vmem>>, vector<16xf32>,
      tpu.vector_store %arg13[%swap3A_1360, %swap3A_1361], %mul3A_1359 {strides = array<i32>} : memref<32x128xf32, #tpu.memory_space<vmem>>, vector<16xf32>,
      %scan3A_1363 = arith.constant 0 : i32
      scf.yield %scan3A_1363 : i32
    }
    %scan3A_1187 = arith.constant 32 : i32
    %mul3A_1188 = arith.constant 5000 : i32
    %mul3A_1189 = arith.muli %arg0, %mul3A_1188 : i32
    %add3A_1190 = arith.addi %mul3A_1189, %add3A_1180 : i32
    "tpu.region"() ({
      %run_scoped3A = tpu.sem_alloc : memref<!tpu.dma_semaphore, #tpu.memory_space<semaphore_mem>>
      %dma_start3A_1246 = arith.constant 0 : i32
      %dma_start3A_1247 = tpu.memref_slice %arg6[%add3A_1190, %dma_start3A_1246] : memref<10000x128xf32, #tpu.memory_space<hbm>> -> memref<32x128xf32, #tpu.memory_space<hbm>>
      %dma_start3A_1248 = arith.constant 0 : i32
      %dma_start3A_1249 = tpu.memref_slice %arg6[%add3A_1190, %dma_start3A_1248] : memref<10000x128xf32, #tpu.memory_space<hbm>> -> memref<32x128xf32, #tpu.memory_space<hbm>>
      tpu.enqueue_dma source(%arg13 : memref<32x128xf32, #tpu.memory_space<vmem>>) target(%dma_start3A_1249 : memref<32x128xf32, #tpu.memory_space<hbm>>) target_semaphore(%run_scoped3A : memref<!tpu.dma_semaphore, #tpu.memory_space<semaphore_mem>>)
      %dma_wait3A_1250 = arith.constant 0 : i32
      %dma_wait3A_1251 = tpu.memref_slice %arg6[%add3A_1190, %dma_wait3A_1250] : memref<10000x128xf32, #tpu.memory_space<hbm>> -> memref<32x128xf32, #tpu.memory_space<hbm>>
      %dma_wait3A_1252 = arith.constant 0 : i32
      %dma_wait3A_1253 = tpu.memref_slice %arg6[%add3A_1190, %dma_wait3A_1252] : memref<10000x128xf32, #tpu.memory_space<hbm>> -> memref<32x128xf32, #tpu.memory_space<hbm>>
      tpu.wait_dma2 semaphore(%run_scoped3A : memref<!tpu.dma_semaphore, #tpu.memory_space<semaphore_mem>>) src(%arg13 : memref<32x128xf32, #tpu.memory_space<vmem>>) dst(%dma_wait3A_1253 : memref<32x128xf32, #tpu.memory_space<hbm>>)
      tpu.yield
    }) : () -> ()
    %add3A_1191 = arith.constant 192 : i32
    %add3A_1192 = arith.addi %mul3A_1031, %add3A_1191 : i32
    "tpu.region"() ({
      %run_scoped3A = tpu.sem_alloc : memref<!tpu.dma_semaphore, #tpu.memory_space<semaphore_mem>>
      %dma_start3A_1246 = arith.constant 0 : i32
      %dma_start3A_1247 = tpu.memref_slice %arg7[%add3A_1192, %dma_start3A_1246] : memref<5008x128xf32, #tpu.memory_space<vmem_shared>> -> memref<32x128xf32, #tpu.memory_space<vmem_shared>>
      %dma_start3A_1248 = arith.constant 0 : i32
      %dma_start3A_1249 = tpu.memref_slice %arg7[%add3A_1192, %dma_start3A_1248] : memref<5008x128xf32, #tpu.memory_space<vmem_shared>> -> memref<32x128xf32, #tpu.memory_space<vmem_shared>>
      tpu.enqueue_dma source(%dma_start3A_1249 : memref<32x128xf32, #tpu.memory_space<vmem_shared>>) target(%arg13 : memref<32x128xf32, #tpu.memory_space<vmem>>) target_semaphore(%run_scoped3A : memref<!tpu.dma_semaphore, #tpu.memory_space<semaphore_mem>>)
      %dma_wait3A_1250 = arith.constant 0 : i32
      %dma_wait3A_1251 = tpu.memref_slice %arg7[%add3A_1192, %dma_wait3A_1250] : memref<5008x128xf32, #tpu.memory_space<vmem_shared>> -> memref<32x128xf32, #tpu.memory_space<vmem_shared>>
      %dma_wait3A_1252 = arith.constant 0 : i32
      %dma_wait3A_1253 = tpu.memref_slice %arg7[%add3A_1192, %dma_wait3A_1252] : memref<5008x128xf32, #tpu.memory_space<vmem_shared>> -> memref<32x128xf32, #tpu.memory_space<vmem_shared>>
      tpu.wait_dma2 semaphore(%run_scoped3A : memref<!tpu.dma_semaphore, #tpu.memory_space<semaphore_mem>>) src(%dma_wait3A_1253 : memref<32x128xf32, #tpu.memory_space<vmem_shared>>) dst(%arg13 : memref<32x128xf32, #tpu.memory_space<vmem>>)
      tpu.yield
    }) : () -> ()
    %scan3A_1193 = arith.constant 0 : i32
    %scan3A_1194 = arith.constant 0 : i32
    %scan3A_1195 = arith.constant 32 : i32
    %scan3A_1196 = arith.addi %scan3A_1194, %scan3A_1195 : i32
    %scan3A_1197 = arith.constant 2 : i32
    %scan3A_1198 = scf.for %scan3A_1246 = %scan3A_1194 to %scan3A_1196 step %scan3A_1197 iter_args(%scan3A_1247 = %scan3A_1193) -> (i32)  : i32 {
      %get3A_1248 = arith.index_cast %scan3A_1246 : i32 to index
      %get3A_1249 = arith.constant 0 : index
      %get3A_1250 = tpu.vector_load %arg13[%get3A_1248, %get3A_1249] {strides = array<i32>} : memref<32x128xf32, #tpu.memory_space<vmem>>, vector<16xf32>,
      %mul3A_1251 = arith.mulf %get3A_1250, %get3A_1104 : vector<16xf32>
      %swap3A_1252 = arith.index_cast %scan3A_1246 : i32 to index
      %swap3A_1253 = arith.constant 0 : index
      %swap3A_1254 = tpu.vector_load %arg13[%swap3A_1252, %swap3A_1253] {strides = array<i32>} : memref<32x128xf32, #tpu.memory_space<vmem>>, vector<16xf32>,
      tpu.vector_store %arg13[%swap3A_1252, %swap3A_1253], %mul3A_1251 {strides = array<i32>} : memref<32x128xf32, #tpu.memory_space<vmem>>, vector<16xf32>,
      %get3A_1255 = arith.index_cast %scan3A_1246 : i32 to index
      %get3A_1256 = arith.constant 16 : index
      %get3A_1257 = tpu.vector_load %arg13[%get3A_1255, %get3A_1256] {strides = array<i32>} : memref<32x128xf32, #tpu.memory_space<vmem>>, vector<16xf32>,
      %mul3A_1258 = arith.mulf %get3A_1257, %get3A_1106 : vector<16xf32>
      %swap3A_1259 = arith.index_cast %scan3A_1246 : i32 to index
      %swap3A_1260 = arith.constant 16 : index
      %swap3A_1261 = tpu.vector_load %arg13[%swap3A_1259, %swap3A_1260] {strides = array<i32>} : memref<32x128xf32, #tpu.memory_space<vmem>>, vector<16xf32>,
      tpu.vector_store %arg13[%swap3A_1259, %swap3A_1260], %mul3A_1258 {strides = array<i32>} : memref<32x128xf32, #tpu.memory_space<vmem>>, vector<16xf32>,
      %get3A_1262 = arith.index_cast %scan3A_1246 : i32 to index
      %get3A_1263 = arith.constant 32 : index
      %get3A_1264 = tpu.vector_load %arg13[%get3A_1262, %get3A_1263] {strides = array<i32>} : memref<32x128xf32, #tpu.memory_space<vmem>>, vector<16xf32>,
      %mul3A_1265 = arith.mulf %get3A_1264, %get3A_1108 : vector<16xf32>
      %swap3A_1266 = arith.index_cast %scan3A_1246 : i32 to index
      %swap3A_1267 = arith.constant 32 : index
      %swap3A_1268 = tpu.vector_load %arg13[%swap3A_1266, %swap3A_1267] {strides = array<i32>} : memref<32x128xf32, #tpu.memory_space<vmem>>, vector<16xf32>,
      tpu.vector_store %arg13[%swap3A_1266, %swap3A_1267], %mul3A_1265 {strides = array<i32>} : memref<32x128xf32, #tpu.memory_space<vmem>>, vector<16xf32>,
      %get3A_1269 = arith.index_cast %scan3A_1246 : i32 to index
      %get3A_1270 = arith.constant 48 : index
      %get3A_1271 = tpu.vector_load %arg13[%get3A_1269, %get3A_1270] {strides = array<i32>} : memref<32x128xf32, #tpu.memory_space<vmem>>, vector<16xf32>,
      %mul3A_1272 = arith.mulf %get3A_1271, %get3A_1110 : vector<16xf32>
      %swap3A_1273 = arith.index_cast %scan3A_1246 : i32 to index
      %swap3A_1274 = arith.constant 48 : index
      %swap3A_1275 = tpu.vector_load %arg13[%swap3A_1273, %swap3A_1274] {strides = array<i32>} : memref<32x128xf32, #tpu.memory_space<vmem>>, vector<16xf32>,
      tpu.vector_store %arg13[%swap3A_1273, %swap3A_1274], %mul3A_1272 {strides = array<i32>} : memref<32x128xf32, #tpu.memory_space<vmem>>, vector<16xf32>,
      %get3A_1276 = arith.index_cast %scan3A_1246 : i32 to index
      %get3A_1277 = arith.constant 64 : index
      %get3A_1278 = tpu.vector_load %arg13[%get3A_1276, %get3A_1277] {strides = array<i32>} : memref<32x128xf32, #tpu.memory_space<vmem>>, vector<16xf32>,
      %mul3A_1279 = arith.mulf %get3A_1278, %get3A_1112 : vector<16xf32>
      %swap3A_1280 = arith.index_cast %scan3A_1246 : i32 to index
      %swap3A_1281 = arith.constant 64 : index
      %swap3A_1282 = tpu.vector_load %arg13[%swap3A_1280, %swap3A_1281] {strides = array<i32>} : memref<32x128xf32, #tpu.memory_space<vmem>>, vector<16xf32>,
      tpu.vector_store %arg13[%swap3A_1280, %swap3A_1281], %mul3A_1279 {strides = array<i32>} : memref<32x128xf32, #tpu.memory_space<vmem>>, vector<16xf32>,
      %get3A_1283 = arith.index_cast %scan3A_1246 : i32 to index
      %get3A_1284 = arith.constant 80 : index
      %get3A_1285 = tpu.vector_load %arg13[%get3A_1283, %get3A_1284] {strides = array<i32>} : memref<32x128xf32, #tpu.memory_space<vmem>>, vector<16xf32>,
      %mul3A_1286 = arith.mulf %get3A_1285, %get3A_1114 : vector<16xf32>
      %swap3A_1287 = arith.index_cast %scan3A_1246 : i32 to index
      %swap3A_1288 = arith.constant 80 : index
      %swap3A_1289 = tpu.vector_load %arg13[%swap3A_1287, %swap3A_1288] {strides = array<i32>} : memref<32x128xf32, #tpu.memory_space<vmem>>, vector<16xf32>,
      tpu.vector_store %arg13[%swap3A_1287, %swap3A_1288], %mul3A_1286 {strides = array<i32>} : memref<32x128xf32, #tpu.memory_space<vmem>>, vector<16xf32>,
      %get3A_1290 = arith.index_cast %scan3A_1246 : i32 to index
      %get3A_1291 = arith.constant 96 : index
      %get3A_1292 = tpu.vector_load %arg13[%get3A_1290, %get3A_1291] {strides = array<i32>} : memref<32x128xf32, #tpu.memory_space<vmem>>, vector<16xf32>,
      %mul3A_1293 = arith.mulf %get3A_1292, %get3A_1116 : vector<16xf32>
      %swap3A_1294 = arith.index_cast %scan3A_1246 : i32 to index
      %swap3A_1295 = arith.constant 96 : index
      %swap3A_1296 = tpu.vector_load %arg13[%swap3A_1294, %swap3A_1295] {strides = array<i32>} : memref<32x128xf32, #tpu.memory_space<vmem>>, vector<16xf32>,
      tpu.vector_store %arg13[%swap3A_1294, %swap3A_1295], %mul3A_1293 {strides = array<i32>} : memref<32x128xf32, #tpu.memory_space<vmem>>, vector<16xf32>,
      %get3A_1297 = arith.index_cast %scan3A_1246 : i32 to index
      %get3A_1298 = arith.constant 112 : index
      %get3A_1299 = tpu.vector_load %arg13[%get3A_1297, %get3A_1298] {strides = array<i32>} : memref<32x128xf32, #tpu.memory_space<vmem>>, vector<16xf32>,
      %mul3A_1300 = arith.mulf %get3A_1299, %get3A_1118 : vector<16xf32>
      %swap3A_1301 = arith.index_cast %scan3A_1246 : i32 to index
      %swap3A_1302 = arith.constant 112 : index
      %swap3A_1303 = tpu.vector_load %arg13[%swap3A_1301, %swap3A_1302] {strides = array<i32>} : memref<32x128xf32, #tpu.memory_space<vmem>>, vector<16xf32>,
      tpu.vector_store %arg13[%swap3A_1301, %swap3A_1302], %mul3A_1300 {strides = array<i32>} : memref<32x128xf32, #tpu.memory_space<vmem>>, vector<16xf32>,
      %scan3A_1304 = arith.constant 0 : i32
      %scan3A_1305 = arith.constant 1 : i32
      %scan3A_1306 = arith.addi %scan3A_1246, %scan3A_1305 : i32
      %get3A_1307 = arith.index_cast %scan3A_1306 : i32 to index
      %get3A_1308 = arith.constant 0 : index
      %get3A_1309 = tpu.vector_load %arg13[%get3A_1307, %get3A_1308] {strides = array<i32>} : memref<32x128xf32, #tpu.memory_space<vmem>>, vector<16xf32>,
      %mul3A_1310 = arith.mulf %get3A_1309, %get3A_1104 : vector<16xf32>
      %swap3A_1311 = arith.index_cast %scan3A_1306 : i32 to index
      %swap3A_1312 = arith.constant 0 : index
      %swap3A_1313 = tpu.vector_load %arg13[%swap3A_1311, %swap3A_1312] {strides = array<i32>} : memref<32x128xf32, #tpu.memory_space<vmem>>, vector<16xf32>,
      tpu.vector_store %arg13[%swap3A_1311, %swap3A_1312], %mul3A_1310 {strides = array<i32>} : memref<32x128xf32, #tpu.memory_space<vmem>>, vector<16xf32>,
      %get3A_1314 = arith.index_cast %scan3A_1306 : i32 to index
      %get3A_1315 = arith.constant 16 : index
      %get3A_1316 = tpu.vector_load %arg13[%get3A_1314, %get3A_1315] {strides = array<i32>} : memref<32x128xf32, #tpu.memory_space<vmem>>, vector<16xf32>,
      %mul3A_1317 = arith.mulf %get3A_1316, %get3A_1106 : vector<16xf32>
      %swap3A_1318 = arith.index_cast %scan3A_1306 : i32 to index
      %swap3A_1319 = arith.constant 16 : index
      %swap3A_1320 = tpu.vector_load %arg13[%swap3A_1318, %swap3A_1319] {strides = array<i32>} : memref<32x128xf32, #tpu.memory_space<vmem>>, vector<16xf32>,
      tpu.vector_store %arg13[%swap3A_1318, %swap3A_1319], %mul3A_1317 {strides = array<i32>} : memref<32x128xf32, #tpu.memory_space<vmem>>, vector<16xf32>,
      %get3A_1321 = arith.index_cast %scan3A_1306 : i32 to index
      %get3A_1322 = arith.constant 32 : index
      %get3A_1323 = tpu.vector_load %arg13[%get3A_1321, %get3A_1322] {strides = array<i32>} : memref<32x128xf32, #tpu.memory_space<vmem>>, vector<16xf32>,
      %mul3A_1324 = arith.mulf %get3A_1323, %get3A_1108 : vector<16xf32>
      %swap3A_1325 = arith.index_cast %scan3A_1306 : i32 to index
      %swap3A_1326 = arith.constant 32 : index
      %swap3A_1327 = tpu.vector_load %arg13[%swap3A_1325, %swap3A_1326] {strides = array<i32>} : memref<32x128xf32, #tpu.memory_space<vmem>>, vector<16xf32>,
      tpu.vector_store %arg13[%swap3A_1325, %swap3A_1326], %mul3A_1324 {strides = array<i32>} : memref<32x128xf32, #tpu.memory_space<vmem>>, vector<16xf32>,
      %get3A_1328 = arith.index_cast %scan3A_1306 : i32 to index
      %get3A_1329 = arith.constant 48 : index
      %get3A_1330 = tpu.vector_load %arg13[%get3A_1328, %get3A_1329] {strides = array<i32>} : memref<32x128xf32, #tpu.memory_space<vmem>>, vector<16xf32>,
      %mul3A_1331 = arith.mulf %get3A_1330, %get3A_1110 : vector<16xf32>
      %swap3A_1332 = arith.index_cast %scan3A_1306 : i32 to index
      %swap3A_1333 = arith.constant 48 : index
      %swap3A_1334 = tpu.vector_load %arg13[%swap3A_1332, %swap3A_1333] {strides = array<i32>} : memref<32x128xf32, #tpu.memory_space<vmem>>, vector<16xf32>,
      tpu.vector_store %arg13[%swap3A_1332, %swap3A_1333], %mul3A_1331 {strides = array<i32>} : memref<32x128xf32, #tpu.memory_space<vmem>>, vector<16xf32>,
      %get3A_1335 = arith.index_cast %scan3A_1306 : i32 to index
      %get3A_1336 = arith.constant 64 : index
      %get3A_1337 = tpu.vector_load %arg13[%get3A_1335, %get3A_1336] {strides = array<i32>} : memref<32x128xf32, #tpu.memory_space<vmem>>, vector<16xf32>,
      %mul3A_1338 = arith.mulf %get3A_1337, %get3A_1112 : vector<16xf32>
      %swap3A_1339 = arith.index_cast %scan3A_1306 : i32 to index
      %swap3A_1340 = arith.constant 64 : index
      %swap3A_1341 = tpu.vector_load %arg13[%swap3A_1339, %swap3A_1340] {strides = array<i32>} : memref<32x128xf32, #tpu.memory_space<vmem>>, vector<16xf32>,
      tpu.vector_store %arg13[%swap3A_1339, %swap3A_1340], %mul3A_1338 {strides = array<i32>} : memref<32x128xf32, #tpu.memory_space<vmem>>, vector<16xf32>,
      %get3A_1342 = arith.index_cast %scan3A_1306 : i32 to index
      %get3A_1343 = arith.constant 80 : index
      %get3A_1344 = tpu.vector_load %arg13[%get3A_1342, %get3A_1343] {strides = array<i32>} : memref<32x128xf32, #tpu.memory_space<vmem>>, vector<16xf32>,
      %mul3A_1345 = arith.mulf %get3A_1344, %get3A_1114 : vector<16xf32>
      %swap3A_1346 = arith.index_cast %scan3A_1306 : i32 to index
      %swap3A_1347 = arith.constant 80 : index
      %swap3A_1348 = tpu.vector_load %arg13[%swap3A_1346, %swap3A_1347] {strides = array<i32>} : memref<32x128xf32, #tpu.memory_space<vmem>>, vector<16xf32>,
      tpu.vector_store %arg13[%swap3A_1346, %swap3A_1347], %mul3A_1345 {strides = array<i32>} : memref<32x128xf32, #tpu.memory_space<vmem>>, vector<16xf32>,
      %get3A_1349 = arith.index_cast %scan3A_1306 : i32 to index
      %get3A_1350 = arith.constant 96 : index
      %get3A_1351 = tpu.vector_load %arg13[%get3A_1349, %get3A_1350] {strides = array<i32>} : memref<32x128xf32, #tpu.memory_space<vmem>>, vector<16xf32>,
      %mul3A_1352 = arith.mulf %get3A_1351, %get3A_1116 : vector<16xf32>
      %swap3A_1353 = arith.index_cast %scan3A_1306 : i32 to index
      %swap3A_1354 = arith.constant 96 : index
      %swap3A_1355 = tpu.vector_load %arg13[%swap3A_1353, %swap3A_1354] {strides = array<i32>} : memref<32x128xf32, #tpu.memory_space<vmem>>, vector<16xf32>,
      tpu.vector_store %arg13[%swap3A_1353, %swap3A_1354], %mul3A_1352 {strides = array<i32>} : memref<32x128xf32, #tpu.memory_space<vmem>>, vector<16xf32>,
      %get3A_1356 = arith.index_cast %scan3A_1306 : i32 to index
      %get3A_1357 = arith.constant 112 : index
      %get3A_1358 = tpu.vector_load %arg13[%get3A_1356, %get3A_1357] {strides = array<i32>} : memref<32x128xf32, #tpu.memory_space<vmem>>, vector<16xf32>,
      %mul3A_1359 = arith.mulf %get3A_1358, %get3A_1118 : vector<16xf32>
      %swap3A_1360 = arith.index_cast %scan3A_1306 : i32 to index
      %swap3A_1361 = arith.constant 112 : index
      %swap3A_1362 = tpu.vector_load %arg13[%swap3A_1360, %swap3A_1361] {strides = array<i32>} : memref<32x128xf32, #tpu.memory_space<vmem>>, vector<16xf32>,
      tpu.vector_store %arg13[%swap3A_1360, %swap3A_1361], %mul3A_1359 {strides = array<i32>} : memref<32x128xf32, #tpu.memory_space<vmem>>, vector<16xf32>,
      %scan3A_1363 = arith.constant 0 : i32
      scf.yield %scan3A_1363 : i32
    }
    %scan3A_1199 = arith.constant 32 : i32
    %mul3A_1200 = arith.constant 5000 : i32
    %mul3A_1201 = arith.muli %arg0, %mul3A_1200 : i32
    %add3A_1202 = arith.addi %mul3A_1201, %add3A_1192 : i32
    "tpu.region"() ({
      %run_scoped3A = tpu.sem_alloc : memref<!tpu.dma_semaphore, #tpu.memory_space<semaphore_mem>>
      %dma_start3A_1246 = arith.constant 0 : i32
      %dma_start3A_1247 = tpu.memref_slice %arg6[%add3A_1202, %dma_start3A_1246] : memref<10000x128xf32, #tpu.memory_space<hbm>> -> memref<32x128xf32, #tpu.memory_space<hbm>>
      %dma_start3A_1248 = arith.constant 0 : i32
      %dma_start3A_1249 = tpu.memref_slice %arg6[%add3A_1202, %dma_start3A_1248] : memref<10000x128xf32, #tpu.memory_space<hbm>> -> memref<32x128xf32, #tpu.memory_space<hbm>>
      tpu.enqueue_dma source(%arg13 : memref<32x128xf32, #tpu.memory_space<vmem>>) target(%dma_start3A_1249 : memref<32x128xf32, #tpu.memory_space<hbm>>) target_semaphore(%run_scoped3A : memref<!tpu.dma_semaphore, #tpu.memory_space<semaphore_mem>>)
      %dma_wait3A_1250 = arith.constant 0 : i32
      %dma_wait3A_1251 = tpu.memref_slice %arg6[%add3A_1202, %dma_wait3A_1250] : memref<10000x128xf32, #tpu.memory_space<hbm>> -> memref<32x128xf32, #tpu.memory_space<hbm>>
      %dma_wait3A_1252 = arith.constant 0 : i32
      %dma_wait3A_1253 = tpu.memref_slice %arg6[%add3A_1202, %dma_wait3A_1252] : memref<10000x128xf32, #tpu.memory_space<hbm>> -> memref<32x128xf32, #tpu.memory_space<hbm>>
      tpu.wait_dma2 semaphore(%run_scoped3A : memref<!tpu.dma_semaphore, #tpu.memory_space<semaphore_mem>>) src(%arg13 : memref<32x128xf32, #tpu.memory_space<vmem>>) dst(%dma_wait3A_1253 : memref<32x128xf32, #tpu.memory_space<hbm>>)
      tpu.yield
    }) : () -> ()
    %add3A_1203 = arith.constant 224 : i32
    %add3A_1204 = arith.addi %mul3A_1031, %add3A_1203 : i32
    "tpu.region"() ({
      %run_scoped3A = tpu.sem_alloc : memref<!tpu.dma_semaphore, #tpu.memory_space<semaphore_mem>>
      %dma_start3A_1246 = arith.constant 0 : i32
      %dma_start3A_1247 = tpu.memref_slice %arg7[%add3A_1204, %dma_start3A_1246] : memref<5008x128xf32, #tpu.memory_space<vmem_shared>> -> memref<32x128xf32, #tpu.memory_space<vmem_shared>>
      %dma_start3A_1248 = arith.constant 0 : i32
      %dma_start3A_1249 = tpu.memref_slice %arg7[%add3A_1204, %dma_start3A_1248] : memref<5008x128xf32, #tpu.memory_space<vmem_shared>> -> memref<32x128xf32, #tpu.memory_space<vmem_shared>>
      tpu.enqueue_dma source(%dma_start3A_1249 : memref<32x128xf32, #tpu.memory_space<vmem_shared>>) target(%arg13 : memref<32x128xf32, #tpu.memory_space<vmem>>) target_semaphore(%run_scoped3A : memref<!tpu.dma_semaphore, #tpu.memory_space<semaphore_mem>>)
      %dma_wait3A_1250 = arith.constant 0 : i32
      %dma_wait3A_1251 = tpu.memref_slice %arg7[%add3A_1204, %dma_wait3A_1250] : memref<5008x128xf32, #tpu.memory_space<vmem_shared>> -> memref<32x128xf32, #tpu.memory_space<vmem_shared>>
      %dma_wait3A_1252 = arith.constant 0 : i32
      %dma_wait3A_1253 = tpu.memref_slice %arg7[%add3A_1204, %dma_wait3A_1252] : memref<5008x128xf32, #tpu.memory_space<vmem_shared>> -> memref<32x128xf32, #tpu.memory_space<vmem_shared>>
      tpu.wait_dma2 semaphore(%run_scoped3A : memref<!tpu.dma_semaphore, #tpu.memory_space<semaphore_mem>>) src(%dma_wait3A_1253 : memref<32x128xf32, #tpu.memory_space<vmem_shared>>) dst(%arg13 : memref<32x128xf32, #tpu.memory_space<vmem>>)
      tpu.yield
    }) : () -> ()
    %scan3A_1205 = arith.constant 0 : i32
    %scan3A_1206 = arith.constant 0 : i32
    %scan3A_1207 = arith.constant 32 : i32
    %scan3A_1208 = arith.addi %scan3A_1206, %scan3A_1207 : i32
    %scan3A_1209 = arith.constant 2 : i32
    %scan3A_1210 = scf.for %scan3A_1246 = %scan3A_1206 to %scan3A_1208 step %scan3A_1209 iter_args(%scan3A_1247 = %scan3A_1205) -> (i32)  : i32 {
      %get3A_1248 = arith.index_cast %scan3A_1246 : i32 to index
      %get3A_1249 = arith.constant 0 : index
      %get3A_1250 = tpu.vector_load %arg13[%get3A_1248, %get3A_1249] {strides = array<i32>} : memref<32x128xf32, #tpu.memory_space<vmem>>, vector<16xf32>,
      %mul3A_1251 = arith.mulf %get3A_1250, %get3A_1104 : vector<16xf32>
      %swap3A_1252 = arith.index_cast %scan3A_1246 : i32 to index
      %swap3A_1253 = arith.constant 0 : index
      %swap3A_1254 = tpu.vector_load %arg13[%swap3A_1252, %swap3A_1253] {strides = array<i32>} : memref<32x128xf32, #tpu.memory_space<vmem>>, vector<16xf32>,
      tpu.vector_store %arg13[%swap3A_1252, %swap3A_1253], %mul3A_1251 {strides = array<i32>} : memref<32x128xf32, #tpu.memory_space<vmem>>, vector<16xf32>,
      %get3A_1255 = arith.index_cast %scan3A_1246 : i32 to index
      %get3A_1256 = arith.constant 16 : index
      %get3A_1257 = tpu.vector_load %arg13[%get3A_1255, %get3A_1256] {strides = array<i32>} : memref<32x128xf32, #tpu.memory_space<vmem>>, vector<16xf32>,
      %mul3A_1258 = arith.mulf %get3A_1257, %get3A_1106 : vector<16xf32>
      %swap3A_1259 = arith.index_cast %scan3A_1246 : i32 to index
      %swap3A_1260 = arith.constant 16 : index
      %swap3A_1261 = tpu.vector_load %arg13[%swap3A_1259, %swap3A_1260] {strides = array<i32>} : memref<32x128xf32, #tpu.memory_space<vmem>>, vector<16xf32>,
      tpu.vector_store %arg13[%swap3A_1259, %swap3A_1260], %mul3A_1258 {strides = array<i32>} : memref<32x128xf32, #tpu.memory_space<vmem>>, vector<16xf32>,
      %get3A_1262 = arith.index_cast %scan3A_1246 : i32 to index
      %get3A_1263 = arith.constant 32 : index
      %get3A_1264 = tpu.vector_load %arg13[%get3A_1262, %get3A_1263] {strides = array<i32>} : memref<32x128xf32, #tpu.memory_space<vmem>>, vector<16xf32>,
      %mul3A_1265 = arith.mulf %get3A_1264, %get3A_1108 : vector<16xf32>
      %swap3A_1266 = arith.index_cast %scan3A_1246 : i32 to index
      %swap3A_1267 = arith.constant 32 : index
      %swap3A_1268 = tpu.vector_load %arg13[%swap3A_1266, %swap3A_1267] {strides = array<i32>} : memref<32x128xf32, #tpu.memory_space<vmem>>, vector<16xf32>,
      tpu.vector_store %arg13[%swap3A_1266, %swap3A_1267], %mul3A_1265 {strides = array<i32>} : memref<32x128xf32, #tpu.memory_space<vmem>>, vector<16xf32>,
      %get3A_1269 = arith.index_cast %scan3A_1246 : i32 to index
      %get3A_1270 = arith.constant 48 : index
      %get3A_1271 = tpu.vector_load %arg13[%get3A_1269, %get3A_1270] {strides = array<i32>} : memref<32x128xf32, #tpu.memory_space<vmem>>, vector<16xf32>,
      %mul3A_1272 = arith.mulf %get3A_1271, %get3A_1110 : vector<16xf32>
      %swap3A_1273 = arith.index_cast %scan3A_1246 : i32 to index
      %swap3A_1274 = arith.constant 48 : index
      %swap3A_1275 = tpu.vector_load %arg13[%swap3A_1273, %swap3A_1274] {strides = array<i32>} : memref<32x128xf32, #tpu.memory_space<vmem>>, vector<16xf32>,
      tpu.vector_store %arg13[%swap3A_1273, %swap3A_1274], %mul3A_1272 {strides = array<i32>} : memref<32x128xf32, #tpu.memory_space<vmem>>, vector<16xf32>,
      %get3A_1276 = arith.index_cast %scan3A_1246 : i32 to index
      %get3A_1277 = arith.constant 64 : index
      %get3A_1278 = tpu.vector_load %arg13[%get3A_1276, %get3A_1277] {strides = array<i32>} : memref<32x128xf32, #tpu.memory_space<vmem>>, vector<16xf32>,
      %mul3A_1279 = arith.mulf %get3A_1278, %get3A_1112 : vector<16xf32>
      %swap3A_1280 = arith.index_cast %scan3A_1246 : i32 to index
      %swap3A_1281 = arith.constant 64 : index
      %swap3A_1282 = tpu.vector_load %arg13[%swap3A_1280, %swap3A_1281] {strides = array<i32>} : memref<32x128xf32, #tpu.memory_space<vmem>>, vector<16xf32>,
      tpu.vector_store %arg13[%swap3A_1280, %swap3A_1281], %mul3A_1279 {strides = array<i32>} : memref<32x128xf32, #tpu.memory_space<vmem>>, vector<16xf32>,
      %get3A_1283 = arith.index_cast %scan3A_1246 : i32 to index
      %get3A_1284 = arith.constant 80 : index
      %get3A_1285 = tpu.vector_load %arg13[%get3A_1283, %get3A_1284] {strides = array<i32>} : memref<32x128xf32, #tpu.memory_space<vmem>>, vector<16xf32>,
      %mul3A_1286 = arith.mulf %get3A_1285, %get3A_1114 : vector<16xf32>
      %swap3A_1287 = arith.index_cast %scan3A_1246 : i32 to index
      %swap3A_1288 = arith.constant 80 : index
      %swap3A_1289 = tpu.vector_load %arg13[%swap3A_1287, %swap3A_1288] {strides = array<i32>} : memref<32x128xf32, #tpu.memory_space<vmem>>, vector<16xf32>,
      tpu.vector_store %arg13[%swap3A_1287, %swap3A_1288], %mul3A_1286 {strides = array<i32>} : memref<32x128xf32, #tpu.memory_space<vmem>>, vector<16xf32>,
      %get3A_1290 = arith.index_cast %scan3A_1246 : i32 to index
      %get3A_1291 = arith.constant 96 : index
      %get3A_1292 = tpu.vector_load %arg13[%get3A_1290, %get3A_1291] {strides = array<i32>} : memref<32x128xf32, #tpu.memory_space<vmem>>, vector<16xf32>,
      %mul3A_1293 = arith.mulf %get3A_1292, %get3A_1116 : vector<16xf32>
      %swap3A_1294 = arith.index_cast %scan3A_1246 : i32 to index
      %swap3A_1295 = arith.constant 96 : index
      %swap3A_1296 = tpu.vector_load %arg13[%swap3A_1294, %swap3A_1295] {strides = array<i32>} : memref<32x128xf32, #tpu.memory_space<vmem>>, vector<16xf32>,
      tpu.vector_store %arg13[%swap3A_1294, %swap3A_1295], %mul3A_1293 {strides = array<i32>} : memref<32x128xf32, #tpu.memory_space<vmem>>, vector<16xf32>,
      %get3A_1297 = arith.index_cast %scan3A_1246 : i32 to index
      %get3A_1298 = arith.constant 112 : index
      %get3A_1299 = tpu.vector_load %arg13[%get3A_1297, %get3A_1298] {strides = array<i32>} : memref<32x128xf32, #tpu.memory_space<vmem>>, vector<16xf32>,
      %mul3A_1300 = arith.mulf %get3A_1299, %get3A_1118 : vector<16xf32>
      %swap3A_1301 = arith.index_cast %scan3A_1246 : i32 to index
      %swap3A_1302 = arith.constant 112 : index
      %swap3A_1303 = tpu.vector_load %arg13[%swap3A_1301, %swap3A_1302] {strides = array<i32>} : memref<32x128xf32, #tpu.memory_space<vmem>>, vector<16xf32>,
      tpu.vector_store %arg13[%swap3A_1301, %swap3A_1302], %mul3A_1300 {strides = array<i32>} : memref<32x128xf32, #tpu.memory_space<vmem>>, vector<16xf32>,
      %scan3A_1304 = arith.constant 0 : i32
      %scan3A_1305 = arith.constant 1 : i32
      %scan3A_1306 = arith.addi %scan3A_1246, %scan3A_1305 : i32
      %get3A_1307 = arith.index_cast %scan3A_1306 : i32 to index
      %get3A_1308 = arith.constant 0 : index
      %get3A_1309 = tpu.vector_load %arg13[%get3A_1307, %get3A_1308] {strides = array<i32>} : memref<32x128xf32, #tpu.memory_space<vmem>>, vector<16xf32>,
      %mul3A_1310 = arith.mulf %get3A_1309, %get3A_1104 : vector<16xf32>
      %swap3A_1311 = arith.index_cast %scan3A_1306 : i32 to index
      %swap3A_1312 = arith.constant 0 : index
      %swap3A_1313 = tpu.vector_load %arg13[%swap3A_1311, %swap3A_1312] {strides = array<i32>} : memref<32x128xf32, #tpu.memory_space<vmem>>, vector<16xf32>,
      tpu.vector_store %arg13[%swap3A_1311, %swap3A_1312], %mul3A_1310 {strides = array<i32>} : memref<32x128xf32, #tpu.memory_space<vmem>>, vector<16xf32>,
      %get3A_1314 = arith.index_cast %scan3A_1306 : i32 to index
      %get3A_1315 = arith.constant 16 : index
      %get3A_1316 = tpu.vector_load %arg13[%get3A_1314, %get3A_1315] {strides = array<i32>} : memref<32x128xf32, #tpu.memory_space<vmem>>, vector<16xf32>,
      %mul3A_1317 = arith.mulf %get3A_1316, %get3A_1106 : vector<16xf32>
      %swap3A_1318 = arith.index_cast %scan3A_1306 : i32 to index
      %swap3A_1319 = arith.constant 16 : index
      %swap3A_1320 = tpu.vector_load %arg13[%swap3A_1318, %swap3A_1319] {strides = array<i32>} : memref<32x128xf32, #tpu.memory_space<vmem>>, vector<16xf32>,
      tpu.vector_store %arg13[%swap3A_1318, %swap3A_1319], %mul3A_1317 {strides = array<i32>} : memref<32x128xf32, #tpu.memory_space<vmem>>, vector<16xf32>,
      %get3A_1321 = arith.index_cast %scan3A_1306 : i32 to index
      %get3A_1322 = arith.constant 32 : index
      %get3A_1323 = tpu.vector_load %arg13[%get3A_1321, %get3A_1322] {strides = array<i32>} : memref<32x128xf32, #tpu.memory_space<vmem>>, vector<16xf32>,
      %mul3A_1324 = arith.mulf %get3A_1323, %get3A_1108 : vector<16xf32>
      %swap3A_1325 = arith.index_cast %scan3A_1306 : i32 to index
      %swap3A_1326 = arith.constant 32 : index
      %swap3A_1327 = tpu.vector_load %arg13[%swap3A_1325, %swap3A_1326] {strides = array<i32>} : memref<32x128xf32, #tpu.memory_space<vmem>>, vector<16xf32>,
      tpu.vector_store %arg13[%swap3A_1325, %swap3A_1326], %mul3A_1324 {strides = array<i32>} : memref<32x128xf32, #tpu.memory_space<vmem>>, vector<16xf32>,
      %get3A_1328 = arith.index_cast %scan3A_1306 : i32 to index
      %get3A_1329 = arith.constant 48 : index
      %get3A_1330 = tpu.vector_load %arg13[%get3A_1328, %get3A_1329] {strides = array<i32>} : memref<32x128xf32, #tpu.memory_space<vmem>>, vector<16xf32>,
      %mul3A_1331 = arith.mulf %get3A_1330, %get3A_1110 : vector<16xf32>
      %swap3A_1332 = arith.index_cast %scan3A_1306 : i32 to index
      %swap3A_1333 = arith.constant 48 : index
      %swap3A_1334 = tpu.vector_load %arg13[%swap3A_1332, %swap3A_1333] {strides = array<i32>} : memref<32x128xf32, #tpu.memory_space<vmem>>, vector<16xf32>,
      tpu.vector_store %arg13[%swap3A_1332, %swap3A_1333], %mul3A_1331 {strides = array<i32>} : memref<32x128xf32, #tpu.memory_space<vmem>>, vector<16xf32>,
      %get3A_1335 = arith.index_cast %scan3A_1306 : i32 to index
      %get3A_1336 = arith.constant 64 : index
      %get3A_1337 = tpu.vector_load %arg13[%get3A_1335, %get3A_1336] {strides = array<i32>} : memref<32x128xf32, #tpu.memory_space<vmem>>, vector<16xf32>,
      %mul3A_1338 = arith.mulf %get3A_1337, %get3A_1112 : vector<16xf32>
      %swap3A_1339 = arith.index_cast %scan3A_1306 : i32 to index
      %swap3A_1340 = arith.constant 64 : index
      %swap3A_1341 = tpu.vector_load %arg13[%swap3A_1339, %swap3A_1340] {strides = array<i32>} : memref<32x128xf32, #tpu.memory_space<vmem>>, vector<16xf32>,
      tpu.vector_store %arg13[%swap3A_1339, %swap3A_1340], %mul3A_1338 {strides = array<i32>} : memref<32x128xf32, #tpu.memory_space<vmem>>, vector<16xf32>,
      %get3A_1342 = arith.index_cast %scan3A_1306 : i32 to index
      %get3A_1343 = arith.constant 80 : index
      %get3A_1344 = tpu.vector_load %arg13[%get3A_1342, %get3A_1343] {strides = array<i32>} : memref<32x128xf32, #tpu.memory_space<vmem>>, vector<16xf32>,
      %mul3A_1345 = arith.mulf %get3A_1344, %get3A_1114 : vector<16xf32>
      %swap3A_1346 = arith.index_cast %scan3A_1306 : i32 to index
      %swap3A_1347 = arith.constant 80 : index
      %swap3A_1348 = tpu.vector_load %arg13[%swap3A_1346, %swap3A_1347] {strides = array<i32>} : memref<32x128xf32, #tpu.memory_space<vmem>>, vector<16xf32>,
      tpu.vector_store %arg13[%swap3A_1346, %swap3A_1347], %mul3A_1345 {strides = array<i32>} : memref<32x128xf32, #tpu.memory_space<vmem>>, vector<16xf32>,
      %get3A_1349 = arith.index_cast %scan3A_1306 : i32 to index
      %get3A_1350 = arith.constant 96 : index
      %get3A_1351 = tpu.vector_load %arg13[%get3A_1349, %get3A_1350] {strides = array<i32>} : memref<32x128xf32, #tpu.memory_space<vmem>>, vector<16xf32>,
      %mul3A_1352 = arith.mulf %get3A_1351, %get3A_1116 : vector<16xf32>
      %swap3A_1353 = arith.index_cast %scan3A_1306 : i32 to index
      %swap3A_1354 = arith.constant 96 : index
      %swap3A_1355 = tpu.vector_load %arg13[%swap3A_1353, %swap3A_1354] {strides = array<i32>} : memref<32x128xf32, #tpu.memory_space<vmem>>, vector<16xf32>,
      tpu.vector_store %arg13[%swap3A_1353, %swap3A_1354], %mul3A_1352 {strides = array<i32>} : memref<32x128xf32, #tpu.memory_space<vmem>>, vector<16xf32>,
      %get3A_1356 = arith.index_cast %scan3A_1306 : i32 to index
      %get3A_1357 = arith.constant 112 : index
      %get3A_1358 = tpu.vector_load %arg13[%get3A_1356, %get3A_1357] {strides = array<i32>} : memref<32x128xf32, #tpu.memory_space<vmem>>, vector<16xf32>,
      %mul3A_1359 = arith.mulf %get3A_1358, %get3A_1118 : vector<16xf32>
      %swap3A_1360 = arith.index_cast %scan3A_1306 : i32 to index
      %swap3A_1361 = arith.constant 112 : index
      %swap3A_1362 = tpu.vector_load %arg13[%swap3A_1360, %swap3A_1361] {strides = array<i32>} : memref<32x128xf32, #tpu.memory_space<vmem>>, vector<16xf32>,
      tpu.vector_store %arg13[%swap3A_1360, %swap3A_1361], %mul3A_1359 {strides = array<i32>} : memref<32x128xf32, #tpu.memory_space<vmem>>, vector<16xf32>,
      %scan3A_1363 = arith.constant 0 : i32
      scf.yield %scan3A_1363 : i32
    }
    %scan3A_1211 = arith.constant 32 : i32
    %mul3A_1212 = arith.constant 5000 : i32
    %mul3A_1213 = arith.muli %arg0, %mul3A_1212 : i32
    %add3A_1214 = arith.addi %mul3A_1213, %add3A_1204 : i32
    "tpu.region"() ({
      %run_scoped3A = tpu.sem_alloc : memref<!tpu.dma_semaphore, #tpu.memory_space<semaphore_mem>>
      %dma_start3A_1246 = arith.constant 0 : i32
      %dma_start3A_1247 = tpu.memref_slice %arg6[%add3A_1214, %dma_start3A_1246] : memref<10000x128xf32, #tpu.memory_space<hbm>> -> memref<32x128xf32, #tpu.memory_space<hbm>>
      %dma_start3A_1248 = arith.constant 0 : i32
      %dma_start3A_1249 = tpu.memref_slice %arg6[%add3A_1214, %dma_start3A_1248] : memref<10000x128xf32, #tpu.memory_space<hbm>> -> memref<32x128xf32, #tpu.memory_space<hbm>>
      tpu.enqueue_dma source(%arg13 : memref<32x128xf32, #tpu.memory_space<vmem>>) target(%dma_start3A_1249 : memref<32x128xf32, #tpu.memory_space<hbm>>) target_semaphore(%run_scoped3A : memref<!tpu.dma_semaphore, #tpu.memory_space<semaphore_mem>>)
      %dma_wait3A_1250 = arith.constant 0 : i32
      %dma_wait3A_1251 = tpu.memref_slice %arg6[%add3A_1214, %dma_wait3A_1250] : memref<10000x128xf32, #tpu.memory_space<hbm>> -> memref<32x128xf32, #tpu.memory_space<hbm>>
      %dma_wait3A_1252 = arith.constant 0 : i32
      %dma_wait3A_1253 = tpu.memref_slice %arg6[%add3A_1214, %dma_wait3A_1252] : memref<10000x128xf32, #tpu.memory_space<hbm>> -> memref<32x128xf32, #tpu.memory_space<hbm>>
      tpu.wait_dma2 semaphore(%run_scoped3A : memref<!tpu.dma_semaphore, #tpu.memory_space<semaphore_mem>>) src(%arg13 : memref<32x128xf32, #tpu.memory_space<vmem>>) dst(%dma_wait3A_1253 : memref<32x128xf32, #tpu.memory_space<hbm>>)
      tpu.yield
    }) : () -> ()
    %add3A_1215 = arith.constant 256 : i32
    %add3A_1216 = arith.addi %mul3A_1031, %add3A_1215 : i32
    "tpu.region"() ({
      %run_scoped3A = tpu.sem_alloc : memref<!tpu.dma_semaphore, #tpu.memory_space<semaphore_mem>>
      %dma_start3A_1246 = arith.constant 0 : i32
      %dma_start3A_1247 = tpu.memref_slice %arg7[%add3A_1216, %dma_start3A_1246] : memref<5008x128xf32, #tpu.memory_space<vmem_shared>> -> memref<32x128xf32, #tpu.memory_space<vmem_shared>>
      %dma_start3A_1248 = arith.constant 0 : i32
      %dma_start3A_1249 = tpu.memref_slice %arg7[%add3A_1216, %dma_start3A_1248] : memref<5008x128xf32, #tpu.memory_space<vmem_shared>> -> memref<32x128xf32, #tpu.memory_space<vmem_shared>>
      tpu.enqueue_dma source(%dma_start3A_1249 : memref<32x128xf32, #tpu.memory_space<vmem_shared>>) target(%arg13 : memref<32x128xf32, #tpu.memory_space<vmem>>) target_semaphore(%run_scoped3A : memref<!tpu.dma_semaphore, #tpu.memory_space<semaphore_mem>>)
      %dma_wait3A_1250 = arith.constant 0 : i32
      %dma_wait3A_1251 = tpu.memref_slice %arg7[%add3A_1216, %dma_wait3A_1250] : memref<5008x128xf32, #tpu.memory_space<vmem_shared>> -> memref<32x128xf32, #tpu.memory_space<vmem_shared>>
      %dma_wait3A_1252 = arith.constant 0 : i32
      %dma_wait3A_1253 = tpu.memref_slice %arg7[%add3A_1216, %dma_wait3A_1252] : memref<5008x128xf32, #tpu.memory_space<vmem_shared>> -> memref<32x128xf32, #tpu.memory_space<vmem_shared>>
      tpu.wait_dma2 semaphore(%run_scoped3A : memref<!tpu.dma_semaphore, #tpu.memory_space<semaphore_mem>>) src(%dma_wait3A_1253 : memref<32x128xf32, #tpu.memory_space<vmem_shared>>) dst(%arg13 : memref<32x128xf32, #tpu.memory_space<vmem>>)
      tpu.yield
    }) : () -> ()
    %scan3A_1217 = arith.constant 0 : i32
    %scan3A_1218 = arith.constant 0 : i32
    %scan3A_1219 = arith.constant 32 : i32
    %scan3A_1220 = arith.addi %scan3A_1218, %scan3A_1219 : i32
    %scan3A_1221 = arith.constant 2 : i32
    %scan3A_1222 = scf.for %scan3A_1246 = %scan3A_1218 to %scan3A_1220 step %scan3A_1221 iter_args(%scan3A_1247 = %scan3A_1217) -> (i32)  : i32 {
      %get3A_1248 = arith.index_cast %scan3A_1246 : i32 to index
      %get3A_1249 = arith.constant 0 : index
      %get3A_1250 = tpu.vector_load %arg13[%get3A_1248, %get3A_1249] {strides = array<i32>} : memref<32x128xf32, #tpu.memory_space<vmem>>, vector<16xf32>,
      %mul3A_1251 = arith.mulf %get3A_1250, %get3A_1104 : vector<16xf32>
      %swap3A_1252 = arith.index_cast %scan3A_1246 : i32 to index
      %swap3A_1253 = arith.constant 0 : index
      %swap3A_1254 = tpu.vector_load %arg13[%swap3A_1252, %swap3A_1253] {strides = array<i32>} : memref<32x128xf32, #tpu.memory_space<vmem>>, vector<16xf32>,
      tpu.vector_store %arg13[%swap3A_1252, %swap3A_1253], %mul3A_1251 {strides = array<i32>} : memref<32x128xf32, #tpu.memory_space<vmem>>, vector<16xf32>,
      %get3A_1255 = arith.index_cast %scan3A_1246 : i32 to index
      %get3A_1256 = arith.constant 16 : index
      %get3A_1257 = tpu.vector_load %arg13[%get3A_1255, %get3A_1256] {strides = array<i32>} : memref<32x128xf32, #tpu.memory_space<vmem>>, vector<16xf32>,
      %mul3A_1258 = arith.mulf %get3A_1257, %get3A_1106 : vector<16xf32>
      %swap3A_1259 = arith.index_cast %scan3A_1246 : i32 to index
      %swap3A_1260 = arith.constant 16 : index
      %swap3A_1261 = tpu.vector_load %arg13[%swap3A_1259, %swap3A_1260] {strides = array<i32>} : memref<32x128xf32, #tpu.memory_space<vmem>>, vector<16xf32>,
      tpu.vector_store %arg13[%swap3A_1259, %swap3A_1260], %mul3A_1258 {strides = array<i32>} : memref<32x128xf32, #tpu.memory_space<vmem>>, vector<16xf32>,
      %get3A_1262 = arith.index_cast %scan3A_1246 : i32 to index
      %get3A_1263 = arith.constant 32 : index
      %get3A_1264 = tpu.vector_load %arg13[%get3A_1262, %get3A_1263] {strides = array<i32>} : memref<32x128xf32, #tpu.memory_space<vmem>>, vector<16xf32>,
      %mul3A_1265 = arith.mulf %get3A_1264, %get3A_1108 : vector<16xf32>
      %swap3A_1266 = arith.index_cast %scan3A_1246 : i32 to index
      %swap3A_1267 = arith.constant 32 : index
      %swap3A_1268 = tpu.vector_load %arg13[%swap3A_1266, %swap3A_1267] {strides = array<i32>} : memref<32x128xf32, #tpu.memory_space<vmem>>, vector<16xf32>,
      tpu.vector_store %arg13[%swap3A_1266, %swap3A_1267], %mul3A_1265 {strides = array<i32>} : memref<32x128xf32, #tpu.memory_space<vmem>>, vector<16xf32>,
      %get3A_1269 = arith.index_cast %scan3A_1246 : i32 to index
      %get3A_1270 = arith.constant 48 : index
      %get3A_1271 = tpu.vector_load %arg13[%get3A_1269, %get3A_1270] {strides = array<i32>} : memref<32x128xf32, #tpu.memory_space<vmem>>, vector<16xf32>,
      %mul3A_1272 = arith.mulf %get3A_1271, %get3A_1110 : vector<16xf32>
      %swap3A_1273 = arith.index_cast %scan3A_1246 : i32 to index
      %swap3A_1274 = arith.constant 48 : index
      %swap3A_1275 = tpu.vector_load %arg13[%swap3A_1273, %swap3A_1274] {strides = array<i32>} : memref<32x128xf32, #tpu.memory_space<vmem>>, vector<16xf32>,
      tpu.vector_store %arg13[%swap3A_1273, %swap3A_1274], %mul3A_1272 {strides = array<i32>} : memref<32x128xf32, #tpu.memory_space<vmem>>, vector<16xf32>,
      %get3A_1276 = arith.index_cast %scan3A_1246 : i32 to index
      %get3A_1277 = arith.constant 64 : index
      %get3A_1278 = tpu.vector_load %arg13[%get3A_1276, %get3A_1277] {strides = array<i32>} : memref<32x128xf32, #tpu.memory_space<vmem>>, vector<16xf32>,
      %mul3A_1279 = arith.mulf %get3A_1278, %get3A_1112 : vector<16xf32>
      %swap3A_1280 = arith.index_cast %scan3A_1246 : i32 to index
      %swap3A_1281 = arith.constant 64 : index
      %swap3A_1282 = tpu.vector_load %arg13[%swap3A_1280, %swap3A_1281] {strides = array<i32>} : memref<32x128xf32, #tpu.memory_space<vmem>>, vector<16xf32>,
      tpu.vector_store %arg13[%swap3A_1280, %swap3A_1281], %mul3A_1279 {strides = array<i32>} : memref<32x128xf32, #tpu.memory_space<vmem>>, vector<16xf32>,
      %get3A_1283 = arith.index_cast %scan3A_1246 : i32 to index
      %get3A_1284 = arith.constant 80 : index
      %get3A_1285 = tpu.vector_load %arg13[%get3A_1283, %get3A_1284] {strides = array<i32>} : memref<32x128xf32, #tpu.memory_space<vmem>>, vector<16xf32>,
      %mul3A_1286 = arith.mulf %get3A_1285, %get3A_1114 : vector<16xf32>
      %swap3A_1287 = arith.index_cast %scan3A_1246 : i32 to index
      %swap3A_1288 = arith.constant 80 : index
      %swap3A_1289 = tpu.vector_load %arg13[%swap3A_1287, %swap3A_1288] {strides = array<i32>} : memref<32x128xf32, #tpu.memory_space<vmem>>, vector<16xf32>,
      tpu.vector_store %arg13[%swap3A_1287, %swap3A_1288], %mul3A_1286 {strides = array<i32>} : memref<32x128xf32, #tpu.memory_space<vmem>>, vector<16xf32>,
      %get3A_1290 = arith.index_cast %scan3A_1246 : i32 to index
      %get3A_1291 = arith.constant 96 : index
      %get3A_1292 = tpu.vector_load %arg13[%get3A_1290, %get3A_1291] {strides = array<i32>} : memref<32x128xf32, #tpu.memory_space<vmem>>, vector<16xf32>,
      %mul3A_1293 = arith.mulf %get3A_1292, %get3A_1116 : vector<16xf32>
      %swap3A_1294 = arith.index_cast %scan3A_1246 : i32 to index
      %swap3A_1295 = arith.constant 96 : index
      %swap3A_1296 = tpu.vector_load %arg13[%swap3A_1294, %swap3A_1295] {strides = array<i32>} : memref<32x128xf32, #tpu.memory_space<vmem>>, vector<16xf32>,
      tpu.vector_store %arg13[%swap3A_1294, %swap3A_1295], %mul3A_1293 {strides = array<i32>} : memref<32x128xf32, #tpu.memory_space<vmem>>, vector<16xf32>,
      %get3A_1297 = arith.index_cast %scan3A_1246 : i32 to index
      %get3A_1298 = arith.constant 112 : index
      %get3A_1299 = tpu.vector_load %arg13[%get3A_1297, %get3A_1298] {strides = array<i32>} : memref<32x128xf32, #tpu.memory_space<vmem>>, vector<16xf32>,
      %mul3A_1300 = arith.mulf %get3A_1299, %get3A_1118 : vector<16xf32>
      %swap3A_1301 = arith.index_cast %scan3A_1246 : i32 to index
      %swap3A_1302 = arith.constant 112 : index
      %swap3A_1303 = tpu.vector_load %arg13[%swap3A_1301, %swap3A_1302] {strides = array<i32>} : memref<32x128xf32, #tpu.memory_space<vmem>>, vector<16xf32>,
      tpu.vector_store %arg13[%swap3A_1301, %swap3A_1302], %mul3A_1300 {strides = array<i32>} : memref<32x128xf32, #tpu.memory_space<vmem>>, vector<16xf32>,
      %scan3A_1304 = arith.constant 0 : i32
      %scan3A_1305 = arith.constant 1 : i32
      %scan3A_1306 = arith.addi %scan3A_1246, %scan3A_1305 : i32
      %get3A_1307 = arith.index_cast %scan3A_1306 : i32 to index
      %get3A_1308 = arith.constant 0 : index
      %get3A_1309 = tpu.vector_load %arg13[%get3A_1307, %get3A_1308] {strides = array<i32>} : memref<32x128xf32, #tpu.memory_space<vmem>>, vector<16xf32>,
      %mul3A_1310 = arith.mulf %get3A_1309, %get3A_1104 : vector<16xf32>
      %swap3A_1311 = arith.index_cast %scan3A_1306 : i32 to index
      %swap3A_1312 = arith.constant 0 : index
      %swap3A_1313 = tpu.vector_load %arg13[%swap3A_1311, %swap3A_1312] {strides = array<i32>} : memref<32x128xf32, #tpu.memory_space<vmem>>, vector<16xf32>,
      tpu.vector_store %arg13[%swap3A_1311, %swap3A_1312], %mul3A_1310 {strides = array<i32>} : memref<32x128xf32, #tpu.memory_space<vmem>>, vector<16xf32>,
      %get3A_1314 = arith.index_cast %scan3A_1306 : i32 to index
      %get3A_1315 = arith.constant 16 : index
      %get3A_1316 = tpu.vector_load %arg13[%get3A_1314, %get3A_1315] {strides = array<i32>} : memref<32x128xf32, #tpu.memory_space<vmem>>, vector<16xf32>,
      %mul3A_1317 = arith.mulf %get3A_1316, %get3A_1106 : vector<16xf32>
      %swap3A_1318 = arith.index_cast %scan3A_1306 : i32 to index
      %swap3A_1319 = arith.constant 16 : index
      %swap3A_1320 = tpu.vector_load %arg13[%swap3A_1318, %swap3A_1319] {strides = array<i32>} : memref<32x128xf32, #tpu.memory_space<vmem>>, vector<16xf32>,
      tpu.vector_store %arg13[%swap3A_1318, %swap3A_1319], %mul3A_1317 {strides = array<i32>} : memref<32x128xf32, #tpu.memory_space<vmem>>, vector<16xf32>,
      %get3A_1321 = arith.index_cast %scan3A_1306 : i32 to index
      %get3A_1322 = arith.constant 32 : index
      %get3A_1323 = tpu.vector_load %arg13[%get3A_1321, %get3A_1322] {strides = array<i32>} : memref<32x128xf32, #tpu.memory_space<vmem>>, vector<16xf32>,
      %mul3A_1324 = arith.mulf %get3A_1323, %get3A_1108 : vector<16xf32>
      %swap3A_1325 = arith.index_cast %scan3A_1306 : i32 to index
      %swap3A_1326 = arith.constant 32 : index
      %swap3A_1327 = tpu.vector_load %arg13[%swap3A_1325, %swap3A_1326] {strides = array<i32>} : memref<32x128xf32, #tpu.memory_space<vmem>>, vector<16xf32>,
      tpu.vector_store %arg13[%swap3A_1325, %swap3A_1326], %mul3A_1324 {strides = array<i32>} : memref<32x128xf32, #tpu.memory_space<vmem>>, vector<16xf32>,
      %get3A_1328 = arith.index_cast %scan3A_1306 : i32 to index
      %get3A_1329 = arith.constant 48 : index
      %get3A_1330 = tpu.vector_load %arg13[%get3A_1328, %get3A_1329] {strides = array<i32>} : memref<32x128xf32, #tpu.memory_space<vmem>>, vector<16xf32>,
      %mul3A_1331 = arith.mulf %get3A_1330, %get3A_1110 : vector<16xf32>
      %swap3A_1332 = arith.index_cast %scan3A_1306 : i32 to index
      %swap3A_1333 = arith.constant 48 : index
      %swap3A_1334 = tpu.vector_load %arg13[%swap3A_1332, %swap3A_1333] {strides = array<i32>} : memref<32x128xf32, #tpu.memory_space<vmem>>, vector<16xf32>,
      tpu.vector_store %arg13[%swap3A_1332, %swap3A_1333], %mul3A_1331 {strides = array<i32>} : memref<32x128xf32, #tpu.memory_space<vmem>>, vector<16xf32>,
      %get3A_1335 = arith.index_cast %scan3A_1306 : i32 to index
      %get3A_1336 = arith.constant 64 : index
      %get3A_1337 = tpu.vector_load %arg13[%get3A_1335, %get3A_1336] {strides = array<i32>} : memref<32x128xf32, #tpu.memory_space<vmem>>, vector<16xf32>,
      %mul3A_1338 = arith.mulf %get3A_1337, %get3A_1112 : vector<16xf32>
      %swap3A_1339 = arith.index_cast %scan3A_1306 : i32 to index
      %swap3A_1340 = arith.constant 64 : index
      %swap3A_1341 = tpu.vector_load %arg13[%swap3A_1339, %swap3A_1340] {strides = array<i32>} : memref<32x128xf32, #tpu.memory_space<vmem>>, vector<16xf32>,
      tpu.vector_store %arg13[%swap3A_1339, %swap3A_1340], %mul3A_1338 {strides = array<i32>} : memref<32x128xf32, #tpu.memory_space<vmem>>, vector<16xf32>,
      %get3A_1342 = arith.index_cast %scan3A_1306 : i32 to index
      %get3A_1343 = arith.constant 80 : index
      %get3A_1344 = tpu.vector_load %arg13[%get3A_1342, %get3A_1343] {strides = array<i32>} : memref<32x128xf32, #tpu.memory_space<vmem>>, vector<16xf32>,
      %mul3A_1345 = arith.mulf %get3A_1344, %get3A_1114 : vector<16xf32>
      %swap3A_1346 = arith.index_cast %scan3A_1306 : i32 to index
      %swap3A_1347 = arith.constant 80 : index
      %swap3A_1348 = tpu.vector_load %arg13[%swap3A_1346, %swap3A_1347] {strides = array<i32>} : memref<32x128xf32, #tpu.memory_space<vmem>>, vector<16xf32>,
      tpu.vector_store %arg13[%swap3A_1346, %swap3A_1347], %mul3A_1345 {strides = array<i32>} : memref<32x128xf32, #tpu.memory_space<vmem>>, vector<16xf32>,
      %get3A_1349 = arith.index_cast %scan3A_1306 : i32 to index
      %get3A_1350 = arith.constant 96 : index
      %get3A_1351 = tpu.vector_load %arg13[%get3A_1349, %get3A_1350] {strides = array<i32>} : memref<32x128xf32, #tpu.memory_space<vmem>>, vector<16xf32>,
      %mul3A_1352 = arith.mulf %get3A_1351, %get3A_1116 : vector<16xf32>
      %swap3A_1353 = arith.index_cast %scan3A_1306 : i32 to index
      %swap3A_1354 = arith.constant 96 : index
      %swap3A_1355 = tpu.vector_load %arg13[%swap3A_1353, %swap3A_1354] {strides = array<i32>} : memref<32x128xf32, #tpu.memory_space<vmem>>, vector<16xf32>,
      tpu.vector_store %arg13[%swap3A_1353, %swap3A_1354], %mul3A_1352 {strides = array<i32>} : memref<32x128xf32, #tpu.memory_space<vmem>>, vector<16xf32>,
      %get3A_1356 = arith.index_cast %scan3A_1306 : i32 to index
      %get3A_1357 = arith.constant 112 : index
      %get3A_1358 = tpu.vector_load %arg13[%get3A_1356, %get3A_1357] {strides = array<i32>} : memref<32x128xf32, #tpu.memory_space<vmem>>, vector<16xf32>,
      %mul3A_1359 = arith.mulf %get3A_1358, %get3A_1118 : vector<16xf32>
      %swap3A_1360 = arith.index_cast %scan3A_1306 : i32 to index
      %swap3A_1361 = arith.constant 112 : index
      %swap3A_1362 = tpu.vector_load %arg13[%swap3A_1360, %swap3A_1361] {strides = array<i32>} : memref<32x128xf32, #tpu.memory_space<vmem>>, vector<16xf32>,
      tpu.vector_store %arg13[%swap3A_1360, %swap3A_1361], %mul3A_1359 {strides = array<i32>} : memref<32x128xf32, #tpu.memory_space<vmem>>, vector<16xf32>,
      %scan3A_1363 = arith.constant 0 : i32
      scf.yield %scan3A_1363 : i32
    }
    %scan3A_1223 = arith.constant 32 : i32
    %mul3A_1224 = arith.constant 5000 : i32
    %mul3A_1225 = arith.muli %arg0, %mul3A_1224 : i32
    %add3A_1226 = arith.addi %mul3A_1225, %add3A_1216 : i32
    "tpu.region"() ({
      %run_scoped3A = tpu.sem_alloc : memref<!tpu.dma_semaphore, #tpu.memory_space<semaphore_mem>>
      %dma_start3A_1246 = arith.constant 0 : i32
      %dma_start3A_1247 = tpu.memref_slice %arg6[%add3A_1226, %dma_start3A_1246] : memref<10000x128xf32, #tpu.memory_space<hbm>> -> memref<32x128xf32, #tpu.memory_space<hbm>>
      %dma_start3A_1248 = arith.constant 0 : i32
      %dma_start3A_1249 = tpu.memref_slice %arg6[%add3A_1226, %dma_start3A_1248] : memref<10000x128xf32, #tpu.memory_space<hbm>> -> memref<32x128xf32, #tpu.memory_space<hbm>>
      tpu.enqueue_dma source(%arg13 : memref<32x128xf32, #tpu.memory_space<vmem>>) target(%dma_start3A_1249 : memref<32x128xf32, #tpu.memory_space<hbm>>) target_semaphore(%run_scoped3A : memref<!tpu.dma_semaphore, #tpu.memory_space<semaphore_mem>>)
      %dma_wait3A_1250 = arith.constant 0 : i32
      %dma_wait3A_1251 = tpu.memref_slice %arg6[%add3A_1226, %dma_wait3A_1250] : memref<10000x128xf32, #tpu.memory_space<hbm>> -> memref<32x128xf32, #tpu.memory_space<hbm>>
      %dma_wait3A_1252 = arith.constant 0 : i32
      %dma_wait3A_1253 = tpu.memref_slice %arg6[%add3A_1226, %dma_wait3A_1252] : memref<10000x128xf32, #tpu.memory_space<hbm>> -> memref<32x128xf32, #tpu.memory_space<hbm>>
      tpu.wait_dma2 semaphore(%run_scoped3A : memref<!tpu.dma_semaphore, #tpu.memory_space<semaphore_mem>>) src(%arg13 : memref<32x128xf32, #tpu.memory_space<vmem>>) dst(%dma_wait3A_1253 : memref<32x128xf32, #tpu.memory_space<hbm>>)
      tpu.yield
    }) : () -> ()
    %add3A_1227 = arith.constant 288 : i32
    %add3A_1228 = arith.addi %mul3A_1031, %add3A_1227 : i32
    "tpu.region"() ({
      %run_scoped3A = tpu.sem_alloc : memref<!tpu.dma_semaphore, #tpu.memory_space<semaphore_mem>>
      %dma_start3A_1246 = arith.constant 0 : i32
      %dma_start3A_1247 = arith.constant 0 : i32
      %dma_start3A_1248 = tpu.memref_slice %arg13[%dma_start3A_1246, %dma_start3A_1247] : memref<32x128xf32, #tpu.memory_space<vmem>> -> memref<24x128xf32, #tpu.memory_space<vmem>>
      %dma_start3A_1249 = arith.constant 0 : i32
      %dma_start3A_1250 = tpu.memref_slice %arg7[%add3A_1228, %dma_start3A_1249] : memref<5008x128xf32, #tpu.memory_space<vmem_shared>> -> memref<24x128xf32, #tpu.memory_space<vmem_shared>>
      %dma_start3A_1251 = arith.constant 0 : i32
      %dma_start3A_1252 = arith.constant 0 : i32
      %dma_start3A_1253 = tpu.memref_slice %arg13[%dma_start3A_1251, %dma_start3A_1252] : memref<32x128xf32, #tpu.memory_space<vmem>> -> memref<24x128xf32, #tpu.memory_space<vmem>>
      %dma_start3A_1254 = arith.constant 0 : i32
      %dma_start3A_1255 = tpu.memref_slice %arg7[%add3A_1228, %dma_start3A_1254] : memref<5008x128xf32, #tpu.memory_space<vmem_shared>> -> memref<24x128xf32, #tpu.memory_space<vmem_shared>>
      tpu.enqueue_dma source(%dma_start3A_1255 : memref<24x128xf32, #tpu.memory_space<vmem_shared>>) target(%dma_start3A_1253 : memref<24x128xf32, #tpu.memory_space<vmem>>) target_semaphore(%run_scoped3A : memref<!tpu.dma_semaphore, #tpu.memory_space<semaphore_mem>>)
      %dma_wait3A_1256 = arith.constant 0 : i32
      %dma_wait3A_1257 = arith.constant 0 : i32
      %dma_wait3A_1258 = tpu.memref_slice %arg13[%dma_wait3A_1256, %dma_wait3A_1257] : memref<32x128xf32, #tpu.memory_space<vmem>> -> memref<24x128xf32, #tpu.memory_space<vmem>>
      %dma_wait3A_1259 = arith.constant 0 : i32
      %dma_wait3A_1260 = tpu.memref_slice %arg7[%add3A_1228, %dma_wait3A_1259] : memref<5008x128xf32, #tpu.memory_space<vmem_shared>> -> memref<24x128xf32, #tpu.memory_space<vmem_shared>>
      %dma_wait3A_1261 = arith.constant 0 : i32
      %dma_wait3A_1262 = arith.constant 0 : i32
      %dma_wait3A_1263 = tpu.memref_slice %arg13[%dma_wait3A_1261, %dma_wait3A_1262] : memref<32x128xf32, #tpu.memory_space<vmem>> -> memref<24x128xf32, #tpu.memory_space<vmem>>
      %dma_wait3A_1264 = arith.constant 0 : i32
      %dma_wait3A_1265 = tpu.memref_slice %arg7[%add3A_1228, %dma_wait3A_1264] : memref<5008x128xf32, #tpu.memory_space<vmem_shared>> -> memref<24x128xf32, #tpu.memory_space<vmem_shared>>
      tpu.wait_dma2 semaphore(%run_scoped3A : memref<!tpu.dma_semaphore, #tpu.memory_space<semaphore_mem>>) src(%dma_wait3A_1265 : memref<24x128xf32, #tpu.memory_space<vmem_shared>>) dst(%dma_wait3A_1263 : memref<24x128xf32, #tpu.memory_space<vmem>>)
      tpu.yield
    }) : () -> ()
    %scan3A_1229 = arith.constant 0 : i32
    %scan3A_1230 = arith.constant 0 : i32
    %scan3A_1231 = arith.constant 24 : i32
    %scan3A_1232 = arith.addi %scan3A_1230, %scan3A_1231 : i32
    %scan3A_1233 = arith.constant 2 : i32
    %scan3A_1234 = scf.for %scan3A_1246 = %scan3A_1230 to %scan3A_1232 step %scan3A_1233 iter_args(%scan3A_1247 = %scan3A_1229) -> (i32)  : i32 {
      %get3A_1248 = arith.index_cast %scan3A_1246 : i32 to index
      %get3A_1249 = arith.constant 0 : index
      %get3A_1250 = tpu.vector_load %arg13[%get3A_1248, %get3A_1249] {strides = array<i32>} : memref<32x128xf32, #tpu.memory_space<vmem>>, vector<16xf32>,
      %mul3A_1251 = arith.mulf %get3A_1250, %get3A_1104 : vector<16xf32>
      %swap3A_1252 = arith.index_cast %scan3A_1246 : i32 to index
      %swap3A_1253 = arith.constant 0 : index
      %swap3A_1254 = tpu.vector_load %arg13[%swap3A_1252, %swap3A_1253] {strides = array<i32>} : memref<32x128xf32, #tpu.memory_space<vmem>>, vector<16xf32>,
      tpu.vector_store %arg13[%swap3A_1252, %swap3A_1253], %mul3A_1251 {strides = array<i32>} : memref<32x128xf32, #tpu.memory_space<vmem>>, vector<16xf32>,
      %get3A_1255 = arith.index_cast %scan3A_1246 : i32 to index
      %get3A_1256 = arith.constant 16 : index
      %get3A_1257 = tpu.vector_load %arg13[%get3A_1255, %get3A_1256] {strides = array<i32>} : memref<32x128xf32, #tpu.memory_space<vmem>>, vector<16xf32>,
      %mul3A_1258 = arith.mulf %get3A_1257, %get3A_1106 : vector<16xf32>
      %swap3A_1259 = arith.index_cast %scan3A_1246 : i32 to index
      %swap3A_1260 = arith.constant 16 : index
      %swap3A_1261 = tpu.vector_load %arg13[%swap3A_1259, %swap3A_1260] {strides = array<i32>} : memref<32x128xf32, #tpu.memory_space<vmem>>, vector<16xf32>,
      tpu.vector_store %arg13[%swap3A_1259, %swap3A_1260], %mul3A_1258 {strides = array<i32>} : memref<32x128xf32, #tpu.memory_space<vmem>>, vector<16xf32>,
      %get3A_1262 = arith.index_cast %scan3A_1246 : i32 to index
      %get3A_1263 = arith.constant 32 : index
      %get3A_1264 = tpu.vector_load %arg13[%get3A_1262, %get3A_1263] {strides = array<i32>} : memref<32x128xf32, #tpu.memory_space<vmem>>, vector<16xf32>,
      %mul3A_1265 = arith.mulf %get3A_1264, %get3A_1108 : vector<16xf32>
      %swap3A_1266 = arith.index_cast %scan3A_1246 : i32 to index
      %swap3A_1267 = arith.constant 32 : index
      %swap3A_1268 = tpu.vector_load %arg13[%swap3A_1266, %swap3A_1267] {strides = array<i32>} : memref<32x128xf32, #tpu.memory_space<vmem>>, vector<16xf32>,
      tpu.vector_store %arg13[%swap3A_1266, %swap3A_1267], %mul3A_1265 {strides = array<i32>} : memref<32x128xf32, #tpu.memory_space<vmem>>, vector<16xf32>,
      %get3A_1269 = arith.index_cast %scan3A_1246 : i32 to index
      %get3A_1270 = arith.constant 48 : index
      %get3A_1271 = tpu.vector_load %arg13[%get3A_1269, %get3A_1270] {strides = array<i32>} : memref<32x128xf32, #tpu.memory_space<vmem>>, vector<16xf32>,
      %mul3A_1272 = arith.mulf %get3A_1271, %get3A_1110 : vector<16xf32>
      %swap3A_1273 = arith.index_cast %scan3A_1246 : i32 to index
      %swap3A_1274 = arith.constant 48 : index
      %swap3A_1275 = tpu.vector_load %arg13[%swap3A_1273, %swap3A_1274] {strides = array<i32>} : memref<32x128xf32, #tpu.memory_space<vmem>>, vector<16xf32>,
      tpu.vector_store %arg13[%swap3A_1273, %swap3A_1274], %mul3A_1272 {strides = array<i32>} : memref<32x128xf32, #tpu.memory_space<vmem>>, vector<16xf32>,
      %get3A_1276 = arith.index_cast %scan3A_1246 : i32 to index
      %get3A_1277 = arith.constant 64 : index
      %get3A_1278 = tpu.vector_load %arg13[%get3A_1276, %get3A_1277] {strides = array<i32>} : memref<32x128xf32, #tpu.memory_space<vmem>>, vector<16xf32>,
      %mul3A_1279 = arith.mulf %get3A_1278, %get3A_1112 : vector<16xf32>
      %swap3A_1280 = arith.index_cast %scan3A_1246 : i32 to index
      %swap3A_1281 = arith.constant 64 : index
      %swap3A_1282 = tpu.vector_load %arg13[%swap3A_1280, %swap3A_1281] {strides = array<i32>} : memref<32x128xf32, #tpu.memory_space<vmem>>, vector<16xf32>,
      tpu.vector_store %arg13[%swap3A_1280, %swap3A_1281], %mul3A_1279 {strides = array<i32>} : memref<32x128xf32, #tpu.memory_space<vmem>>, vector<16xf32>,
      %get3A_1283 = arith.index_cast %scan3A_1246 : i32 to index
      %get3A_1284 = arith.constant 80 : index
      %get3A_1285 = tpu.vector_load %arg13[%get3A_1283, %get3A_1284] {strides = array<i32>} : memref<32x128xf32, #tpu.memory_space<vmem>>, vector<16xf32>,
      %mul3A_1286 = arith.mulf %get3A_1285, %get3A_1114 : vector<16xf32>
      %swap3A_1287 = arith.index_cast %scan3A_1246 : i32 to index
      %swap3A_1288 = arith.constant 80 : index
      %swap3A_1289 = tpu.vector_load %arg13[%swap3A_1287, %swap3A_1288] {strides = array<i32>} : memref<32x128xf32, #tpu.memory_space<vmem>>, vector<16xf32>,
      tpu.vector_store %arg13[%swap3A_1287, %swap3A_1288], %mul3A_1286 {strides = array<i32>} : memref<32x128xf32, #tpu.memory_space<vmem>>, vector<16xf32>,
      %get3A_1290 = arith.index_cast %scan3A_1246 : i32 to index
      %get3A_1291 = arith.constant 96 : index
      %get3A_1292 = tpu.vector_load %arg13[%get3A_1290, %get3A_1291] {strides = array<i32>} : memref<32x128xf32, #tpu.memory_space<vmem>>, vector<16xf32>,
      %mul3A_1293 = arith.mulf %get3A_1292, %get3A_1116 : vector<16xf32>
      %swap3A_1294 = arith.index_cast %scan3A_1246 : i32 to index
      %swap3A_1295 = arith.constant 96 : index
      %swap3A_1296 = tpu.vector_load %arg13[%swap3A_1294, %swap3A_1295] {strides = array<i32>} : memref<32x128xf32, #tpu.memory_space<vmem>>, vector<16xf32>,
      tpu.vector_store %arg13[%swap3A_1294, %swap3A_1295], %mul3A_1293 {strides = array<i32>} : memref<32x128xf32, #tpu.memory_space<vmem>>, vector<16xf32>,
      %get3A_1297 = arith.index_cast %scan3A_1246 : i32 to index
      %get3A_1298 = arith.constant 112 : index
      %get3A_1299 = tpu.vector_load %arg13[%get3A_1297, %get3A_1298] {strides = array<i32>} : memref<32x128xf32, #tpu.memory_space<vmem>>, vector<16xf32>,
      %mul3A_1300 = arith.mulf %get3A_1299, %get3A_1118 : vector<16xf32>
      %swap3A_1301 = arith.index_cast %scan3A_1246 : i32 to index
      %swap3A_1302 = arith.constant 112 : index
      %swap3A_1303 = tpu.vector_load %arg13[%swap3A_1301, %swap3A_1302] {strides = array<i32>} : memref<32x128xf32, #tpu.memory_space<vmem>>, vector<16xf32>,
      tpu.vector_store %arg13[%swap3A_1301, %swap3A_1302], %mul3A_1300 {strides = array<i32>} : memref<32x128xf32, #tpu.memory_space<vmem>>, vector<16xf32>,
      %scan3A_1304 = arith.constant 0 : i32
      %scan3A_1305 = arith.constant 1 : i32
      %scan3A_1306 = arith.addi %scan3A_1246, %scan3A_1305 : i32
      %get3A_1307 = arith.index_cast %scan3A_1306 : i32 to index
      %get3A_1308 = arith.constant 0 : index
      %get3A_1309 = tpu.vector_load %arg13[%get3A_1307, %get3A_1308] {strides = array<i32>} : memref<32x128xf32, #tpu.memory_space<vmem>>, vector<16xf32>,
      %mul3A_1310 = arith.mulf %get3A_1309, %get3A_1104 : vector<16xf32>
      %swap3A_1311 = arith.index_cast %scan3A_1306 : i32 to index
      %swap3A_1312 = arith.constant 0 : index
      %swap3A_1313 = tpu.vector_load %arg13[%swap3A_1311, %swap3A_1312] {strides = array<i32>} : memref<32x128xf32, #tpu.memory_space<vmem>>, vector<16xf32>,
      tpu.vector_store %arg13[%swap3A_1311, %swap3A_1312], %mul3A_1310 {strides = array<i32>} : memref<32x128xf32, #tpu.memory_space<vmem>>, vector<16xf32>,
      %get3A_1314 = arith.index_cast %scan3A_1306 : i32 to index
      %get3A_1315 = arith.constant 16 : index
      %get3A_1316 = tpu.vector_load %arg13[%get3A_1314, %get3A_1315] {strides = array<i32>} : memref<32x128xf32, #tpu.memory_space<vmem>>, vector<16xf32>,
      %mul3A_1317 = arith.mulf %get3A_1316, %get3A_1106 : vector<16xf32>
      %swap3A_1318 = arith.index_cast %scan3A_1306 : i32 to index
      %swap3A_1319 = arith.constant 16 : index
      %swap3A_1320 = tpu.vector_load %arg13[%swap3A_1318, %swap3A_1319] {strides = array<i32>} : memref<32x128xf32, #tpu.memory_space<vmem>>, vector<16xf32>,
      tpu.vector_store %arg13[%swap3A_1318, %swap3A_1319], %mul3A_1317 {strides = array<i32>} : memref<32x128xf32, #tpu.memory_space<vmem>>, vector<16xf32>,
      %get3A_1321 = arith.index_cast %scan3A_1306 : i32 to index
      %get3A_1322 = arith.constant 32 : index
      %get3A_1323 = tpu.vector_load %arg13[%get3A_1321, %get3A_1322] {strides = array<i32>} : memref<32x128xf32, #tpu.memory_space<vmem>>, vector<16xf32>,
      %mul3A_1324 = arith.mulf %get3A_1323, %get3A_1108 : vector<16xf32>
      %swap3A_1325 = arith.index_cast %scan3A_1306 : i32 to index
      %swap3A_1326 = arith.constant 32 : index
      %swap3A_1327 = tpu.vector_load %arg13[%swap3A_1325, %swap3A_1326] {strides = array<i32>} : memref<32x128xf32, #tpu.memory_space<vmem>>, vector<16xf32>,
      tpu.vector_store %arg13[%swap3A_1325, %swap3A_1326], %mul3A_1324 {strides = array<i32>} : memref<32x128xf32, #tpu.memory_space<vmem>>, vector<16xf32>,
      %get3A_1328 = arith.index_cast %scan3A_1306 : i32 to index
      %get3A_1329 = arith.constant 48 : index
      %get3A_1330 = tpu.vector_load %arg13[%get3A_1328, %get3A_1329] {strides = array<i32>} : memref<32x128xf32, #tpu.memory_space<vmem>>, vector<16xf32>,
      %mul3A_1331 = arith.mulf %get3A_1330, %get3A_1110 : vector<16xf32>
      %swap3A_1332 = arith.index_cast %scan3A_1306 : i32 to index
      %swap3A_1333 = arith.constant 48 : index
      %swap3A_1334 = tpu.vector_load %arg13[%swap3A_1332, %swap3A_1333] {strides = array<i32>} : memref<32x128xf32, #tpu.memory_space<vmem>>, vector<16xf32>,
      tpu.vector_store %arg13[%swap3A_1332, %swap3A_1333], %mul3A_1331 {strides = array<i32>} : memref<32x128xf32, #tpu.memory_space<vmem>>, vector<16xf32>,
      %get3A_1335 = arith.index_cast %scan3A_1306 : i32 to index
      %get3A_1336 = arith.constant 64 : index
      %get3A_1337 = tpu.vector_load %arg13[%get3A_1335, %get3A_1336] {strides = array<i32>} : memref<32x128xf32, #tpu.memory_space<vmem>>, vector<16xf32>,
      %mul3A_1338 = arith.mulf %get3A_1337, %get3A_1112 : vector<16xf32>
      %swap3A_1339 = arith.index_cast %scan3A_1306 : i32 to index
      %swap3A_1340 = arith.constant 64 : index
      %swap3A_1341 = tpu.vector_load %arg13[%swap3A_1339, %swap3A_1340] {strides = array<i32>} : memref<32x128xf32, #tpu.memory_space<vmem>>, vector<16xf32>,
      tpu.vector_store %arg13[%swap3A_1339, %swap3A_1340], %mul3A_1338 {strides = array<i32>} : memref<32x128xf32, #tpu.memory_space<vmem>>, vector<16xf32>,
      %get3A_1342 = arith.index_cast %scan3A_1306 : i32 to index
      %get3A_1343 = arith.constant 80 : index
      %get3A_1344 = tpu.vector_load %arg13[%get3A_1342, %get3A_1343] {strides = array<i32>} : memref<32x128xf32, #tpu.memory_space<vmem>>, vector<16xf32>,
      %mul3A_1345 = arith.mulf %get3A_1344, %get3A_1114 : vector<16xf32>
      %swap3A_1346 = arith.index_cast %scan3A_1306 : i32 to index
      %swap3A_1347 = arith.constant 80 : index
      %swap3A_1348 = tpu.vector_load %arg13[%swap3A_1346, %swap3A_1347] {strides = array<i32>} : memref<32x128xf32, #tpu.memory_space<vmem>>, vector<16xf32>,
      tpu.vector_store %arg13[%swap3A_1346, %swap3A_1347], %mul3A_1345 {strides = array<i32>} : memref<32x128xf32, #tpu.memory_space<vmem>>, vector<16xf32>,
      %get3A_1349 = arith.index_cast %scan3A_1306 : i32 to index
      %get3A_1350 = arith.constant 96 : index
      %get3A_1351 = tpu.vector_load %arg13[%get3A_1349, %get3A_1350] {strides = array<i32>} : memref<32x128xf32, #tpu.memory_space<vmem>>, vector<16xf32>,
      %mul3A_1352 = arith.mulf %get3A_1351, %get3A_1116 : vector<16xf32>
      %swap3A_1353 = arith.index_cast %scan3A_1306 : i32 to index
      %swap3A_1354 = arith.constant 96 : index
      %swap3A_1355 = tpu.vector_load %arg13[%swap3A_1353, %swap3A_1354] {strides = array<i32>} : memref<32x128xf32, #tpu.memory_space<vmem>>, vector<16xf32>,
      tpu.vector_store %arg13[%swap3A_1353, %swap3A_1354], %mul3A_1352 {strides = array<i32>} : memref<32x128xf32, #tpu.memory_space<vmem>>, vector<16xf32>,
      %get3A_1356 = arith.index_cast %scan3A_1306 : i32 to index
      %get3A_1357 = arith.constant 112 : index
      %get3A_1358 = tpu.vector_load %arg13[%get3A_1356, %get3A_1357] {strides = array<i32>} : memref<32x128xf32, #tpu.memory_space<vmem>>, vector<16xf32>,
      %mul3A_1359 = arith.mulf %get3A_1358, %get3A_1118 : vector<16xf32>
      %swap3A_1360 = arith.index_cast %scan3A_1306 : i32 to index
      %swap3A_1361 = arith.constant 112 : index
      %swap3A_1362 = tpu.vector_load %arg13[%swap3A_1360, %swap3A_1361] {strides = array<i32>} : memref<32x128xf32, #tpu.memory_space<vmem>>, vector<16xf32>,
      tpu.vector_store %arg13[%swap3A_1360, %swap3A_1361], %mul3A_1359 {strides = array<i32>} : memref<32x128xf32, #tpu.memory_space<vmem>>, vector<16xf32>,
      %scan3A_1363 = arith.constant 0 : i32
      scf.yield %scan3A_1363 : i32
    }
    %scan3A_1235 = arith.constant 24 : i32
    %mul3A_1236 = arith.constant 5000 : i32
    %mul3A_1237 = arith.muli %arg0, %mul3A_1236 : i32
    %add3A_1238 = arith.addi %mul3A_1237, %mul3A_1031 : i32
    %add3A_1239 = arith.constant 288 : i32
    %add3A_1240 = arith.addi %add3A_1238, %add3A_1239 : i32
    "tpu.region"() ({
      %run_scoped3A = tpu.sem_alloc : memref<!tpu.dma_semaphore, #tpu.memory_space<semaphore_mem>>
      %dma_start3A_1246 = arith.constant 0 : i32
      %dma_start3A_1247 = arith.constant 0 : i32
      %dma_start3A_1248 = tpu.memref_slice %arg13[%dma_start3A_1246, %dma_start3A_1247] : memref<32x128xf32, #tpu.memory_space<vmem>> -> memref<24x128xf32, #tpu.memory_space<vmem>>
      %dma_start3A_1249 = arith.constant 0 : i32
      %dma_start3A_1250 = tpu.memref_slice %arg6[%add3A_1240, %dma_start3A_1249] : memref<10000x128xf32, #tpu.memory_space<hbm>> -> memref<24x128xf32, #tpu.memory_space<hbm>>
      %dma_start3A_1251 = arith.constant 0 : i32
      %dma_start3A_1252 = tpu.memref_slice %arg6[%add3A_1240, %dma_start3A_1251] : memref<10000x128xf32, #tpu.memory_space<hbm>> -> memref<24x128xf32, #tpu.memory_space<hbm>>
      %dma_start3A_1253 = arith.constant 0 : i32
      %dma_start3A_1254 = arith.constant 0 : i32
      %dma_start3A_1255 = tpu.memref_slice %arg13[%dma_start3A_1253, %dma_start3A_1254] : memref<32x128xf32, #tpu.memory_space<vmem>> -> memref<24x128xf32, #tpu.memory_space<vmem>>
      tpu.enqueue_dma source(%dma_start3A_1255 : memref<24x128xf32, #tpu.memory_space<vmem>>) target(%dma_start3A_1252 : memref<24x128xf32, #tpu.memory_space<hbm>>) target_semaphore(%run_scoped3A : memref<!tpu.dma_semaphore, #tpu.memory_space<semaphore_mem>>)
      %dma_wait3A_1256 = arith.constant 0 : i32
      %dma_wait3A_1257 = arith.constant 0 : i32
      %dma_wait3A_1258 = tpu.memref_slice %arg13[%dma_wait3A_1256, %dma_wait3A_1257] : memref<32x128xf32, #tpu.memory_space<vmem>> -> memref<24x128xf32, #tpu.memory_space<vmem>>
      %dma_wait3A_1259 = arith.constant 0 : i32
      %dma_wait3A_1260 = tpu.memref_slice %arg6[%add3A_1240, %dma_wait3A_1259] : memref<10000x128xf32, #tpu.memory_space<hbm>> -> memref<24x128xf32, #tpu.memory_space<hbm>>
      %dma_wait3A_1261 = arith.constant 0 : i32
      %dma_wait3A_1262 = tpu.memref_slice %arg6[%add3A_1240, %dma_wait3A_1261] : memref<10000x128xf32, #tpu.memory_space<hbm>> -> memref<24x128xf32, #tpu.memory_space<hbm>>
      %dma_wait3A_1263 = arith.constant 0 : i32
      %dma_wait3A_1264 = arith.constant 0 : i32
      %dma_wait3A_1265 = tpu.memref_slice %arg13[%dma_wait3A_1263, %dma_wait3A_1264] : memref<32x128xf32, #tpu.memory_space<vmem>> -> memref<24x128xf32, #tpu.memory_space<vmem>>
      tpu.wait_dma2 semaphore(%run_scoped3A : memref<!tpu.dma_semaphore, #tpu.memory_space<semaphore_mem>>) src(%dma_wait3A_1265 : memref<24x128xf32, #tpu.memory_space<vmem>>) dst(%dma_wait3A_1262 : memref<24x128xf32, #tpu.memory_space<hbm>>)
      tpu.yield
    }) : () -> ()
    %eq3A_1241 = arith.constant 15 : i32
    %eq3A_1242 = arith.cmpi eq, %arg1, %eq3A_1241 : i32
    %convert_element_type3A_1243 = arith.extui %eq3A_1242 : i1 to i32
    %cond3A_1244 = arith.constant 0 : i32
    %cond3A_1245 = arith.cmpi ne, %convert_element_type3A_1243, %cond3A_1244 : i32
    scf.if %cond3A_1245 {
      "tpu.region"() ({
        %run_scoped3A = tpu.sem_alloc : memref<!tpu.dma_semaphore, #tpu.memory_space<semaphore_mem>>
        %dma_start3A_1257 = arith.constant 0 : i32
        %dma_start3A_1258 = arith.constant 0 : i32
        %dma_start3A_1259 = tpu.memref_slice %arg13[%dma_start3A_1257, %dma_start3A_1258] : memref<32x128xf32, #tpu.memory_space<vmem>> -> memref<8x128xf32, #tpu.memory_space<vmem>>
        %dma_start3A_1260 = arith.constant 4992 : i32
        %dma_start3A_1261 = arith.constant 0 : i32
        %dma_start3A_1262 = tpu.memref_slice %arg7[%dma_start3A_1260, %dma_start3A_1261] : memref<5008x128xf32, #tpu.memory_space<vmem_shared>> -> memref<8x128xf32, #tpu.memory_space<vmem_shared>>
        %dma_start3A_1263 = arith.constant 0 : i32
        %dma_start3A_1264 = arith.constant 0 : i32
        %dma_start3A_1265 = tpu.memref_slice %arg13[%dma_start3A_1263, %dma_start3A_1264] : memref<32x128xf32, #tpu.memory_space<vmem>> -> memref<8x128xf32, #tpu.memory_space<vmem>>
        %dma_start3A_1266 = arith.constant 4992 : i32
        %dma_start3A_1267 = arith.constant 0 : i32
        %dma_start3A_1268 = tpu.memref_slice %arg7[%dma_start3A_1266, %dma_start3A_1267] : memref<5008x128xf32, #tpu.memory_space<vmem_shared>> -> memref<8x128xf32, #tpu.memory_space<vmem_shared>>
        tpu.enqueue_dma source(%dma_start3A_1268 : memref<8x128xf32, #tpu.memory_space<vmem_shared>>) target(%dma_start3A_1265 : memref<8x128xf32, #tpu.memory_space<vmem>>) target_semaphore(%run_scoped3A : memref<!tpu.dma_semaphore, #tpu.memory_space<semaphore_mem>>)
        %dma_wait3A_1269 = arith.constant 0 : i32
        %dma_wait3A_1270 = arith.constant 0 : i32
        %dma_wait3A_1271 = tpu.memref_slice %arg13[%dma_wait3A_1269, %dma_wait3A_1270] : memref<32x128xf32, #tpu.memory_space<vmem>> -> memref<8x128xf32, #tpu.memory_space<vmem>>
        %dma_wait3A_1272 = arith.constant 4992 : i32
        %dma_wait3A_1273 = arith.constant 0 : i32
        %dma_wait3A_1274 = tpu.memref_slice %arg7[%dma_wait3A_1272, %dma_wait3A_1273] : memref<5008x128xf32, #tpu.memory_space<vmem_shared>> -> memref<8x128xf32, #tpu.memory_space<vmem_shared>>
        %dma_wait3A_1275 = arith.constant 0 : i32
        %dma_wait3A_1276 = arith.constant 0 : i32
        %dma_wait3A_1277 = tpu.memref_slice %arg13[%dma_wait3A_1275, %dma_wait3A_1276] : memref<32x128xf32, #tpu.memory_space<vmem>> -> memref<8x128xf32, #tpu.memory_space<vmem>>
        %dma_wait3A_1278 = arith.constant 4992 : i32
        %dma_wait3A_1279 = arith.constant 0 : i32
        %dma_wait3A_1280 = tpu.memref_slice %arg7[%dma_wait3A_1278, %dma_wait3A_1279] : memref<5008x128xf32, #tpu.memory_space<vmem_shared>> -> memref<8x128xf32, #tpu.memory_space<vmem_shared>>
        tpu.wait_dma2 semaphore(%run_scoped3A : memref<!tpu.dma_semaphore, #tpu.memory_space<semaphore_mem>>) src(%dma_wait3A_1280 : memref<8x128xf32, #tpu.memory_space<vmem_shared>>) dst(%dma_wait3A_1277 : memref<8x128xf32, #tpu.memory_space<vmem>>)
        tpu.yield
      }) : () -> ()
      %scan3A_1246 = arith.constant 0 : i32
      %scan3A_1247 = arith.constant 0 : i32
      %scan3A_1248 = arith.constant 8 : i32
      %scan3A_1249 = arith.addi %scan3A_1247, %scan3A_1248 : i32
      %scan3A_1250 = arith.constant 2 : i32
      %scan3A_1251 = scf.for %scan3A_1257 = %scan3A_1247 to %scan3A_1249 step %scan3A_1250 iter_args(%scan3A_1258 = %scan3A_1246) -> (i32)  : i32 {
        %get3A_1259 = arith.index_cast %scan3A_1257 : i32 to index
        %get3A_1260 = arith.constant 0 : index
        %get3A_1261 = tpu.vector_load %arg13[%get3A_1259, %get3A_1260] {strides = array<i32>} : memref<32x128xf32, #tpu.memory_space<vmem>>, vector<16xf32>,
        %mul3A_1262 = arith.mulf %get3A_1261, %get3A_1104 : vector<16xf32>
        %swap3A_1263 = arith.index_cast %scan3A_1257 : i32 to index
        %swap3A_1264 = arith.constant 0 : index
        %swap3A_1265 = tpu.vector_load %arg13[%swap3A_1263, %swap3A_1264] {strides = array<i32>} : memref<32x128xf32, #tpu.memory_space<vmem>>, vector<16xf32>,
        tpu.vector_store %arg13[%swap3A_1263, %swap3A_1264], %mul3A_1262 {strides = array<i32>} : memref<32x128xf32, #tpu.memory_space<vmem>>, vector<16xf32>,
        %get3A_1266 = arith.index_cast %scan3A_1257 : i32 to index
        %get3A_1267 = arith.constant 16 : index
        %get3A_1268 = tpu.vector_load %arg13[%get3A_1266, %get3A_1267] {strides = array<i32>} : memref<32x128xf32, #tpu.memory_space<vmem>>, vector<16xf32>,
        %mul3A_1269 = arith.mulf %get3A_1268, %get3A_1106 : vector<16xf32>
        %swap3A_1270 = arith.index_cast %scan3A_1257 : i32 to index
        %swap3A_1271 = arith.constant 16 : index
        %swap3A_1272 = tpu.vector_load %arg13[%swap3A_1270, %swap3A_1271] {strides = array<i32>} : memref<32x128xf32, #tpu.memory_space<vmem>>, vector<16xf32>,
        tpu.vector_store %arg13[%swap3A_1270, %swap3A_1271], %mul3A_1269 {strides = array<i32>} : memref<32x128xf32, #tpu.memory_space<vmem>>, vector<16xf32>,
        %get3A_1273 = arith.index_cast %scan3A_1257 : i32 to index
        %get3A_1274 = arith.constant 32 : index
        %get3A_1275 = tpu.vector_load %arg13[%get3A_1273, %get3A_1274] {strides = array<i32>} : memref<32x128xf32, #tpu.memory_space<vmem>>, vector<16xf32>,
        %mul3A_1276 = arith.mulf %get3A_1275, %get3A_1108 : vector<16xf32>
        %swap3A_1277 = arith.index_cast %scan3A_1257 : i32 to index
        %swap3A_1278 = arith.constant 32 : index
        %swap3A_1279 = tpu.vector_load %arg13[%swap3A_1277, %swap3A_1278] {strides = array<i32>} : memref<32x128xf32, #tpu.memory_space<vmem>>, vector<16xf32>,
        tpu.vector_store %arg13[%swap3A_1277, %swap3A_1278], %mul3A_1276 {strides = array<i32>} : memref<32x128xf32, #tpu.memory_space<vmem>>, vector<16xf32>,
        %get3A_1280 = arith.index_cast %scan3A_1257 : i32 to index
        %get3A_1281 = arith.constant 48 : index
        %get3A_1282 = tpu.vector_load %arg13[%get3A_1280, %get3A_1281] {strides = array<i32>} : memref<32x128xf32, #tpu.memory_space<vmem>>, vector<16xf32>,
        %mul3A_1283 = arith.mulf %get3A_1282, %get3A_1110 : vector<16xf32>
        %swap3A_1284 = arith.index_cast %scan3A_1257 : i32 to index
        %swap3A_1285 = arith.constant 48 : index
        %swap3A_1286 = tpu.vector_load %arg13[%swap3A_1284, %swap3A_1285] {strides = array<i32>} : memref<32x128xf32, #tpu.memory_space<vmem>>, vector<16xf32>,
        tpu.vector_store %arg13[%swap3A_1284, %swap3A_1285], %mul3A_1283 {strides = array<i32>} : memref<32x128xf32, #tpu.memory_space<vmem>>, vector<16xf32>,
        %get3A_1287 = arith.index_cast %scan3A_1257 : i32 to index
        %get3A_1288 = arith.constant 64 : index
        %get3A_1289 = tpu.vector_load %arg13[%get3A_1287, %get3A_1288] {strides = array<i32>} : memref<32x128xf32, #tpu.memory_space<vmem>>, vector<16xf32>,
        %mul3A_1290 = arith.mulf %get3A_1289, %get3A_1112 : vector<16xf32>
        %swap3A_1291 = arith.index_cast %scan3A_1257 : i32 to index
        %swap3A_1292 = arith.constant 64 : index
        %swap3A_1293 = tpu.vector_load %arg13[%swap3A_1291, %swap3A_1292] {strides = array<i32>} : memref<32x128xf32, #tpu.memory_space<vmem>>, vector<16xf32>,
        tpu.vector_store %arg13[%swap3A_1291, %swap3A_1292], %mul3A_1290 {strides = array<i32>} : memref<32x128xf32, #tpu.memory_space<vmem>>, vector<16xf32>,
        %get3A_1294 = arith.index_cast %scan3A_1257 : i32 to index
        %get3A_1295 = arith.constant 80 : index
        %get3A_1296 = tpu.vector_load %arg13[%get3A_1294, %get3A_1295] {strides = array<i32>} : memref<32x128xf32, #tpu.memory_space<vmem>>, vector<16xf32>,
        %mul3A_1297 = arith.mulf %get3A_1296, %get3A_1114 : vector<16xf32>
        %swap3A_1298 = arith.index_cast %scan3A_1257 : i32 to index
        %swap3A_1299 = arith.constant 80 : index
        %swap3A_1300 = tpu.vector_load %arg13[%swap3A_1298, %swap3A_1299] {strides = array<i32>} : memref<32x128xf32, #tpu.memory_space<vmem>>, vector<16xf32>,
        tpu.vector_store %arg13[%swap3A_1298, %swap3A_1299], %mul3A_1297 {strides = array<i32>} : memref<32x128xf32, #tpu.memory_space<vmem>>, vector<16xf32>,
        %get3A_1301 = arith.index_cast %scan3A_1257 : i32 to index
        %get3A_1302 = arith.constant 96 : index
        %get3A_1303 = tpu.vector_load %arg13[%get3A_1301, %get3A_1302] {strides = array<i32>} : memref<32x128xf32, #tpu.memory_space<vmem>>, vector<16xf32>,
        %mul3A_1304 = arith.mulf %get3A_1303, %get3A_1116 : vector<16xf32>
        %swap3A_1305 = arith.index_cast %scan3A_1257 : i32 to index
        %swap3A_1306 = arith.constant 96 : index
        %swap3A_1307 = tpu.vector_load %arg13[%swap3A_1305, %swap3A_1306] {strides = array<i32>} : memref<32x128xf32, #tpu.memory_space<vmem>>, vector<16xf32>,
        tpu.vector_store %arg13[%swap3A_1305, %swap3A_1306], %mul3A_1304 {strides = array<i32>} : memref<32x128xf32, #tpu.memory_space<vmem>>, vector<16xf32>,
        %get3A_1308 = arith.index_cast %scan3A_1257 : i32 to index
        %get3A_1309 = arith.constant 112 : index
        %get3A_1310 = tpu.vector_load %arg13[%get3A_1308, %get3A_1309] {strides = array<i32>} : memref<32x128xf32, #tpu.memory_space<vmem>>, vector<16xf32>,
        %mul3A_1311 = arith.mulf %get3A_1310, %get3A_1118 : vector<16xf32>
        %swap3A_1312 = arith.index_cast %scan3A_1257 : i32 to index
        %swap3A_1313 = arith.constant 112 : index
        %swap3A_1314 = tpu.vector_load %arg13[%swap3A_1312, %swap3A_1313] {strides = array<i32>} : memref<32x128xf32, #tpu.memory_space<vmem>>, vector<16xf32>,
        tpu.vector_store %arg13[%swap3A_1312, %swap3A_1313], %mul3A_1311 {strides = array<i32>} : memref<32x128xf32, #tpu.memory_space<vmem>>, vector<16xf32>,
        %scan3A_1315 = arith.constant 0 : i32
        %scan3A_1316 = arith.constant 1 : i32
        %scan3A_1317 = arith.addi %scan3A_1257, %scan3A_1316 : i32
        %get3A_1318 = arith.index_cast %scan3A_1317 : i32 to index
        %get3A_1319 = arith.constant 0 : index
        %get3A_1320 = tpu.vector_load %arg13[%get3A_1318, %get3A_1319] {strides = array<i32>} : memref<32x128xf32, #tpu.memory_space<vmem>>, vector<16xf32>,
        %mul3A_1321 = arith.mulf %get3A_1320, %get3A_1104 : vector<16xf32>
        %swap3A_1322 = arith.index_cast %scan3A_1317 : i32 to index
        %swap3A_1323 = arith.constant 0 : index
        %swap3A_1324 = tpu.vector_load %arg13[%swap3A_1322, %swap3A_1323] {strides = array<i32>} : memref<32x128xf32, #tpu.memory_space<vmem>>, vector<16xf32>,
        tpu.vector_store %arg13[%swap3A_1322, %swap3A_1323], %mul3A_1321 {strides = array<i32>} : memref<32x128xf32, #tpu.memory_space<vmem>>, vector<16xf32>,
        %get3A_1325 = arith.index_cast %scan3A_1317 : i32 to index
        %get3A_1326 = arith.constant 16 : index
        %get3A_1327 = tpu.vector_load %arg13[%get3A_1325, %get3A_1326] {strides = array<i32>} : memref<32x128xf32, #tpu.memory_space<vmem>>, vector<16xf32>,
        %mul3A_1328 = arith.mulf %get3A_1327, %get3A_1106 : vector<16xf32>
        %swap3A_1329 = arith.index_cast %scan3A_1317 : i32 to index
        %swap3A_1330 = arith.constant 16 : index
        %swap3A_1331 = tpu.vector_load %arg13[%swap3A_1329, %swap3A_1330] {strides = array<i32>} : memref<32x128xf32, #tpu.memory_space<vmem>>, vector<16xf32>,
        tpu.vector_store %arg13[%swap3A_1329, %swap3A_1330], %mul3A_1328 {strides = array<i32>} : memref<32x128xf32, #tpu.memory_space<vmem>>, vector<16xf32>,
        %get3A_1332 = arith.index_cast %scan3A_1317 : i32 to index
        %get3A_1333 = arith.constant 32 : index
        %get3A_1334 = tpu.vector_load %arg13[%get3A_1332, %get3A_1333] {strides = array<i32>} : memref<32x128xf32, #tpu.memory_space<vmem>>, vector<16xf32>,
        %mul3A_1335 = arith.mulf %get3A_1334, %get3A_1108 : vector<16xf32>
        %swap3A_1336 = arith.index_cast %scan3A_1317 : i32 to index
        %swap3A_1337 = arith.constant 32 : index
        %swap3A_1338 = tpu.vector_load %arg13[%swap3A_1336, %swap3A_1337] {strides = array<i32>} : memref<32x128xf32, #tpu.memory_space<vmem>>, vector<16xf32>,
        tpu.vector_store %arg13[%swap3A_1336, %swap3A_1337], %mul3A_1335 {strides = array<i32>} : memref<32x128xf32, #tpu.memory_space<vmem>>, vector<16xf32>,
        %get3A_1339 = arith.index_cast %scan3A_1317 : i32 to index
        %get3A_1340 = arith.constant 48 : index
        %get3A_1341 = tpu.vector_load %arg13[%get3A_1339, %get3A_1340] {strides = array<i32>} : memref<32x128xf32, #tpu.memory_space<vmem>>, vector<16xf32>,
        %mul3A_1342 = arith.mulf %get3A_1341, %get3A_1110 : vector<16xf32>
        %swap3A_1343 = arith.index_cast %scan3A_1317 : i32 to index
        %swap3A_1344 = arith.constant 48 : index
        %swap3A_1345 = tpu.vector_load %arg13[%swap3A_1343, %swap3A_1344] {strides = array<i32>} : memref<32x128xf32, #tpu.memory_space<vmem>>, vector<16xf32>,
        tpu.vector_store %arg13[%swap3A_1343, %swap3A_1344], %mul3A_1342 {strides = array<i32>} : memref<32x128xf32, #tpu.memory_space<vmem>>, vector<16xf32>,
        %get3A_1346 = arith.index_cast %scan3A_1317 : i32 to index
        %get3A_1347 = arith.constant 64 : index
        %get3A_1348 = tpu.vector_load %arg13[%get3A_1346, %get3A_1347] {strides = array<i32>} : memref<32x128xf32, #tpu.memory_space<vmem>>, vector<16xf32>,
        %mul3A_1349 = arith.mulf %get3A_1348, %get3A_1112 : vector<16xf32>
        %swap3A_1350 = arith.index_cast %scan3A_1317 : i32 to index
        %swap3A_1351 = arith.constant 64 : index
        %swap3A_1352 = tpu.vector_load %arg13[%swap3A_1350, %swap3A_1351] {strides = array<i32>} : memref<32x128xf32, #tpu.memory_space<vmem>>, vector<16xf32>,
        tpu.vector_store %arg13[%swap3A_1350, %swap3A_1351], %mul3A_1349 {strides = array<i32>} : memref<32x128xf32, #tpu.memory_space<vmem>>, vector<16xf32>,
        %get3A_1353 = arith.index_cast %scan3A_1317 : i32 to index
        %get3A_1354 = arith.constant 80 : index
        %get3A_1355 = tpu.vector_load %arg13[%get3A_1353, %get3A_1354] {strides = array<i32>} : memref<32x128xf32, #tpu.memory_space<vmem>>, vector<16xf32>,
        %mul3A_1356 = arith.mulf %get3A_1355, %get3A_1114 : vector<16xf32>
        %swap3A_1357 = arith.index_cast %scan3A_1317 : i32 to index
        %swap3A_1358 = arith.constant 80 : index
        %swap3A_1359 = tpu.vector_load %arg13[%swap3A_1357, %swap3A_1358] {strides = array<i32>} : memref<32x128xf32, #tpu.memory_space<vmem>>, vector<16xf32>,
        tpu.vector_store %arg13[%swap3A_1357, %swap3A_1358], %mul3A_1356 {strides = array<i32>} : memref<32x128xf32, #tpu.memory_space<vmem>>, vector<16xf32>,
        %get3A_1360 = arith.index_cast %scan3A_1317 : i32 to index
        %get3A_1361 = arith.constant 96 : index
        %get3A_1362 = tpu.vector_load %arg13[%get3A_1360, %get3A_1361] {strides = array<i32>} : memref<32x128xf32, #tpu.memory_space<vmem>>, vector<16xf32>,
        %mul3A_1363 = arith.mulf %get3A_1362, %get3A_1116 : vector<16xf32>
        %swap3A_1364 = arith.index_cast %scan3A_1317 : i32 to index
        %swap3A_1365 = arith.constant 96 : index
        %swap3A_1366 = tpu.vector_load %arg13[%swap3A_1364, %swap3A_1365] {strides = array<i32>} : memref<32x128xf32, #tpu.memory_space<vmem>>, vector<16xf32>,
        tpu.vector_store %arg13[%swap3A_1364, %swap3A_1365], %mul3A_1363 {strides = array<i32>} : memref<32x128xf32, #tpu.memory_space<vmem>>, vector<16xf32>,
        %get3A_1367 = arith.index_cast %scan3A_1317 : i32 to index
        %get3A_1368 = arith.constant 112 : index
        %get3A_1369 = tpu.vector_load %arg13[%get3A_1367, %get3A_1368] {strides = array<i32>} : memref<32x128xf32, #tpu.memory_space<vmem>>, vector<16xf32>,
        %mul3A_1370 = arith.mulf %get3A_1369, %get3A_1118 : vector<16xf32>
        %swap3A_1371 = arith.index_cast %scan3A_1317 : i32 to index
        %swap3A_1372 = arith.constant 112 : index
        %swap3A_1373 = tpu.vector_load %arg13[%swap3A_1371, %swap3A_1372] {strides = array<i32>} : memref<32x128xf32, #tpu.memory_space<vmem>>, vector<16xf32>,
        tpu.vector_store %arg13[%swap3A_1371, %swap3A_1372], %mul3A_1370 {strides = array<i32>} : memref<32x128xf32, #tpu.memory_space<vmem>>, vector<16xf32>,
        %scan3A_1374 = arith.constant 0 : i32
        scf.yield %scan3A_1374 : i32
      }
      %scan3A_1252 = arith.constant 8 : i32
      %mul3A_1253 = arith.constant 5000 : i32
      %mul3A_1254 = arith.muli %arg0, %mul3A_1253 : i32
      %add3A_1255 = arith.constant 4992 : i32
      %add3A_1256 = arith.addi %mul3A_1254, %add3A_1255 : i32
      "tpu.region"() ({
        %run_scoped3A = tpu.sem_alloc : memref<!tpu.dma_semaphore, #tpu.memory_space<semaphore_mem>>
        %dma_start3A_1257 = arith.constant 0 : i32
        %dma_start3A_1258 = arith.constant 0 : i32
        %dma_start3A_1259 = tpu.memref_slice %arg13[%dma_start3A_1257, %dma_start3A_1258] : memref<32x128xf32, #tpu.memory_space<vmem>> -> memref<8x128xf32, #tpu.memory_space<vmem>>
        %dma_start3A_1260 = arith.constant 0 : i32
        %dma_start3A_1261 = tpu.memref_slice %arg6[%add3A_1256, %dma_start3A_1260] : memref<10000x128xf32, #tpu.memory_space<hbm>> -> memref<8x128xf32, #tpu.memory_space<hbm>>
        %dma_start3A_1262 = arith.constant 0 : i32
        %dma_start3A_1263 = tpu.memref_slice %arg6[%add3A_1256, %dma_start3A_1262] : memref<10000x128xf32, #tpu.memory_space<hbm>> -> memref<8x128xf32, #tpu.memory_space<hbm>>
        %dma_start3A_1264 = arith.constant 0 : i32
        %dma_start3A_1265 = arith.constant 0 : i32
        %dma_start3A_1266 = tpu.memref_slice %arg13[%dma_start3A_1264, %dma_start3A_1265] : memref<32x128xf32, #tpu.memory_space<vmem>> -> memref<8x128xf32, #tpu.memory_space<vmem>>
        tpu.enqueue_dma source(%dma_start3A_1266 : memref<8x128xf32, #tpu.memory_space<vmem>>) target(%dma_start3A_1263 : memref<8x128xf32, #tpu.memory_space<hbm>>) target_semaphore(%run_scoped3A : memref<!tpu.dma_semaphore, #tpu.memory_space<semaphore_mem>>)
        %dma_wait3A_1267 = arith.constant 0 : i32
        %dma_wait3A_1268 = arith.constant 0 : i32
        %dma_wait3A_1269 = tpu.memref_slice %arg13[%dma_wait3A_1267, %dma_wait3A_1268] : memref<32x128xf32, #tpu.memory_space<vmem>> -> memref<8x128xf32, #tpu.memory_space<vmem>>
        %dma_wait3A_1270 = arith.constant 0 : i32
        %dma_wait3A_1271 = tpu.memref_slice %arg6[%add3A_1256, %dma_wait3A_1270] : memref<10000x128xf32, #tpu.memory_space<hbm>> -> memref<8x128xf32, #tpu.memory_space<hbm>>
        %dma_wait3A_1272 = arith.constant 0 : i32
        %dma_wait3A_1273 = tpu.memref_slice %arg6[%add3A_1256, %dma_wait3A_1272] : memref<10000x128xf32, #tpu.memory_space<hbm>> -> memref<8x128xf32, #tpu.memory_space<hbm>>
        %dma_wait3A_1274 = arith.constant 0 : i32
        %dma_wait3A_1275 = arith.constant 0 : i32
        %dma_wait3A_1276 = tpu.memref_slice %arg13[%dma_wait3A_1274, %dma_wait3A_1275] : memref<32x128xf32, #tpu.memory_space<vmem>> -> memref<8x128xf32, #tpu.memory_space<vmem>>
        tpu.wait_dma2 semaphore(%run_scoped3A : memref<!tpu.dma_semaphore, #tpu.memory_space<semaphore_mem>>) src(%dma_wait3A_1276 : memref<8x128xf32, #tpu.memory_space<vmem>>) dst(%dma_wait3A_1273 : memref<8x128xf32, #tpu.memory_space<hbm>>)
        tpu.yield
      }) : () -> ()
    } else {
    }
    return
  }
}

</mosaic_0001>

<sc_bundles>
// kernel: kernel.3.cloned.1.call-start
scs
__scs_entry_jumppad:
0x0: {  	(pc) =	sbr.rel $0x88, $3  }
0x1: {  	(tag) =	ssettag $0x0;
	lr =	simm.s32 $0x1  }
0x2: {  	[smem:$0x3F9E] =	sst lr;
	_ =	strace $0xD0000000  }
0x3: {  	_ = 	snop  }
0x4: {  	_ = 	snop  }
0x5: {  	_ = 	snop  }
0x6: {  	_ = 	snop  }
0x7: {  	_ = 	snop  }
__scs_overlays_trampoline_lowered:
0x8: {  	[smem:$0x3FAD] =	sst s0  }
0x9: {  	[smem:$0x3FAE] =	sst s1  }
0xa: {  	[smem:$0x3FAF] =	sst s2  }
0xb: {  	[smem:$0x3FB0] =	sst s3  }
0xc: {  	[smem:$0x3FB1] =	sst s4  }
0xd: {  	[smem:$0x3FB2] =	sst s5  }
0xe: {  	[smem:$0x3FB3] =	sst s6  }
0xf: {  	[smem:$0x3FB4] =	sst s7  }
0x10: {  	[smem:$0x3FB5] =	sst s8  }
0x11: {  	[smem:$0x3FB6] =	sst s9;
	s0 =	simm.s32 @!p0 $0x0  }
0x12: {  	s1 =	sld [smem:$0x3F9C];
	s0 =	simm.s32 @p0 $0x1  }
0x13: {  	[smem:$0x3FB7] =	sst s0;
	s0 =	simm.s32 @!p1 $0x0  }
0x14: {  	s2 =	sld [smem:$0x3F9B];
	s0 =	simm.s32 @p1 $0x1  }
0x15: {  	[smem:$0x3FB8] =	sst s0;
	s0 =	simm.s32 @!p2 $0x0  }
0x16: {  	s3 =	sld [smem:$0x3FDB];
	s0 =	simm.s32 @p2 $0x1  }
0x17: {  	s4 =	simm.s32 $0x1BF5;
	[smem:$0x3FBA] =	sst s0  }
0x18: {  	s0 =	sld [smem:$0x3F9D];
	_ =	swait.ge [sflag:s4], $0x0  }
0x19: {  	s7 =	sld [smem:$0x3F9E]  }
0x1a: {  	s8 =	sadd.s32 $0xFFFFE003, lr  }
0x1b: {  	s9 =	sadd.s32 $0xFFFFFEF7, lr;
	s5 =	simm.s32 $0xFFFFFFFF;
	p2 =	slt.u32 s8, $0xFFFFF086  }
0x1c: {  	p1 =	slt.u32 s9, $0xF7A;
	s5 =	simm.s32 @!p2 $0x0  }
0x1d: {  	s5 =	simm.s32 @p1 $0x1;
	p0 =	seq.s32 s7, s2  }
0x1e: {  	s7 =	smul.u32 @!p0 $0xF7A, s2;
	p2 =	seq.s32 @!p0 s5, $0x0  }
0x1f: {  	s9 =	smul.u32 $0xF7A, s1;
	s8 =	simm.s32 @!p0 $0x1BF5;
	p2 =	por !p2, p0  }
0x20: {  	[sflag:s8] =	ssyncset.s32 @!p0 $0xFFFFF086;
	s6 =	sadd.s32 @!p0 s3, s7;
	s7 =	simm.s32 @!p0 $0x108  }
0x21: {  	s3 =	sadd.s32 s3, s9;
	s6 =	sadd.s32 @!p0 $0x88, s6;
	s7 =	simm.s32 @p2 $0x1082  }
0x22: {  	[simem:s7], [sflag:s8] =	dma.local @!p0 [hbm:s6], $0xF7A  }
0x23: {  	s9 =	sor.u32 $0xD0000000, s2;
	s6 =	simm.s32 $0x108;
	_ =	swait.ge @!p0 [sflag:s8], $0x0  }
0x24: {  	s3 =	sadd.s32 $0x88, s3;
	s6 =	simm.s32 @!p1 $0x1082;
	[sflag:s4] =	ssyncset.s32 $0xFFFFF086  }
0x25: {  	[simem:s6], [sflag:s4] =	dma.local [hbm:s3], $0xF7A  }
0x26: {  	[smem:$0x3F9E] =	sst s1;
	(tag) =	ssettag s2;
	_ =	strace s9  }
0x27: {  	s1 =	sld [smem:$0x3FAE]  }
0x28: {  	s2 =	sld [smem:$0x3FAF]  }
0x29: {  	s4 =	sld [smem:$0x3FB1]  }
0x2a: {  	p0 =	seq.s32 s5, $0x0;
	s5 =	sld [smem:$0x3FB2]  }
0x2b: {  	s6 =	sld [smem:$0x3FB3]  }
0x2c: {  	s7 =	sld [smem:$0x3FB4]  }
0x2d: {  	s3 =	simm.s32 $0x108;
	s8 =	sld [smem:$0x3FB5]  }
0x2e: {  	s3 =	simm.s32 @!p0 $0x1082;
	s9 =	sld [smem:$0x3FB6]  }
0x2f: {  	lr =	sadd.s32 s0, s3;
	s0 =	sld [smem:$0x3FAD]  }
0x30: {  	s3 =	sld [smem:$0x3FB0]  }
0x31: {  	[smem:$0x3FB9] =	sst s10  }
0x32: {  	s10 =	sld [smem:$0x3FB7];
	_ =	sdelay $0x3  }
0x33: {  	p0 =	seq.s32 s10, $0x1;
	s10 =	sld [smem:$0x3FB9];
	_ =	sdelay $0x3  }
0x34: {  	[smem:$0x3FB9] =	sst s10  }
0x35: {  	s10 =	sld [smem:$0x3FB8];
	_ =	sdelay $0x3  }
0x36: {  	p1 =	seq.s32 s10, $0x1;
	s10 =	sld [smem:$0x3FB9];
	_ =	sdelay $0x3  }
0x37: {  	[smem:$0x3FB9] =	sst s10  }
0x38: {  	s10 =	sld [smem:$0x3FBA]  }
0x39: {  	_ = 	snop;
	(pc) =	sbr.ind lr, $3  }
0x3a: {  	_ = 	snop  }
0x3b: {  	_ = 	snop  }
0x3c: {  	p2 =	seq.s32 s10, $0x1;
	s10 =	sld [smem:$0x3FB9]  }
0x3d: {  	_ =	shalt  }
0x3e: {  	_ =	shalt  }
0x3f: {  	_ =	shalt  }
0x40: {  	_ =	shalt  }
0x41: {  	_ =	shalt  }
0x42: {  	_ =	shalt  }
0x43: {  	_ =	shalt  }
0x44: {  	_ =	shalt  }
0x45: {  	_ =	shalt  }
0x46: {  	_ =	shalt  }
0x47: {  	_ =	shalt  }
0x48: {  	_ =	shalt  }
0x49: {  	_ =	shalt  }
0x4a: {  	_ =	shalt  }
0x4b: {  	_ =	shalt  }
0x4c: {  	_ =	shalt  }
0x4d: {  	_ =	shalt  }
0x4e: {  	_ =	shalt  }
0x4f: {  	_ =	shalt  }
0x50: {  	_ =	shalt  }
0x51: {  	_ =	shalt  }
0x52: {  	_ =	shalt  }
0x53: {  	_ =	shalt  }
0x54: {  	_ =	shalt  }
0x55: {  	_ =	shalt  }
0x56: {  	_ =	shalt  }
0x57: {  	_ =	shalt  }
0x58: {  	_ =	shalt  }
0x59: {  	_ =	shalt  }
0x5a: {  	_ =	shalt  }
0x5b: {  	_ =	shalt  }
0x5c: {  	_ =	shalt  }
0x5d: {  	_ =	shalt  }
0x5e: {  	_ =	shalt  }
0x5f: {  	_ =	shalt  }
0x60: {  	_ =	shalt  }
0x61: {  	_ =	shalt  }
0x62: {  	_ =	shalt  }
0x63: {  	_ =	shalt  }
0x64: {  	_ =	shalt  }
0x65: {  	_ =	shalt  }
0x66: {  	_ =	shalt  }
0x67: {  	_ =	shalt  }
0x68: {  	_ =	shalt  }
0x69: {  	_ =	shalt  }
0x6a: {  	_ =	shalt  }
0x6b: {  	_ =	shalt  }
0x6c: {  	_ =	shalt  }
0x6d: {  	_ =	shalt  }
0x6e: {  	_ =	shalt  }
0x6f: {  	_ =	shalt  }
0x70: {  	_ =	shalt  }
0x71: {  	_ =	shalt  }
0x72: {  	_ =	shalt  }
0x73: {  	_ =	shalt  }
0x74: {  	_ =	shalt  }
0x75: {  	_ =	shalt  }
0x76: {  	_ =	shalt  }
0x77: {  	_ =	shalt  }
0x78: {  	_ =	shalt  }
0x79: {  	_ =	shalt  }
0x7a: {  	_ =	shalt  }
0x7b: {  	_ =	shalt  }
0x7c: {  	_ =	shalt  }
0x7d: {  	_ =	shalt  }
0x7e: {  	_ =	shalt  }
0x7f: {  	_ =	shalt  }
0x80: {  	_ =	shalt  }
0x81: {  	_ =	shalt  }
0x82: {  	_ =	shalt  }
0x83: {  	_ =	shalt  }
0x84: {  	_ =	shalt  }
0x85: {  	_ =	shalt  }
0x86: {  	_ =	shalt  }
0x87: {  	_ =	shalt  }
.Lfunc_end0:
.L_simem_size_0:
called_computation_lowered:
.L_overlay_start_0:
0x88: {  	s2 =	sld [smem:$0x3FD9]  }
0x89: {  	s3 =	sld [smem:$0x3FFE];
	_ =	sdelay $0x1  }
0x8a: {  	s1 =	srdreg.scid  }
0x8b: {  	s0 =	sand.u32 $0x1, s1  }
0x8c: {  	s17 =	sshll.u32 s0, $0xA;
	s2 =	sadd.s32 s3, s2  }
0x8d: {  	s2 =	sadd.s32 s2, s17  }
0x8e: {  	[smem:$0x3FC5] =	sst s2  }
0x8f: {  	_ = 	snop  }
0x90: {  	s2 =	sld [smem:$0x3FC9]  }
0x91: {  	s18 =	sld [smem:$0x3FC7]  }
0x92: {  	s4 =	sld [smem:$0x3FD0];
	(tm) =	ssettm $0x1  }
0x93: {  	s5 =	sld [smem:$0x3FFB];
	_ =	sdelay $0x3  }
0x94: {  	_ =	strace s5  }
0x95: {  	s5 =	sld [smem:$0x3FFC];
	_ =	sdelay $0x3  }
0x96: {  	_ =	strace s5  }
0x97: {  	s5 =	sld [smem:$0x3FFD];
	_ =	sdelay $0x3  }
0x98: {  	_ =	strace s5  }
0x99: {  	_ =	strace $0x8FFFFFFF  }
0x9a: {  	s19 =	sld [smem:$0x3FDB];
	_ =	sdelay $0x1  }
0x9b: {  	s6 =	simm.s32 $_scs_section_size  }
0x9c: {  	s7 =	simm.s32 $_size__tile_overlayer_lowered;
	s8 =	simm.s32 $_tile_overlayer_lowered  }
0x9d: {  	s22 =	simm.s32 $0x1BFF;
	s21 =	sshll.u32 s8, $0x1;
	s5 =	sadd.s32 s6, s19  }
0x9e: {  	s9 =	simm.s32 $0x0;
	s20 =	sshll.u32 s7, $0x1;
	s7 =	sadd.s32 s21, s5  }
0x9f: {  	[timem:s9], [sflag:s22] =	dma.local [hbm:s7], s20  }
0xa0: {  	_ =	swait.ge [sflag:s22], s20  }
0xa1: {  	s6 =	ssub.s32 $0x0, s20;
	[sflag:s22] =	ssyncset.done $0x0  }
0xa2: {  	[sflag:s22] =	ssyncadd.s32 s6;
	_ =	sdelay $0x1  }
0xa3: {  	s23 =	simm.s32 $0x1B8B  }
0xa4: {  	_ =	swait.ge [sflag:s23], $0x1  }
0xa5: {  	[sflag:s23] =	ssyncset.done $0x0  }
0xa6: {  	s25 =	simm.s32 $0x1B8E;
	s24 =	sld [smem:$0x3FFE];
	[sflag:s23] =	ssyncadd.s32 $0xFFFFFFFF  }
0xa7: {  	s26 =	simm.s32 $execute0_lowered;
	[smem:$0x3FD2] =	sst s25  }
0xa8: {  	s7 =	sshll.u32 s26, $0x1;
	_ =	strace $0x80000046;
	[dreg:$0x1] =	wrdreg $0xFFFFFFFF  }
0xa9: {  	s28 =	simm.s32 $_size_execute0_lowered;
	s5 =	sadd.s32 s5, s7;
	[dreg:$0x0] =	wrdreg $0x0  }
0xaa: {  	s7 =	sshll.u32 s28, $0x1;
	[dreg:$0x2] =	wrdreg s5  }
0xab: {  	[dreg:$0x3] =	wrdreg s7  }
0xac: {  	[dreg:$0x4] =	wrdreg $0xC0  }
0xad: {  	_ =	task [dreg:s9], $0x5FFFF  }
0xae: {  	[dreg:$0x1] =	wrdreg $0xFFFFFFFF  }
0xaf: {  	[dreg:$0x0] =	wrdreg $0x60  }
0xb0: {  	[dreg:$0x2] =	wrdreg s2  }
0xb1: {  	[dreg:$0x3] =	wrdreg s24  }
0xb2: {  	[dreg:$0x4] =	wrdreg s18  }
0xb3: {  	[dreg:$0x5] =	wrdreg s4  }
0xb4: {  	[dreg:$0x6] =	wrdreg $0x0  }
0xb5: {  	[dreg:$0x7] =	wrdreg $0x9C800  }
0xb6: {  	[dreg:$0x8] =	wrdreg $0x9  }
0xb7: {  	_ =	task.clear_ibuf [dreg:s9], $0x9FFFF;
	_ =	strace $0x90000046  }
0xb8: {  	s29 =	simm.s32 $0x9;
	_ =	strace $0x80000048  }
0xb9: {  	_ =	swait.ge [sflag:s29], $0x1  }
0xba: {  	[sflag:s29] =	ssyncadd.s32 $0xFFFFFFFF  }
0xbb: {  	_ =	strace $0x90000048  }
0xbc: {  	_ =	sfence  }
0xbd: {  	s30 =	sld [smem:$0x0];
	_ =	sdelay $0x2  }
0xbe: {  	s31 =	sshll.u32 s1, $0xD;
	s1 =	sshrl.u32 s1, $0x2  }
0xbf: {  	s3 =	sand.u32 $0x4000, s31;
	s1 =	sadd.s32 s1, s30  }
0xc0: {  	s0 =	sor.u32 s3, s0;
	s1 =	sshll.u32 s1, $0x11  }
0xc1: {  	s0 =	sor.u32 s1, s0  }
0xc2: {  	s0 =	sadd.s32 $0x8F2B, s0  }
0xc3: {  	[sflag:s0] =	ssyncadd.remote.s32 $0x1  }
0xc4: {  	_ =	sfence.sel $0xFFFF  }
0xc5: {  	[dreg:$0x0] =	wrdreg $0xFFFFFFFF;
	(pc) =	sbr.abs _section_cstart, $3  }
0xc6: {  	[dreg:$0x1] =	wrdreg $0xFFFFFFFF  }
0xc7: {  	_ =	task.clear_ibuf [dreg:s9], $0x2FFFF;
	_ =	strace $0x9FFFFFFF  }
0xc8: {  	(tm) =	ssettm $0x7FFFFFFF  }
0xc9: {  	_ =	shalt  }
tec
execute0_lowered:
.L_overlay_start_1:
0x0: {  	(tag) =	ssettag $0x1  }
0x1: {  	s0 =	rddreg [dreg:$0x0];
	s2 =	srdreg.scid  }
0x2: {  	s1 =	rddreg [dreg:$0x1];
	s19 =	stileid.u32  }
0x3: {  	s7 =	rddreg [dreg:$0x3];
	s3 =	simm.s32 $0x0;
	s30 =	simm.s32 $0x1D700  }
0x4: {  	s31 =	simm.s32 $0x1DB00;
	s4 =	sand.u32 $0x1, s2;
	s5 =	smul.u32 $0x138, s19  }
0x5: {  	[smem:$0x7FF] =	sst s3;
	p0 =	sne.s32 s19, $0xF;
	s2 =	ssub.s32 $0x2, s4  }
0x6: {  	s6 =	sshrl.u32 s2, $0x1;
	s8 =	sadd.s32 $0x20, s5;
	s9 =	sadd.s32 $0x40, s5  }
0x7: {  	s10 =	sadd.s32 $0x60, s5;
	s11 =	sadd.s32 $0x80, s5;
	s12 =	sadd.s32 $0xA0, s5  }
0x8: {  	s13 =	sadd.s32 $0xC0, s5;
	s2 =	ssub.s32 s2, s6;
	s6 =	smul.u32 $0x1388, s4  }
0x9: {  	s16 =	sadd.s32 $0xE0, s5;
	s17 =	sadd.s32 $0x100, s5;
	s4 =	smul.u32 $0x9C400, s4  }
0xa: {  	s5 =	sadd.s32 s5, s6;
	s14 =	sadd.s32 s6, s8;
	s15 =	sadd.s32 s6, s9  }
0xb: {  	s23 =	sadd.s32 s6, s10;
	s24 =	sadd.s32 s6, s11;
	s25 =	sadd.s32 s6, s12  }
0xc: {  	s4 =	sshrl.u32 s4, $0x3;
	s8 =	sshll.u32 s8, $0x7;
	s5 =	sshll.u32 s5, $0x4  }
0xd: {  	s18 =	sshll.u32 s14, $0x4;
	s21 =	sshll.u32 s15, $0x4;
	s26 =	sshll.u32 s24, $0x4  }
0xe: {  	s28 =	sshll.u32 s25, $0x4;
	s15 =	sadd.s32 s6, s13;
	s24 =	smul.u32 $0x4E000, s19  }
0xf: {  	s4 =	sadd.s32 s7, s4;
	s20 =	sadd.s32 s7, s5;
	s5 =	sadd.s32 s7, s18  }
0x10: {  	s25 =	smul.u32 $0x2700, s19;
	s22 =	sadd.s32 s7, s21;
	[dreg:$0x8] =	wrdreg s5  }
0x11: {  	s14 =	sadd.s32 s7, s28;
	s18 =	sadd.s32 s6, s16;
	[dreg:$0x9] =	wrdreg s22  }
0x12: {  	s5 =	sshll.u32 s23, $0x4;
	[dreg:$0xc] =	wrdreg s14;
	s14 =	sshll.u32 s18, $0x4  }
0x13: {  	s5 =	sadd.s32 s7, s5;
	s22 =	sadd.s32 s7, s14;
	s14 =	rddreg [dreg:$0x4]  }
0x14: {  	s21 =	sadd.s32 s6, s17;
	s18 =	smul.u32 $0x27000, s19;
	[dreg:$0xa] =	wrdreg s5  }
0x15: {  	s28 =	sshll.u32 s19, $0x6;
	s5 =	sadd.s32 s7, s26;
	[dreg:$0xe] =	wrdreg s22  }
0x16: {  	s26 =	sshrl.u32 s18, $0x2;
	s18 =	sor.u32 $0x1C06, s28;
	s29 =	sadd.s32 s8, s14  }
0x17: {  	s22 =	sshll.u32 s10, $0x7;
	s28 =	sshll.u32 s13, $0x7;
	s10 =	sshll.u32 s17, $0x7  }
0x18: {  	[dreg:$0xb] =	wrdreg s5;
	s5 =	sshll.u32 s15, $0x4;
	s15 =	sshll.u32 s21, $0x4  }
0x19: {  	s5 =	sadd.s32 s7, s5;
	s23 =	sadd.s32 s7, s15;
	s15 =	rddreg [dreg:$0x5]  }
0x1a: {  	s17 =	sadd.s32 $0x13800, s4;
	s4 =	simm.s32 $0x2;
	[dreg:$0xd] =	wrdreg s5  }
0x1b: {  	s21 =	sshll.u32 s9, $0x7;
	s7 =	sadd.s32 s0, s25;
	[dreg:$0xf] =	wrdreg s23  }
0x1c: {  	s8 =	sadd.s32 s28, s14;
	_ =	strace $0x80000047;
	[dreg:$0x10] =	wrdreg s7  }
0x1d: {  	s5 =	sshrl.u32 s24, $0x2;
	s24 =	sadd.s32 s22, s14;
	[dreg:$0x11] =	wrdreg s18  }
0x1e: {  	s9 =	sshll.u32 s16, $0x7;
	s28 =	sadd.s32 $0x1200, s20;
	[dreg:$0x13] =	wrdreg s24  }
0x1f: {  	s0 =	sadd.s32 $0x27000, s0;
	s23 =	sshll.u32 s11, $0x7;
	[dreg:$0x16] =	wrdreg s8  }
0x20: {  	s5 =	sadd.s32 s5, s15;
	s18 =	sadd.s32 s26, s14;
	[dreg:$0x1b] =	wrdreg s0  }
0x21: {  	s7 =	sadd.s32 s21, s14;
	s25 =	sadd.s32 s23, s14;
	[dreg:$0x1c] =	wrdreg s17  }
0x22: {  	s26 =	sshll.u32 s12, $0x7;
	s23 =	smul.u32 $0x4E20, s19;
	[dreg:$0x7] =	wrdreg s20  }
0x23: {  	s12 =	sadd.s32 s10, s14;
	s21 =	smax.u32 s2, $0x1;
	[smem:$0x7FD] =	sst s28  }
0x24: {  	s0 =	sadd.s32 $0x138000, s15;
	s10 =	simm.s32 $0x1DF00;
	[dreg:$0x12] =	wrdreg s7  }
0x25: {  	s2 =	simm.s32 $0x1D780;
	s8 =	simm.s32 $0x1DB80;
	[dreg:$0x14] =	wrdreg s25  }
0x26: {  	s19 =	simm.s32 $0x4;
	s7 =	sadd.s32 s26, s14;
	[dreg:$0x18] =	wrdreg s12  }
0x27: {  	s26 =	sadd.s32 $0x9E00, s1;
	[dreg:$0x1d] =	wrdreg s21;
	s22 =	sshrl.u32 s5, $0x3  }
0x28: {  	s0 =	sshrl.u32 @!p0 s0, $0x3;
	s24 =	sadd.s32 $0x9000, s18;
	[dreg:$0x15] =	wrdreg s7  }
0x29: {  	s25 =	sadd.s32 $0x9C000, s14;
	s12 =	simm.s32 $0x1D600;
	[dreg:$0x1e] =	wrdreg s22  }
0x2a: {  	s5 =	simm.s32 $0x1;
	s11 =	sshrl.u32 s23, $0x3;
	[dreg:$0x1f] =	wrdreg s0  }
.Ltmp0:
0x2b: {  	s7 =	sadd.s32 s9, s14;
	[smem:$0x7FB] =	sst s24;
	(pc) =	sbr.rel .LBB2_1-.Ltmp0, $4  }
0x2c: {  	[smem:$0x7FC] =	sst s25;
	s9 =	simm.s32 $0x7;
	s0 =	simm.s32 $0x1EF00  }
0x2d: {  	s24 =	simm.s32 $0x0;
	[dreg:$0x17] =	wrdreg s7;
	s13 =	sadd.s32 s26, s11  }
0x2e: {  	v1 =	vimm.f32 $0.0e+00;
	v2 =	vimm.s32 $0x0;
	s16 =	sadd.s32 s1, s11;
	s11 =	simm.s32 $0x1D500;
	[dreg:$0x19] =	wrdreg s13  }
0x2f: {  	v3 =	vlaneseq.u32;
	v4 =	vimm.s32 $0x1388;
	v0 =	vmov s6;
	[dreg:$0x1a] =	wrdreg s16;
	s13 =	simm.s32 $0x20;
	s16 =	simm.s32 $0x3  }
.LBB2_38:
0x30: {  	[tilespmem:s6+$0x20] =	vst v18;
	v7 =	vmul.f32 v13, v10  }
0x31: {  	[tilespmem:s6+$0x30] =	vst v19;
	v8 =	vmul.f32 v14, v8  }
0x32: {  	v6 =	vmul.f32 v16, v6;
	[tilespmem:s6+$0x40] =	vst v7  }
0x33: {  	[tilespmem:s6+$0x50] =	vst v8;
	v7 =	vmul.f32 v17, v5  }
0x34: {  	v5 =	vmul.f32 v15, v5;
	[tilespmem:s6+$0x60] =	vst v6  }
0x35: {  	[tilespmem:s6+$0x70] =	vst v7  }
0x36: {  	s28 =	rddreg [dreg:$0x1c];
	[tilespmem:s6+$0xFFFFFFF0] =	vst v5  }
0x37: {  	[hbm4b:s28+s3] =	stream.linear.scatter [tilespmem:s10], [sflag:$0x7], $0x400, $0x38;
	[tilespmem:$0x1FF80] =	vst v63  }
0x38: {  	_ =	swait.ge [sflag:s9], $0x400  }
0x39: {  	[sflag:s9] =	ssyncset.done $0x0  }
0x3a: {  	[sflag:s9] =	ssyncadd.s32 $0xFFFFFC00  }
.LBB2_39:
0x3b: {  	s24 =	sadd.s32 $0x1, s24;
	s6 =	rddreg [dreg:$0x1d]  }
0x3c: {  	p1 =	sne.s32 s24, s6  }
.Ltmp1:
0x3d: {  	_ = 	snop;
	(pc) =	sbr.rel @!p1 .LBB2_40-.Ltmp1, $1  }
0x3e: {  	_ =	sdelay $0x3  }
.LBB2_1:
0x3f: {  	s6 =	rddreg [dreg:$0x10]  }
0x40: {  	s7 =	rddreg [dreg:$0x11]  }
0x41: {  	s17 =	rddreg [dreg:$0x1e]  }
0x42: {  	[spmem:s17], [sflag:s7] =	dma.local [hbm:s6], $0x2700  }
0x43: {  	s25 =	simm.s32 $0x1FF00;
	s6 =	rddreg [dreg:$0x2]  }
0x44: {  	[tilespmem:s25], [sflag:$0x7] =	stream.linear.gather [hbm4b:s6+s3], $0x80, $0x38;
	[tilespmem:$0x1FF80] =	vst v63  }
0x45: {  	_ =	swait.ge [sflag:s9], $0x80  }
0x46: {  	[sflag:s9] =	ssyncset.done $0x0  }
0x47: {  	[sflag:s9] =	ssyncadd.s32 $0xFFFFFF80  }
0x48: {  	[tilespmem:$0x1DF00] =	vst v1  }
0x49: {  	[tilespmem:$0x1DF10] =	vst v1  }
0x4a: {  	[tilespmem:$0x1DF20] =	vst v1  }
0x4b: {  	[tilespmem:$0x1DF30] =	vst v1  }
0x4c: {  	[tilespmem:$0x1DF40] =	vst v1  }
0x4d: {  	[tilespmem:$0x1DF50] =	vst v1  }
0x4e: {  	[tilespmem:$0x1DF60] =	vst v1  }
0x4f: {  	[tilespmem:$0x1DF70] =	vst v1  }
0x50: {  	[tilespmem:$0x1DF80] =	vst v1  }
0x51: {  	[tilespmem:$0x1DF90] =	vst v1  }
0x52: {  	[tilespmem:$0x1DFA0] =	vst v1  }
0x53: {  	[tilespmem:$0x1DFB0] =	vst v1  }
0x54: {  	[tilespmem:$0x1DFC0] =	vst v1  }
0x55: {  	[tilespmem:$0x1DFD0] =	vst v1  }
0x56: {  	[tilespmem:$0x1DFE0] =	vst v1  }
0x57: {  	[tilespmem:$0x1DFF0] =	vst v1  }
0x58: {  	[tilespmem:$0x1E000] =	vst v1  }
0x59: {  	[tilespmem:$0x1E010] =	vst v1  }
0x5a: {  	[tilespmem:$0x1E020] =	vst v1  }
0x5b: {  	[tilespmem:$0x1E030] =	vst v1  }
0x5c: {  	[tilespmem:$0x1E040] =	vst v1  }
0x5d: {  	[tilespmem:$0x1E050] =	vst v1  }
0x5e: {  	[tilespmem:$0x1E060] =	vst v1  }
0x5f: {  	[tilespmem:$0x1E070] =	vst v1  }
0x60: {  	[tilespmem:$0x1E080] =	vst v1  }
0x61: {  	[tilespmem:$0x1E090] =	vst v1  }
0x62: {  	[tilespmem:$0x1E0A0] =	vst v1  }
0x63: {  	[tilespmem:$0x1E0B0] =	vst v1  }
0x64: {  	[tilespmem:$0x1E0C0] =	vst v1  }
0x65: {  	[tilespmem:$0x1E0D0] =	vst v1  }
0x66: {  	[tilespmem:$0x1E0E0] =	vst v1  }
0x67: {  	[tilespmem:$0x1E0F0] =	vst v1  }
0x68: {  	[tilespmem:$0x1E100] =	vst v1  }
0x69: {  	[tilespmem:$0x1E110] =	vst v1  }
0x6a: {  	[tilespmem:$0x1E120] =	vst v1  }
0x6b: {  	[tilespmem:$0x1E130] =	vst v1  }
0x6c: {  	[tilespmem:$0x1E140] =	vst v1  }
0x6d: {  	[tilespmem:$0x1E150] =	vst v1  }
0x6e: {  	[tilespmem:$0x1E160] =	vst v1  }
0x6f: {  	[tilespmem:$0x1E170] =	vst v1  }
0x70: {  	[tilespmem:$0x1E180] =	vst v1  }
0x71: {  	[tilespmem:$0x1E190] =	vst v1  }
0x72: {  	[tilespmem:$0x1E1A0] =	vst v1  }
0x73: {  	[tilespmem:$0x1E1B0] =	vst v1  }
0x74: {  	[tilespmem:$0x1E1C0] =	vst v1  }
0x75: {  	[tilespmem:$0x1E1D0] =	vst v1  }
0x76: {  	[tilespmem:$0x1E1E0] =	vst v1  }
0x77: {  	[tilespmem:$0x1E1F0] =	vst v1  }
0x78: {  	[tilespmem:$0x1E200] =	vst v1  }
0x79: {  	[tilespmem:$0x1E210] =	vst v1  }
0x7a: {  	[tilespmem:$0x1E220] =	vst v1  }
0x7b: {  	[tilespmem:$0x1E230] =	vst v1  }
0x7c: {  	[tilespmem:$0x1E240] =	vst v1  }
0x7d: {  	[tilespmem:$0x1E250] =	vst v1  }
0x7e: {  	[tilespmem:$0x1E260] =	vst v1  }
0x7f: {  	[tilespmem:$0x1E270] =	vst v1  }
0x80: {  	[tilespmem:$0x1E280] =	vst v1  }
0x81: {  	[tilespmem:$0x1E290] =	vst v1  }
0x82: {  	[tilespmem:$0x1E2A0] =	vst v1  }
0x83: {  	[tilespmem:$0x1E2B0] =	vst v1  }
0x84: {  	[tilespmem:$0x1E2C0] =	vst v1  }
0x85: {  	[tilespmem:$0x1E2D0] =	vst v1  }
0x86: {  	[tilespmem:$0x1E2E0] =	vst v1  }
0x87: {  	[tilespmem:$0x1E2F0] =	vst v1  }
0x88: {  	[tilespmem:$0x1E300] =	vst v1  }
0x89: {  	[tilespmem:$0x1E310] =	vst v1  }
0x8a: {  	[tilespmem:$0x1E320] =	vst v1  }
0x8b: {  	[tilespmem:$0x1E330] =	vst v1  }
0x8c: {  	[tilespmem:$0x1E340] =	vst v1  }
0x8d: {  	[tilespmem:$0x1E350] =	vst v1  }
0x8e: {  	[tilespmem:$0x1E360] =	vst v1  }
0x8f: {  	[tilespmem:$0x1E370] =	vst v1  }
0x90: {  	[tilespmem:$0x1E380] =	vst v1  }
0x91: {  	[tilespmem:$0x1E390] =	vst v1  }
0x92: {  	[tilespmem:$0x1E3A0] =	vst v1  }
0x93: {  	[tilespmem:$0x1E3B0] =	vst v1  }
0x94: {  	[tilespmem:$0x1E3C0] =	vst v1  }
0x95: {  	[tilespmem:$0x1E3D0] =	vst v1  }
0x96: {  	[tilespmem:$0x1E3E0] =	vst v1  }
0x97: {  	[tilespmem:$0x1E3F0] =	vst v1  }
0x98: {  	[tilespmem:$0x1E400] =	vst v1  }
0x99: {  	[tilespmem:$0x1E410] =	vst v1  }
0x9a: {  	[tilespmem:$0x1E420] =	vst v1  }
0x9b: {  	[tilespmem:$0x1E430] =	vst v1  }
0x9c: {  	[tilespmem:$0x1E440] =	vst v1  }
0x9d: {  	[tilespmem:$0x1E450] =	vst v1  }
0x9e: {  	[tilespmem:$0x1E460] =	vst v1  }
0x9f: {  	[tilespmem:$0x1E470] =	vst v1  }
0xa0: {  	[tilespmem:$0x1E480] =	vst v1  }
0xa1: {  	[tilespmem:$0x1E490] =	vst v1  }
0xa2: {  	[tilespmem:$0x1E4A0] =	vst v1  }
0xa3: {  	[tilespmem:$0x1E4B0] =	vst v1  }
0xa4: {  	[tilespmem:$0x1E4C0] =	vst v1  }
0xa5: {  	[tilespmem:$0x1E4D0] =	vst v1  }
0xa6: {  	[tilespmem:$0x1E4E0] =	vst v1  }
0xa7: {  	[tilespmem:$0x1E4F0] =	vst v1  }
0xa8: {  	[tilespmem:$0x1E500] =	vst v1  }
0xa9: {  	[tilespmem:$0x1E510] =	vst v1  }
0xaa: {  	[tilespmem:$0x1E520] =	vst v1  }
0xab: {  	[tilespmem:$0x1E530] =	vst v1  }
0xac: {  	[tilespmem:$0x1E540] =	vst v1  }
0xad: {  	[tilespmem:$0x1E550] =	vst v1  }
0xae: {  	[tilespmem:$0x1E560] =	vst v1  }
0xaf: {  	[tilespmem:$0x1E570] =	vst v1  }
0xb0: {  	[tilespmem:$0x1E580] =	vst v1  }
0xb1: {  	[tilespmem:$0x1E590] =	vst v1  }
0xb2: {  	[tilespmem:$0x1E5A0] =	vst v1  }
0xb3: {  	[tilespmem:$0x1E5B0] =	vst v1  }
0xb4: {  	[tilespmem:$0x1E5C0] =	vst v1  }
0xb5: {  	[tilespmem:$0x1E5D0] =	vst v1  }
0xb6: {  	[tilespmem:$0x1E5E0] =	vst v1  }
0xb7: {  	[tilespmem:$0x1E5F0] =	vst v1  }
0xb8: {  	[tilespmem:$0x1E600] =	vst v1  }
0xb9: {  	[tilespmem:$0x1E610] =	vst v1  }
0xba: {  	[tilespmem:$0x1E620] =	vst v1  }
0xbb: {  	[tilespmem:$0x1E630] =	vst v1  }
0xbc: {  	[tilespmem:$0x1E640] =	vst v1  }
0xbd: {  	[tilespmem:$0x1E650] =	vst v1  }
0xbe: {  	[tilespmem:$0x1E660] =	vst v1  }
0xbf: {  	[tilespmem:$0x1E670] =	vst v1  }
0xc0: {  	[tilespmem:$0x1E680] =	vst v1  }
0xc1: {  	[tilespmem:$0x1E690] =	vst v1  }
0xc2: {  	[tilespmem:$0x1E6A0] =	vst v1  }
0xc3: {  	[tilespmem:$0x1E6B0] =	vst v1  }
0xc4: {  	[tilespmem:$0x1E6C0] =	vst v1  }
0xc5: {  	[tilespmem:$0x1E6D0] =	vst v1  }
0xc6: {  	[tilespmem:$0x1E6E0] =	vst v1  }
0xc7: {  	[tilespmem:$0x1E6F0] =	vst v1  }
0xc8: {  	[tilespmem:$0x1E700] =	vst v1  }
0xc9: {  	[tilespmem:$0x1E710] =	vst v1  }
0xca: {  	[tilespmem:$0x1E720] =	vst v1  }
0xcb: {  	[tilespmem:$0x1E730] =	vst v1  }
0xcc: {  	[tilespmem:$0x1E740] =	vst v1  }
0xcd: {  	[tilespmem:$0x1E750] =	vst v1  }
0xce: {  	[tilespmem:$0x1E760] =	vst v1  }
0xcf: {  	[tilespmem:$0x1E770] =	vst v1  }
0xd0: {  	[tilespmem:$0x1E780] =	vst v1  }
0xd1: {  	[tilespmem:$0x1E790] =	vst v1  }
0xd2: {  	[tilespmem:$0x1E7A0] =	vst v1  }
0xd3: {  	[tilespmem:$0x1E7B0] =	vst v1  }
0xd4: {  	[tilespmem:$0x1E7C0] =	vst v1  }
0xd5: {  	[tilespmem:$0x1E7D0] =	vst v1  }
0xd6: {  	[tilespmem:$0x1E7E0] =	vst v1  }
0xd7: {  	[tilespmem:$0x1E7F0] =	vst v1  }
0xd8: {  	[tilespmem:$0x1E800] =	vst v1  }
0xd9: {  	[tilespmem:$0x1E810] =	vst v1  }
0xda: {  	[tilespmem:$0x1E820] =	vst v1  }
0xdb: {  	[tilespmem:$0x1E830] =	vst v1  }
0xdc: {  	[tilespmem:$0x1E840] =	vst v1  }
0xdd: {  	[tilespmem:$0x1E850] =	vst v1  }
0xde: {  	[tilespmem:$0x1E860] =	vst v1  }
0xdf: {  	[tilespmem:$0x1E870] =	vst v1  }
0xe0: {  	[tilespmem:$0x1E880] =	vst v1  }
0xe1: {  	[tilespmem:$0x1E890] =	vst v1  }
0xe2: {  	[tilespmem:$0x1E8A0] =	vst v1  }
0xe3: {  	[tilespmem:$0x1E8B0] =	vst v1  }
0xe4: {  	[tilespmem:$0x1E8C0] =	vst v1  }
0xe5: {  	[tilespmem:$0x1E8D0] =	vst v1  }
0xe6: {  	[tilespmem:$0x1E8E0] =	vst v1  }
0xe7: {  	[tilespmem:$0x1E8F0] =	vst v1  }
0xe8: {  	[tilespmem:$0x1E900] =	vst v1  }
0xe9: {  	[tilespmem:$0x1E910] =	vst v1  }
0xea: {  	[tilespmem:$0x1E920] =	vst v1  }
0xeb: {  	[tilespmem:$0x1E930] =	vst v1  }
0xec: {  	[tilespmem:$0x1E940] =	vst v1  }
0xed: {  	[tilespmem:$0x1E950] =	vst v1  }
0xee: {  	[tilespmem:$0x1E960] =	vst v1  }
0xef: {  	[tilespmem:$0x1E970] =	vst v1  }
0xf0: {  	[tilespmem:$0x1E980] =	vst v1  }
0xf1: {  	[tilespmem:$0x1E990] =	vst v1  }
0xf2: {  	[tilespmem:$0x1E9A0] =	vst v1  }
0xf3: {  	[tilespmem:$0x1E9B0] =	vst v1  }
0xf4: {  	[tilespmem:$0x1E9C0] =	vst v1  }
0xf5: {  	[tilespmem:$0x1E9D0] =	vst v1  }
0xf6: {  	[tilespmem:$0x1E9E0] =	vst v1  }
0xf7: {  	[tilespmem:$0x1E9F0] =	vst v1  }
0xf8: {  	[tilespmem:$0x1EA00] =	vst v1  }
0xf9: {  	[tilespmem:$0x1EA10] =	vst v1  }
0xfa: {  	[tilespmem:$0x1EA20] =	vst v1  }
0xfb: {  	[tilespmem:$0x1EA30] =	vst v1  }
0xfc: {  	[tilespmem:$0x1EA40] =	vst v1  }
0xfd: {  	[tilespmem:$0x1EA50] =	vst v1  }
0xfe: {  	[tilespmem:$0x1EA60] =	vst v1  }
0xff: {  	[tilespmem:$0x1EA70] =	vst v1  }
0x100: {  	[tilespmem:$0x1EA80] =	vst v1  }
0x101: {  	[tilespmem:$0x1EA90] =	vst v1  }
0x102: {  	[tilespmem:$0x1EAA0] =	vst v1  }
0x103: {  	[tilespmem:$0x1EAB0] =	vst v1  }
0x104: {  	[tilespmem:$0x1EAC0] =	vst v1  }
0x105: {  	[tilespmem:$0x1EAD0] =	vst v1  }
0x106: {  	[tilespmem:$0x1EAE0] =	vst v1  }
0x107: {  	[tilespmem:$0x1EAF0] =	vst v1  }
0x108: {  	[tilespmem:$0x1EB00] =	vst v1  }
0x109: {  	[tilespmem:$0x1EB10] =	vst v1  }
0x10a: {  	[tilespmem:$0x1EB20] =	vst v1  }
0x10b: {  	[tilespmem:$0x1EB30] =	vst v1  }
0x10c: {  	[tilespmem:$0x1EB40] =	vst v1  }
0x10d: {  	[tilespmem:$0x1EB50] =	vst v1  }
0x10e: {  	[tilespmem:$0x1EB60] =	vst v1  }
0x10f: {  	[tilespmem:$0x1EB70] =	vst v1  }
0x110: {  	[tilespmem:$0x1EB80] =	vst v1  }
0x111: {  	[tilespmem:$0x1EB90] =	vst v1  }
0x112: {  	[tilespmem:$0x1EBA0] =	vst v1  }
0x113: {  	[tilespmem:$0x1EBB0] =	vst v1  }
0x114: {  	[tilespmem:$0x1EBC0] =	vst v1  }
0x115: {  	[tilespmem:$0x1EBD0] =	vst v1  }
0x116: {  	[tilespmem:$0x1EBE0] =	vst v1  }
0x117: {  	[tilespmem:$0x1EBF0] =	vst v1  }
0x118: {  	[tilespmem:$0x1EC00] =	vst v1  }
0x119: {  	[tilespmem:$0x1EC10] =	vst v1  }
0x11a: {  	[tilespmem:$0x1EC20] =	vst v1  }
0x11b: {  	[tilespmem:$0x1EC30] =	vst v1  }
0x11c: {  	[tilespmem:$0x1EC40] =	vst v1  }
0x11d: {  	[tilespmem:$0x1EC50] =	vst v1  }
0x11e: {  	[tilespmem:$0x1EC60] =	vst v1  }
0x11f: {  	[tilespmem:$0x1EC70] =	vst v1  }
0x120: {  	[tilespmem:$0x1EC80] =	vst v1  }
0x121: {  	[tilespmem:$0x1EC90] =	vst v1  }
0x122: {  	[tilespmem:$0x1ECA0] =	vst v1  }
0x123: {  	[tilespmem:$0x1ECB0] =	vst v1  }
0x124: {  	[tilespmem:$0x1ECC0] =	vst v1  }
0x125: {  	[tilespmem:$0x1ECD0] =	vst v1  }
0x126: {  	[tilespmem:$0x1ECE0] =	vst v1  }
0x127: {  	[tilespmem:$0x1ECF0] =	vst v1  }
0x128: {  	[tilespmem:$0x1ED00] =	vst v1  }
0x129: {  	[tilespmem:$0x1ED10] =	vst v1  }
0x12a: {  	[tilespmem:$0x1ED20] =	vst v1  }
0x12b: {  	[tilespmem:$0x1ED30] =	vst v1  }
0x12c: {  	[tilespmem:$0x1ED40] =	vst v1  }
0x12d: {  	[tilespmem:$0x1ED50] =	vst v1  }
0x12e: {  	[tilespmem:$0x1ED60] =	vst v1  }
0x12f: {  	[tilespmem:$0x1ED70] =	vst v1  }
0x130: {  	[tilespmem:$0x1ED80] =	vst v1  }
0x131: {  	[tilespmem:$0x1ED90] =	vst v1  }
0x132: {  	[tilespmem:$0x1EDA0] =	vst v1  }
0x133: {  	[tilespmem:$0x1EDB0] =	vst v1  }
0x134: {  	[tilespmem:$0x1EDC0] =	vst v1  }
0x135: {  	[tilespmem:$0x1EDD0] =	vst v1  }
0x136: {  	[tilespmem:$0x1EDE0] =	vst v1  }
0x137: {  	[tilespmem:$0x1EDF0] =	vst v1  }
0x138: {  	[tilespmem:$0x1EE00] =	vst v1  }
0x139: {  	[tilespmem:$0x1EE10] =	vst v1  }
0x13a: {  	[tilespmem:$0x1EE20] =	vst v1  }
0x13b: {  	[tilespmem:$0x1EE30] =	vst v1  }
0x13c: {  	[tilespmem:$0x1EE40] =	vst v1  }
0x13d: {  	[tilespmem:$0x1EE50] =	vst v1  }
0x13e: {  	[tilespmem:$0x1EE60] =	vst v1  }
0x13f: {  	[tilespmem:$0x1EE70] =	vst v1  }
0x140: {  	[tilespmem:$0x1EE80] =	vst v1  }
0x141: {  	[tilespmem:$0x1EE90] =	vst v1  }
0x142: {  	[tilespmem:$0x1EEA0] =	vst v1  }
0x143: {  	[tilespmem:$0x1EEB0] =	vst v1  }
0x144: {  	[tilespmem:$0x1EEC0] =	vst v1  }
0x145: {  	[tilespmem:$0x1EED0] =	vst v1  }
0x146: {  	[tilespmem:$0x1EEE0] =	vst v1  }
0x147: {  	[tilespmem:$0x1EEF0] =	vst v1  }
0x148: {  	[spmem:s18] =	stream.linear.scatter [tilespmem:s10], [sflag:$0x7], $0x1000, $0x38;
	[tilespmem:$0x1FF80] =	vst v63  }
0x149: {  	_ =	swait.ge [sflag:s9], $0x1000  }
0x14a: {  	[sflag:s9] =	ssyncset.done $0x0  }
0x14b: {  	[sflag:s9] =	ssyncadd.s32 $0xFFFFF000  }
0x14c: {  	[spmem:s29] =	stream.linear.scatter [tilespmem:s10], [sflag:$0x7], $0x1000, $0x38;
	[tilespmem:$0x1FF80] =	vst v63  }
0x14d: {  	_ =	swait.ge [sflag:s9], $0x1000  }
0x14e: {  	[sflag:s9] =	ssyncset.done $0x0  }
0x14f: {  	s7 =	rddreg [dreg:$0x12];
	[sflag:s9] =	ssyncadd.s32 $0xFFFFF000  }
0x150: {  	[spmem:s7] =	stream.linear.scatter [tilespmem:s10], [sflag:$0x7], $0x1000, $0x38;
	[tilespmem:$0x1FF80] =	vst v63  }
0x151: {  	_ =	swait.ge [sflag:s9], $0x1000  }
0x152: {  	[sflag:s9] =	ssyncset.done $0x0  }
0x153: {  	s17 =	rddreg [dreg:$0x13];
	[sflag:s9] =	ssyncadd.s32 $0xFFFFF000  }
0x154: {  	[spmem:s17] =	stream.linear.scatter [tilespmem:s10], [sflag:$0x7], $0x1000, $0x38;
	[tilespmem:$0x1FF80] =	vst v63  }
0x155: {  	_ =	swait.ge [sflag:s9], $0x1000  }
0x156: {  	[sflag:s9] =	ssyncset.done $0x0  }
0x157: {  	s21 =	smov.u32 s18;
	s18 =	rddreg [dreg:$0x14];
	[sflag:s9] =	ssyncadd.s32 $0xFFFFF000  }
0x158: {  	[spmem:s18] =	stream.linear.scatter [tilespmem:s10], [sflag:$0x7], $0x1000, $0x38;
	[tilespmem:$0x1FF80] =	vst v63  }
0x159: {  	_ =	swait.ge [sflag:s9], $0x1000  }
0x15a: {  	[sflag:s9] =	ssyncset.done $0x0  }
0x15b: {  	s20 =	rddreg [dreg:$0x15];
	[sflag:s9] =	ssyncadd.s32 $0xFFFFF000  }
0x15c: {  	[spmem:s20] =	stream.linear.scatter [tilespmem:s10], [sflag:$0x7], $0x1000, $0x38;
	[tilespmem:$0x1FF80] =	vst v63  }
0x15d: {  	_ =	swait.ge [sflag:s9], $0x1000  }
0x15e: {  	[sflag:s9] =	ssyncset.done $0x0  }
0x15f: {  	s25 =	rddreg [dreg:$0x16];
	[sflag:s9] =	ssyncadd.s32 $0xFFFFF000  }
0x160: {  	[spmem:s25] =	stream.linear.scatter [tilespmem:s10], [sflag:$0x7], $0x1000, $0x38;
	[tilespmem:$0x1FF80] =	vst v63  }
0x161: {  	_ =	swait.ge [sflag:s9], $0x1000  }
0x162: {  	[sflag:s9] =	ssyncset.done $0x0  }
0x163: {  	s22 =	smov.u32 s29;
	s29 =	rddreg [dreg:$0x17];
	[sflag:s9] =	ssyncadd.s32 $0xFFFFF000  }
0x164: {  	[spmem:s29] =	stream.linear.scatter [tilespmem:s10], [sflag:$0x7], $0x1000, $0x38;
	[tilespmem:$0x1FF80] =	vst v63  }
0x165: {  	_ =	swait.ge [sflag:s9], $0x1000  }
0x166: {  	[sflag:s9] =	ssyncset.done $0x0  }
0x167: {  	s7 =	rddreg [dreg:$0x18];
	[sflag:s9] =	ssyncadd.s32 $0xFFFFF000  }
0x168: {  	[spmem:s7] =	stream.linear.scatter [tilespmem:s10], [sflag:$0x7], $0x1000, $0x38;
	[tilespmem:$0x1FF80] =	vst v63  }
0x169: {  	_ =	swait.ge [sflag:s9], $0x1000  }
0x16a: {  	s17 =	sld [smem:$0x7FB]  }
0x16b: {  	[sflag:s9] =	ssyncset.done $0x0  }
0x16c: {  	[sflag:s9] =	ssyncadd.s32 $0xFFFFF000  }
0x16d: {  	[spmem:s17] =	stream.linear.scatter [tilespmem:s10], [sflag:$0x7], $0xC00, $0x38;
	[tilespmem:$0x1FF80] =	vst v63  }
0x16e: {  	_ =	swait.ge [sflag:s9], $0xC00  }
0x16f: {  	s7 =	sld [smem:$0x7FC]  }
0x170: {  	[sflag:s9] =	ssyncset.done $0x0  }
0x171: {  	s6 =	simm.s32 @!p0 $0x1DF00;
	[sflag:s9] =	ssyncadd.s32 $0xFFFFF400  }
0x172: {  	[spmem:s7] =	stream.linear.scatter @!p0 [tilespmem:s6], [sflag:$0x7], $0x800, $0x38;
	[tilespmem:$0x1FF80] =	vst v63  }
0x173: {  	s6 =	simm.s32 @!p0 $0x7  }
0x174: {  	_ =	swait.ge @!p0 [sflag:s6], $0x800  }
0x175: {  	[sflag:s6] =	ssyncset.done @!p0 $0x0  }
0x176: {  	s18 =	rddreg [dreg:$0x19];
	[sflag:s6] =	ssyncadd.s32 @!p0 $0xFFFFF800  }
0x177: {  	[tilespmem:s11], [sflag:$0x5] =	stream.linear.gather [hbm4b:s18+s3], $0xE0, $0x38;
	[tilespmem:$0x1FF80] =	vst v63  }
0x178: {  	s25 =	simm.s32 $0x6;
	s20 =	rddreg [dreg:$0x1a]  }
0x179: {  	[tilespmem:s12], [sflag:$0x5] =	stream.linear.gather [hbm4b:s20+s3], $0xE0, $0x38;
	[tilespmem:$0x1FF80] =	vst v63  }
0x17a: {  	_ =	swait.ge [sflag:s25], $0x2700  }
0x17b: {  	[sflag:s25] =	ssyncset.done $0x0;
	s7 =	rddreg [dreg:$0x1b]  }
0x17c: {  	s18 =	simm.s32 @!p0 $0x1FC7;
	s17 =	rddreg [dreg:$0x1f];
	[sflag:s25] =	ssyncadd.s32 $0xFFFFD900  }
0x17d: {  	[spmem:s17], [sflag:s18] =	dma.local @!p0 [hbm:s7], $0x100  }
0x17e: {  	_ =	swait.ge @!p0 [sflag:s6], $0x100  }
0x17f: {  	[sflag:s6] =	ssyncset.done @!p0 $0x0  }
0x180: {  	s29 =	simm.s32 $0x5;
	[sflag:s6] =	ssyncadd.s32 @!p0 $0xFFFFFF00  }
0x181: {  	_ =	swait.ge [sflag:s29], $0xE0  }
0x182: {  	[sflag:s29] =	ssyncset.done $0x0  }
0x183: {  	[sflag:s29] =	ssyncadd.s32 $0xFFFFFF20  }
.Ltmp2:
0x184: {  	_ =	swait.ge [sflag:s29], $0xE0;
	(pc) =	sbr.rel .LBB2_2-.Ltmp2, $4  }
0x185: {  	[sflag:s29] =	ssyncset.done $0x0  }
0x186: {  	[sflag:s29] =	ssyncadd.s32 $0xFFFFFF20  }
0x187: {  	[bflag:$0x0] =	sbarrier.arrive $0xFFFF  }
0x188: {  	s28 =	simm.s32 $0x0  }
.LBB2_13:
0x189: {  	_ =	swait.ge [sflag:s16], $0x1000  }
0x18a: {  	[sflag:s16] =	ssyncset.done $0x0  }
0x18b: {  	[sflag:s16] =	ssyncadd.s32 $0xFFFFF000  }
.LBB2_14:
0x18c: {  	s6 =	simm.s32 @!p1 $0x4  }
0x18d: {  	_ =	swait.ge @!p1 [sflag:s6], $0x1000  }
0x18e: {  	p2 =	seq.s32 s28, $0x59;
	[sflag:s6] =	ssyncset.done @!p1 $0x0  }
0x18f: {  	[sflag:s6] =	ssyncadd.s32 @!p1 $0xFFFFF000;
	s6 =	simm.s32 @!p2 $0x5  }
0x190: {  	p1 =	sne.s32 s25, $0x5A;
	_ =	swait.ge @!p2 [sflag:s6], $0xE0  }
.Ltmp3:
0x191: {  	[sflag:s6] =	ssyncset.done @!p2 $0x0;
	(pc) =	sbr.rel @!p1 .LBB2_15-.Ltmp3, $4  }
0x192: {  	[sflag:s6] =	ssyncadd.s32 @!p2 $0xFFFFFF20  }
0x193: {  	_ =	swait.ge @!p2 [sflag:s6], $0xE0  }
0x194: {  	[sflag:s6] =	ssyncset.done @!p2 $0x0  }
0x195: {  	s28 =	smov.u32 s25;
	[sflag:s6] =	ssyncadd.s32 @!p2 $0xFFFFFF20  }
.LBB2_2:
0x196: {  	p1 =	sne.s32 s28, $0x59  }
.Ltmp4:
0x197: {  	_ = 	snop;
	(pc) =	sbr.rel @!p1 .LBB2_41-.Ltmp4, $1  }
0x198: {  	_ =	sdelay $0x3  }
0x199: {  	s18 =	simm.s32 $0x0  }
0x19a: {  	s7 =	simm.s32 $0xFFFFFFF9;
	s25 =	simm.s32 $0x1D530;
	s29 =	simm.s32 $0x1D630  }
.LBB2_4:
0x19b: {  	v5 =	vld [tilespmem:s29+$0xFFFFFFD0];
	_ =	sdelay $0x4  }
0x19c: {  	v5 =	vsub.s32 v5, v0  }
0x19d: {  	vm0 =	vlt.u32 v5, $0x1388  }
0x19e: {  	v6 =	vsel vm0, $0x1, v2  }
0x19f: {  	(xrf0) =	vadd.scan.msk.s32 $0xffff, v6;
	_ =	sdelay $0x2  }
0x1a0: {  	v6 =	vmov s18  }
0x1a1: {  	v6 =	vadd.s32 $0xFFFFFFFF, v6  }
0x1a2: {  	v6 =	vbroadcast v6, $0x0  }
0x1a3: {  	v7, _, _ =	vpop (xrf0)  }
0x1a4: {  	v6 =	vadd.s32 v7, v6  }
0x1a5: {  	v8 =	vshll.u32 v6, $0x2  }
0x1a6: {  	v6 =	vand.u32 $0x1F, v6;
	v8 =	vand.u32 $0xFFFFFF80, v8  }
0x1a7: {  	v9 =	vld [tilespmem:s25+$0xFFFFFFD0];
	v6 =	vor.u32 v6, v8  }
0x1a8: {  	(v2sf) =	vpush v7, $0xF;
	_ =	sdelay $0x3  }
0x1a9: {  	[tilespmem:v6+s30+$0x0] =	vst.idx.msk vm0, v9  }
0x1aa: {  	[tilespmem:v6+s31+$0x0] =	vst.idx.msk vm0, v5  }
0x1ab: {  	v5 =	vld [tilespmem:s29+$0xFFFFFFE0];
	_ =	sdelay $0x4  }
0x1ac: {  	v5 =	vsub.s32 v5, v0  }
0x1ad: {  	vm10 =	vlt.u32 v5, $0x1388  }
0x1ae: {  	v6 =	vsel vm10, $0x1, v2  }
0x1af: {  	(xrf0) =	vadd.scan.msk.s32 $0xffff, v6  }
0x1b0: {  	s17 =	spop (v2sf)  }
0x1b1: {  	s17 =	sadd.s32 s18, s17  }
0x1b2: {  	v6 =	vmov s17  }
0x1b3: {  	v6 =	vadd.s32 $0xFFFFFFFF, v6  }
0x1b4: {  	v6 =	vbroadcast v6, $0x0  }
0x1b5: {  	v7, _, _ =	vpop (xrf0)  }
0x1b6: {  	v6 =	vadd.s32 v7, v6  }
0x1b7: {  	v58 =	vshll.u32 v6, $0x2  }
0x1b8: {  	v6 =	vand.u32 $0x1F, v6;
	v8 =	vand.u32 $0xFFFFFF80, v58  }
0x1b9: {  	v9 =	vld [tilespmem:s25+$0xFFFFFFE0];
	v6 =	vor.u32 v6, v8  }
0x1ba: {  	(v2sf) =	vpush v7, $0xF;
	_ =	sdelay $0x3  }
0x1bb: {  	[tilespmem:v6+s30+$0x0] =	vst.idx.msk vm10, v9  }
0x1bc: {  	[tilespmem:v6+s31+$0x0] =	vst.idx.msk vm10, v5  }
0x1bd: {  	v5 =	vld [tilespmem:s29+$0xFFFFFFF0];
	_ =	sdelay $0x4  }
0x1be: {  	v5 =	vsub.s32 v5, v0  }
0x1bf: {  	vm11 =	vlt.u32 v5, $0x1388  }
0x1c0: {  	v6 =	vsel vm11, $0x1, v2  }
0x1c1: {  	(xrf0) =	vadd.scan.msk.s32 $0xffff, v6  }
0x1c2: {  	s6 =	spop (v2sf)  }
0x1c3: {  	s17 =	sadd.s32 s17, s6  }
0x1c4: {  	v6 =	vmov s17  }
0x1c5: {  	v6 =	vadd.s32 $0xFFFFFFFF, v6  }
0x1c6: {  	v6 =	vbroadcast v6, $0x0  }
0x1c7: {  	v7, _, _ =	vpop (xrf0)  }
0x1c8: {  	v6 =	vadd.s32 v7, v6  }
0x1c9: {  	v59 =	vshll.u32 v6, $0x2  }
0x1ca: {  	v6 =	vand.u32 $0x1F, v6;
	v8 =	vand.u32 $0xFFFFFF80, v59  }
0x1cb: {  	v9 =	vld [tilespmem:s25+$0xFFFFFFF0];
	v6 =	vor.u32 v6, v8  }
0x1cc: {  	(v2sf) =	vpush v7, $0xF;
	_ =	sdelay $0x3  }
0x1cd: {  	[tilespmem:v6+s30+$0x0] =	vst.idx.msk vm11, v9  }
0x1ce: {  	[tilespmem:v6+s31+$0x0] =	vst.idx.msk vm11, v5  }
0x1cf: {  	v5 =	vld [tilespmem:s29+$0x0];
	_ =	sdelay $0x4  }
0x1d0: {  	v5 =	vsub.s32 v5, v0  }
0x1d1: {  	vm12 =	vlt.u32 v5, $0x1388  }
0x1d2: {  	v6 =	vsel vm12, $0x1, v2  }
0x1d3: {  	(xrf0) =	vadd.scan.msk.s32 $0xffff, v6  }
0x1d4: {  	s20 =	spop (v2sf)  }
0x1d5: {  	s17 =	sadd.s32 s17, s20  }
0x1d6: {  	v6 =	vmov s17  }
0x1d7: {  	v6 =	vadd.s32 $0xFFFFFFFF, v6  }
0x1d8: {  	v6 =	vbroadcast v6, $0x0  }
0x1d9: {  	v7, _, _ =	vpop (xrf0)  }
0x1da: {  	v6 =	vadd.s32 v7, v6  }
0x1db: {  	v60 =	vshll.u32 v6, $0x2  }
0x1dc: {  	v6 =	vand.u32 $0x1F, v6;
	v8 =	vand.u32 $0xFFFFFF80, v60  }
0x1dd: {  	v9 =	vld [tilespmem:s25+$0x0];
	v6 =	vor.u32 v6, v8  }
0x1de: {  	(v2sf) =	vpush v7, $0xF;
	_ =	sdelay $0x3  }
0x1df: {  	[tilespmem:v6+s30+$0x0] =	vst.idx.msk vm12, v9  }
0x1e0: {  	[tilespmem:v6+s31+$0x0] =	vst.idx.msk vm12, v5  }
0x1e1: {  	v5 =	vld [tilespmem:s29+$0x10];
	_ =	sdelay $0x4  }
0x1e2: {  	v5 =	vsub.s32 v5, v0  }
0x1e3: {  	vm13 =	vlt.u32 v5, $0x1388  }
0x1e4: {  	v6 =	vsel vm13, $0x1, v2  }
0x1e5: {  	(xrf0) =	vadd.scan.msk.s32 $0xffff, v6  }
0x1e6: {  	s6 =	spop (v2sf)  }
0x1e7: {  	s17 =	sadd.s32 s17, s6  }
0x1e8: {  	v6 =	vmov s17  }
0x1e9: {  	v6 =	vadd.s32 $0xFFFFFFFF, v6  }
0x1ea: {  	v6 =	vbroadcast v6, $0x0  }
0x1eb: {  	v7, _, _ =	vpop (xrf0)  }
0x1ec: {  	v6 =	vadd.s32 v7, v6  }
0x1ed: {  	v61 =	vshll.u32 v6, $0x2  }
0x1ee: {  	v6 =	vand.u32 $0x1F, v6;
	v8 =	vand.u32 $0xFFFFFF80, v61  }
0x1ef: {  	v9 =	vld [tilespmem:s25+$0x10];
	v6 =	vor.u32 v6, v8  }
0x1f0: {  	(v2sf) =	vpush v7, $0xF;
	_ =	sdelay $0x3  }
0x1f1: {  	[tilespmem:v6+s30+$0x0] =	vst.idx.msk vm13, v9  }
0x1f2: {  	[tilespmem:v6+s31+$0x0] =	vst.idx.msk vm13, v5  }
0x1f3: {  	v5 =	vld [tilespmem:s29+$0x20];
	_ =	sdelay $0x4  }
0x1f4: {  	v5 =	vsub.s32 v5, v0  }
0x1f5: {  	vm14 =	vlt.u32 v5, $0x1388  }
0x1f6: {  	v6 =	vsel vm14, $0x1, v2  }
0x1f7: {  	(xrf0) =	vadd.scan.msk.s32 $0xffff, v6  }
0x1f8: {  	s20 =	spop (v2sf)  }
0x1f9: {  	s17 =	sadd.s32 s17, s20  }
0x1fa: {  	v6 =	vmov s17  }
0x1fb: {  	v6 =	vadd.s32 $0xFFFFFFFF, v6  }
0x1fc: {  	v6 =	vbroadcast v6, $0x0  }
0x1fd: {  	v7, _, _ =	vpop (xrf0)  }
0x1fe: {  	v6 =	vadd.s32 v7, v6  }
0x1ff: {  	v62 =	vshll.u32 v6, $0x2  }
0x200: {  	v6 =	vand.u32 $0x1F, v6;
	v8 =	vand.u32 $0xFFFFFF80, v62  }
0x201: {  	v9 =	vld [tilespmem:s25+$0x20];
	v6 =	vor.u32 v6, v8;
	_ =	sdelay $0x4  }
0x202: {  	[tilespmem:v6+s30+$0x0] =	vst.idx.msk vm14, v9  }
0x203: {  	[tilespmem:v6+s31+$0x0] =	vst.idx.msk vm14, v5  }
0x204: {  	v5 =	vld [tilespmem:s29+$0x30]  }
0x205: {  	(v2sf) =	vpush v7, $0xF;
	_ =	sdelay $0x3  }
0x206: {  	v5 =	vsub.s32 v5, v0  }
0x207: {  	vm15 =	vlt.u32 v5, $0x1388  }
0x208: {  	v6 =	vsel vm15, $0x1, v2  }
0x209: {  	(xrf0) =	vadd.scan.msk.s32 $0xffff, v6;
	_ =	sdelay $0x5  }
0x20a: {  	v6, _, _ =	vpop (xrf0)  }
0x20b: {  	(v2sf) =	vpush v6, $0xF  }
0x20c: {  	s6 =	spop (v2sf)  }
0x20d: {  	s17 =	sadd.s32 s17, s6  }
0x20e: {  	v7 =	vmov s17  }
0x20f: {  	v7 =	vadd.s32 $0xFFFFFFFF, v7  }
0x210: {  	v7 =	vbroadcast v7, $0x0;
	_ =	sdelay $0x1  }
0x211: {  	v6 =	vadd.s32 v6, v7  }
0x212: {  	v7 =	vshll.u32 v6, $0x2  }
0x213: {  	v6 =	vand.u32 $0x1F, v6;
	v7 =	vand.u32 $0xFFFFFF80, v7  }
0x214: {  	v63 =	vld [tilespmem:s25+$0x30];
	s6 =	sadd.s32 $0x7, s7;
	v6 =	vor.u32 v6, v7  }
0x215: {  	p1 =	slt.u32 s6, s7  }
.Ltmp5:
0x216: {  	_ = 	snop;
	(pc) =	sbr.rel @p1 .LBB2_4-.Ltmp5, $3  }
0x217: {  	_ =	sdelay $0x1  }
0x218: {  	s25 =	sadd.s32 $0x70, s25;
	[tilespmem:v6+s30+$0x0] =	vst.idx.msk vm15, v63;
	s20 =	spop (v2sf)  }
0x219: {  	s29 =	sadd.s32 $0x70, s29;
	s7 =	smov.u32 s6;
	[tilespmem:v6+s31+$0x0] =	vst.idx.msk vm15, v5;
	s18 =	sadd.s32 s17, s20  }
0x21a: {  	s25 =	sadd.s32 $0x1, s28  }
0x21b: {  	s6 =	smul.u32 $0xE0, s25  }
0x21c: {  	p1 =	seq.s32 s25, $0x59  }
0x21d: {  	s6 =	simm.s32 @p1 $0x4D40  }
0x21e: {  	s6 =	sadd.s32 s23, s6  }
.Ltmp6:
0x21f: {  	s6 =	sshrl.u32 s6, $0x3;
	(pc) =	sbr.rel .LBB2_6-.Ltmp6, $4  }
0x220: {  	s7 =	sadd.s32 s26, s6  }
0x221: {  	[tilespmem:s11], [sflag:$0x5] =	stream.linear.gather [hbm4b:s7+s3], $0xE0, $0x38;
	[tilespmem:$0x1FF80] =	vst v63  }
0x222: {  	s6 =	sadd.s32 s1, s6  }
0x223: {  	[tilespmem:s12], [sflag:$0x5] =	stream.linear.gather [hbm4b:s6+s3], $0xE0, $0x38;
	[tilespmem:$0x1FF80] =	vst v63  }
.LBB2_41:
0x224: {  	v5 =	vld [tilespmem:$0x1D6A0];
	_ =	sdelay $0x4  }
0x225: {  	v5 =	vsub.s32 v5, v0  }
0x226: {  	vm0 =	vlt.u32 v5, $0x1388  }
0x227: {  	v6 =	vsel vm0, $0x1, v2  }
0x228: {  	(xrf0) =	vadd.scan.msk.s32 $0xffff, v6;
	_ =	sdelay $0x5  }
0x229: {  	v6, _, _ =	vpop (xrf0)  }
0x22a: {  	v7 =	vadd.s32 $0xFFFFFFFF, v6  }
0x22b: {  	v8 =	vshll.u32 v7, $0x2  }
0x22c: {  	v9 =	vand.u32 $0x1F, v7;
	v8 =	vand.u32 $0xFFFFFF80, v8  }
0x22d: {  	v10 =	vld [tilespmem:$0x1D5A0];
	v8 =	vor.u32 v9, v8;
	_ =	sdelay $0x4  }
0x22e: {  	[tilespmem:v8+s30+$0x0] =	vst.idx.msk vm0, v10  }
0x22f: {  	[tilespmem:v8+s31+$0x0] =	vst.idx.msk vm0, v5  }
0x230: {  	v5 =	vld [tilespmem:$0x1D6B0];
	_ =	sdelay $0x4  }
0x231: {  	v5 =	vsub.s32 v5, v0  }
0x232: {  	vm13 =	vlt.u32 v5, $0x1388  }
0x233: {  	v59 =	vsel vm13, $0x1, v2  }
0x234: {  	(xrf0) =	vadd.scan.msk.s32 $0xffff, v59;
	_ =	sdelay $0x4  }
0x235: {  	v7 =	vbroadcast v7, $0xF  }
0x236: {  	v8, _, _ =	vpop (xrf0)  }
0x237: {  	v7 =	vadd.s32 v8, v7  }
0x238: {  	v60 =	vshll.u32 v7, $0x2  }
0x239: {  	v7 =	vand.u32 $0x1F, v7;
	v9 =	vand.u32 $0xFFFFFF80, v60  }
0x23a: {  	(v2sf) =	vpush v6, $0xF;
	v6 =	vld [tilespmem:$0x1D5B0];
	v7 =	vor.u32 v7, v9  }
0x23b: {  	(v2sf) =	vpush v8, $0xF;
	_ =	sdelay $0x3  }
0x23c: {  	[tilespmem:v7+s30+$0x0] =	vst.idx.msk vm13, v6  }
0x23d: {  	[tilespmem:v7+s31+$0x0] =	vst.idx.msk vm13, v5  }
0x23e: {  	v5 =	vld [tilespmem:$0x1D6C0];
	_ =	sdelay $0x4  }
0x23f: {  	v5 =	vsub.s32 v5, v0  }
0x240: {  	vm14 =	vlt.u32 v5, $0x1388  }
0x241: {  	v6 =	vsel vm14, $0x1, v2  }
0x242: {  	s6 =	spop (v2sf);
	(xrf0) =	vadd.scan.msk.s32 $0xffff, v6  }
0x243: {  	s18 =	spop (v2sf)  }
0x244: {  	s6 =	sadd.s32 s6, s18  }
0x245: {  	v6 =	vmov s6  }
0x246: {  	v6 =	vadd.s32 $0xFFFFFFFF, v6  }
0x247: {  	v6 =	vbroadcast v6, $0x0  }
0x248: {  	v7, _, _ =	vpop (xrf0)  }
0x249: {  	v6 =	vadd.s32 v7, v6  }
0x24a: {  	v61 =	vshll.u32 v6, $0x2  }
0x24b: {  	v6 =	vand.u32 $0x1F, v6;
	v8 =	vand.u32 $0xFFFFFF80, v61  }
0x24c: {  	v62 =	vld [tilespmem:$0x1D5C0];
	v6 =	vor.u32 v6, v8;
	_ =	sdelay $0x4  }
0x24d: {  	[tilespmem:v6+s30+$0x0] =	vst.idx.msk vm14, v62  }
0x24e: {  	[tilespmem:v6+s31+$0x0] =	vst.idx.msk vm14, v5  }
0x24f: {  	v5 =	vld [tilespmem:$0x1D6D0]  }
0x250: {  	(v2sf) =	vpush v7, $0xF;
	_ =	sdelay $0x3  }
0x251: {  	v5 =	vsub.s32 v5, v0  }
0x252: {  	vm15 =	vlt.u32 v5, $0x1388  }
0x253: {  	v6 =	vsel vm15, $0x1, v2  }
0x254: {  	(xrf0) =	vadd.scan.msk.s32 $0xffff, v6;
	_ =	sdelay $0x5  }
0x255: {  	v6, _, _ =	vpop (xrf0)  }
0x256: {  	(v2sf) =	vpush v6, $0xF  }
0x257: {  	s25 =	spop (v2sf)  }
0x258: {  	s6 =	sadd.s32 s6, s25  }
0x259: {  	v7 =	vmov s6  }
0x25a: {  	v7 =	vadd.s32 $0xFFFFFFFF, v7  }
0x25b: {  	v7 =	vbroadcast v7, $0x0;
	_ =	sdelay $0x1  }
0x25c: {  	v6 =	vadd.s32 v6, v7  }
0x25d: {  	v7 =	vshll.u32 v6, $0x2  }
0x25e: {  	v6 =	vand.u32 $0x1F, v6;
	v7 =	vand.u32 $0xFFFFFF80, v7  }
0x25f: {  	v63 =	vld [tilespmem:$0x1D5D0];
	v6 =	vor.u32 v6, v7;
	_ =	sdelay $0x4  }
0x260: {  	[tilespmem:v6+s30+$0x0] =	vst.idx.msk vm15, v63;
	s29 =	spop (v2sf)  }
0x261: {  	s25 =	simm.s32 $0x5A;
	[tilespmem:v6+s31+$0x0] =	vst.idx.msk vm15, v5;
	s18 =	sadd.s32 s6, s29  }
.LBB2_6:
0x262: {  	v5 =	vadd.s32 s18, v3  }
0x263: {  	s6 =	sadd.s32 $0x10, s18;
	v6 =	vshll.u32 v5, $0x2  }
0x264: {  	v5 =	vand.u32 $0x1F, v5;
	v7 =	vadd.s32 s6, v3;
	v6 =	vand.u32 $0xFFFFFF80, v6  }
0x265: {  	v5 =	vor.u32 v5, v6;
	v6 =	vshll.u32 v7, $0x2  }
0x266: {  	s6 =	sadd.s32 $0x1F, s18;
	v7 =	vand.u32 $0x1F, v7;
	v6 =	vand.u32 $0xFFFFFF80, v6  }
0x267: {  	s29 =	sshra.s32 s6, $0x6;
	v6 =	vor.u32 v7, v6  }
0x268: {  	p1 =	slt.s32 s29, $0x1  }
.Ltmp7:
0x269: {  	_ = 	snop;
	(pc) =	sbr.rel @p1 .LBB2_42-.Ltmp7, $4  }
0x26a: {  	[tilespmem:v5+s30+$0x0] =	vst.idx.msk $0xffff, v2  }
0x26b: {  	[tilespmem:v5+s31+$0x0] =	vst.idx.msk $0xffff, v4  }
0x26c: {  	[tilespmem:v6+s30+$0x0] =	vst.idx.msk $0xffff, v2  }
0x26d: {  	[tilespmem:v6+s31+$0x0] =	vst.idx.msk $0xffff, v4  }
0x26e: {  	[tilespmem:s10], [sflag:$0x1] =	stream.indirect.gather [spmem:s15], $0x80, s30, s13, $0xb8;
	[tilespmem:$0x1FF80] =	vst v63  }
0x26f: {  	_ = 	snop  }
0x270: {  	[tilespmem:s0], [sflag:$0x2] =	stream.indirect.gather [spmem:s15], $0x80, s2, s13, $0xb8;
	[tilespmem:$0x1FF80] =	vst v63  }
0x271: {  	_ =	swait.ge [sflag:s5], $0x1000  }
0x272: {  	[sflag:s5] =	ssyncset.done $0x0  }
0x273: {  	p2 =	seq.s32 s29, $0x1;
	[sflag:s5] =	ssyncadd.s32 $0xFFFFF000  }
0x274: {  	[spmem:s14] =	stream.indirect.scatter.add.f32 [tilespmem:s10], [sflag:$0x3], $0x80, s31, s13, $0xb8;
	[tilespmem:$0x1FF80] =	vst v63  }
.Ltmp8:
0x275: {  	_ = 	snop;
	(pc) =	sbr.rel @p2 .LBB2_9-.Ltmp8, $4  }
0x276: {  	_ =	swait.ge [sflag:s4], $0x1000  }
0x277: {  	[sflag:s4] =	ssyncset.done $0x0  }
0x278: {  	[sflag:s4] =	ssyncadd.s32 $0xFFFFF000  }
0x279: {  	[spmem:s14] =	stream.indirect.scatter.add.f32 [tilespmem:s0], [sflag:$0x4], $0x80, s8, s13, $0xb8;
	[tilespmem:$0x1FF80] =	vst v63  }
0x27a: {  	_ =	swait.ge [sflag:s16], $0x1000  }
0x27b: {  	[sflag:s16] =	ssyncset.done $0x0  }
0x27c: {  	s7 =	simm.s32 $0x1D800;
	[sflag:s16] =	ssyncadd.s32 $0xFFFFF000  }
0x27d: {  	[tilespmem:s10], [sflag:$0x1] =	stream.indirect.gather [spmem:s15], $0x80, s7, s13, $0xb8;
	[tilespmem:$0x1FF80] =	vst v63  }
0x27e: {  	_ =	swait.ge [sflag:s19], $0x1000  }
0x27f: {  	[sflag:s19] =	ssyncset.done $0x0  }
0x280: {  	s17 =	simm.s32 $0x1D880;
	[sflag:s19] =	ssyncadd.s32 $0xFFFFF000  }
0x281: {  	[tilespmem:s0], [sflag:$0x2] =	stream.indirect.gather [spmem:s15], $0x80, s17, s13, $0xb8;
	[tilespmem:$0x1FF80] =	vst v63  }
0x282: {  	_ =	swait.ge [sflag:s5], $0x1000  }
0x283: {  	[sflag:s5] =	ssyncset.done $0x0  }
0x284: {  	s18 =	simm.s32 $0x1DC00;
	[sflag:s5] =	ssyncadd.s32 $0xFFFFF000  }
0x285: {  	[spmem:s14] =	stream.indirect.scatter.add.f32 [tilespmem:s10], [sflag:$0x3], $0x80, s18, s13, $0xb8;
	[tilespmem:$0x1FF80] =	vst v63  }
0x286: {  	_ =	swait.ge [sflag:s4], $0x1000  }
0x287: {  	p2 =	slt.u32 s29, $0x3;
	[sflag:s4] =	ssyncset.done $0x0  }
0x288: {  	s20 =	simm.s32 $0x1DC80;
	s7 =	simm.s32 @!p2 $0x3;
	[sflag:s4] =	ssyncadd.s32 $0xFFFFF000  }
0x289: {  	[spmem:s14] =	stream.indirect.scatter.add.f32 [tilespmem:s0], [sflag:$0x4], $0x80, s20, s13, $0xb8;
	[tilespmem:$0x1FF80] =	vst v63  }
0x28a: {  	_ =	swait.ge @!p2 [sflag:s7], $0x1000  }
0x28b: {  	s17 =	simm.s32 @!p2 $0x1D900;
	[sflag:s7] =	ssyncset.done @!p2 $0x0  }
0x28c: {  	s18 =	simm.s32 @!p2 $0x1DF00;
	[sflag:s7] =	ssyncadd.s32 @!p2 $0xFFFFF000;
	s7 =	simm.s32 @!p2 $0x20  }
0x28d: {  	[tilespmem:s18], [sflag:$0x1] =	stream.indirect.gather @!p2 [spmem:s15], $0x80, s17, s7, $0xb8;
	[tilespmem:$0x1FF80] =	vst v63  }
0x28e: {  	s17 =	simm.s32 @!p2 $0x4  }
0x28f: {  	_ =	swait.ge @!p2 [sflag:s17], $0x1000  }
0x290: {  	[sflag:s17] =	ssyncset.done @!p2 $0x0  }
0x291: {  	s20 =	simm.s32 @!p2 $0x1EF00;
	[sflag:s17] =	ssyncadd.s32 @!p2 $0xFFFFF000;
	s17 =	simm.s32 @!p2 $0x1D980  }
0x292: {  	[tilespmem:s20], [sflag:$0x2] =	stream.indirect.gather @!p2 [spmem:s15], $0x80, s17, s7, $0xb8;
	[tilespmem:$0x1FF80] =	vst v63  }
0x293: {  	s17 =	simm.s32 @!p2 $0x1  }
0x294: {  	_ =	swait.ge @!p2 [sflag:s17], $0x1000  }
0x295: {  	[sflag:s17] =	ssyncset.done @!p2 $0x0  }
0x296: {  	[sflag:s17] =	ssyncadd.s32 @!p2 $0xFFFFF000;
	s17 =	simm.s32 @!p2 $0x1DD00  }
0x297: {  	[spmem:s14] =	stream.indirect.scatter.add.f32 @!p2 [tilespmem:s18], [sflag:$0x3], $0x80, s17, s7, $0xb8;
	[tilespmem:$0x1FF80] =	vst v63  }
0x298: {  	s17 =	simm.s32 @!p2 $0x2  }
0x299: {  	_ =	swait.ge @!p2 [sflag:s17], $0x1000  }
0x29a: {  	[sflag:s17] =	ssyncset.done @!p2 $0x0  }
0x29b: {  	p3 =	seq.s32 @!p2 s29, $0x3;
	[sflag:s17] =	ssyncadd.s32 @!p2 $0xFFFFF000;
	s17 =	simm.s32 @!p2 $0x1DD80  }
0x29c: {  	[spmem:s14] =	stream.indirect.scatter.add.f32 @!p2 [tilespmem:s20], [sflag:$0x4], $0x80, s17, s7, $0xb8;
	[tilespmem:$0x1FF80] =	vst v63  }
0x29d: {  	p2 =	por p3, p2  }
0x29e: {  	s7 =	simm.s32 @!p2 $0x3  }
0x29f: {  	_ =	swait.ge @!p2 [sflag:s7], $0x1000  }
0x2a0: {  	s17 =	simm.s32 @!p2 $0x1DA00;
	[sflag:s7] =	ssyncset.done @!p2 $0x0  }
0x2a1: {  	s18 =	simm.s32 @!p2 $0x1DF00;
	[sflag:s7] =	ssyncadd.s32 @!p2 $0xFFFFF000;
	s7 =	simm.s32 @!p2 $0x20  }
0x2a2: {  	[tilespmem:s18], [sflag:$0x1] =	stream.indirect.gather @!p2 [spmem:s15], $0x80, s17, s7, $0xb8;
	[tilespmem:$0x1FF80] =	vst v63  }
0x2a3: {  	s17 =	simm.s32 @!p2 $0x4  }
0x2a4: {  	_ =	swait.ge @!p2 [sflag:s17], $0x1000  }
0x2a5: {  	[sflag:s17] =	ssyncset.done @!p2 $0x0  }
0x2a6: {  	s20 =	simm.s32 @!p2 $0x1EF00;
	[sflag:s17] =	ssyncadd.s32 @!p2 $0xFFFFF000;
	s17 =	simm.s32 @!p2 $0x1DA80  }
0x2a7: {  	[tilespmem:s20], [sflag:$0x2] =	stream.indirect.gather @!p2 [spmem:s15], $0x80, s17, s7, $0xb8;
	[tilespmem:$0x1FF80] =	vst v63  }
0x2a8: {  	s17 =	simm.s32 @!p2 $0x1  }
0x2a9: {  	_ =	swait.ge @!p2 [sflag:s17], $0x1000  }
0x2aa: {  	[sflag:s17] =	ssyncset.done @!p2 $0x0  }
0x2ab: {  	[sflag:s17] =	ssyncadd.s32 @!p2 $0xFFFFF000;
	s17 =	simm.s32 @!p2 $0x1DE00  }
0x2ac: {  	[spmem:s14] =	stream.indirect.scatter.add.f32 @!p2 [tilespmem:s18], [sflag:$0x3], $0x80, s17, s7, $0xb8;
	[tilespmem:$0x1FF80] =	vst v63  }
0x2ad: {  	s17 =	simm.s32 @!p2 $0x2  }
0x2ae: {  	_ =	swait.ge @!p2 [sflag:s17], $0x1000  }
0x2af: {  	[sflag:s17] =	ssyncset.done @!p2 $0x0  }
0x2b0: {  	[sflag:s17] =	ssyncadd.s32 @!p2 $0xFFFFF000;
	s17 =	simm.s32 @!p2 $0x1DE80  }
0x2b1: {  	[spmem:s14] =	stream.indirect.scatter.add.f32 @!p2 [tilespmem:s20], [sflag:$0x4], $0x80, s17, s7, $0xb8;
	[tilespmem:$0x1FF80] =	vst v63  }
.LBB2_9:
0x2b2: {  	s7 =	sand.u32 $0x20, s6  }
0x2b3: {  	p2 =	seq.s32 s7, $0x0  }
.Ltmp9:
0x2b4: {  	_ = 	snop;
	(pc) =	sbr.rel @p2 .LBB2_13-.Ltmp9, $1  }
0x2b5: {  	_ =	sdelay $0x3  }
.Ltmp10:
0x2b6: {  	(pc) =	sbr.rel .LBB2_11-.Ltmp10, $4  }
0x2b7: {  	_ = 	snop  }
0x2b8: {  	_ =	swait.ge [sflag:s16], $0x1000  }
0x2b9: {  	[sflag:s16] =	ssyncset.done $0x0  }
0x2ba: {  	[sflag:s16] =	ssyncadd.s32 $0xFFFFF000  }
.LBB2_42:
0x2bb: {  	s7 =	sand.u32 $0x20, s6  }
0x2bc: {  	p2 =	seq.s32 s7, $0x0  }
.Ltmp11:
0x2bd: {  	_ = 	snop;
	(pc) =	sbr.rel @p2 .LBB2_12-.Ltmp11, $1  }
0x2be: {  	_ =	sdelay $0x3  }
.LBB2_11:
0x2bf: {  	s7 =	sshll.u32 s29, $0x8  }
0x2c0: {  	s17 =	sadd.s32 $0x1D700, s7  }
0x2c1: {  	[tilespmem:s10], [sflag:$0x1] =	stream.indirect.gather [spmem:s15], $0x80, s17, s13, $0xb8;
	[tilespmem:$0x1FF80] =	vst v63  }
0x2c2: {  	_ =	swait.ge [sflag:s5], $0x1000  }
0x2c3: {  	[sflag:s5] =	ssyncset.done $0x0  }
0x2c4: {  	s7 =	sadd.s32 $0x1DB00, s7;
	[sflag:s5] =	ssyncadd.s32 $0xFFFFF000  }
0x2c5: {  	[spmem:s14] =	stream.indirect.scatter.add.f32 [tilespmem:s10], [sflag:$0x3], $0x80, s7, s13, $0xb8;
	[tilespmem:$0x1FF80] =	vst v63  }
.LBB2_12:
0x2c6: {  	p2 =	slt.s32 s6, $0x20  }
.Ltmp12:
0x2c7: {  	_ = 	snop;
	(pc) =	sbr.rel @p2 .LBB2_14-.Ltmp12, $4  }
.Ltmp13:
0x2c8: {  	_ = 	snop;
	(pc) =	sbr.rel @!p2 .LBB2_13-.Ltmp13, $4  }
0x2c9: {  	_ = 	snop  }
0x2ca: {  	_ = 	snop  }
0x2cb: {  	_ = 	snop  }
0x2cc: {  	_ = 	snop  }
.LBB2_15:
0x2cd: {  	[bflag:$0x0] =	sbarrier.arrive $0xFFFF  }
0x2ce: {  	v7 =	vld [tilespmem:$0x1FF00]  }
0x2cf: {  	v9 =	vld [tilespmem:$0x1FF10]  }
0x2d0: {  	v11 =	vld [tilespmem:$0x1FF20]  }
0x2d1: {  	v12 =	vld [tilespmem:$0x1FF30]  }
0x2d2: {  	v10 =	vld [tilespmem:$0x1FF40]  }
0x2d3: {  	v8 =	vld [tilespmem:$0x1FF50]  }
0x2d4: {  	v6 =	vld [tilespmem:$0x1FF60]  }
0x2d5: {  	v5 =	vld [tilespmem:$0x1FF70];
	[tilespmem:s10], [sflag:$0x7] =	stream.linear.gather [spmem:s21], $0x1000, $0x38  }
0x2d6: {  	_ =	swait.ge [sflag:s9], $0x1000  }
0x2d7: {  	[sflag:s9] =	ssyncset.done $0x0  }
0x2d8: {  	s6 =	simm.s32 $0x1DF80;
	[sflag:s9] =	ssyncadd.s32 $0xFFFFF000  }
0x2d9: {  	v13 =	vld [tilespmem:s6+$0xFFFFFF80]  }
0x2da: {  	v14 =	vld [tilespmem:s6+$0xFFFFFF90]  }
0x2db: {  	v15 =	vld [tilespmem:s6+$0xFFFFFFA0]  }
0x2dc: {  	v16 =	vld [tilespmem:s6+$0xFFFFFFB0]  }
0x2dd: {  	v17 =	vld [tilespmem:s6+$0xFFFFFFC0]  }
0x2de: {  	v18 =	vld [tilespmem:s6+$0xFFFFFFD0];
	v13 =	vmul.f32 v13, v7  }
0x2df: {  	v19 =	vld [tilespmem:s6+$0xFFFFFFE0];
	v14 =	vmul.f32 v14, v9  }
0x2e0: {  	[tilespmem:s6+$0xFFFFFF80] =	vst v13;
	v13 =	vmul.f32 v15, v11;
	v15 =	vld [tilespmem:s6+$0x0]  }
0x2e1: {  	[tilespmem:s6+$0xFFFFFF90] =	vst v14;
	v14 =	vmul.f32 v16, v12;
	v16 =	vld [tilespmem:s6+$0x10]  }
0x2e2: {  	[tilespmem:s6+$0xFFFFFFA0] =	vst v13;
	v13 =	vmul.f32 v17, v10;
	v17 =	vld [tilespmem:s6+$0x20]  }
0x2e3: {  	v20 =	vld [tilespmem:s6+$0x30];
	[tilespmem:s6+$0xFFFFFFB0] =	vst v14;
	v14 =	vmul.f32 v18, v8  }
0x2e4: {  	v18 =	vmul.f32 v19, v6;
	[tilespmem:s6+$0xFFFFFFC0] =	vst v13;
	v13 =	vld [tilespmem:s6+$0x40]  }
0x2e5: {  	[tilespmem:s6+$0xFFFFFFD0] =	vst v14;
	v14 =	vld [tilespmem:s6+$0x50];
	v15 =	vmul.f32 v15, v7  }
0x2e6: {  	[tilespmem:s6+$0xFFFFFFE0] =	vst v18;
	v19 =	vmul.f32 v16, v9;
	v16 =	vld [tilespmem:s6+$0x60]  }
0x2e7: {  	[tilespmem:s6+$0x0] =	vst v15;
	v18 =	vmul.f32 v17, v11;
	v17 =	vld [tilespmem:s6+$0x70]  }
0x2e8: {  	s18 =	smov.u32 s21;
	s25 =	simm.s32 $0x0;
	s28 =	simm.s32 $0x1E080;
	v15 =	vld [tilespmem:s6+$0xFFFFFFF0];
	[tilespmem:s6+$0x10] =	vst v19;
	v19 =	vmul.f32 v20, v12  }
.LBB2_16:
0x2e9: {  	v20 =	vld [tilespmem:s28+$0xFFFFFF80];
	[tilespmem:s6+$0x20] =	vst v18;
	v13 =	vmul.f32 v13, v10  }
0x2ea: {  	v18 =	vld [tilespmem:s28+$0xFFFFFF90];
	[tilespmem:s6+$0x30] =	vst v19;
	v14 =	vmul.f32 v14, v8  }
0x2eb: {  	v19 =	vld [tilespmem:s28+$0xFFFFFFA0];
	[tilespmem:s6+$0x40] =	vst v13;
	v13 =	vmul.f32 v16, v6  }
0x2ec: {  	v16 =	vld [tilespmem:s28+$0xFFFFFFB0];
	[tilespmem:s6+$0x50] =	vst v14;
	v14 =	vmul.f32 v17, v5  }
0x2ed: {  	v17 =	vld [tilespmem:s28+$0xFFFFFFC0];
	v15 =	vmul.f32 v15, v5;
	[tilespmem:s6+$0x60] =	vst v13  }
0x2ee: {  	v13 =	vmul.f32 v20, v7;
	v20 =	vld [tilespmem:s28+$0xFFFFFFD0];
	[tilespmem:s6+$0x70] =	vst v14  }
0x2ef: {  	v14 =	vmul.f32 v18, v9;
	v18 =	vld [tilespmem:s28+$0xFFFFFFE0];
	[tilespmem:s6+$0xFFFFFFF0] =	vst v15;
	s6 =	smov.u32 s28  }
0x2f0: {  	[tilespmem:s28+$0xFFFFFF80] =	vst v13;
	v13 =	vmul.f32 v19, v11;
	v15 =	vld [tilespmem:s28+$0x0]  }
0x2f1: {  	[tilespmem:s28+$0xFFFFFF90] =	vst v14;
	v14 =	vmul.f32 v16, v12;
	v16 =	vld [tilespmem:s28+$0x10]  }
0x2f2: {  	s25 =	sadd.s32 $0x2, s25;
	[tilespmem:s28+$0xFFFFFFA0] =	vst v13;
	v13 =	vmul.f32 v17, v10;
	v17 =	vld [tilespmem:s28+$0x20]  }
0x2f3: {  	p1 =	slt.u32 s25, $0x1E;
	[tilespmem:s28+$0xFFFFFFB0] =	vst v14;
	v14 =	vmul.f32 v20, v8;
	v19 =	vld [tilespmem:s28+$0x30]  }
.Ltmp14:
0x2f4: {  	[tilespmem:s28+$0xFFFFFFC0] =	vst v13;
	v18 =	vmul.f32 v18, v6;
	v13 =	vld [tilespmem:s28+$0x40];
	(pc) =	sbr.rel @p1 .LBB2_16-.Ltmp14, $4  }
0x2f5: {  	[tilespmem:s28+$0xFFFFFFD0] =	vst v14;
	v15 =	vmul.f32 v15, v7;
	v14 =	vld [tilespmem:s28+$0x50]  }
0x2f6: {  	[tilespmem:s28+$0xFFFFFFE0] =	vst v18;
	v20 =	vmul.f32 v16, v9;
	v16 =	vld [tilespmem:s28+$0x60]  }
0x2f7: {  	[tilespmem:s28+$0x0] =	vst v15;
	v18 =	vmul.f32 v17, v11;
	v17 =	vld [tilespmem:s28+$0x70]  }
0x2f8: {  	s28 =	sadd.s32 $0x100, s28;
	v15 =	vld [tilespmem:s6+$0xFFFFFFF0];
	[tilespmem:s6+$0x10] =	vst v20;
	v19 =	vmul.f32 v19, v12  }
0x2f9: {  	[tilespmem:s6+$0x20] =	vst v18;
	v13 =	vmul.f32 v13, v10  }
0x2fa: {  	[tilespmem:s6+$0x30] =	vst v19;
	v14 =	vmul.f32 v14, v8  }
0x2fb: {  	[tilespmem:s6+$0x40] =	vst v13;
	v13 =	vmul.f32 v16, v6  }
0x2fc: {  	[tilespmem:s6+$0x50] =	vst v14;
	v14 =	vmul.f32 v17, v5  }
0x2fd: {  	v15 =	vmul.f32 v15, v5;
	[tilespmem:s6+$0x60] =	vst v13  }
0x2fe: {  	[tilespmem:s6+$0x70] =	vst v14  }
0x2ff: {  	s25 =	rddreg [dreg:$0x7];
	[tilespmem:s6+$0xFFFFFFF0] =	vst v15  }
0x300: {  	[hbm4b:s25+s3] =	stream.linear.scatter [tilespmem:s10], [sflag:$0x7], $0x1000, $0x38;
	[tilespmem:$0x1FF80] =	vst v63  }
0x301: {  	_ =	swait.ge [sflag:s9], $0x1000  }
0x302: {  	[sflag:s9] =	ssyncset.done $0x0  }
0x303: {  	[sflag:s9] =	ssyncadd.s32 $0xFFFFF000  }
0x304: {  	[tilespmem:s10], [sflag:$0x7] =	stream.linear.gather [spmem:s22], $0x1000, $0x38;
	[tilespmem:$0x1FF80] =	vst v63  }
0x305: {  	_ =	swait.ge [sflag:s9], $0x1000  }
0x306: {  	[sflag:s9] =	ssyncset.done $0x0  }
0x307: {  	s6 =	simm.s32 $0x1DF80;
	[sflag:s9] =	ssyncadd.s32 $0xFFFFF000  }
0x308: {  	v13 =	vld [tilespmem:s6+$0xFFFFFF80]  }
0x309: {  	v14 =	vld [tilespmem:s6+$0xFFFFFF90]  }
0x30a: {  	v15 =	vld [tilespmem:s6+$0xFFFFFFA0]  }
0x30b: {  	v16 =	vld [tilespmem:s6+$0xFFFFFFB0]  }
0x30c: {  	v17 =	vld [tilespmem:s6+$0xFFFFFFC0]  }
0x30d: {  	v18 =	vld [tilespmem:s6+$0xFFFFFFD0];
	v13 =	vmul.f32 v13, v7  }
0x30e: {  	v19 =	vld [tilespmem:s6+$0xFFFFFFE0];
	v14 =	vmul.f32 v14, v9  }
0x30f: {  	[tilespmem:s6+$0xFFFFFF80] =	vst v13;
	v13 =	vmul.f32 v15, v11;
	v15 =	vld [tilespmem:s6+$0x0]  }
0x310: {  	[tilespmem:s6+$0xFFFFFF90] =	vst v14;
	v14 =	vmul.f32 v16, v12;
	v16 =	vld [tilespmem:s6+$0x10]  }
0x311: {  	[tilespmem:s6+$0xFFFFFFA0] =	vst v13;
	v13 =	vmul.f32 v17, v10;
	v17 =	vld [tilespmem:s6+$0x20]  }
0x312: {  	v20 =	vld [tilespmem:s6+$0x30];
	[tilespmem:s6+$0xFFFFFFB0] =	vst v14;
	v14 =	vmul.f32 v18, v8  }
0x313: {  	v18 =	vmul.f32 v19, v6;
	[tilespmem:s6+$0xFFFFFFC0] =	vst v13;
	v13 =	vld [tilespmem:s6+$0x40]  }
0x314: {  	[tilespmem:s6+$0xFFFFFFD0] =	vst v14;
	v14 =	vld [tilespmem:s6+$0x50];
	v15 =	vmul.f32 v15, v7  }
0x315: {  	[tilespmem:s6+$0xFFFFFFE0] =	vst v18;
	v19 =	vmul.f32 v16, v9;
	v16 =	vld [tilespmem:s6+$0x60]  }
0x316: {  	[tilespmem:s6+$0x0] =	vst v15;
	v18 =	vmul.f32 v17, v11;
	v17 =	vld [tilespmem:s6+$0x70]  }
0x317: {  	s29 =	smov.u32 s22;
	s28 =	simm.s32 $0x1E080;
	s25 =	simm.s32 $0x0;
	v15 =	vld [tilespmem:s6+$0xFFFFFFF0];
	[tilespmem:s6+$0x10] =	vst v19;
	v19 =	vmul.f32 v20, v12  }
.LBB2_18:
0x318: {  	v20 =	vld [tilespmem:s28+$0xFFFFFF80];
	[tilespmem:s6+$0x20] =	vst v18;
	v13 =	vmul.f32 v13, v10  }
0x319: {  	v18 =	vld [tilespmem:s28+$0xFFFFFF90];
	[tilespmem:s6+$0x30] =	vst v19;
	v14 =	vmul.f32 v14, v8  }
0x31a: {  	v19 =	vld [tilespmem:s28+$0xFFFFFFA0];
	[tilespmem:s6+$0x40] =	vst v13;
	v13 =	vmul.f32 v16, v6  }
0x31b: {  	v16 =	vld [tilespmem:s28+$0xFFFFFFB0];
	[tilespmem:s6+$0x50] =	vst v14;
	v14 =	vmul.f32 v17, v5  }
0x31c: {  	v17 =	vld [tilespmem:s28+$0xFFFFFFC0];
	v15 =	vmul.f32 v15, v5;
	[tilespmem:s6+$0x60] =	vst v13  }
0x31d: {  	v13 =	vmul.f32 v20, v7;
	v20 =	vld [tilespmem:s28+$0xFFFFFFD0];
	[tilespmem:s6+$0x70] =	vst v14  }
0x31e: {  	v14 =	vmul.f32 v18, v9;
	v18 =	vld [tilespmem:s28+$0xFFFFFFE0];
	[tilespmem:s6+$0xFFFFFFF0] =	vst v15;
	s6 =	smov.u32 s28  }
0x31f: {  	[tilespmem:s28+$0xFFFFFF80] =	vst v13;
	v13 =	vmul.f32 v19, v11;
	v15 =	vld [tilespmem:s28+$0x0]  }
0x320: {  	[tilespmem:s28+$0xFFFFFF90] =	vst v14;
	v14 =	vmul.f32 v16, v12;
	v16 =	vld [tilespmem:s28+$0x10]  }
0x321: {  	s25 =	sadd.s32 $0x2, s25;
	[tilespmem:s28+$0xFFFFFFA0] =	vst v13;
	v13 =	vmul.f32 v17, v10;
	v17 =	vld [tilespmem:s28+$0x20]  }
0x322: {  	p1 =	slt.u32 s25, $0x1E;
	[tilespmem:s28+$0xFFFFFFB0] =	vst v14;
	v14 =	vmul.f32 v20, v8;
	v19 =	vld [tilespmem:s28+$0x30]  }
.Ltmp15:
0x323: {  	[tilespmem:s28+$0xFFFFFFC0] =	vst v13;
	v18 =	vmul.f32 v18, v6;
	v13 =	vld [tilespmem:s28+$0x40];
	(pc) =	sbr.rel @p1 .LBB2_18-.Ltmp15, $4  }
0x324: {  	[tilespmem:s28+$0xFFFFFFD0] =	vst v14;
	v15 =	vmul.f32 v15, v7;
	v14 =	vld [tilespmem:s28+$0x50]  }
0x325: {  	[tilespmem:s28+$0xFFFFFFE0] =	vst v18;
	v20 =	vmul.f32 v16, v9;
	v16 =	vld [tilespmem:s28+$0x60]  }
0x326: {  	[tilespmem:s28+$0x0] =	vst v15;
	v18 =	vmul.f32 v17, v11;
	v17 =	vld [tilespmem:s28+$0x70]  }
0x327: {  	s28 =	sadd.s32 $0x100, s28;
	v15 =	vld [tilespmem:s6+$0xFFFFFFF0];
	[tilespmem:s6+$0x10] =	vst v20;
	v19 =	vmul.f32 v19, v12  }
0x328: {  	[tilespmem:s6+$0x20] =	vst v18;
	v13 =	vmul.f32 v13, v10  }
0x329: {  	[tilespmem:s6+$0x30] =	vst v19;
	v14 =	vmul.f32 v14, v8  }
0x32a: {  	[tilespmem:s6+$0x40] =	vst v13;
	v13 =	vmul.f32 v16, v6  }
0x32b: {  	[tilespmem:s6+$0x50] =	vst v14;
	v14 =	vmul.f32 v17, v5  }
0x32c: {  	v15 =	vmul.f32 v15, v5;
	[tilespmem:s6+$0x60] =	vst v13  }
0x32d: {  	[tilespmem:s6+$0x70] =	vst v14  }
0x32e: {  	s22 =	rddreg [dreg:$0x8];
	[tilespmem:s6+$0xFFFFFFF0] =	vst v15  }
0x32f: {  	[hbm4b:s22+s3] =	stream.linear.scatter [tilespmem:s10], [sflag:$0x7], $0x1000, $0x38;
	[tilespmem:$0x1FF80] =	vst v63  }
0x330: {  	_ =	swait.ge [sflag:s9], $0x1000  }
0x331: {  	[sflag:s9] =	ssyncset.done $0x0  }
0x332: {  	s25 =	rddreg [dreg:$0x12];
	[sflag:s9] =	ssyncadd.s32 $0xFFFFF000  }
0x333: {  	[tilespmem:s10], [sflag:$0x7] =	stream.linear.gather [spmem:s25], $0x1000, $0x38;
	[tilespmem:$0x1FF80] =	vst v63  }
0x334: {  	_ =	swait.ge [sflag:s9], $0x1000  }
0x335: {  	[sflag:s9] =	ssyncset.done $0x0  }
0x336: {  	s6 =	simm.s32 $0x1DF80;
	[sflag:s9] =	ssyncadd.s32 $0xFFFFF000  }
0x337: {  	v13 =	vld [tilespmem:s6+$0xFFFFFF80]  }
0x338: {  	v14 =	vld [tilespmem:s6+$0xFFFFFF90]  }
0x339: {  	v15 =	vld [tilespmem:s6+$0xFFFFFFA0]  }
0x33a: {  	v16 =	vld [tilespmem:s6+$0xFFFFFFB0]  }
0x33b: {  	v17 =	vld [tilespmem:s6+$0xFFFFFFC0]  }
0x33c: {  	v18 =	vld [tilespmem:s6+$0xFFFFFFD0];
	v13 =	vmul.f32 v13, v7  }
0x33d: {  	v19 =	vld [tilespmem:s6+$0xFFFFFFE0];
	v14 =	vmul.f32 v14, v9  }
0x33e: {  	[tilespmem:s6+$0xFFFFFF80] =	vst v13;
	v13 =	vmul.f32 v15, v11;
	v15 =	vld [tilespmem:s6+$0x0]  }
0x33f: {  	[tilespmem:s6+$0xFFFFFF90] =	vst v14;
	v14 =	vmul.f32 v16, v12;
	v16 =	vld [tilespmem:s6+$0x10]  }
0x340: {  	[tilespmem:s6+$0xFFFFFFA0] =	vst v13;
	v13 =	vmul.f32 v17, v10;
	v17 =	vld [tilespmem:s6+$0x20]  }
0x341: {  	v20 =	vld [tilespmem:s6+$0x30];
	[tilespmem:s6+$0xFFFFFFB0] =	vst v14;
	v14 =	vmul.f32 v18, v8  }
0x342: {  	v18 =	vmul.f32 v19, v6;
	[tilespmem:s6+$0xFFFFFFC0] =	vst v13;
	v13 =	vld [tilespmem:s6+$0x40]  }
0x343: {  	[tilespmem:s6+$0xFFFFFFD0] =	vst v14;
	v14 =	vld [tilespmem:s6+$0x50];
	v15 =	vmul.f32 v15, v7  }
0x344: {  	[tilespmem:s6+$0xFFFFFFE0] =	vst v18;
	v19 =	vmul.f32 v16, v9;
	v16 =	vld [tilespmem:s6+$0x60]  }
0x345: {  	[tilespmem:s6+$0x0] =	vst v15;
	v18 =	vmul.f32 v17, v11;
	v17 =	vld [tilespmem:s6+$0x70]  }
0x346: {  	s28 =	simm.s32 $0x1E080;
	s25 =	simm.s32 $0x0;
	v15 =	vld [tilespmem:s6+$0xFFFFFFF0];
	[tilespmem:s6+$0x10] =	vst v19;
	v19 =	vmul.f32 v20, v12  }
.LBB2_20:
0x347: {  	v20 =	vld [tilespmem:s28+$0xFFFFFF80];
	[tilespmem:s6+$0x20] =	vst v18;
	v13 =	vmul.f32 v13, v10  }
0x348: {  	v18 =	vld [tilespmem:s28+$0xFFFFFF90];
	[tilespmem:s6+$0x30] =	vst v19;
	v14 =	vmul.f32 v14, v8  }
0x349: {  	v19 =	vld [tilespmem:s28+$0xFFFFFFA0];
	[tilespmem:s6+$0x40] =	vst v13;
	v13 =	vmul.f32 v16, v6  }
0x34a: {  	v16 =	vld [tilespmem:s28+$0xFFFFFFB0];
	[tilespmem:s6+$0x50] =	vst v14;
	v14 =	vmul.f32 v17, v5  }
0x34b: {  	v17 =	vld [tilespmem:s28+$0xFFFFFFC0];
	v15 =	vmul.f32 v15, v5;
	[tilespmem:s6+$0x60] =	vst v13  }
0x34c: {  	v13 =	vmul.f32 v20, v7;
	v20 =	vld [tilespmem:s28+$0xFFFFFFD0];
	[tilespmem:s6+$0x70] =	vst v14  }
0x34d: {  	v14 =	vmul.f32 v18, v9;
	v18 =	vld [tilespmem:s28+$0xFFFFFFE0];
	[tilespmem:s6+$0xFFFFFFF0] =	vst v15;
	s6 =	smov.u32 s28  }
0x34e: {  	[tilespmem:s28+$0xFFFFFF80] =	vst v13;
	v13 =	vmul.f32 v19, v11;
	v15 =	vld [tilespmem:s28+$0x0]  }
0x34f: {  	[tilespmem:s28+$0xFFFFFF90] =	vst v14;
	v14 =	vmul.f32 v16, v12;
	v16 =	vld [tilespmem:s28+$0x10]  }
0x350: {  	s25 =	sadd.s32 $0x2, s25;
	[tilespmem:s28+$0xFFFFFFA0] =	vst v13;
	v13 =	vmul.f32 v17, v10;
	v17 =	vld [tilespmem:s28+$0x20]  }
0x351: {  	p1 =	slt.u32 s25, $0x1E;
	[tilespmem:s28+$0xFFFFFFB0] =	vst v14;
	v14 =	vmul.f32 v20, v8;
	v19 =	vld [tilespmem:s28+$0x30]  }
.Ltmp16:
0x352: {  	[tilespmem:s28+$0xFFFFFFC0] =	vst v13;
	v18 =	vmul.f32 v18, v6;
	v13 =	vld [tilespmem:s28+$0x40];
	(pc) =	sbr.rel @p1 .LBB2_20-.Ltmp16, $4  }
0x353: {  	[tilespmem:s28+$0xFFFFFFD0] =	vst v14;
	v15 =	vmul.f32 v15, v7;
	v14 =	vld [tilespmem:s28+$0x50]  }
0x354: {  	[tilespmem:s28+$0xFFFFFFE0] =	vst v18;
	v20 =	vmul.f32 v16, v9;
	v16 =	vld [tilespmem:s28+$0x60]  }
0x355: {  	[tilespmem:s28+$0x0] =	vst v15;
	v18 =	vmul.f32 v17, v11;
	v17 =	vld [tilespmem:s28+$0x70]  }
0x356: {  	s28 =	sadd.s32 $0x100, s28;
	v15 =	vld [tilespmem:s6+$0xFFFFFFF0];
	[tilespmem:s6+$0x10] =	vst v20;
	v19 =	vmul.f32 v19, v12  }
0x357: {  	[tilespmem:s6+$0x20] =	vst v18;
	v13 =	vmul.f32 v13, v10  }
0x358: {  	[tilespmem:s6+$0x30] =	vst v19;
	v14 =	vmul.f32 v14, v8  }
0x359: {  	[tilespmem:s6+$0x40] =	vst v13;
	v13 =	vmul.f32 v16, v6  }
0x35a: {  	[tilespmem:s6+$0x50] =	vst v14;
	v14 =	vmul.f32 v17, v5  }
0x35b: {  	v15 =	vmul.f32 v15, v5;
	[tilespmem:s6+$0x60] =	vst v13  }
0x35c: {  	[tilespmem:s6+$0x70] =	vst v14  }
0x35d: {  	s22 =	rddreg [dreg:$0x9];
	[tilespmem:s6+$0xFFFFFFF0] =	vst v15  }
0x35e: {  	[hbm4b:s22+s3] =	stream.linear.scatter [tilespmem:s10], [sflag:$0x7], $0x1000, $0x38;
	[tilespmem:$0x1FF80] =	vst v63  }
0x35f: {  	_ =	swait.ge [sflag:s9], $0x1000  }
0x360: {  	[sflag:s9] =	ssyncset.done $0x0  }
0x361: {  	s25 =	rddreg [dreg:$0x13];
	[sflag:s9] =	ssyncadd.s32 $0xFFFFF000  }
0x362: {  	[tilespmem:s10], [sflag:$0x7] =	stream.linear.gather [spmem:s25], $0x1000, $0x38;
	[tilespmem:$0x1FF80] =	vst v63  }
0x363: {  	_ =	swait.ge [sflag:s9], $0x1000  }
0x364: {  	[sflag:s9] =	ssyncset.done $0x0  }
0x365: {  	s6 =	simm.s32 $0x1DF80;
	[sflag:s9] =	ssyncadd.s32 $0xFFFFF000  }
0x366: {  	v13 =	vld [tilespmem:s6+$0xFFFFFF80]  }
0x367: {  	v14 =	vld [tilespmem:s6+$0xFFFFFF90]  }
0x368: {  	v15 =	vld [tilespmem:s6+$0xFFFFFFA0]  }
0x369: {  	v16 =	vld [tilespmem:s6+$0xFFFFFFB0]  }
0x36a: {  	v17 =	vld [tilespmem:s6+$0xFFFFFFC0]  }
0x36b: {  	v18 =	vld [tilespmem:s6+$0xFFFFFFD0];
	v13 =	vmul.f32 v13, v7  }
0x36c: {  	v19 =	vld [tilespmem:s6+$0xFFFFFFE0];
	v14 =	vmul.f32 v14, v9  }
0x36d: {  	[tilespmem:s6+$0xFFFFFF80] =	vst v13;
	v13 =	vmul.f32 v15, v11;
	v15 =	vld [tilespmem:s6+$0x0]  }
0x36e: {  	[tilespmem:s6+$0xFFFFFF90] =	vst v14;
	v14 =	vmul.f32 v16, v12;
	v16 =	vld [tilespmem:s6+$0x10]  }
0x36f: {  	[tilespmem:s6+$0xFFFFFFA0] =	vst v13;
	v13 =	vmul.f32 v17, v10;
	v17 =	vld [tilespmem:s6+$0x20]  }
0x370: {  	v20 =	vld [tilespmem:s6+$0x30];
	[tilespmem:s6+$0xFFFFFFB0] =	vst v14;
	v14 =	vmul.f32 v18, v8  }
0x371: {  	v18 =	vmul.f32 v19, v6;
	[tilespmem:s6+$0xFFFFFFC0] =	vst v13;
	v13 =	vld [tilespmem:s6+$0x40]  }
0x372: {  	[tilespmem:s6+$0xFFFFFFD0] =	vst v14;
	v14 =	vld [tilespmem:s6+$0x50];
	v15 =	vmul.f32 v15, v7  }
0x373: {  	[tilespmem:s6+$0xFFFFFFE0] =	vst v18;
	v19 =	vmul.f32 v16, v9;
	v16 =	vld [tilespmem:s6+$0x60]  }
0x374: {  	[tilespmem:s6+$0x0] =	vst v15;
	v18 =	vmul.f32 v17, v11;
	v17 =	vld [tilespmem:s6+$0x70]  }
0x375: {  	s28 =	simm.s32 $0x1E080;
	s25 =	simm.s32 $0x0;
	v15 =	vld [tilespmem:s6+$0xFFFFFFF0];
	[tilespmem:s6+$0x10] =	vst v19;
	v19 =	vmul.f32 v20, v12  }
.LBB2_22:
0x376: {  	v20 =	vld [tilespmem:s28+$0xFFFFFF80];
	[tilespmem:s6+$0x20] =	vst v18;
	v13 =	vmul.f32 v13, v10  }
0x377: {  	v18 =	vld [tilespmem:s28+$0xFFFFFF90];
	[tilespmem:s6+$0x30] =	vst v19;
	v14 =	vmul.f32 v14, v8  }
0x378: {  	v19 =	vld [tilespmem:s28+$0xFFFFFFA0];
	[tilespmem:s6+$0x40] =	vst v13;
	v13 =	vmul.f32 v16, v6  }
0x379: {  	v16 =	vld [tilespmem:s28+$0xFFFFFFB0];
	[tilespmem:s6+$0x50] =	vst v14;
	v14 =	vmul.f32 v17, v5  }
0x37a: {  	v17 =	vld [tilespmem:s28+$0xFFFFFFC0];
	v15 =	vmul.f32 v15, v5;
	[tilespmem:s6+$0x60] =	vst v13  }
0x37b: {  	v13 =	vmul.f32 v20, v7;
	v20 =	vld [tilespmem:s28+$0xFFFFFFD0];
	[tilespmem:s6+$0x70] =	vst v14  }
0x37c: {  	v14 =	vmul.f32 v18, v9;
	v18 =	vld [tilespmem:s28+$0xFFFFFFE0];
	[tilespmem:s6+$0xFFFFFFF0] =	vst v15;
	s6 =	smov.u32 s28  }
0x37d: {  	[tilespmem:s28+$0xFFFFFF80] =	vst v13;
	v13 =	vmul.f32 v19, v11;
	v15 =	vld [tilespmem:s28+$0x0]  }
0x37e: {  	[tilespmem:s28+$0xFFFFFF90] =	vst v14;
	v14 =	vmul.f32 v16, v12;
	v16 =	vld [tilespmem:s28+$0x10]  }
0x37f: {  	s25 =	sadd.s32 $0x2, s25;
	[tilespmem:s28+$0xFFFFFFA0] =	vst v13;
	v13 =	vmul.f32 v17, v10;
	v17 =	vld [tilespmem:s28+$0x20]  }
0x380: {  	p1 =	slt.u32 s25, $0x1E;
	[tilespmem:s28+$0xFFFFFFB0] =	vst v14;
	v14 =	vmul.f32 v20, v8;
	v19 =	vld [tilespmem:s28+$0x30]  }
.Ltmp17:
0x381: {  	[tilespmem:s28+$0xFFFFFFC0] =	vst v13;
	v18 =	vmul.f32 v18, v6;
	v13 =	vld [tilespmem:s28+$0x40];
	(pc) =	sbr.rel @p1 .LBB2_22-.Ltmp17, $4  }
0x382: {  	[tilespmem:s28+$0xFFFFFFD0] =	vst v14;
	v15 =	vmul.f32 v15, v7;
	v14 =	vld [tilespmem:s28+$0x50]  }
0x383: {  	[tilespmem:s28+$0xFFFFFFE0] =	vst v18;
	v20 =	vmul.f32 v16, v9;
	v16 =	vld [tilespmem:s28+$0x60]  }
0x384: {  	[tilespmem:s28+$0x0] =	vst v15;
	v18 =	vmul.f32 v17, v11;
	v17 =	vld [tilespmem:s28+$0x70]  }
0x385: {  	s28 =	sadd.s32 $0x100, s28;
	v15 =	vld [tilespmem:s6+$0xFFFFFFF0];
	[tilespmem:s6+$0x10] =	vst v20;
	v19 =	vmul.f32 v19, v12  }
0x386: {  	[tilespmem:s6+$0x20] =	vst v18;
	v13 =	vmul.f32 v13, v10  }
0x387: {  	[tilespmem:s6+$0x30] =	vst v19;
	v14 =	vmul.f32 v14, v8  }
0x388: {  	[tilespmem:s6+$0x40] =	vst v13;
	v13 =	vmul.f32 v16, v6  }
0x389: {  	[tilespmem:s6+$0x50] =	vst v14;
	v14 =	vmul.f32 v17, v5  }
0x38a: {  	v15 =	vmul.f32 v15, v5;
	[tilespmem:s6+$0x60] =	vst v13  }
0x38b: {  	[tilespmem:s6+$0x70] =	vst v14  }
0x38c: {  	s22 =	rddreg [dreg:$0xa];
	[tilespmem:s6+$0xFFFFFFF0] =	vst v15  }
0x38d: {  	[hbm4b:s22+s3] =	stream.linear.scatter [tilespmem:s10], [sflag:$0x7], $0x1000, $0x38;
	[tilespmem:$0x1FF80] =	vst v63  }
0x38e: {  	_ =	swait.ge [sflag:s9], $0x1000  }
0x38f: {  	[sflag:s9] =	ssyncset.done $0x0  }
0x390: {  	s25 =	rddreg [dreg:$0x14];
	[sflag:s9] =	ssyncadd.s32 $0xFFFFF000  }
0x391: {  	[tilespmem:s10], [sflag:$0x7] =	stream.linear.gather [spmem:s25], $0x1000, $0x38;
	[tilespmem:$0x1FF80] =	vst v63  }
0x392: {  	_ =	swait.ge [sflag:s9], $0x1000  }
0x393: {  	[sflag:s9] =	ssyncset.done $0x0  }
0x394: {  	s6 =	simm.s32 $0x1DF80;
	[sflag:s9] =	ssyncadd.s32 $0xFFFFF000  }
0x395: {  	v13 =	vld [tilespmem:s6+$0xFFFFFF80]  }
0x396: {  	v14 =	vld [tilespmem:s6+$0xFFFFFF90]  }
0x397: {  	v15 =	vld [tilespmem:s6+$0xFFFFFFA0]  }
0x398: {  	v16 =	vld [tilespmem:s6+$0xFFFFFFB0]  }
0x399: {  	v17 =	vld [tilespmem:s6+$0xFFFFFFC0]  }
0x39a: {  	v18 =	vld [tilespmem:s6+$0xFFFFFFD0];
	v13 =	vmul.f32 v13, v7  }
0x39b: {  	v19 =	vld [tilespmem:s6+$0xFFFFFFE0];
	v14 =	vmul.f32 v14, v9  }
0x39c: {  	[tilespmem:s6+$0xFFFFFF80] =	vst v13;
	v13 =	vmul.f32 v15, v11;
	v15 =	vld [tilespmem:s6+$0x0]  }
0x39d: {  	[tilespmem:s6+$0xFFFFFF90] =	vst v14;
	v14 =	vmul.f32 v16, v12;
	v16 =	vld [tilespmem:s6+$0x10]  }
0x39e: {  	[tilespmem:s6+$0xFFFFFFA0] =	vst v13;
	v13 =	vmul.f32 v17, v10;
	v17 =	vld [tilespmem:s6+$0x20]  }
0x39f: {  	v20 =	vld [tilespmem:s6+$0x30];
	[tilespmem:s6+$0xFFFFFFB0] =	vst v14;
	v14 =	vmul.f32 v18, v8  }
0x3a0: {  	v18 =	vmul.f32 v19, v6;
	[tilespmem:s6+$0xFFFFFFC0] =	vst v13;
	v13 =	vld [tilespmem:s6+$0x40]  }
0x3a1: {  	[tilespmem:s6+$0xFFFFFFD0] =	vst v14;
	v14 =	vld [tilespmem:s6+$0x50];
	v15 =	vmul.f32 v15, v7  }
0x3a2: {  	[tilespmem:s6+$0xFFFFFFE0] =	vst v18;
	v19 =	vmul.f32 v16, v9;
	v16 =	vld [tilespmem:s6+$0x60]  }
0x3a3: {  	[tilespmem:s6+$0x0] =	vst v15;
	v18 =	vmul.f32 v17, v11;
	v17 =	vld [tilespmem:s6+$0x70]  }
0x3a4: {  	s28 =	simm.s32 $0x1E080;
	s25 =	simm.s32 $0x0;
	v15 =	vld [tilespmem:s6+$0xFFFFFFF0];
	[tilespmem:s6+$0x10] =	vst v19;
	v19 =	vmul.f32 v20, v12  }
.LBB2_24:
0x3a5: {  	v20 =	vld [tilespmem:s28+$0xFFFFFF80];
	[tilespmem:s6+$0x20] =	vst v18;
	v13 =	vmul.f32 v13, v10  }
0x3a6: {  	v18 =	vld [tilespmem:s28+$0xFFFFFF90];
	[tilespmem:s6+$0x30] =	vst v19;
	v14 =	vmul.f32 v14, v8  }
0x3a7: {  	v19 =	vld [tilespmem:s28+$0xFFFFFFA0];
	[tilespmem:s6+$0x40] =	vst v13;
	v13 =	vmul.f32 v16, v6  }
0x3a8: {  	v16 =	vld [tilespmem:s28+$0xFFFFFFB0];
	[tilespmem:s6+$0x50] =	vst v14;
	v14 =	vmul.f32 v17, v5  }
0x3a9: {  	v17 =	vld [tilespmem:s28+$0xFFFFFFC0];
	v15 =	vmul.f32 v15, v5;
	[tilespmem:s6+$0x60] =	vst v13  }
0x3aa: {  	v13 =	vmul.f32 v20, v7;
	v20 =	vld [tilespmem:s28+$0xFFFFFFD0];
	[tilespmem:s6+$0x70] =	vst v14  }
0x3ab: {  	v14 =	vmul.f32 v18, v9;
	v18 =	vld [tilespmem:s28+$0xFFFFFFE0];
	[tilespmem:s6+$0xFFFFFFF0] =	vst v15;
	s6 =	smov.u32 s28  }
0x3ac: {  	[tilespmem:s28+$0xFFFFFF80] =	vst v13;
	v13 =	vmul.f32 v19, v11;
	v15 =	vld [tilespmem:s28+$0x0]  }
0x3ad: {  	[tilespmem:s28+$0xFFFFFF90] =	vst v14;
	v14 =	vmul.f32 v16, v12;
	v16 =	vld [tilespmem:s28+$0x10]  }
0x3ae: {  	s25 =	sadd.s32 $0x2, s25;
	[tilespmem:s28+$0xFFFFFFA0] =	vst v13;
	v13 =	vmul.f32 v17, v10;
	v17 =	vld [tilespmem:s28+$0x20]  }
0x3af: {  	p1 =	slt.u32 s25, $0x1E;
	[tilespmem:s28+$0xFFFFFFB0] =	vst v14;
	v14 =	vmul.f32 v20, v8;
	v19 =	vld [tilespmem:s28+$0x30]  }
.Ltmp18:
0x3b0: {  	[tilespmem:s28+$0xFFFFFFC0] =	vst v13;
	v18 =	vmul.f32 v18, v6;
	v13 =	vld [tilespmem:s28+$0x40];
	(pc) =	sbr.rel @p1 .LBB2_24-.Ltmp18, $4  }
0x3b1: {  	[tilespmem:s28+$0xFFFFFFD0] =	vst v14;
	v15 =	vmul.f32 v15, v7;
	v14 =	vld [tilespmem:s28+$0x50]  }
0x3b2: {  	[tilespmem:s28+$0xFFFFFFE0] =	vst v18;
	v20 =	vmul.f32 v16, v9;
	v16 =	vld [tilespmem:s28+$0x60]  }
0x3b3: {  	[tilespmem:s28+$0x0] =	vst v15;
	v18 =	vmul.f32 v17, v11;
	v17 =	vld [tilespmem:s28+$0x70]  }
0x3b4: {  	s28 =	sadd.s32 $0x100, s28;
	v15 =	vld [tilespmem:s6+$0xFFFFFFF0];
	[tilespmem:s6+$0x10] =	vst v20;
	v19 =	vmul.f32 v19, v12  }
0x3b5: {  	[tilespmem:s6+$0x20] =	vst v18;
	v13 =	vmul.f32 v13, v10  }
0x3b6: {  	[tilespmem:s6+$0x30] =	vst v19;
	v14 =	vmul.f32 v14, v8  }
0x3b7: {  	[tilespmem:s6+$0x40] =	vst v13;
	v13 =	vmul.f32 v16, v6  }
0x3b8: {  	[tilespmem:s6+$0x50] =	vst v14;
	v14 =	vmul.f32 v17, v5  }
0x3b9: {  	v15 =	vmul.f32 v15, v5;
	[tilespmem:s6+$0x60] =	vst v13  }
0x3ba: {  	[tilespmem:s6+$0x70] =	vst v14  }
0x3bb: {  	s22 =	rddreg [dreg:$0xb];
	[tilespmem:s6+$0xFFFFFFF0] =	vst v15  }
0x3bc: {  	[hbm4b:s22+s3] =	stream.linear.scatter [tilespmem:s10], [sflag:$0x7], $0x1000, $0x38;
	[tilespmem:$0x1FF80] =	vst v63  }
0x3bd: {  	_ =	swait.ge [sflag:s9], $0x1000  }
0x3be: {  	[sflag:s9] =	ssyncset.done $0x0  }
0x3bf: {  	s25 =	rddreg [dreg:$0x15];
	[sflag:s9] =	ssyncadd.s32 $0xFFFFF000  }
0x3c0: {  	[tilespmem:s10], [sflag:$0x7] =	stream.linear.gather [spmem:s25], $0x1000, $0x38;
	[tilespmem:$0x1FF80] =	vst v63  }
0x3c1: {  	_ =	swait.ge [sflag:s9], $0x1000  }
0x3c2: {  	[sflag:s9] =	ssyncset.done $0x0  }
0x3c3: {  	s6 =	simm.s32 $0x1DF80;
	[sflag:s9] =	ssyncadd.s32 $0xFFFFF000  }
0x3c4: {  	v13 =	vld [tilespmem:s6+$0xFFFFFF80]  }
0x3c5: {  	v14 =	vld [tilespmem:s6+$0xFFFFFF90]  }
0x3c6: {  	v15 =	vld [tilespmem:s6+$0xFFFFFFA0]  }
0x3c7: {  	v16 =	vld [tilespmem:s6+$0xFFFFFFB0]  }
0x3c8: {  	v17 =	vld [tilespmem:s6+$0xFFFFFFC0]  }
0x3c9: {  	v18 =	vld [tilespmem:s6+$0xFFFFFFD0];
	v13 =	vmul.f32 v13, v7  }
0x3ca: {  	v19 =	vld [tilespmem:s6+$0xFFFFFFE0];
	v14 =	vmul.f32 v14, v9  }
0x3cb: {  	[tilespmem:s6+$0xFFFFFF80] =	vst v13;
	v13 =	vmul.f32 v15, v11;
	v15 =	vld [tilespmem:s6+$0x0]  }
0x3cc: {  	[tilespmem:s6+$0xFFFFFF90] =	vst v14;
	v14 =	vmul.f32 v16, v12;
	v16 =	vld [tilespmem:s6+$0x10]  }
0x3cd: {  	[tilespmem:s6+$0xFFFFFFA0] =	vst v13;
	v13 =	vmul.f32 v17, v10;
	v17 =	vld [tilespmem:s6+$0x20]  }
0x3ce: {  	v20 =	vld [tilespmem:s6+$0x30];
	[tilespmem:s6+$0xFFFFFFB0] =	vst v14;
	v14 =	vmul.f32 v18, v8  }
0x3cf: {  	v18 =	vmul.f32 v19, v6;
	[tilespmem:s6+$0xFFFFFFC0] =	vst v13;
	v13 =	vld [tilespmem:s6+$0x40]  }
0x3d0: {  	[tilespmem:s6+$0xFFFFFFD0] =	vst v14;
	v14 =	vld [tilespmem:s6+$0x50];
	v15 =	vmul.f32 v15, v7  }
0x3d1: {  	[tilespmem:s6+$0xFFFFFFE0] =	vst v18;
	v19 =	vmul.f32 v16, v9;
	v16 =	vld [tilespmem:s6+$0x60]  }
0x3d2: {  	[tilespmem:s6+$0x0] =	vst v15;
	v18 =	vmul.f32 v17, v11;
	v17 =	vld [tilespmem:s6+$0x70]  }
0x3d3: {  	s28 =	simm.s32 $0x1E080;
	s25 =	simm.s32 $0x0;
	v15 =	vld [tilespmem:s6+$0xFFFFFFF0];
	[tilespmem:s6+$0x10] =	vst v19;
	v19 =	vmul.f32 v20, v12  }
.LBB2_26:
0x3d4: {  	v20 =	vld [tilespmem:s28+$0xFFFFFF80];
	[tilespmem:s6+$0x20] =	vst v18;
	v13 =	vmul.f32 v13, v10  }
0x3d5: {  	v18 =	vld [tilespmem:s28+$0xFFFFFF90];
	[tilespmem:s6+$0x30] =	vst v19;
	v14 =	vmul.f32 v14, v8  }
0x3d6: {  	v19 =	vld [tilespmem:s28+$0xFFFFFFA0];
	[tilespmem:s6+$0x40] =	vst v13;
	v13 =	vmul.f32 v16, v6  }
0x3d7: {  	v16 =	vld [tilespmem:s28+$0xFFFFFFB0];
	[tilespmem:s6+$0x50] =	vst v14;
	v14 =	vmul.f32 v17, v5  }
0x3d8: {  	v17 =	vld [tilespmem:s28+$0xFFFFFFC0];
	v15 =	vmul.f32 v15, v5;
	[tilespmem:s6+$0x60] =	vst v13  }
0x3d9: {  	v13 =	vmul.f32 v20, v7;
	v20 =	vld [tilespmem:s28+$0xFFFFFFD0];
	[tilespmem:s6+$0x70] =	vst v14  }
0x3da: {  	v14 =	vmul.f32 v18, v9;
	v18 =	vld [tilespmem:s28+$0xFFFFFFE0];
	[tilespmem:s6+$0xFFFFFFF0] =	vst v15;
	s6 =	smov.u32 s28  }
0x3db: {  	[tilespmem:s28+$0xFFFFFF80] =	vst v13;
	v13 =	vmul.f32 v19, v11;
	v15 =	vld [tilespmem:s28+$0x0]  }
0x3dc: {  	[tilespmem:s28+$0xFFFFFF90] =	vst v14;
	v14 =	vmul.f32 v16, v12;
	v16 =	vld [tilespmem:s28+$0x10]  }
0x3dd: {  	s25 =	sadd.s32 $0x2, s25;
	[tilespmem:s28+$0xFFFFFFA0] =	vst v13;
	v13 =	vmul.f32 v17, v10;
	v17 =	vld [tilespmem:s28+$0x20]  }
0x3de: {  	p1 =	slt.u32 s25, $0x1E;
	[tilespmem:s28+$0xFFFFFFB0] =	vst v14;
	v14 =	vmul.f32 v20, v8;
	v19 =	vld [tilespmem:s28+$0x30]  }
.Ltmp19:
0x3df: {  	[tilespmem:s28+$0xFFFFFFC0] =	vst v13;
	v18 =	vmul.f32 v18, v6;
	v13 =	vld [tilespmem:s28+$0x40];
	(pc) =	sbr.rel @p1 .LBB2_26-.Ltmp19, $4  }
0x3e0: {  	[tilespmem:s28+$0xFFFFFFD0] =	vst v14;
	v15 =	vmul.f32 v15, v7;
	v14 =	vld [tilespmem:s28+$0x50]  }
0x3e1: {  	[tilespmem:s28+$0xFFFFFFE0] =	vst v18;
	v20 =	vmul.f32 v16, v9;
	v16 =	vld [tilespmem:s28+$0x60]  }
0x3e2: {  	[tilespmem:s28+$0x0] =	vst v15;
	v18 =	vmul.f32 v17, v11;
	v17 =	vld [tilespmem:s28+$0x70]  }
0x3e3: {  	s28 =	sadd.s32 $0x100, s28;
	v15 =	vld [tilespmem:s6+$0xFFFFFFF0];
	[tilespmem:s6+$0x10] =	vst v20;
	v19 =	vmul.f32 v19, v12  }
0x3e4: {  	[tilespmem:s6+$0x20] =	vst v18;
	v13 =	vmul.f32 v13, v10  }
0x3e5: {  	[tilespmem:s6+$0x30] =	vst v19;
	v14 =	vmul.f32 v14, v8  }
0x3e6: {  	[tilespmem:s6+$0x40] =	vst v13;
	v13 =	vmul.f32 v16, v6  }
0x3e7: {  	[tilespmem:s6+$0x50] =	vst v14;
	v14 =	vmul.f32 v17, v5  }
0x3e8: {  	v15 =	vmul.f32 v15, v5;
	[tilespmem:s6+$0x60] =	vst v13  }
0x3e9: {  	[tilespmem:s6+$0x70] =	vst v14  }
0x3ea: {  	s22 =	rddreg [dreg:$0xc];
	[tilespmem:s6+$0xFFFFFFF0] =	vst v15  }
0x3eb: {  	[hbm4b:s22+s3] =	stream.linear.scatter [tilespmem:s10], [sflag:$0x7], $0x1000, $0x38;
	[tilespmem:$0x1FF80] =	vst v63  }
0x3ec: {  	_ =	swait.ge [sflag:s9], $0x1000  }
0x3ed: {  	[sflag:s9] =	ssyncset.done $0x0  }
0x3ee: {  	s25 =	rddreg [dreg:$0x16];
	[sflag:s9] =	ssyncadd.s32 $0xFFFFF000  }
0x3ef: {  	[tilespmem:s10], [sflag:$0x7] =	stream.linear.gather [spmem:s25], $0x1000, $0x38;
	[tilespmem:$0x1FF80] =	vst v63  }
0x3f0: {  	_ =	swait.ge [sflag:s9], $0x1000  }
0x3f1: {  	[sflag:s9] =	ssyncset.done $0x0  }
0x3f2: {  	s6 =	simm.s32 $0x1DF80;
	[sflag:s9] =	ssyncadd.s32 $0xFFFFF000  }
0x3f3: {  	v13 =	vld [tilespmem:s6+$0xFFFFFF80]  }
0x3f4: {  	v14 =	vld [tilespmem:s6+$0xFFFFFF90]  }
0x3f5: {  	v15 =	vld [tilespmem:s6+$0xFFFFFFA0]  }
0x3f6: {  	v16 =	vld [tilespmem:s6+$0xFFFFFFB0]  }
0x3f7: {  	v17 =	vld [tilespmem:s6+$0xFFFFFFC0]  }
0x3f8: {  	v18 =	vld [tilespmem:s6+$0xFFFFFFD0];
	v13 =	vmul.f32 v13, v7  }
0x3f9: {  	v19 =	vld [tilespmem:s6+$0xFFFFFFE0];
	v14 =	vmul.f32 v14, v9  }
0x3fa: {  	[tilespmem:s6+$0xFFFFFF80] =	vst v13;
	v13 =	vmul.f32 v15, v11;
	v15 =	vld [tilespmem:s6+$0x0]  }
0x3fb: {  	[tilespmem:s6+$0xFFFFFF90] =	vst v14;
	v14 =	vmul.f32 v16, v12;
	v16 =	vld [tilespmem:s6+$0x10]  }
0x3fc: {  	[tilespmem:s6+$0xFFFFFFA0] =	vst v13;
	v13 =	vmul.f32 v17, v10;
	v17 =	vld [tilespmem:s6+$0x20]  }
0x3fd: {  	v20 =	vld [tilespmem:s6+$0x30];
	[tilespmem:s6+$0xFFFFFFB0] =	vst v14;
	v14 =	vmul.f32 v18, v8  }
0x3fe: {  	v18 =	vmul.f32 v19, v6;
	[tilespmem:s6+$0xFFFFFFC0] =	vst v13;
	v13 =	vld [tilespmem:s6+$0x40]  }
0x3ff: {  	[tilespmem:s6+$0xFFFFFFD0] =	vst v14;
	v14 =	vld [tilespmem:s6+$0x50];
	v15 =	vmul.f32 v15, v7  }
0x400: {  	[tilespmem:s6+$0xFFFFFFE0] =	vst v18;
	v19 =	vmul.f32 v16, v9;
	v16 =	vld [tilespmem:s6+$0x60]  }
0x401: {  	[tilespmem:s6+$0x0] =	vst v15;
	v18 =	vmul.f32 v17, v11;
	v17 =	vld [tilespmem:s6+$0x70]  }
0x402: {  	s28 =	simm.s32 $0x1E080;
	s25 =	simm.s32 $0x0;
	v15 =	vld [tilespmem:s6+$0xFFFFFFF0];
	[tilespmem:s6+$0x10] =	vst v19;
	v19 =	vmul.f32 v20, v12  }
.LBB2_28:
0x403: {  	v20 =	vld [tilespmem:s28+$0xFFFFFF80];
	[tilespmem:s6+$0x20] =	vst v18;
	v13 =	vmul.f32 v13, v10  }
0x404: {  	v18 =	vld [tilespmem:s28+$0xFFFFFF90];
	[tilespmem:s6+$0x30] =	vst v19;
	v14 =	vmul.f32 v14, v8  }
0x405: {  	v19 =	vld [tilespmem:s28+$0xFFFFFFA0];
	[tilespmem:s6+$0x40] =	vst v13;
	v13 =	vmul.f32 v16, v6  }
0x406: {  	v16 =	vld [tilespmem:s28+$0xFFFFFFB0];
	[tilespmem:s6+$0x50] =	vst v14;
	v14 =	vmul.f32 v17, v5  }
0x407: {  	v17 =	vld [tilespmem:s28+$0xFFFFFFC0];
	v15 =	vmul.f32 v15, v5;
	[tilespmem:s6+$0x60] =	vst v13  }
0x408: {  	v13 =	vmul.f32 v20, v7;
	v20 =	vld [tilespmem:s28+$0xFFFFFFD0];
	[tilespmem:s6+$0x70] =	vst v14  }
0x409: {  	v14 =	vmul.f32 v18, v9;
	v18 =	vld [tilespmem:s28+$0xFFFFFFE0];
	[tilespmem:s6+$0xFFFFFFF0] =	vst v15;
	s6 =	smov.u32 s28  }
0x40a: {  	[tilespmem:s28+$0xFFFFFF80] =	vst v13;
	v13 =	vmul.f32 v19, v11;
	v15 =	vld [tilespmem:s28+$0x0]  }
0x40b: {  	[tilespmem:s28+$0xFFFFFF90] =	vst v14;
	v14 =	vmul.f32 v16, v12;
	v16 =	vld [tilespmem:s28+$0x10]  }
0x40c: {  	s25 =	sadd.s32 $0x2, s25;
	[tilespmem:s28+$0xFFFFFFA0] =	vst v13;
	v13 =	vmul.f32 v17, v10;
	v17 =	vld [tilespmem:s28+$0x20]  }
0x40d: {  	p1 =	slt.u32 s25, $0x1E;
	[tilespmem:s28+$0xFFFFFFB0] =	vst v14;
	v14 =	vmul.f32 v20, v8;
	v19 =	vld [tilespmem:s28+$0x30]  }
.Ltmp20:
0x40e: {  	[tilespmem:s28+$0xFFFFFFC0] =	vst v13;
	v18 =	vmul.f32 v18, v6;
	v13 =	vld [tilespmem:s28+$0x40];
	(pc) =	sbr.rel @p1 .LBB2_28-.Ltmp20, $4  }
0x40f: {  	[tilespmem:s28+$0xFFFFFFD0] =	vst v14;
	v15 =	vmul.f32 v15, v7;
	v14 =	vld [tilespmem:s28+$0x50]  }
0x410: {  	[tilespmem:s28+$0xFFFFFFE0] =	vst v18;
	v20 =	vmul.f32 v16, v9;
	v16 =	vld [tilespmem:s28+$0x60]  }
0x411: {  	[tilespmem:s28+$0x0] =	vst v15;
	v18 =	vmul.f32 v17, v11;
	v17 =	vld [tilespmem:s28+$0x70]  }
0x412: {  	s28 =	sadd.s32 $0x100, s28;
	v15 =	vld [tilespmem:s6+$0xFFFFFFF0];
	[tilespmem:s6+$0x10] =	vst v20;
	v19 =	vmul.f32 v19, v12  }
0x413: {  	[tilespmem:s6+$0x20] =	vst v18;
	v13 =	vmul.f32 v13, v10  }
0x414: {  	[tilespmem:s6+$0x30] =	vst v19;
	v14 =	vmul.f32 v14, v8  }
0x415: {  	[tilespmem:s6+$0x40] =	vst v13;
	v13 =	vmul.f32 v16, v6  }
0x416: {  	[tilespmem:s6+$0x50] =	vst v14;
	v14 =	vmul.f32 v17, v5  }
0x417: {  	v15 =	vmul.f32 v15, v5;
	[tilespmem:s6+$0x60] =	vst v13  }
0x418: {  	[tilespmem:s6+$0x70] =	vst v14  }
0x419: {  	s22 =	rddreg [dreg:$0xd];
	[tilespmem:s6+$0xFFFFFFF0] =	vst v15  }
0x41a: {  	[hbm4b:s22+s3] =	stream.linear.scatter [tilespmem:s10], [sflag:$0x7], $0x1000, $0x38;
	[tilespmem:$0x1FF80] =	vst v63  }
0x41b: {  	_ =	swait.ge [sflag:s9], $0x1000  }
0x41c: {  	[sflag:s9] =	ssyncset.done $0x0  }
0x41d: {  	s25 =	rddreg [dreg:$0x17];
	[sflag:s9] =	ssyncadd.s32 $0xFFFFF000  }
0x41e: {  	[tilespmem:s10], [sflag:$0x7] =	stream.linear.gather [spmem:s25], $0x1000, $0x38;
	[tilespmem:$0x1FF80] =	vst v63  }
0x41f: {  	_ =	swait.ge [sflag:s9], $0x1000  }
0x420: {  	[sflag:s9] =	ssyncset.done $0x0  }
0x421: {  	s6 =	simm.s32 $0x1DF80;
	[sflag:s9] =	ssyncadd.s32 $0xFFFFF000  }
0x422: {  	v13 =	vld [tilespmem:s6+$0xFFFFFF80]  }
0x423: {  	v14 =	vld [tilespmem:s6+$0xFFFFFF90]  }
0x424: {  	v15 =	vld [tilespmem:s6+$0xFFFFFFA0]  }
0x425: {  	v16 =	vld [tilespmem:s6+$0xFFFFFFB0]  }
0x426: {  	v17 =	vld [tilespmem:s6+$0xFFFFFFC0]  }
0x427: {  	v18 =	vld [tilespmem:s6+$0xFFFFFFD0];
	v13 =	vmul.f32 v13, v7  }
0x428: {  	v19 =	vld [tilespmem:s6+$0xFFFFFFE0];
	v14 =	vmul.f32 v14, v9  }
0x429: {  	[tilespmem:s6+$0xFFFFFF80] =	vst v13;
	v13 =	vmul.f32 v15, v11;
	v15 =	vld [tilespmem:s6+$0x0]  }
0x42a: {  	[tilespmem:s6+$0xFFFFFF90] =	vst v14;
	v14 =	vmul.f32 v16, v12;
	v16 =	vld [tilespmem:s6+$0x10]  }
0x42b: {  	[tilespmem:s6+$0xFFFFFFA0] =	vst v13;
	v13 =	vmul.f32 v17, v10;
	v17 =	vld [tilespmem:s6+$0x20]  }
0x42c: {  	v20 =	vld [tilespmem:s6+$0x30];
	[tilespmem:s6+$0xFFFFFFB0] =	vst v14;
	v14 =	vmul.f32 v18, v8  }
0x42d: {  	v18 =	vmul.f32 v19, v6;
	[tilespmem:s6+$0xFFFFFFC0] =	vst v13;
	v13 =	vld [tilespmem:s6+$0x40]  }
0x42e: {  	[tilespmem:s6+$0xFFFFFFD0] =	vst v14;
	v14 =	vld [tilespmem:s6+$0x50];
	v15 =	vmul.f32 v15, v7  }
0x42f: {  	[tilespmem:s6+$0xFFFFFFE0] =	vst v18;
	v19 =	vmul.f32 v16, v9;
	v16 =	vld [tilespmem:s6+$0x60]  }
0x430: {  	[tilespmem:s6+$0x0] =	vst v15;
	v18 =	vmul.f32 v17, v11;
	v17 =	vld [tilespmem:s6+$0x70]  }
0x431: {  	s28 =	simm.s32 $0x1E080;
	s25 =	simm.s32 $0x0;
	v15 =	vld [tilespmem:s6+$0xFFFFFFF0];
	[tilespmem:s6+$0x10] =	vst v19;
	v19 =	vmul.f32 v20, v12  }
.LBB2_30:
0x432: {  	v20 =	vld [tilespmem:s28+$0xFFFFFF80];
	[tilespmem:s6+$0x20] =	vst v18;
	v13 =	vmul.f32 v13, v10  }
0x433: {  	v18 =	vld [tilespmem:s28+$0xFFFFFF90];
	[tilespmem:s6+$0x30] =	vst v19;
	v14 =	vmul.f32 v14, v8  }
0x434: {  	v19 =	vld [tilespmem:s28+$0xFFFFFFA0];
	[tilespmem:s6+$0x40] =	vst v13;
	v13 =	vmul.f32 v16, v6  }
0x435: {  	v16 =	vld [tilespmem:s28+$0xFFFFFFB0];
	[tilespmem:s6+$0x50] =	vst v14;
	v14 =	vmul.f32 v17, v5  }
0x436: {  	v17 =	vld [tilespmem:s28+$0xFFFFFFC0];
	v15 =	vmul.f32 v15, v5;
	[tilespmem:s6+$0x60] =	vst v13  }
0x437: {  	v13 =	vmul.f32 v20, v7;
	v20 =	vld [tilespmem:s28+$0xFFFFFFD0];
	[tilespmem:s6+$0x70] =	vst v14  }
0x438: {  	v14 =	vmul.f32 v18, v9;
	v18 =	vld [tilespmem:s28+$0xFFFFFFE0];
	[tilespmem:s6+$0xFFFFFFF0] =	vst v15;
	s6 =	smov.u32 s28  }
0x439: {  	[tilespmem:s28+$0xFFFFFF80] =	vst v13;
	v13 =	vmul.f32 v19, v11;
	v15 =	vld [tilespmem:s28+$0x0]  }
0x43a: {  	[tilespmem:s28+$0xFFFFFF90] =	vst v14;
	v14 =	vmul.f32 v16, v12;
	v16 =	vld [tilespmem:s28+$0x10]  }
0x43b: {  	s25 =	sadd.s32 $0x2, s25;
	[tilespmem:s28+$0xFFFFFFA0] =	vst v13;
	v13 =	vmul.f32 v17, v10;
	v17 =	vld [tilespmem:s28+$0x20]  }
0x43c: {  	p1 =	slt.u32 s25, $0x1E;
	[tilespmem:s28+$0xFFFFFFB0] =	vst v14;
	v14 =	vmul.f32 v20, v8;
	v19 =	vld [tilespmem:s28+$0x30]  }
.Ltmp21:
0x43d: {  	[tilespmem:s28+$0xFFFFFFC0] =	vst v13;
	v18 =	vmul.f32 v18, v6;
	v13 =	vld [tilespmem:s28+$0x40];
	(pc) =	sbr.rel @p1 .LBB2_30-.Ltmp21, $4  }
0x43e: {  	[tilespmem:s28+$0xFFFFFFD0] =	vst v14;
	v15 =	vmul.f32 v15, v7;
	v14 =	vld [tilespmem:s28+$0x50]  }
0x43f: {  	[tilespmem:s28+$0xFFFFFFE0] =	vst v18;
	v20 =	vmul.f32 v16, v9;
	v16 =	vld [tilespmem:s28+$0x60]  }
0x440: {  	[tilespmem:s28+$0x0] =	vst v15;
	v18 =	vmul.f32 v17, v11;
	v17 =	vld [tilespmem:s28+$0x70]  }
0x441: {  	s28 =	sadd.s32 $0x100, s28;
	v15 =	vld [tilespmem:s6+$0xFFFFFFF0];
	[tilespmem:s6+$0x10] =	vst v20;
	v19 =	vmul.f32 v19, v12  }
0x442: {  	[tilespmem:s6+$0x20] =	vst v18;
	v13 =	vmul.f32 v13, v10  }
0x443: {  	[tilespmem:s6+$0x30] =	vst v19;
	v14 =	vmul.f32 v14, v8  }
0x444: {  	[tilespmem:s6+$0x40] =	vst v13;
	v13 =	vmul.f32 v16, v6  }
0x445: {  	[tilespmem:s6+$0x50] =	vst v14;
	v14 =	vmul.f32 v17, v5  }
0x446: {  	v15 =	vmul.f32 v15, v5;
	[tilespmem:s6+$0x60] =	vst v13  }
0x447: {  	[tilespmem:s6+$0x70] =	vst v14  }
0x448: {  	s22 =	rddreg [dreg:$0xe];
	[tilespmem:s6+$0xFFFFFFF0] =	vst v15  }
0x449: {  	[hbm4b:s22+s3] =	stream.linear.scatter [tilespmem:s10], [sflag:$0x7], $0x1000, $0x38;
	[tilespmem:$0x1FF80] =	vst v63  }
0x44a: {  	_ =	swait.ge [sflag:s9], $0x1000  }
0x44b: {  	[sflag:s9] =	ssyncset.done $0x0  }
0x44c: {  	s25 =	rddreg [dreg:$0x18];
	[sflag:s9] =	ssyncadd.s32 $0xFFFFF000  }
0x44d: {  	[tilespmem:s10], [sflag:$0x7] =	stream.linear.gather [spmem:s25], $0x1000, $0x38;
	[tilespmem:$0x1FF80] =	vst v63  }
0x44e: {  	_ =	swait.ge [sflag:s9], $0x1000  }
0x44f: {  	[sflag:s9] =	ssyncset.done $0x0  }
0x450: {  	s6 =	simm.s32 $0x1DF80;
	[sflag:s9] =	ssyncadd.s32 $0xFFFFF000  }
0x451: {  	v13 =	vld [tilespmem:s6+$0xFFFFFF80]  }
0x452: {  	v14 =	vld [tilespmem:s6+$0xFFFFFF90]  }
0x453: {  	v15 =	vld [tilespmem:s6+$0xFFFFFFA0]  }
0x454: {  	v16 =	vld [tilespmem:s6+$0xFFFFFFB0]  }
0x455: {  	v17 =	vld [tilespmem:s6+$0xFFFFFFC0]  }
0x456: {  	v18 =	vld [tilespmem:s6+$0xFFFFFFD0];
	v13 =	vmul.f32 v13, v7  }
0x457: {  	v19 =	vld [tilespmem:s6+$0xFFFFFFE0];
	v14 =	vmul.f32 v14, v9  }
0x458: {  	[tilespmem:s6+$0xFFFFFF80] =	vst v13;
	v13 =	vmul.f32 v15, v11;
	v15 =	vld [tilespmem:s6+$0x0]  }
0x459: {  	[tilespmem:s6+$0xFFFFFF90] =	vst v14;
	v14 =	vmul.f32 v16, v12;
	v16 =	vld [tilespmem:s6+$0x10]  }
0x45a: {  	[tilespmem:s6+$0xFFFFFFA0] =	vst v13;
	v13 =	vmul.f32 v17, v10;
	v17 =	vld [tilespmem:s6+$0x20]  }
0x45b: {  	v20 =	vld [tilespmem:s6+$0x30];
	[tilespmem:s6+$0xFFFFFFB0] =	vst v14;
	v14 =	vmul.f32 v18, v8  }
0x45c: {  	v18 =	vmul.f32 v19, v6;
	[tilespmem:s6+$0xFFFFFFC0] =	vst v13;
	v13 =	vld [tilespmem:s6+$0x40]  }
0x45d: {  	[tilespmem:s6+$0xFFFFFFD0] =	vst v14;
	v14 =	vld [tilespmem:s6+$0x50];
	v15 =	vmul.f32 v15, v7  }
0x45e: {  	[tilespmem:s6+$0xFFFFFFE0] =	vst v18;
	v19 =	vmul.f32 v16, v9;
	v16 =	vld [tilespmem:s6+$0x60]  }
0x45f: {  	[tilespmem:s6+$0x0] =	vst v15;
	v18 =	vmul.f32 v17, v11;
	v17 =	vld [tilespmem:s6+$0x70]  }
0x460: {  	s28 =	simm.s32 $0x1E080;
	s25 =	simm.s32 $0x0;
	v15 =	vld [tilespmem:s6+$0xFFFFFFF0];
	[tilespmem:s6+$0x10] =	vst v19;
	v19 =	vmul.f32 v20, v12  }
.LBB2_32:
0x461: {  	v20 =	vld [tilespmem:s28+$0xFFFFFF80];
	[tilespmem:s6+$0x20] =	vst v18;
	v13 =	vmul.f32 v13, v10  }
0x462: {  	v18 =	vld [tilespmem:s28+$0xFFFFFF90];
	[tilespmem:s6+$0x30] =	vst v19;
	v14 =	vmul.f32 v14, v8  }
0x463: {  	v19 =	vld [tilespmem:s28+$0xFFFFFFA0];
	[tilespmem:s6+$0x40] =	vst v13;
	v13 =	vmul.f32 v16, v6  }
0x464: {  	v16 =	vld [tilespmem:s28+$0xFFFFFFB0];
	[tilespmem:s6+$0x50] =	vst v14;
	v14 =	vmul.f32 v17, v5  }
0x465: {  	v17 =	vld [tilespmem:s28+$0xFFFFFFC0];
	v15 =	vmul.f32 v15, v5;
	[tilespmem:s6+$0x60] =	vst v13  }
0x466: {  	v13 =	vmul.f32 v20, v7;
	v20 =	vld [tilespmem:s28+$0xFFFFFFD0];
	[tilespmem:s6+$0x70] =	vst v14  }
0x467: {  	v14 =	vmul.f32 v18, v9;
	v18 =	vld [tilespmem:s28+$0xFFFFFFE0];
	[tilespmem:s6+$0xFFFFFFF0] =	vst v15;
	s6 =	smov.u32 s28  }
0x468: {  	[tilespmem:s28+$0xFFFFFF80] =	vst v13;
	v13 =	vmul.f32 v19, v11;
	v15 =	vld [tilespmem:s28+$0x0]  }
0x469: {  	[tilespmem:s28+$0xFFFFFF90] =	vst v14;
	v14 =	vmul.f32 v16, v12;
	v16 =	vld [tilespmem:s28+$0x10]  }
0x46a: {  	s25 =	sadd.s32 $0x2, s25;
	[tilespmem:s28+$0xFFFFFFA0] =	vst v13;
	v13 =	vmul.f32 v17, v10;
	v17 =	vld [tilespmem:s28+$0x20]  }
0x46b: {  	p1 =	slt.u32 s25, $0x1E;
	[tilespmem:s28+$0xFFFFFFB0] =	vst v14;
	v14 =	vmul.f32 v20, v8;
	v19 =	vld [tilespmem:s28+$0x30]  }
.Ltmp22:
0x46c: {  	[tilespmem:s28+$0xFFFFFFC0] =	vst v13;
	v18 =	vmul.f32 v18, v6;
	v13 =	vld [tilespmem:s28+$0x40];
	(pc) =	sbr.rel @p1 .LBB2_32-.Ltmp22, $4  }
0x46d: {  	[tilespmem:s28+$0xFFFFFFD0] =	vst v14;
	v15 =	vmul.f32 v15, v7;
	v14 =	vld [tilespmem:s28+$0x50]  }
0x46e: {  	[tilespmem:s28+$0xFFFFFFE0] =	vst v18;
	v20 =	vmul.f32 v16, v9;
	v16 =	vld [tilespmem:s28+$0x60]  }
0x46f: {  	[tilespmem:s28+$0x0] =	vst v15;
	v18 =	vmul.f32 v17, v11;
	v17 =	vld [tilespmem:s28+$0x70]  }
0x470: {  	s28 =	sadd.s32 $0x100, s28;
	v15 =	vld [tilespmem:s6+$0xFFFFFFF0];
	[tilespmem:s6+$0x10] =	vst v20;
	v19 =	vmul.f32 v19, v12  }
0x471: {  	[tilespmem:s6+$0x20] =	vst v18;
	v13 =	vmul.f32 v13, v10  }
0x472: {  	[tilespmem:s6+$0x30] =	vst v19;
	v14 =	vmul.f32 v14, v8  }
0x473: {  	[tilespmem:s6+$0x40] =	vst v13;
	v13 =	vmul.f32 v16, v6  }
0x474: {  	[tilespmem:s6+$0x50] =	vst v14;
	v14 =	vmul.f32 v17, v5  }
0x475: {  	v15 =	vmul.f32 v15, v5;
	[tilespmem:s6+$0x60] =	vst v13  }
0x476: {  	[tilespmem:s6+$0x70] =	vst v14  }
0x477: {  	s22 =	rddreg [dreg:$0xf];
	[tilespmem:s6+$0xFFFFFFF0] =	vst v15  }
0x478: {  	[hbm4b:s22+s3] =	stream.linear.scatter [tilespmem:s10], [sflag:$0x7], $0x1000, $0x38;
	[tilespmem:$0x1FF80] =	vst v63  }
0x479: {  	_ =	swait.ge [sflag:s9], $0x1000  }
0x47a: {  	s25 =	sld [smem:$0x7FB]  }
0x47b: {  	[sflag:s9] =	ssyncset.done $0x0  }
0x47c: {  	[sflag:s9] =	ssyncadd.s32 $0xFFFFF000  }
0x47d: {  	[tilespmem:s10], [sflag:$0x7] =	stream.linear.gather [spmem:s25], $0xC00, $0x38;
	[tilespmem:$0x1FF80] =	vst v63  }
0x47e: {  	_ =	swait.ge [sflag:s9], $0xC00  }
0x47f: {  	[sflag:s9] =	ssyncset.done $0x0  }
0x480: {  	s6 =	simm.s32 $0x1DF80;
	[sflag:s9] =	ssyncadd.s32 $0xFFFFF400  }
0x481: {  	v13 =	vld [tilespmem:s6+$0xFFFFFF80]  }
0x482: {  	v14 =	vld [tilespmem:s6+$0xFFFFFF90]  }
0x483: {  	v15 =	vld [tilespmem:s6+$0xFFFFFFA0]  }
0x484: {  	v16 =	vld [tilespmem:s6+$0xFFFFFFB0]  }
0x485: {  	v17 =	vld [tilespmem:s6+$0xFFFFFFC0]  }
0x486: {  	v18 =	vld [tilespmem:s6+$0xFFFFFFD0];
	v13 =	vmul.f32 v13, v7  }
0x487: {  	v19 =	vld [tilespmem:s6+$0xFFFFFFE0];
	v14 =	vmul.f32 v14, v9  }
0x488: {  	[tilespmem:s6+$0xFFFFFF80] =	vst v13;
	v13 =	vmul.f32 v15, v11;
	v15 =	vld [tilespmem:s6+$0x0]  }
0x489: {  	[tilespmem:s6+$0xFFFFFF90] =	vst v14;
	v14 =	vmul.f32 v16, v12;
	v16 =	vld [tilespmem:s6+$0x10]  }
0x48a: {  	[tilespmem:s6+$0xFFFFFFA0] =	vst v13;
	v13 =	vmul.f32 v17, v10;
	v17 =	vld [tilespmem:s6+$0x20]  }
0x48b: {  	v20 =	vld [tilespmem:s6+$0x30];
	[tilespmem:s6+$0xFFFFFFB0] =	vst v14;
	v14 =	vmul.f32 v18, v8  }
0x48c: {  	v18 =	vmul.f32 v19, v6;
	[tilespmem:s6+$0xFFFFFFC0] =	vst v13;
	v13 =	vld [tilespmem:s6+$0x40]  }
0x48d: {  	[tilespmem:s6+$0xFFFFFFD0] =	vst v14;
	v14 =	vld [tilespmem:s6+$0x50];
	v15 =	vmul.f32 v15, v7  }
0x48e: {  	[tilespmem:s6+$0xFFFFFFE0] =	vst v18;
	v19 =	vmul.f32 v16, v9;
	v16 =	vld [tilespmem:s6+$0x60]  }
0x48f: {  	[tilespmem:s6+$0x0] =	vst v15;
	v18 =	vmul.f32 v17, v11;
	v17 =	vld [tilespmem:s6+$0x70]  }
0x490: {  	s28 =	simm.s32 $0x1E080;
	s25 =	simm.s32 $0x0;
	v15 =	vld [tilespmem:s6+$0xFFFFFFF0];
	[tilespmem:s6+$0x10] =	vst v19;
	v19 =	vmul.f32 v20, v12  }
.LBB2_34:
0x491: {  	v20 =	vld [tilespmem:s28+$0xFFFFFF80];
	[tilespmem:s6+$0x20] =	vst v18;
	v13 =	vmul.f32 v13, v10  }
0x492: {  	v18 =	vld [tilespmem:s28+$0xFFFFFF90];
	[tilespmem:s6+$0x30] =	vst v19;
	v14 =	vmul.f32 v14, v8  }
0x493: {  	v19 =	vld [tilespmem:s28+$0xFFFFFFA0];
	[tilespmem:s6+$0x40] =	vst v13;
	v13 =	vmul.f32 v16, v6  }
0x494: {  	v16 =	vld [tilespmem:s28+$0xFFFFFFB0];
	[tilespmem:s6+$0x50] =	vst v14;
	v14 =	vmul.f32 v17, v5  }
0x495: {  	v17 =	vld [tilespmem:s28+$0xFFFFFFC0];
	v15 =	vmul.f32 v15, v5;
	[tilespmem:s6+$0x60] =	vst v13  }
0x496: {  	v13 =	vmul.f32 v20, v7;
	v20 =	vld [tilespmem:s28+$0xFFFFFFD0];
	[tilespmem:s6+$0x70] =	vst v14  }
0x497: {  	v14 =	vmul.f32 v18, v9;
	v18 =	vld [tilespmem:s28+$0xFFFFFFE0];
	[tilespmem:s6+$0xFFFFFFF0] =	vst v15;
	s6 =	smov.u32 s28  }
0x498: {  	[tilespmem:s28+$0xFFFFFF80] =	vst v13;
	v13 =	vmul.f32 v19, v11;
	v15 =	vld [tilespmem:s28+$0x0]  }
0x499: {  	[tilespmem:s28+$0xFFFFFF90] =	vst v14;
	v14 =	vmul.f32 v16, v12;
	v16 =	vld [tilespmem:s28+$0x10]  }
0x49a: {  	s25 =	sadd.s32 $0x2, s25;
	[tilespmem:s28+$0xFFFFFFA0] =	vst v13;
	v13 =	vmul.f32 v17, v10;
	v17 =	vld [tilespmem:s28+$0x20]  }
0x49b: {  	p1 =	slt.u32 s25, $0x16;
	[tilespmem:s28+$0xFFFFFFB0] =	vst v14;
	v14 =	vmul.f32 v20, v8;
	v19 =	vld [tilespmem:s28+$0x30]  }
.Ltmp23:
0x49c: {  	[tilespmem:s28+$0xFFFFFFC0] =	vst v13;
	v18 =	vmul.f32 v18, v6;
	v13 =	vld [tilespmem:s28+$0x40];
	(pc) =	sbr.rel @p1 .LBB2_34-.Ltmp23, $4  }
0x49d: {  	[tilespmem:s28+$0xFFFFFFD0] =	vst v14;
	v15 =	vmul.f32 v15, v7;
	v14 =	vld [tilespmem:s28+$0x50]  }
0x49e: {  	[tilespmem:s28+$0xFFFFFFE0] =	vst v18;
	v20 =	vmul.f32 v16, v9;
	v16 =	vld [tilespmem:s28+$0x60]  }
0x49f: {  	[tilespmem:s28+$0x0] =	vst v15;
	v18 =	vmul.f32 v17, v11;
	v17 =	vld [tilespmem:s28+$0x70]  }
0x4a0: {  	s28 =	sadd.s32 $0x100, s28;
	v15 =	vld [tilespmem:s6+$0xFFFFFFF0];
	[tilespmem:s6+$0x10] =	vst v20;
	v19 =	vmul.f32 v19, v12  }
0x4a1: {  	[tilespmem:s6+$0x20] =	vst v18;
	v13 =	vmul.f32 v13, v10  }
0x4a2: {  	[tilespmem:s6+$0x30] =	vst v19;
	v14 =	vmul.f32 v14, v8  }
0x4a3: {  	[tilespmem:s6+$0x40] =	vst v13;
	v13 =	vmul.f32 v16, v6  }
0x4a4: {  	[tilespmem:s6+$0x50] =	vst v14;
	v14 =	vmul.f32 v17, v5  }
0x4a5: {  	s28 =	sld [smem:$0x7FD];
	v15 =	vmul.f32 v15, v5;
	[tilespmem:s6+$0x60] =	vst v13  }
0x4a6: {  	[tilespmem:s6+$0x70] =	vst v14  }
.Ltmp24:
0x4a7: {  	[tilespmem:s6+$0xFFFFFFF0] =	vst v15;
	(pc) =	sbr.rel @p0 .LBB2_39-.Ltmp24, $4  }
0x4a8: {  	[hbm4b:s28+s3] =	stream.linear.scatter [tilespmem:s10], [sflag:$0x7], $0xC00, $0x38;
	[tilespmem:$0x1FF80] =	vst v63  }
0x4a9: {  	_ =	swait.ge [sflag:s9], $0xC00  }
0x4aa: {  	[sflag:s9] =	ssyncset.done $0x0  }
0x4ab: {  	[sflag:s9] =	ssyncadd.s32 $0xFFFFF400  }
0x4ac: {  	s6 =	sld [smem:$0x7FC];
	_ =	sdelay $0x2  }
0x4ad: {  	[tilespmem:s10], [sflag:$0x7] =	stream.linear.gather [spmem:s6], $0x400, $0x38;
	[tilespmem:$0x1FF80] =	vst v63  }
0x4ae: {  	_ =	swait.ge [sflag:s9], $0x400  }
0x4af: {  	[sflag:s9] =	ssyncset.done $0x0  }
0x4b0: {  	s6 =	simm.s32 $0x1DF80;
	[sflag:s9] =	ssyncadd.s32 $0xFFFFFC00  }
0x4b1: {  	v13 =	vld [tilespmem:s6+$0xFFFFFF80]  }
0x4b2: {  	v14 =	vld [tilespmem:s6+$0xFFFFFF90]  }
0x4b3: {  	v15 =	vld [tilespmem:s6+$0xFFFFFFA0]  }
0x4b4: {  	v16 =	vld [tilespmem:s6+$0xFFFFFFB0]  }
0x4b5: {  	v17 =	vld [tilespmem:s6+$0xFFFFFFC0]  }
0x4b6: {  	v18 =	vld [tilespmem:s6+$0xFFFFFFD0];
	v13 =	vmul.f32 v13, v7  }
0x4b7: {  	v19 =	vld [tilespmem:s6+$0xFFFFFFE0];
	v14 =	vmul.f32 v14, v9  }
0x4b8: {  	[tilespmem:s6+$0xFFFFFF80] =	vst v13;
	v13 =	vmul.f32 v15, v11;
	v15 =	vld [tilespmem:s6+$0x0]  }
0x4b9: {  	[tilespmem:s6+$0xFFFFFF90] =	vst v14;
	v14 =	vmul.f32 v16, v12;
	v16 =	vld [tilespmem:s6+$0x10]  }
0x4ba: {  	[tilespmem:s6+$0xFFFFFFA0] =	vst v13;
	v13 =	vmul.f32 v17, v10;
	v17 =	vld [tilespmem:s6+$0x20]  }
0x4bb: {  	v20 =	vld [tilespmem:s6+$0x30];
	[tilespmem:s6+$0xFFFFFFB0] =	vst v14;
	v14 =	vmul.f32 v18, v8  }
0x4bc: {  	v18 =	vmul.f32 v19, v6;
	[tilespmem:s6+$0xFFFFFFC0] =	vst v13;
	v13 =	vld [tilespmem:s6+$0x40]  }
0x4bd: {  	[tilespmem:s6+$0xFFFFFFD0] =	vst v14;
	v14 =	vld [tilespmem:s6+$0x50];
	v15 =	vmul.f32 v15, v7  }
0x4be: {  	[tilespmem:s6+$0xFFFFFFE0] =	vst v18;
	v19 =	vmul.f32 v16, v9;
	v16 =	vld [tilespmem:s6+$0x60]  }
0x4bf: {  	[tilespmem:s6+$0x0] =	vst v15;
	v18 =	vmul.f32 v17, v11;
	v17 =	vld [tilespmem:s6+$0x70]  }
0x4c0: {  	s25 =	simm.s32 $0x0;
	s28 =	simm.s32 $0x1E080;
	v15 =	vld [tilespmem:s6+$0xFFFFFFF0];
	[tilespmem:s6+$0x10] =	vst v19;
	v19 =	vmul.f32 v20, v12  }
.LBB2_37:
0x4c1: {  	v20 =	vld [tilespmem:s28+$0xFFFFFF80];
	[tilespmem:s6+$0x20] =	vst v18;
	v13 =	vmul.f32 v13, v10  }
0x4c2: {  	v14 =	vmul.f32 v14, v8;
	v18 =	vld [tilespmem:s28+$0xFFFFFF90];
	[tilespmem:s6+$0x30] =	vst v19  }
0x4c3: {  	v19 =	vld [tilespmem:s28+$0xFFFFFFA0];
	[tilespmem:s6+$0x40] =	vst v13;
	v13 =	vmul.f32 v16, v6  }
0x4c4: {  	v16 =	vld [tilespmem:s28+$0xFFFFFFB0];
	[tilespmem:s6+$0x50] =	vst v14;
	v14 =	vmul.f32 v17, v5  }
0x4c5: {  	v15 =	vmul.f32 v15, v5;
	v17 =	vld [tilespmem:s28+$0xFFFFFFC0];
	[tilespmem:s6+$0x60] =	vst v13  }
0x4c6: {  	v13 =	vmul.f32 v20, v7;
	v20 =	vld [tilespmem:s28+$0xFFFFFFD0];
	[tilespmem:s6+$0x70] =	vst v14  }
0x4c7: {  	v14 =	vmul.f32 v18, v9;
	v18 =	vld [tilespmem:s28+$0xFFFFFFE0];
	[tilespmem:s6+$0xFFFFFFF0] =	vst v15;
	s6 =	smov.u32 s28  }
0x4c8: {  	[tilespmem:s28+$0xFFFFFF80] =	vst v13;
	v13 =	vmul.f32 v19, v11;
	v15 =	vld [tilespmem:s28+$0x0]  }
0x4c9: {  	[tilespmem:s28+$0xFFFFFF90] =	vst v14;
	v14 =	vmul.f32 v16, v12;
	v16 =	vld [tilespmem:s28+$0x10]  }
0x4ca: {  	s25 =	sadd.s32 $0x2, s25;
	[tilespmem:s28+$0xFFFFFFA0] =	vst v13;
	v13 =	vmul.f32 v17, v10;
	v17 =	vld [tilespmem:s28+$0x20]  }
0x4cb: {  	p1 =	slt.u32 s25, $0x6;
	[tilespmem:s28+$0xFFFFFFB0] =	vst v14;
	v14 =	vmul.f32 v20, v8;
	v19 =	vld [tilespmem:s28+$0x30]  }
.Ltmp25:
0x4cc: {  	[tilespmem:s28+$0xFFFFFFC0] =	vst v13;
	v18 =	vmul.f32 v18, v6;
	v13 =	vld [tilespmem:s28+$0x40];
	(pc) =	sbr.rel @p1 .LBB2_37-.Ltmp25, $4  }
0x4cd: {  	[tilespmem:s28+$0xFFFFFFD0] =	vst v14;
	v15 =	vmul.f32 v15, v7;
	v14 =	vld [tilespmem:s28+$0x50]  }
0x4ce: {  	[tilespmem:s28+$0xFFFFFFE0] =	vst v18;
	v20 =	vmul.f32 v16, v9;
	v16 =	vld [tilespmem:s28+$0x60]  }
0x4cf: {  	[tilespmem:s28+$0x0] =	vst v15;
	v18 =	vmul.f32 v17, v11;
	v17 =	vld [tilespmem:s28+$0x70]  }
0x4d0: {  	s28 =	sadd.s32 $0x100, s28;
	v15 =	vld [tilespmem:s6+$0xFFFFFFF0];
	[tilespmem:s6+$0x10] =	vst v20;
	v19 =	vmul.f32 v19, v12  }
.Ltmp26:
0x4d1: {  	_ = 	snop;
	(pc) =	sbr.rel .LBB2_38-.Ltmp26, $1  }
0x4d2: {  	_ =	sdelay $0x3  }
.LBB2_40:
0x4d3: {  	_ =	sfence.sel $0x180000  }
0x4d4: {  	[bflag:$0x0] =	sbarrier.arrive $0xFFFF  }
0x4d5: {  	_ =	strace $0x90000047  }
0x4d6: {  	s0 =	stileid.u32;
	[bflag:$0x2] =	sbarrier.arrive $0xFFFF  }
0x4d7: {  	p0 =	sne.s32 s0, $0x0;
	s0 =	rddreg [dreg:$0x6]  }
0x4d8: {  	s0 =	sadd.s32 @!p0 $0x100000, s0  }
0x4d9: {  	[sflag:s0] =	ssyncadd.tile.s32 @!p0 $0x1;
	_ =	shalt  }
.Lfunc_end2:
_tile_overlayer_lowered:
.L_overlay_start_2:
0x4da: {  	(tag) =	ssettag $0x2  }
0x4db: {  	s0 =	rddreg [dreg:$0x0];
	s2 =	stileid.u32  }
0x4dc: {  	s1 =	rddreg [dreg:$0x1];
	p0 =	sne.s32 s2, $0x0  }
0x4dd: {  	s3 =	rddreg [dreg:$0x2];
	[bflag:$0x3] =	sbarrier.arrive $0xFFFF;
	s2 =	simm.s32 @!p0 $0x1C07  }
0x4de: {  	[timem:s3], [sflag:s2] =	dma.local @!p0 [hbm:s0], s1  }
0x4df: {  	s0 =	simm.s32 @!p0 $0x7  }
0x4e0: {  	_ =	swait.ge @!p0 [sflag:s0], s1  }
0x4e1: {  	s1 =	ssub.s32 @!p0 $0x0, s1;
	[sflag:s0] =	ssyncset.done @!p0 $0x0  }
0x4e2: {  	[sflag:s0] =	ssyncadd.s32 @!p0 s1  }
0x4e3: {  	[bflag:$0x3] =	sbarrier.arrive $0xFFFF  }
0x4e4: {  	_ =	shalt  }

</sc_bundles>
